<compile_context>
chip_gen: v7x
topology: tpu7x:2x2x1
jax: 0.10.2.dev20260603
libtpu: 0.0.44.dev20260713+nightly
codegen_flags: <defaults>
</compile_context>

<pallas_src>
import functools

import jax
import jax.numpy as jnp
from jax import lax
from jax.experimental import pallas as pl
from jax.experimental.pallas import tpu as pltpu
from jax.experimental.pallas import tpu_sc as plsc

N = 10000
E = 320000
NC, NS = 2, 16
NW = NC * NS
CHUNK = 128
EPW = 10240
CPW = EPW // CHUNK
E_PAD = NW * EPW
NROW = 10112
RPW = NROW // NS
DW = 128

_MESH = plsc.VectorSubcoreMesh(
    core_axis_name="c", subcore_axis_name="s", num_cores=NC, num_subcores=NS
)


def _deg_body(dst_hbm, ones_hbm, zeros_hbm, out_hbm, dst_c, ones_v, acc):
    cid = lax.axis_index("c")
    sid = lax.axis_index("s")
    wid = cid * NS + sid
    pltpu.sync_copy(zeros_hbm, acc.at[pl.ds(sid * RPW, RPW)])
    pltpu.sync_copy(ones_hbm, ones_v)
    plsc.subcore_barrier()

    def body(i, c):
        base = wid * EPW + i * CHUNK
        pltpu.sync_copy(dst_hbm.at[pl.ds(base, CHUNK)], dst_c)
        pltpu.sync_copy(ones_v, acc.at[dst_c], add=True)
        return c

    lax.fori_loop(0, CPW, body, 0)

    plsc.subcore_barrier()
    pltpu.sync_copy(
        acc.at[pl.ds(sid * RPW, RPW)], out_hbm.at[cid, pl.ds(sid * RPW, RPW)]
    )


_deg_kernel = functools.partial(
    pl.kernel,
    out_type=jax.ShapeDtypeStruct((NC, NROW, DW), jnp.float32),
    mesh=_MESH,
    scratch_types=[
        pltpu.VMEM((CHUNK,), jnp.int32),
        pltpu.VMEM((CHUNK, DW), jnp.float32),
        pltpu.VMEM_SHARED((NROW, DW), jnp.float32),
    ],
)(_deg_body)


_DEPTH = 2


EPW_A = 17408
EPW_B = 2 * EPW - EPW_A
CPW_A = EPW_A // CHUNK
CPW_B = EPW_B // CHUNK
HEPW_A, HEPW_B = EPW_A // 2, EPW_B // 2
HCPW_A, HCPW_B = CPW_A // 2, CPW_B // 2


def _prop_body(g_hbm, src_hbm, dst_hbm, zeros_hbm, out_hbm,
               src_all, dbufs, rbufs, isems, rsems, acc):
    cid = lax.axis_index("c")
    sid = lax.axis_index("s")
    base_w = jnp.where(cid == 0, sid * EPW_A, NS * EPW_A + sid * EPW_B)
    hcpw_w = jnp.where(cid == 0, HCPW_A, HCPW_B)
    pltpu.sync_copy(zeros_hbm, acc.at[pl.ds(sid * RPW, RPW)])

    def src_at(i):
        return src_all.at[pl.ds(i * CHUNK, CHUNK)]

    for h in range(2):
        @pl.when(cid == 0)
        def _():
            pltpu.sync_copy(
                src_hbm.at[pl.ds(base_w + h * HEPW_A, HEPW_A)],
                src_all.at[pl.ds(0, HEPW_A)],
            )

        if HEPW_B:
            @pl.when(cid == 1)
            def _():
                pltpu.sync_copy(
                    src_hbm.at[pl.ds(base_w + h * HEPW_B, HEPW_B)],
                    src_all.at[pl.ds(0, HEPW_B)],
                )

        if h == 0:
            plsc.subcore_barrier()

        hoff = h * hcpw_w * CHUNK

        def dst_at(i):
            return dst_hbm.at[pl.ds(base_w + hoff + i * CHUNK, CHUNK)]

        def body(k, c):
            i = k * _DEPTH
            gs = [
                pltpu.async_copy(g_hbm.at[src_at(i + j)], rbufs[j], rsems[j])
                for j in range(_DEPTH)
            ]
            ds = [
                pltpu.async_copy(dst_at(i + j), dbufs[j], isems[j])
                for j in range(_DEPTH)
            ]
            for j in range(_DEPTH):
                gs[j].wait()
                ds[j].wait()
                pltpu.sync_copy(rbufs[j], acc.at[dbufs[j]], add=True)
            return c

        lax.fori_loop(0, hcpw_w // _DEPTH, body, 0)

    plsc.subcore_barrier()
    pltpu.sync_copy(
        acc.at[pl.ds(sid * RPW, RPW)], out_hbm.at[cid, pl.ds(sid * RPW, RPW)]
    )


def _make_prop(D):
    return functools.partial(
        pl.kernel,
        out_type=jax.ShapeDtypeStruct((NC, NROW, D), jnp.float32),
        mesh=_MESH,
        scratch_types=[
            pltpu.VMEM((HEPW_A,), jnp.int32),
            [pltpu.VMEM((CHUNK,), jnp.int32) for _ in range(_DEPTH)],
            [pltpu.VMEM((CHUNK, D), jnp.float32) for _ in range(_DEPTH)],
            [pltpu.SemaphoreType.DMA for _ in range(_DEPTH)],
            [pltpu.SemaphoreType.DMA for _ in range(_DEPTH)],
            pltpu.VMEM_SHARED((NROW, D), jnp.float32),
        ],
    )(_prop_body)


_prop128 = _make_prop(128)


def _dense0_body(x_ref, w_ref, degp_ref, g_ref, dis_ref):
    d = degp_ref[0, 0:N, 0:1] + degp_ref[1, 0:N, 0:1] + 1.0
    dis = lax.rsqrt(d)
    h = jnp.dot(x_ref[...], w_ref[...], preferred_element_type=jnp.float32)
    g_ref[...] = h * dis
    dis_ref[...] = dis


_dense0 = pl.pallas_call(
    _dense0_body,
    out_shape=[
        jax.ShapeDtypeStruct((N, 128), jnp.float32),
        jax.ShapeDtypeStruct((N, 1), jnp.float32),
    ],
)


def _dense_mid_body(p_ref, g_ref, dis_ref, b_ref, w_ref, out_ref):
    dis = dis_ref[...]
    z = (p_ref[0, 0:N, :] + p_ref[1, 0:N, :] + g_ref[...]) * dis + b_ref[...]
    a = jnp.maximum(z, 0.0)
    out_ref[...] = jnp.dot(a, w_ref[...], preferred_element_type=jnp.float32) * dis


def _make_mid(Dout):
    return pl.pallas_call(
        _dense_mid_body,
        out_shape=jax.ShapeDtypeStruct((N, Dout), jnp.float32),
    )


_mid128 = _make_mid(128)


def _final_body(p_ref, g_ref, dis_ref, b_ref, out_ref):
    dis = dis_ref[...]
    z = (p_ref[0, 0:N, :] + p_ref[1, 0:N, :] + g_ref[...]) * dis + b_ref[...]
    a = jnp.maximum(z, 0.0)
    col = lax.broadcasted_iota(jnp.int32, (N, 128), 1)
    mask = col < 40
    am = jnp.where(mask, a, -jnp.inf)
    m = jnp.max(am, axis=1, keepdims=True)
    e = jnp.where(mask, jnp.exp(a - m), 0.0)
    lse = jnp.log(jnp.sum(e, axis=1, keepdims=True)) + m
    res = a - lse
    out_ref[...] = res[:, :40]


_final = pl.pallas_call(
    _final_body,
    out_shape=jax.ShapeDtypeStruct((N, 40), jnp.float32),
)


def kernel(x, edge_index, W0, b0, W1, b1, W2, b2, W3, b3):
    npad = E_PAD - E
    src = jnp.concatenate([edge_index[0], jnp.zeros((npad,), jnp.int32)])
    dst = jnp.concatenate([edge_index[1], jnp.full((npad,), N, jnp.int32)])
    ones_dw = jnp.ones((CHUNK, DW), jnp.float32)
    zeros_dw = jnp.zeros((RPW, DW), jnp.float32)
    zeros128 = jnp.zeros((RPW, 128), jnp.float32)
    W3p = jnp.pad(W3, ((0, 0), (0, 88)))
    b3p = jnp.pad(b3, (0, 88)).reshape(1, 128)

    degp = _deg_kernel(dst, ones_dw, zeros_dw)
    g0, dis = _dense0(x, W0, degp)
    p1 = _prop128(g0, src, dst, zeros128)
    g1 = _mid128(p1, g0, dis, b0.reshape(1, 128), W1)
    p2 = _prop128(g1, src, dst, zeros128)
    g2 = _mid128(p2, g1, dis, b1.reshape(1, 128), W2)
    p3 = _prop128(g2, src, dst, zeros128)
    g3 = _mid128(p3, g2, dis, b2.reshape(1, 128), W3p)
    p4 = _prop128(g3, src, dst, zeros128)
    return _final(p4, g3, dis, b3p)

# --- scband reference (transcript-rebuilt; emitter-appended) ---
"""Pipeline reference for scband-gcn-14353780703430 (READ-ONLY COPY).

The authoritative reference and input builder live on the scoring server;
editing this copy changes nothing except your own understanding.
"""

import jax, jax.numpy as jnp
import numpy as np

N = 10000
E = 320000
D_IN = 128
D_H = 128
D_OUT = 40


def gcn_conv(x, edge_index, W, b):
    # GCNConv semantics: add self-loops, symmetric D^{-1/2}(A+I)D^{-1/2} normalization
    src = edge_index[0]
    dst = edge_index[1]
    loop = jnp.arange(N, dtype=edge_index.dtype)
    src = jnp.concatenate([src, loop])
    dst = jnp.concatenate([dst, loop])
    deg = jnp.zeros((N,), jnp.float32).at[dst].add(1.0)
    deg_inv_sqrt = jnp.where(deg > 0, jax.lax.rsqrt(jnp.maximum(deg, 1e-12)), 0.0)
    norm = deg_inv_sqrt[src] * deg_inv_sqrt[dst]
    h = x @ W
    msg = h[src] * norm[:, None]
    out = jnp.zeros((N, h.shape[1]), jnp.float32).at[dst].add(msg)
    return out + b


def setup_inputs(seed: int = 0) -> dict:
    key = jax.random.key(seed)
    ks = jax.random.split(key, 12)
    x = jax.random.normal(ks[0], (N, D_IN), dtype=jnp.float32)
    edge_index = jax.random.randint(ks[1], (2, E), 0, N, dtype=jnp.int32)
    W0 = jax.random.normal(ks[2], (D_IN, D_H), dtype=jnp.float32) * (1.0 / np.sqrt(D_IN))
    b0 = jnp.zeros((D_H,), jnp.float32)
    W1 = jax.random.normal(ks[3], (D_H, D_H), dtype=jnp.float32) * (1.0 / np.sqrt(D_H))
    b1 = jnp.zeros((D_H,), jnp.float32)
    W2 = jax.random.normal(ks[4], (D_H, D_H), dtype=jnp.float32) * (1.0 / np.sqrt(D_H))
    b2 = jnp.zeros((D_H,), jnp.float32)
    W3 = jax.random.normal(ks[5], (D_H, D_OUT), dtype=jnp.float32) * (1.0 / np.sqrt(D_H))
    b3 = jnp.zeros((D_OUT,), jnp.float32)
    return {"x": x, "edge_index": edge_index, "W0": W0, "b0": b0, "W1": W1, "b1": b1, "W2": W2, "b2": b2, "W3": W3, "b3": b3}


def reference(x, edge_index, W0, b0, W1, b1, W2, b2, W3, b3):
    # layers == 4 branch of GCN.forward with test=False (residual_fc is None, mlp unused)
    h = gcn_conv(x, edge_index, W0, b0)
    h = jax.nn.relu(h)
    h = gcn_conv(h, edge_index, W1, b1)
    h = jax.nn.relu(h)
    h = gcn_conv(h, edge_index, W2, b2)
    h = jax.nn.relu(h)
    h = gcn_conv(h, edge_index, W3, b3)
    h = jax.nn.relu(h)
    return jax.nn.log_softmax(h, axis=1)

if __name__ == "__main__":
    import jax
    _d = setup_inputs()
    print(jax.jit(kernel)(*tuple(_d.values())))

</pallas_src>

<mosaic_0001>
#map = affine_map<(d0, d1) -> (0, 0)>
#map1 = affine_map<(d0, d1) -> (0)>
#map2 = affine_map<(d0, d1) -> (0, 0, 0)>
module attributes {stable_mosaic.version = 14 : i64} {
  func.func @_prop_body(%arg0: i32, %arg1: i32, %arg2: memref<10000x128xf32, #tpu.memory_space<hbm>>, %arg3: memref<327680xi32, #tpu.memory_space<hbm>>, %arg4: memref<327680xi32, #tpu.memory_space<hbm>>, %arg5: memref<632x128xf32, #tpu.memory_space<hbm>>, %arg6: memref<2x10112x128xf32, #tpu.memory_space<hbm>>, %arg7: memref<8704xi32, #tpu.memory_space<vmem>>, %arg8: memref<128xi32, #tpu.memory_space<vmem>>, %arg9: memref<128xi32, #tpu.memory_space<vmem>>, %arg10: memref<128x128xf32, #tpu.memory_space<vmem>>, %arg11: memref<128x128xf32, #tpu.memory_space<vmem>>, %arg12: memref<!tpu.dma_semaphore, #tpu.memory_space<semaphore_mem>>, %arg13: memref<!tpu.dma_semaphore, #tpu.memory_space<semaphore_mem>>, %arg14: memref<!tpu.dma_semaphore, #tpu.memory_space<semaphore_mem>>, %arg15: memref<!tpu.dma_semaphore, #tpu.memory_space<semaphore_mem>>, %arg16: memref<10112x128xf32, #tpu.memory_space<vmem_shared>>) attributes {dimension_semantics = [#tpu.dimension_semantics<core_parallel>, #tpu.dimension_semantics<subcore_parallel>], iteration_bounds = array<i64: 2, 16>, scalar_prefetch = 0 : i64, scratch_operands = 10 : i64, tpu.core_type = #tpu.core_type<sc_vector_subcore>, window_params = [{transform_indices = #map}, {transform_indices = #map1}, {transform_indices = #map1}, {transform_indices = #map}, {transform_indices = #map2}]} {
    %eq3A = arith.constant 0 : i32
    %eq3A_0 = arith.cmpi eq, %arg0, %eq3A : i32
    %mul3A = arith.constant 17408 : i32
    %mul3A_1 = arith.muli %arg1, %mul3A : i32
    %mul3A_2 = arith.constant 3072 : i32
    %mul3A_3 = arith.muli %arg1, %mul3A_2 : i32
    %add3A = arith.constant 278528 : i32
    %add3A_4 = arith.addi %add3A, %mul3A_3 : i32
    %select_n3A = arith.select %eq3A_0, %mul3A_1, %add3A_4 : i32
    %eq3A_5 = arith.constant 0 : i32
    %eq3A_6 = arith.cmpi eq, %arg0, %eq3A_5 : i32
    %jit3A = arith.constant 68 : i32
    %jit3A_7 = arith.constant 12 : i32
    %select_n3A_8 = arith.select %eq3A_6, %jit3A, %jit3A_7 : i32
    %mul3A_9 = arith.constant 632 : i32
    %mul3A_10 = arith.muli %arg1, %mul3A_9 : i32
    "tpu.region"() ({
      %run_scoped3A = tpu.sem_alloc : memref<!tpu.dma_semaphore, #tpu.memory_space<semaphore_mem>>
      %dma_start3A = arith.constant 0 : i32
      %dma_start3A_103 = tpu.memref_slice %arg16[%mul3A_10, %dma_start3A] : memref<10112x128xf32, #tpu.memory_space<vmem_shared>> -> memref<632x128xf32, #tpu.memory_space<vmem_shared>>
      tpu.enqueue_dma source(%arg5 : memref<632x128xf32, #tpu.memory_space<hbm>>) target(%dma_start3A_103 : memref<632x128xf32, #tpu.memory_space<vmem_shared>>) target_semaphore(%run_scoped3A : memref<!tpu.dma_semaphore, #tpu.memory_space<semaphore_mem>>)
      %dma_wait3A = arith.constant 0 : i32
      %dma_wait3A_104 = tpu.memref_slice %arg16[%mul3A_10, %dma_wait3A] : memref<10112x128xf32, #tpu.memory_space<vmem_shared>> -> memref<632x128xf32, #tpu.memory_space<vmem_shared>>
      tpu.wait_dma2 semaphore(%run_scoped3A : memref<!tpu.dma_semaphore, #tpu.memory_space<semaphore_mem>>) src(%arg5 : memref<632x128xf32, #tpu.memory_space<hbm>>) dst(%dma_wait3A_104 : memref<632x128xf32, #tpu.memory_space<vmem_shared>>)
      tpu.yield
    }) : () -> ()
    %eq3A_11 = arith.constant 0 : i32
    %eq3A_12 = arith.cmpi eq, %arg0, %eq3A_11 : i32
    %convert_element_type3A = arith.extui %eq3A_12 : i1 to i32
    %cond3A = arith.constant 0 : i32
    %cond3A_13 = arith.cmpi ne, %convert_element_type3A, %cond3A : i32
    scf.if %cond3A_13 {
      %add3A_103 = arith.constant 0 : i32
      %add3A_104 = arith.addi %select_n3A, %add3A_103 : i32
      "tpu.region"() ({
        %run_scoped3A = tpu.sem_alloc : memref<!tpu.dma_semaphore, #tpu.memory_space<semaphore_mem>>
        %dma_start3A = arith.constant 0 : i32
        %dma_start3A_105 = tpu.memref_slice %arg7[%dma_start3A] : memref<8704xi32, #tpu.memory_space<vmem>> -> memref<8704xi32, #tpu.memory_space<vmem>>
        %dma_start3A_106 = tpu.memref_slice %arg3[%add3A_104] : memref<327680xi32, #tpu.memory_space<hbm>> -> memref<8704xi32, #tpu.memory_space<hbm>>
        %dma_start3A_107 = arith.constant 0 : i32
        %dma_start3A_108 = tpu.memref_slice %arg7[%dma_start3A_107] : memref<8704xi32, #tpu.memory_space<vmem>> -> memref<8704xi32, #tpu.memory_space<vmem>>
        %dma_start3A_109 = tpu.memref_slice %arg3[%add3A_104] : memref<327680xi32, #tpu.memory_space<hbm>> -> memref<8704xi32, #tpu.memory_space<hbm>>
        tpu.enqueue_dma source(%dma_start3A_109 : memref<8704xi32, #tpu.memory_space<hbm>>) target(%dma_start3A_108 : memref<8704xi32, #tpu.memory_space<vmem>>) target_semaphore(%run_scoped3A : memref<!tpu.dma_semaphore, #tpu.memory_space<semaphore_mem>>)
        %dma_wait3A = arith.constant 0 : i32
        %dma_wait3A_110 = tpu.memref_slice %arg7[%dma_wait3A] : memref<8704xi32, #tpu.memory_space<vmem>> -> memref<8704xi32, #tpu.memory_space<vmem>>
        %dma_wait3A_111 = tpu.memref_slice %arg3[%add3A_104] : memref<327680xi32, #tpu.memory_space<hbm>> -> memref<8704xi32, #tpu.memory_space<hbm>>
        %dma_wait3A_112 = arith.constant 0 : i32
        %dma_wait3A_113 = tpu.memref_slice %arg7[%dma_wait3A_112] : memref<8704xi32, #tpu.memory_space<vmem>> -> memref<8704xi32, #tpu.memory_space<vmem>>
        %dma_wait3A_114 = tpu.memref_slice %arg3[%add3A_104] : memref<327680xi32, #tpu.memory_space<hbm>> -> memref<8704xi32, #tpu.memory_space<hbm>>
        tpu.wait_dma2 semaphore(%run_scoped3A : memref<!tpu.dma_semaphore, #tpu.memory_space<semaphore_mem>>) src(%dma_wait3A_114 : memref<8704xi32, #tpu.memory_space<hbm>>) dst(%dma_wait3A_113 : memref<8704xi32, #tpu.memory_space<vmem>>)
        tpu.yield
      }) : () -> ()
    } else {
    }
    %eq3A_14 = arith.constant 1 : i32
    %eq3A_15 = arith.cmpi eq, %arg0, %eq3A_14 : i32
    %convert_element_type3A_16 = arith.extui %eq3A_15 : i1 to i32
    %cond3A_17 = arith.constant 0 : i32
    %cond3A_18 = arith.cmpi ne, %convert_element_type3A_16, %cond3A_17 : i32
    scf.if %cond3A_18 {
      %add3A_103 = arith.constant 0 : i32
      %add3A_104 = arith.addi %select_n3A, %add3A_103 : i32
      "tpu.region"() ({
        %run_scoped3A = tpu.sem_alloc : memref<!tpu.dma_semaphore, #tpu.memory_space<semaphore_mem>>
        %dma_start3A = arith.constant 0 : i32
        %dma_start3A_105 = tpu.memref_slice %arg7[%dma_start3A] : memref<8704xi32, #tpu.memory_space<vmem>> -> memref<1536xi32, #tpu.memory_space<vmem>>
        %dma_start3A_106 = tpu.memref_slice %arg3[%add3A_104] : memref<327680xi32, #tpu.memory_space<hbm>> -> memref<1536xi32, #tpu.memory_space<hbm>>
        %dma_start3A_107 = arith.constant 0 : i32
        %dma_start3A_108 = tpu.memref_slice %arg7[%dma_start3A_107] : memref<8704xi32, #tpu.memory_space<vmem>> -> memref<1536xi32, #tpu.memory_space<vmem>>
        %dma_start3A_109 = tpu.memref_slice %arg3[%add3A_104] : memref<327680xi32, #tpu.memory_space<hbm>> -> memref<1536xi32, #tpu.memory_space<hbm>>
        tpu.enqueue_dma source(%dma_start3A_109 : memref<1536xi32, #tpu.memory_space<hbm>>) target(%dma_start3A_108 : memref<1536xi32, #tpu.memory_space<vmem>>) target_semaphore(%run_scoped3A : memref<!tpu.dma_semaphore, #tpu.memory_space<semaphore_mem>>)
        %dma_wait3A = arith.constant 0 : i32
        %dma_wait3A_110 = tpu.memref_slice %arg7[%dma_wait3A] : memref<8704xi32, #tpu.memory_space<vmem>> -> memref<1536xi32, #tpu.memory_space<vmem>>
        %dma_wait3A_111 = tpu.memref_slice %arg3[%add3A_104] : memref<327680xi32, #tpu.memory_space<hbm>> -> memref<1536xi32, #tpu.memory_space<hbm>>
        %dma_wait3A_112 = arith.constant 0 : i32
        %dma_wait3A_113 = tpu.memref_slice %arg7[%dma_wait3A_112] : memref<8704xi32, #tpu.memory_space<vmem>> -> memref<1536xi32, #tpu.memory_space<vmem>>
        %dma_wait3A_114 = tpu.memref_slice %arg3[%add3A_104] : memref<327680xi32, #tpu.memory_space<hbm>> -> memref<1536xi32, #tpu.memory_space<hbm>>
        tpu.wait_dma2 semaphore(%run_scoped3A : memref<!tpu.dma_semaphore, #tpu.memory_space<semaphore_mem>>) src(%dma_wait3A_114 : memref<1536xi32, #tpu.memory_space<hbm>>) dst(%dma_wait3A_113 : memref<1536xi32, #tpu.memory_space<vmem>>)
        tpu.yield
      }) : () -> ()
    } else {
    }
    %barrier3A = arith.constant 0 : index
    tpu.barrier barrier_id(%barrier3A)
    %mul3A_19 = arith.constant 0 : i32
    %mul3A_20 = arith.muli %mul3A_19, %select_n3A_8 : i32
    %mul3A_21 = arith.constant 128 : i32
    %mul3A_22 = arith.muli %mul3A_20, %mul3A_21 : i32
    %jit3A_23 = arith.constant 2 : i32
    %div3A = arith.divsi %select_n3A_8, %jit3A_23 : i32
    %sign3A = arith.constant 0 : i32
    %sign3A_24 = arith.cmpi sgt, %select_n3A_8, %sign3A : i32
    %sign3A_25 = arith.extui %sign3A_24 : i1 to i32
    %sign3A_26 = arith.constant 0 : i32
    %sign3A_27 = arith.cmpi slt, %select_n3A_8, %sign3A_26 : i32
    %sign3A_28 = arith.extui %sign3A_27 : i1 to i32
    %sign3A_29 = arith.subi %sign3A_25, %sign3A_28 : i32
    %sign3A_30 = arith.constant 0 : i32
    %sign3A_31 = arith.cmpi sgt, %jit3A_23, %sign3A_30 : i32
    %sign3A_32 = arith.extui %sign3A_31 : i1 to i32
    %sign3A_33 = arith.constant 0 : i32
    %sign3A_34 = arith.cmpi slt, %jit3A_23, %sign3A_33 : i32
    %sign3A_35 = arith.extui %sign3A_34 : i1 to i32
    %sign3A_36 = arith.subi %sign3A_32, %sign3A_35 : i32
    %ne3A = arith.cmpi ne, %sign3A_29, %sign3A_36 : i32
    %rem3A = arith.remsi %select_n3A_8, %jit3A_23 : i32
    %ne3A_37 = arith.constant 0 : i32
    %ne3A_38 = arith.cmpi ne, %rem3A, %ne3A_37 : i32
    %and3A = arith.andi %ne3A, %ne3A_38 : i1
    %sub3A = arith.constant 1 : i32
    %sub3A_39 = arith.subi %div3A, %sub3A : i32
    %select_n3A_40 = arith.select %and3A, %sub3A_39, %div3A : i32
    %while3A = arith.constant 0 : i32
    %while3A_41 = arith.constant 0 : i32
    %while3A_42 = arith.subi %select_n3A_40, %while3A_41 : i32
    %while3A_43 = arith.addi %while3A_41, %while3A_42 : i32
    %while3A_44 = arith.constant 1 : i32
    %while3A_45 = arith.divsi %while3A_42, %while3A_44 : i32
    %while3A_46 = arith.muli %while3A_45, %while3A_44 : i32
    %while3A_47 = arith.addi %while3A_41, %while3A_46 : i32
    %while3A_48 = arith.constant 1 : i32
    scf.for %while3A_103 = %while3A_41 to %while3A_47 step %while3A_48  : i32 {
      %mul3A_104 = arith.constant 2 : i32
      %mul3A_105 = arith.muli %while3A_103, %mul3A_104 : i32
      %add3A_106 = arith.constant 0 : i32
      %add3A_107 = arith.addi %mul3A_105, %add3A_106 : i32
      %mul3A_108 = arith.constant 128 : i32
      %mul3A_109 = arith.muli %add3A_107, %mul3A_108 : i32
      %dma_start3A = tpu.memref_slice %arg7[%mul3A_109] : memref<8704xi32, #tpu.memory_space<vmem>> -> memref<128xi32, #tpu.memory_space<vmem>>
      %dma_start3A_110 = arith.constant 0 : i32
      %dma_start3A_111 = arith.constant 0 : i32
      %dma_start3A_112 = tpu.memref_slice %arg2[%dma_start3A_110, %dma_start3A_111] : memref<10000x128xf32, #tpu.memory_space<hbm>> -> memref<10000x128xf32, #tpu.memory_space<hbm>>
      tpu.enqueue_indirect_dma source(%dma_start3A_112 : memref<10000x128xf32, #tpu.memory_space<hbm>>) target(%arg10 : memref<128x128xf32, #tpu.memory_space<vmem>>) offsets(%dma_start3A : memref<128xi32, #tpu.memory_space<vmem>>) semaphore(%arg14 : memref<!tpu.dma_semaphore, #tpu.memory_space<semaphore_mem>>)
      %add3A_113 = arith.constant 1 : i32
      %add3A_114 = arith.addi %mul3A_105, %add3A_113 : i32
      %mul3A_115 = arith.constant 128 : i32
      %mul3A_116 = arith.muli %add3A_114, %mul3A_115 : i32
      %dma_start3A_117 = tpu.memref_slice %arg7[%mul3A_116] : memref<8704xi32, #tpu.memory_space<vmem>> -> memref<128xi32, #tpu.memory_space<vmem>>
      %dma_start3A_118 = arith.constant 0 : i32
      %dma_start3A_119 = arith.constant 0 : i32
      %dma_start3A_120 = tpu.memref_slice %arg2[%dma_start3A_118, %dma_start3A_119] : memref<10000x128xf32, #tpu.memory_space<hbm>> -> memref<10000x128xf32, #tpu.memory_space<hbm>>
      tpu.enqueue_indirect_dma source(%dma_start3A_120 : memref<10000x128xf32, #tpu.memory_space<hbm>>) target(%arg11 : memref<128x128xf32, #tpu.memory_space<vmem>>) offsets(%dma_start3A_117 : memref<128xi32, #tpu.memory_space<vmem>>) semaphore(%arg15 : memref<!tpu.dma_semaphore, #tpu.memory_space<semaphore_mem>>)
      %add3A_121 = arith.constant 0 : i32
      %add3A_122 = arith.addi %mul3A_105, %add3A_121 : i32
      %add3A_123 = arith.addi %select_n3A, %mul3A_22 : i32
      %mul3A_124 = arith.constant 128 : i32
      %mul3A_125 = arith.muli %add3A_122, %mul3A_124 : i32
      %add3A_126 = arith.addi %add3A_123, %mul3A_125 : i32
      %dma_start3A_127 = tpu.memref_slice %arg4[%add3A_126] : memref<327680xi32, #tpu.memory_space<hbm>> -> memref<128xi32, #tpu.memory_space<hbm>>
      %dma_start3A_128 = tpu.memref_slice %arg4[%add3A_126] : memref<327680xi32, #tpu.memory_space<hbm>> -> memref<128xi32, #tpu.memory_space<hbm>>
      tpu.enqueue_dma source(%dma_start3A_128 : memref<128xi32, #tpu.memory_space<hbm>>) target(%arg8 : memref<128xi32, #tpu.memory_space<vmem>>) target_semaphore(%arg12 : memref<!tpu.dma_semaphore, #tpu.memory_space<semaphore_mem>>)
      %add3A_129 = arith.constant 1 : i32
      %add3A_130 = arith.addi %mul3A_105, %add3A_129 : i32
      %add3A_131 = arith.addi %select_n3A, %mul3A_22 : i32
      %mul3A_132 = arith.constant 128 : i32
      %mul3A_133 = arith.muli %add3A_130, %mul3A_132 : i32
      %add3A_134 = arith.addi %add3A_131, %mul3A_133 : i32
      %dma_start3A_135 = tpu.memref_slice %arg4[%add3A_134] : memref<327680xi32, #tpu.memory_space<hbm>> -> memref<128xi32, #tpu.memory_space<hbm>>
      %dma_start3A_136 = tpu.memref_slice %arg4[%add3A_134] : memref<327680xi32, #tpu.memory_space<hbm>> -> memref<128xi32, #tpu.memory_space<hbm>>
      tpu.enqueue_dma source(%dma_start3A_136 : memref<128xi32, #tpu.memory_space<hbm>>) target(%arg9 : memref<128xi32, #tpu.memory_space<vmem>>) target_semaphore(%arg13 : memref<!tpu.dma_semaphore, #tpu.memory_space<semaphore_mem>>)
      %dma_wait3A = tpu.memref_slice %arg7[%mul3A_109] : memref<8704xi32, #tpu.memory_space<vmem>> -> memref<128xi32, #tpu.memory_space<vmem>>
      %dma_wait3A_137 = arith.constant 0 : i32
      %dma_wait3A_138 = arith.constant 0 : i32
      %dma_wait3A_139 = tpu.memref_slice %arg2[%dma_wait3A_137, %dma_wait3A_138] : memref<10000x128xf32, #tpu.memory_space<hbm>> -> memref<10000x128xf32, #tpu.memory_space<hbm>>
      tpu.wait_indirect_dma semaphore(%arg14 : memref<!tpu.dma_semaphore, #tpu.memory_space<semaphore_mem>>) src(%dma_wait3A_139 : memref<10000x128xf32, #tpu.memory_space<hbm>>) dst(%arg10 : memref<128x128xf32, #tpu.memory_space<vmem>>)
      %dma_wait3A_140 = tpu.memref_slice %arg4[%add3A_126] : memref<327680xi32, #tpu.memory_space<hbm>> -> memref<128xi32, #tpu.memory_space<hbm>>
      %dma_wait3A_141 = tpu.memref_slice %arg4[%add3A_126] : memref<327680xi32, #tpu.memory_space<hbm>> -> memref<128xi32, #tpu.memory_space<hbm>>
      tpu.wait_dma2 semaphore(%arg12 : memref<!tpu.dma_semaphore, #tpu.memory_space<semaphore_mem>>) src(%dma_wait3A_141 : memref<128xi32, #tpu.memory_space<hbm>>) dst(%arg8 : memref<128xi32, #tpu.memory_space<vmem>>)
      "tpu.region"() ({
        %run_scoped3A = tpu.sem_alloc : memref<!tpu.dma_semaphore, #tpu.memory_space<semaphore_mem>>
        %dma_start3A_148 = arith.constant 0 : i32
        %dma_start3A_149 = arith.constant 0 : i32
        %dma_start3A_150 = tpu.memref_slice %arg16[%dma_start3A_148, %dma_start3A_149] : memref<10112x128xf32, #tpu.memory_space<vmem_shared>> -> memref<10112x128xf32, #tpu.memory_space<vmem_shared>>
        tpu.enqueue_indirect_dma source(%arg10 : memref<128x128xf32, #tpu.memory_space<vmem>>) target(%dma_start3A_150 : memref<10112x128xf32, #tpu.memory_space<vmem_shared>>) offsets(%arg8 : memref<128xi32, #tpu.memory_space<vmem>>) semaphore(%run_scoped3A : memref<!tpu.dma_semaphore, #tpu.memory_space<semaphore_mem>>) {add = true}
        %dma_wait3A_151 = arith.constant 0 : i32
        %dma_wait3A_152 = arith.constant 0 : i32
        %dma_wait3A_153 = tpu.memref_slice %arg16[%dma_wait3A_151, %dma_wait3A_152] : memref<10112x128xf32, #tpu.memory_space<vmem_shared>> -> memref<10112x128xf32, #tpu.memory_space<vmem_shared>>
        tpu.wait_indirect_dma semaphore(%run_scoped3A : memref<!tpu.dma_semaphore, #tpu.memory_space<semaphore_mem>>) src(%arg10 : memref<128x128xf32, #tpu.memory_space<vmem>>) dst(%dma_wait3A_153 : memref<10112x128xf32, #tpu.memory_space<vmem_shared>>)
        tpu.yield
      }) : () -> ()
      %dma_wait3A_142 = tpu.memref_slice %arg7[%mul3A_116] : memref<8704xi32, #tpu.memory_space<vmem>> -> memref<128xi32, #tpu.memory_space<vmem>>
      %dma_wait3A_143 = arith.constant 0 : i32
      %dma_wait3A_144 = arith.constant 0 : i32
      %dma_wait3A_145 = tpu.memref_slice %arg2[%dma_wait3A_143, %dma_wait3A_144] : memref<10000x128xf32, #tpu.memory_space<hbm>> -> memref<10000x128xf32, #tpu.memory_space<hbm>>
      tpu.wait_indirect_dma semaphore(%arg15 : memref<!tpu.dma_semaphore, #tpu.memory_space<semaphore_mem>>) src(%dma_wait3A_145 : memref<10000x128xf32, #tpu.memory_space<hbm>>) dst(%arg11 : memref<128x128xf32, #tpu.memory_space<vmem>>)
      %dma_wait3A_146 = tpu.memref_slice %arg4[%add3A_134] : memref<327680xi32, #tpu.memory_space<hbm>> -> memref<128xi32, #tpu.memory_space<hbm>>
      %dma_wait3A_147 = tpu.memref_slice %arg4[%add3A_134] : memref<327680xi32, #tpu.memory_space<hbm>> -> memref<128xi32, #tpu.memory_space<hbm>>
      tpu.wait_dma2 semaphore(%arg13 : memref<!tpu.dma_semaphore, #tpu.memory_space<semaphore_mem>>) src(%dma_wait3A_147 : memref<128xi32, #tpu.memory_space<hbm>>) dst(%arg9 : memref<128xi32, #tpu.memory_space<vmem>>)
      "tpu.region"() ({
        %run_scoped3A = tpu.sem_alloc : memref<!tpu.dma_semaphore, #tpu.memory_space<semaphore_mem>>
        %dma_start3A_148 = arith.constant 0 : i32
        %dma_start3A_149 = arith.constant 0 : i32
        %dma_start3A_150 = tpu.memref_slice %arg16[%dma_start3A_148, %dma_start3A_149] : memref<10112x128xf32, #tpu.memory_space<vmem_shared>> -> memref<10112x128xf32, #tpu.memory_space<vmem_shared>>
        tpu.enqueue_indirect_dma source(%arg11 : memref<128x128xf32, #tpu.memory_space<vmem>>) target(%dma_start3A_150 : memref<10112x128xf32, #tpu.memory_space<vmem_shared>>) offsets(%arg9 : memref<128xi32, #tpu.memory_space<vmem>>) semaphore(%run_scoped3A : memref<!tpu.dma_semaphore, #tpu.memory_space<semaphore_mem>>) {add = true}
        %dma_wait3A_151 = arith.constant 0 : i32
        %dma_wait3A_152 = arith.constant 0 : i32
        %dma_wait3A_153 = tpu.memref_slice %arg16[%dma_wait3A_151, %dma_wait3A_152] : memref<10112x128xf32, #tpu.memory_space<vmem_shared>> -> memref<10112x128xf32, #tpu.memory_space<vmem_shared>>
        tpu.wait_indirect_dma semaphore(%run_scoped3A : memref<!tpu.dma_semaphore, #tpu.memory_space<semaphore_mem>>) src(%arg11 : memref<128x128xf32, #tpu.memory_space<vmem>>) dst(%dma_wait3A_153 : memref<10112x128xf32, #tpu.memory_space<vmem_shared>>)
        tpu.yield
      }) : () -> ()
    }
    %while3A_49 = arith.constant 1 : i32
    scf.for %while3A_103 = %while3A_47 to %while3A_43 step %while3A_49  : i32 {
      %mul3A_104 = arith.constant 2 : i32
      %mul3A_105 = arith.muli %while3A_103, %mul3A_104 : i32
      %add3A_106 = arith.constant 0 : i32
      %add3A_107 = arith.addi %mul3A_105, %add3A_106 : i32
      %mul3A_108 = arith.constant 128 : i32
      %mul3A_109 = arith.muli %add3A_107, %mul3A_108 : i32
      %dma_start3A = tpu.memref_slice %arg7[%mul3A_109] : memref<8704xi32, #tpu.memory_space<vmem>> -> memref<128xi32, #tpu.memory_space<vmem>>
      %dma_start3A_110 = arith.constant 0 : i32
      %dma_start3A_111 = arith.constant 0 : i32
      %dma_start3A_112 = tpu.memref_slice %arg2[%dma_start3A_110, %dma_start3A_111] : memref<10000x128xf32, #tpu.memory_space<hbm>> -> memref<10000x128xf32, #tpu.memory_space<hbm>>
      tpu.enqueue_indirect_dma source(%dma_start3A_112 : memref<10000x128xf32, #tpu.memory_space<hbm>>) target(%arg10 : memref<128x128xf32, #tpu.memory_space<vmem>>) offsets(%dma_start3A : memref<128xi32, #tpu.memory_space<vmem>>) semaphore(%arg14 : memref<!tpu.dma_semaphore, #tpu.memory_space<semaphore_mem>>)
      %add3A_113 = arith.constant 1 : i32
      %add3A_114 = arith.addi %mul3A_105, %add3A_113 : i32
      %mul3A_115 = arith.constant 128 : i32
      %mul3A_116 = arith.muli %add3A_114, %mul3A_115 : i32
      %dma_start3A_117 = tpu.memref_slice %arg7[%mul3A_116] : memref<8704xi32, #tpu.memory_space<vmem>> -> memref<128xi32, #tpu.memory_space<vmem>>
      %dma_start3A_118 = arith.constant 0 : i32
      %dma_start3A_119 = arith.constant 0 : i32
      %dma_start3A_120 = tpu.memref_slice %arg2[%dma_start3A_118, %dma_start3A_119] : memref<10000x128xf32, #tpu.memory_space<hbm>> -> memref<10000x128xf32, #tpu.memory_space<hbm>>
      tpu.enqueue_indirect_dma source(%dma_start3A_120 : memref<10000x128xf32, #tpu.memory_space<hbm>>) target(%arg11 : memref<128x128xf32, #tpu.memory_space<vmem>>) offsets(%dma_start3A_117 : memref<128xi32, #tpu.memory_space<vmem>>) semaphore(%arg15 : memref<!tpu.dma_semaphore, #tpu.memory_space<semaphore_mem>>)
      %add3A_121 = arith.constant 0 : i32
      %add3A_122 = arith.addi %mul3A_105, %add3A_121 : i32
      %add3A_123 = arith.addi %select_n3A, %mul3A_22 : i32
      %mul3A_124 = arith.constant 128 : i32
      %mul3A_125 = arith.muli %add3A_122, %mul3A_124 : i32
      %add3A_126 = arith.addi %add3A_123, %mul3A_125 : i32
      %dma_start3A_127 = tpu.memref_slice %arg4[%add3A_126] : memref<327680xi32, #tpu.memory_space<hbm>> -> memref<128xi32, #tpu.memory_space<hbm>>
      %dma_start3A_128 = tpu.memref_slice %arg4[%add3A_126] : memref<327680xi32, #tpu.memory_space<hbm>> -> memref<128xi32, #tpu.memory_space<hbm>>
      tpu.enqueue_dma source(%dma_start3A_128 : memref<128xi32, #tpu.memory_space<hbm>>) target(%arg8 : memref<128xi32, #tpu.memory_space<vmem>>) target_semaphore(%arg12 : memref<!tpu.dma_semaphore, #tpu.memory_space<semaphore_mem>>)
      %add3A_129 = arith.constant 1 : i32
      %add3A_130 = arith.addi %mul3A_105, %add3A_129 : i32
      %add3A_131 = arith.addi %select_n3A, %mul3A_22 : i32
      %mul3A_132 = arith.constant 128 : i32
      %mul3A_133 = arith.muli %add3A_130, %mul3A_132 : i32
      %add3A_134 = arith.addi %add3A_131, %mul3A_133 : i32
      %dma_start3A_135 = tpu.memref_slice %arg4[%add3A_134] : memref<327680xi32, #tpu.memory_space<hbm>> -> memref<128xi32, #tpu.memory_space<hbm>>
      %dma_start3A_136 = tpu.memref_slice %arg4[%add3A_134] : memref<327680xi32, #tpu.memory_space<hbm>> -> memref<128xi32, #tpu.memory_space<hbm>>
      tpu.enqueue_dma source(%dma_start3A_136 : memref<128xi32, #tpu.memory_space<hbm>>) target(%arg9 : memref<128xi32, #tpu.memory_space<vmem>>) target_semaphore(%arg13 : memref<!tpu.dma_semaphore, #tpu.memory_space<semaphore_mem>>)
      %dma_wait3A = tpu.memref_slice %arg7[%mul3A_109] : memref<8704xi32, #tpu.memory_space<vmem>> -> memref<128xi32, #tpu.memory_space<vmem>>
      %dma_wait3A_137 = arith.constant 0 : i32
      %dma_wait3A_138 = arith.constant 0 : i32
      %dma_wait3A_139 = tpu.memref_slice %arg2[%dma_wait3A_137, %dma_wait3A_138] : memref<10000x128xf32, #tpu.memory_space<hbm>> -> memref<10000x128xf32, #tpu.memory_space<hbm>>
      tpu.wait_indirect_dma semaphore(%arg14 : memref<!tpu.dma_semaphore, #tpu.memory_space<semaphore_mem>>) src(%dma_wait3A_139 : memref<10000x128xf32, #tpu.memory_space<hbm>>) dst(%arg10 : memref<128x128xf32, #tpu.memory_space<vmem>>)
      %dma_wait3A_140 = tpu.memref_slice %arg4[%add3A_126] : memref<327680xi32, #tpu.memory_space<hbm>> -> memref<128xi32, #tpu.memory_space<hbm>>
      %dma_wait3A_141 = tpu.memref_slice %arg4[%add3A_126] : memref<327680xi32, #tpu.memory_space<hbm>> -> memref<128xi32, #tpu.memory_space<hbm>>
      tpu.wait_dma2 semaphore(%arg12 : memref<!tpu.dma_semaphore, #tpu.memory_space<semaphore_mem>>) src(%dma_wait3A_141 : memref<128xi32, #tpu.memory_space<hbm>>) dst(%arg8 : memref<128xi32, #tpu.memory_space<vmem>>)
      "tpu.region"() ({
        %run_scoped3A = tpu.sem_alloc : memref<!tpu.dma_semaphore, #tpu.memory_space<semaphore_mem>>
        %dma_start3A_148 = arith.constant 0 : i32
        %dma_start3A_149 = arith.constant 0 : i32
        %dma_start3A_150 = tpu.memref_slice %arg16[%dma_start3A_148, %dma_start3A_149] : memref<10112x128xf32, #tpu.memory_space<vmem_shared>> -> memref<10112x128xf32, #tpu.memory_space<vmem_shared>>
        tpu.enqueue_indirect_dma source(%arg10 : memref<128x128xf32, #tpu.memory_space<vmem>>) target(%dma_start3A_150 : memref<10112x128xf32, #tpu.memory_space<vmem_shared>>) offsets(%arg8 : memref<128xi32, #tpu.memory_space<vmem>>) semaphore(%run_scoped3A : memref<!tpu.dma_semaphore, #tpu.memory_space<semaphore_mem>>) {add = true}
        %dma_wait3A_151 = arith.constant 0 : i32
        %dma_wait3A_152 = arith.constant 0 : i32
        %dma_wait3A_153 = tpu.memref_slice %arg16[%dma_wait3A_151, %dma_wait3A_152] : memref<10112x128xf32, #tpu.memory_space<vmem_shared>> -> memref<10112x128xf32, #tpu.memory_space<vmem_shared>>
        tpu.wait_indirect_dma semaphore(%run_scoped3A : memref<!tpu.dma_semaphore, #tpu.memory_space<semaphore_mem>>) src(%arg10 : memref<128x128xf32, #tpu.memory_space<vmem>>) dst(%dma_wait3A_153 : memref<10112x128xf32, #tpu.memory_space<vmem_shared>>)
        tpu.yield
      }) : () -> ()
      %dma_wait3A_142 = tpu.memref_slice %arg7[%mul3A_116] : memref<8704xi32, #tpu.memory_space<vmem>> -> memref<128xi32, #tpu.memory_space<vmem>>
      %dma_wait3A_143 = arith.constant 0 : i32
      %dma_wait3A_144 = arith.constant 0 : i32
      %dma_wait3A_145 = tpu.memref_slice %arg2[%dma_wait3A_143, %dma_wait3A_144] : memref<10000x128xf32, #tpu.memory_space<hbm>> -> memref<10000x128xf32, #tpu.memory_space<hbm>>
      tpu.wait_indirect_dma semaphore(%arg15 : memref<!tpu.dma_semaphore, #tpu.memory_space<semaphore_mem>>) src(%dma_wait3A_145 : memref<10000x128xf32, #tpu.memory_space<hbm>>) dst(%arg11 : memref<128x128xf32, #tpu.memory_space<vmem>>)
      %dma_wait3A_146 = tpu.memref_slice %arg4[%add3A_134] : memref<327680xi32, #tpu.memory_space<hbm>> -> memref<128xi32, #tpu.memory_space<hbm>>
      %dma_wait3A_147 = tpu.memref_slice %arg4[%add3A_134] : memref<327680xi32, #tpu.memory_space<hbm>> -> memref<128xi32, #tpu.memory_space<hbm>>
      tpu.wait_dma2 semaphore(%arg13 : memref<!tpu.dma_semaphore, #tpu.memory_space<semaphore_mem>>) src(%dma_wait3A_147 : memref<128xi32, #tpu.memory_space<hbm>>) dst(%arg9 : memref<128xi32, #tpu.memory_space<vmem>>)
      "tpu.region"() ({
        %run_scoped3A = tpu.sem_alloc : memref<!tpu.dma_semaphore, #tpu.memory_space<semaphore_mem>>
        %dma_start3A_148 = arith.constant 0 : i32
        %dma_start3A_149 = arith.constant 0 : i32
        %dma_start3A_150 = tpu.memref_slice %arg16[%dma_start3A_148, %dma_start3A_149] : memref<10112x128xf32, #tpu.memory_space<vmem_shared>> -> memref<10112x128xf32, #tpu.memory_space<vmem_shared>>
        tpu.enqueue_indirect_dma source(%arg11 : memref<128x128xf32, #tpu.memory_space<vmem>>) target(%dma_start3A_150 : memref<10112x128xf32, #tpu.memory_space<vmem_shared>>) offsets(%arg9 : memref<128xi32, #tpu.memory_space<vmem>>) semaphore(%run_scoped3A : memref<!tpu.dma_semaphore, #tpu.memory_space<semaphore_mem>>) {add = true}
        %dma_wait3A_151 = arith.constant 0 : i32
        %dma_wait3A_152 = arith.constant 0 : i32
        %dma_wait3A_153 = tpu.memref_slice %arg16[%dma_wait3A_151, %dma_wait3A_152] : memref<10112x128xf32, #tpu.memory_space<vmem_shared>> -> memref<10112x128xf32, #tpu.memory_space<vmem_shared>>
        tpu.wait_indirect_dma semaphore(%run_scoped3A : memref<!tpu.dma_semaphore, #tpu.memory_space<semaphore_mem>>) src(%arg11 : memref<128x128xf32, #tpu.memory_space<vmem>>) dst(%dma_wait3A_153 : memref<10112x128xf32, #tpu.memory_space<vmem_shared>>)
        tpu.yield
      }) : () -> ()
    }
    %eq3A_50 = arith.constant 0 : i32
    %eq3A_51 = arith.cmpi eq, %arg0, %eq3A_50 : i32
    %convert_element_type3A_52 = arith.extui %eq3A_51 : i1 to i32
    %cond3A_53 = arith.constant 0 : i32
    %cond3A_54 = arith.cmpi ne, %convert_element_type3A_52, %cond3A_53 : i32
    scf.if %cond3A_54 {
      %add3A_103 = arith.constant 8704 : i32
      %add3A_104 = arith.addi %select_n3A, %add3A_103 : i32
      "tpu.region"() ({
        %run_scoped3A = tpu.sem_alloc : memref<!tpu.dma_semaphore, #tpu.memory_space<semaphore_mem>>
        %dma_start3A = arith.constant 0 : i32
        %dma_start3A_105 = tpu.memref_slice %arg7[%dma_start3A] : memref<8704xi32, #tpu.memory_space<vmem>> -> memref<8704xi32, #tpu.memory_space<vmem>>
        %dma_start3A_106 = tpu.memref_slice %arg3[%add3A_104] : memref<327680xi32, #tpu.memory_space<hbm>> -> memref<8704xi32, #tpu.memory_space<hbm>>
        %dma_start3A_107 = arith.constant 0 : i32
        %dma_start3A_108 = tpu.memref_slice %arg7[%dma_start3A_107] : memref<8704xi32, #tpu.memory_space<vmem>> -> memref<8704xi32, #tpu.memory_space<vmem>>
        %dma_start3A_109 = tpu.memref_slice %arg3[%add3A_104] : memref<327680xi32, #tpu.memory_space<hbm>> -> memref<8704xi32, #tpu.memory_space<hbm>>
        tpu.enqueue_dma source(%dma_start3A_109 : memref<8704xi32, #tpu.memory_space<hbm>>) target(%dma_start3A_108 : memref<8704xi32, #tpu.memory_space<vmem>>) target_semaphore(%run_scoped3A : memref<!tpu.dma_semaphore, #tpu.memory_space<semaphore_mem>>)
        %dma_wait3A = arith.constant 0 : i32
        %dma_wait3A_110 = tpu.memref_slice %arg7[%dma_wait3A] : memref<8704xi32, #tpu.memory_space<vmem>> -> memref<8704xi32, #tpu.memory_space<vmem>>
        %dma_wait3A_111 = tpu.memref_slice %arg3[%add3A_104] : memref<327680xi32, #tpu.memory_space<hbm>> -> memref<8704xi32, #tpu.memory_space<hbm>>
        %dma_wait3A_112 = arith.constant 0 : i32
        %dma_wait3A_113 = tpu.memref_slice %arg7[%dma_wait3A_112] : memref<8704xi32, #tpu.memory_space<vmem>> -> memref<8704xi32, #tpu.memory_space<vmem>>
        %dma_wait3A_114 = tpu.memref_slice %arg3[%add3A_104] : memref<327680xi32, #tpu.memory_space<hbm>> -> memref<8704xi32, #tpu.memory_space<hbm>>
        tpu.wait_dma2 semaphore(%run_scoped3A : memref<!tpu.dma_semaphore, #tpu.memory_space<semaphore_mem>>) src(%dma_wait3A_114 : memref<8704xi32, #tpu.memory_space<hbm>>) dst(%dma_wait3A_113 : memref<8704xi32, #tpu.memory_space<vmem>>)
        tpu.yield
      }) : () -> ()
    } else {
    }
    %eq3A_55 = arith.constant 1 : i32
    %eq3A_56 = arith.cmpi eq, %arg0, %eq3A_55 : i32
    %convert_element_type3A_57 = arith.extui %eq3A_56 : i1 to i32
    %cond3A_58 = arith.constant 0 : i32
    %cond3A_59 = arith.cmpi ne, %convert_element_type3A_57, %cond3A_58 : i32
    scf.if %cond3A_59 {
      %add3A_103 = arith.constant 1536 : i32
      %add3A_104 = arith.addi %select_n3A, %add3A_103 : i32
      "tpu.region"() ({
        %run_scoped3A = tpu.sem_alloc : memref<!tpu.dma_semaphore, #tpu.memory_space<semaphore_mem>>
        %dma_start3A = arith.constant 0 : i32
        %dma_start3A_105 = tpu.memref_slice %arg7[%dma_start3A] : memref<8704xi32, #tpu.memory_space<vmem>> -> memref<1536xi32, #tpu.memory_space<vmem>>
        %dma_start3A_106 = tpu.memref_slice %arg3[%add3A_104] : memref<327680xi32, #tpu.memory_space<hbm>> -> memref<1536xi32, #tpu.memory_space<hbm>>
        %dma_start3A_107 = arith.constant 0 : i32
        %dma_start3A_108 = tpu.memref_slice %arg7[%dma_start3A_107] : memref<8704xi32, #tpu.memory_space<vmem>> -> memref<1536xi32, #tpu.memory_space<vmem>>
        %dma_start3A_109 = tpu.memref_slice %arg3[%add3A_104] : memref<327680xi32, #tpu.memory_space<hbm>> -> memref<1536xi32, #tpu.memory_space<hbm>>
        tpu.enqueue_dma source(%dma_start3A_109 : memref<1536xi32, #tpu.memory_space<hbm>>) target(%dma_start3A_108 : memref<1536xi32, #tpu.memory_space<vmem>>) target_semaphore(%run_scoped3A : memref<!tpu.dma_semaphore, #tpu.memory_space<semaphore_mem>>)
        %dma_wait3A = arith.constant 0 : i32
        %dma_wait3A_110 = tpu.memref_slice %arg7[%dma_wait3A] : memref<8704xi32, #tpu.memory_space<vmem>> -> memref<1536xi32, #tpu.memory_space<vmem>>
        %dma_wait3A_111 = tpu.memref_slice %arg3[%add3A_104] : memref<327680xi32, #tpu.memory_space<hbm>> -> memref<1536xi32, #tpu.memory_space<hbm>>
        %dma_wait3A_112 = arith.constant 0 : i32
        %dma_wait3A_113 = tpu.memref_slice %arg7[%dma_wait3A_112] : memref<8704xi32, #tpu.memory_space<vmem>> -> memref<1536xi32, #tpu.memory_space<vmem>>
        %dma_wait3A_114 = tpu.memref_slice %arg3[%add3A_104] : memref<327680xi32, #tpu.memory_space<hbm>> -> memref<1536xi32, #tpu.memory_space<hbm>>
        tpu.wait_dma2 semaphore(%run_scoped3A : memref<!tpu.dma_semaphore, #tpu.memory_space<semaphore_mem>>) src(%dma_wait3A_114 : memref<1536xi32, #tpu.memory_space<hbm>>) dst(%dma_wait3A_113 : memref<1536xi32, #tpu.memory_space<vmem>>)
        tpu.yield
      }) : () -> ()
    } else {
    }
    %mul3A_60 = arith.constant 1 : i32
    %mul3A_61 = arith.muli %mul3A_60, %select_n3A_8 : i32
    %mul3A_62 = arith.constant 128 : i32
    %mul3A_63 = arith.muli %mul3A_61, %mul3A_62 : i32
    %jit3A_64 = arith.constant 2 : i32
    %div3A_65 = arith.divsi %select_n3A_8, %jit3A_64 : i32
    %sign3A_66 = arith.constant 0 : i32
    %sign3A_67 = arith.cmpi sgt, %select_n3A_8, %sign3A_66 : i32
    %sign3A_68 = arith.extui %sign3A_67 : i1 to i32
    %sign3A_69 = arith.constant 0 : i32
    %sign3A_70 = arith.cmpi slt, %select_n3A_8, %sign3A_69 : i32
    %sign3A_71 = arith.extui %sign3A_70 : i1 to i32
    %sign3A_72 = arith.subi %sign3A_68, %sign3A_71 : i32
    %sign3A_73 = arith.constant 0 : i32
    %sign3A_74 = arith.cmpi sgt, %jit3A_64, %sign3A_73 : i32
    %sign3A_75 = arith.extui %sign3A_74 : i1 to i32
    %sign3A_76 = arith.constant 0 : i32
    %sign3A_77 = arith.cmpi slt, %jit3A_64, %sign3A_76 : i32
    %sign3A_78 = arith.extui %sign3A_77 : i1 to i32
    %sign3A_79 = arith.subi %sign3A_75, %sign3A_78 : i32
    %ne3A_80 = arith.cmpi ne, %sign3A_72, %sign3A_79 : i32
    %rem3A_81 = arith.remsi %select_n3A_8, %jit3A_64 : i32
    %ne3A_82 = arith.constant 0 : i32
    %ne3A_83 = arith.cmpi ne, %rem3A_81, %ne3A_82 : i32
    %and3A_84 = arith.andi %ne3A_80, %ne3A_83 : i1
    %sub3A_85 = arith.constant 1 : i32
    %sub3A_86 = arith.subi %div3A_65, %sub3A_85 : i32
    %select_n3A_87 = arith.select %and3A_84, %sub3A_86, %div3A_65 : i32
    %while3A_88 = arith.constant 0 : i32
    %while3A_89 = arith.constant 0 : i32
    %while3A_90 = arith.subi %select_n3A_87, %while3A_89 : i32
    %while3A_91 = arith.addi %while3A_89, %while3A_90 : i32
    %while3A_92 = arith.constant 1 : i32
    %while3A_93 = arith.divsi %while3A_90, %while3A_92 : i32
    %while3A_94 = arith.muli %while3A_93, %while3A_92 : i32
    %while3A_95 = arith.addi %while3A_89, %while3A_94 : i32
    %while3A_96 = arith.constant 1 : i32
    scf.for %while3A_103 = %while3A_89 to %while3A_95 step %while3A_96  : i32 {
      %mul3A_104 = arith.constant 2 : i32
      %mul3A_105 = arith.muli %while3A_103, %mul3A_104 : i32
      %add3A_106 = arith.constant 0 : i32
      %add3A_107 = arith.addi %mul3A_105, %add3A_106 : i32
      %mul3A_108 = arith.constant 128 : i32
      %mul3A_109 = arith.muli %add3A_107, %mul3A_108 : i32
      %dma_start3A = tpu.memref_slice %arg7[%mul3A_109] : memref<8704xi32, #tpu.memory_space<vmem>> -> memref<128xi32, #tpu.memory_space<vmem>>
      %dma_start3A_110 = arith.constant 0 : i32
      %dma_start3A_111 = arith.constant 0 : i32
      %dma_start3A_112 = tpu.memref_slice %arg2[%dma_start3A_110, %dma_start3A_111] : memref<10000x128xf32, #tpu.memory_space<hbm>> -> memref<10000x128xf32, #tpu.memory_space<hbm>>
      tpu.enqueue_indirect_dma source(%dma_start3A_112 : memref<10000x128xf32, #tpu.memory_space<hbm>>) target(%arg10 : memref<128x128xf32, #tpu.memory_space<vmem>>) offsets(%dma_start3A : memref<128xi32, #tpu.memory_space<vmem>>) semaphore(%arg14 : memref<!tpu.dma_semaphore, #tpu.memory_space<semaphore_mem>>)
      %add3A_113 = arith.constant 1 : i32
      %add3A_114 = arith.addi %mul3A_105, %add3A_113 : i32
      %mul3A_115 = arith.constant 128 : i32
      %mul3A_116 = arith.muli %add3A_114, %mul3A_115 : i32
      %dma_start3A_117 = tpu.memref_slice %arg7[%mul3A_116] : memref<8704xi32, #tpu.memory_space<vmem>> -> memref<128xi32, #tpu.memory_space<vmem>>
      %dma_start3A_118 = arith.constant 0 : i32
      %dma_start3A_119 = arith.constant 0 : i32
      %dma_start3A_120 = tpu.memref_slice %arg2[%dma_start3A_118, %dma_start3A_119] : memref<10000x128xf32, #tpu.memory_space<hbm>> -> memref<10000x128xf32, #tpu.memory_space<hbm>>
      tpu.enqueue_indirect_dma source(%dma_start3A_120 : memref<10000x128xf32, #tpu.memory_space<hbm>>) target(%arg11 : memref<128x128xf32, #tpu.memory_space<vmem>>) offsets(%dma_start3A_117 : memref<128xi32, #tpu.memory_space<vmem>>) semaphore(%arg15 : memref<!tpu.dma_semaphore, #tpu.memory_space<semaphore_mem>>)
      %add3A_121 = arith.constant 0 : i32
      %add3A_122 = arith.addi %mul3A_105, %add3A_121 : i32
      %add3A_123 = arith.addi %select_n3A, %mul3A_63 : i32
      %mul3A_124 = arith.constant 128 : i32
      %mul3A_125 = arith.muli %add3A_122, %mul3A_124 : i32
      %add3A_126 = arith.addi %add3A_123, %mul3A_125 : i32
      %dma_start3A_127 = tpu.memref_slice %arg4[%add3A_126] : memref<327680xi32, #tpu.memory_space<hbm>> -> memref<128xi32, #tpu.memory_space<hbm>>
      %dma_start3A_128 = tpu.memref_slice %arg4[%add3A_126] : memref<327680xi32, #tpu.memory_space<hbm>> -> memref<128xi32, #tpu.memory_space<hbm>>
      tpu.enqueue_dma source(%dma_start3A_128 : memref<128xi32, #tpu.memory_space<hbm>>) target(%arg8 : memref<128xi32, #tpu.memory_space<vmem>>) target_semaphore(%arg12 : memref<!tpu.dma_semaphore, #tpu.memory_space<semaphore_mem>>)
      %add3A_129 = arith.constant 1 : i32
      %add3A_130 = arith.addi %mul3A_105, %add3A_129 : i32
      %add3A_131 = arith.addi %select_n3A, %mul3A_63 : i32
      %mul3A_132 = arith.constant 128 : i32
      %mul3A_133 = arith.muli %add3A_130, %mul3A_132 : i32
      %add3A_134 = arith.addi %add3A_131, %mul3A_133 : i32
      %dma_start3A_135 = tpu.memref_slice %arg4[%add3A_134] : memref<327680xi32, #tpu.memory_space<hbm>> -> memref<128xi32, #tpu.memory_space<hbm>>
      %dma_start3A_136 = tpu.memref_slice %arg4[%add3A_134] : memref<327680xi32, #tpu.memory_space<hbm>> -> memref<128xi32, #tpu.memory_space<hbm>>
      tpu.enqueue_dma source(%dma_start3A_136 : memref<128xi32, #tpu.memory_space<hbm>>) target(%arg9 : memref<128xi32, #tpu.memory_space<vmem>>) target_semaphore(%arg13 : memref<!tpu.dma_semaphore, #tpu.memory_space<semaphore_mem>>)
      %dma_wait3A = tpu.memref_slice %arg7[%mul3A_109] : memref<8704xi32, #tpu.memory_space<vmem>> -> memref<128xi32, #tpu.memory_space<vmem>>
      %dma_wait3A_137 = arith.constant 0 : i32
      %dma_wait3A_138 = arith.constant 0 : i32
      %dma_wait3A_139 = tpu.memref_slice %arg2[%dma_wait3A_137, %dma_wait3A_138] : memref<10000x128xf32, #tpu.memory_space<hbm>> -> memref<10000x128xf32, #tpu.memory_space<hbm>>
      tpu.wait_indirect_dma semaphore(%arg14 : memref<!tpu.dma_semaphore, #tpu.memory_space<semaphore_mem>>) src(%dma_wait3A_139 : memref<10000x128xf32, #tpu.memory_space<hbm>>) dst(%arg10 : memref<128x128xf32, #tpu.memory_space<vmem>>)
      %dma_wait3A_140 = tpu.memref_slice %arg4[%add3A_126] : memref<327680xi32, #tpu.memory_space<hbm>> -> memref<128xi32, #tpu.memory_space<hbm>>
      %dma_wait3A_141 = tpu.memref_slice %arg4[%add3A_126] : memref<327680xi32, #tpu.memory_space<hbm>> -> memref<128xi32, #tpu.memory_space<hbm>>
      tpu.wait_dma2 semaphore(%arg12 : memref<!tpu.dma_semaphore, #tpu.memory_space<semaphore_mem>>) src(%dma_wait3A_141 : memref<128xi32, #tpu.memory_space<hbm>>) dst(%arg8 : memref<128xi32, #tpu.memory_space<vmem>>)
      "tpu.region"() ({
        %run_scoped3A = tpu.sem_alloc : memref<!tpu.dma_semaphore, #tpu.memory_space<semaphore_mem>>
        %dma_start3A_148 = arith.constant 0 : i32
        %dma_start3A_149 = arith.constant 0 : i32
        %dma_start3A_150 = tpu.memref_slice %arg16[%dma_start3A_148, %dma_start3A_149] : memref<10112x128xf32, #tpu.memory_space<vmem_shared>> -> memref<10112x128xf32, #tpu.memory_space<vmem_shared>>
        tpu.enqueue_indirect_dma source(%arg10 : memref<128x128xf32, #tpu.memory_space<vmem>>) target(%dma_start3A_150 : memref<10112x128xf32, #tpu.memory_space<vmem_shared>>) offsets(%arg8 : memref<128xi32, #tpu.memory_space<vmem>>) semaphore(%run_scoped3A : memref<!tpu.dma_semaphore, #tpu.memory_space<semaphore_mem>>) {add = true}
        %dma_wait3A_151 = arith.constant 0 : i32
        %dma_wait3A_152 = arith.constant 0 : i32
        %dma_wait3A_153 = tpu.memref_slice %arg16[%dma_wait3A_151, %dma_wait3A_152] : memref<10112x128xf32, #tpu.memory_space<vmem_shared>> -> memref<10112x128xf32, #tpu.memory_space<vmem_shared>>
        tpu.wait_indirect_dma semaphore(%run_scoped3A : memref<!tpu.dma_semaphore, #tpu.memory_space<semaphore_mem>>) src(%arg10 : memref<128x128xf32, #tpu.memory_space<vmem>>) dst(%dma_wait3A_153 : memref<10112x128xf32, #tpu.memory_space<vmem_shared>>)
        tpu.yield
      }) : () -> ()
      %dma_wait3A_142 = tpu.memref_slice %arg7[%mul3A_116] : memref<8704xi32, #tpu.memory_space<vmem>> -> memref<128xi32, #tpu.memory_space<vmem>>
      %dma_wait3A_143 = arith.constant 0 : i32
      %dma_wait3A_144 = arith.constant 0 : i32
      %dma_wait3A_145 = tpu.memref_slice %arg2[%dma_wait3A_143, %dma_wait3A_144] : memref<10000x128xf32, #tpu.memory_space<hbm>> -> memref<10000x128xf32, #tpu.memory_space<hbm>>
      tpu.wait_indirect_dma semaphore(%arg15 : memref<!tpu.dma_semaphore, #tpu.memory_space<semaphore_mem>>) src(%dma_wait3A_145 : memref<10000x128xf32, #tpu.memory_space<hbm>>) dst(%arg11 : memref<128x128xf32, #tpu.memory_space<vmem>>)
      %dma_wait3A_146 = tpu.memref_slice %arg4[%add3A_134] : memref<327680xi32, #tpu.memory_space<hbm>> -> memref<128xi32, #tpu.memory_space<hbm>>
      %dma_wait3A_147 = tpu.memref_slice %arg4[%add3A_134] : memref<327680xi32, #tpu.memory_space<hbm>> -> memref<128xi32, #tpu.memory_space<hbm>>
      tpu.wait_dma2 semaphore(%arg13 : memref<!tpu.dma_semaphore, #tpu.memory_space<semaphore_mem>>) src(%dma_wait3A_147 : memref<128xi32, #tpu.memory_space<hbm>>) dst(%arg9 : memref<128xi32, #tpu.memory_space<vmem>>)
      "tpu.region"() ({
        %run_scoped3A = tpu.sem_alloc : memref<!tpu.dma_semaphore, #tpu.memory_space<semaphore_mem>>
        %dma_start3A_148 = arith.constant 0 : i32
        %dma_start3A_149 = arith.constant 0 : i32
        %dma_start3A_150 = tpu.memref_slice %arg16[%dma_start3A_148, %dma_start3A_149] : memref<10112x128xf32, #tpu.memory_space<vmem_shared>> -> memref<10112x128xf32, #tpu.memory_space<vmem_shared>>
        tpu.enqueue_indirect_dma source(%arg11 : memref<128x128xf32, #tpu.memory_space<vmem>>) target(%dma_start3A_150 : memref<10112x128xf32, #tpu.memory_space<vmem_shared>>) offsets(%arg9 : memref<128xi32, #tpu.memory_space<vmem>>) semaphore(%run_scoped3A : memref<!tpu.dma_semaphore, #tpu.memory_space<semaphore_mem>>) {add = true}
        %dma_wait3A_151 = arith.constant 0 : i32
        %dma_wait3A_152 = arith.constant 0 : i32
        %dma_wait3A_153 = tpu.memref_slice %arg16[%dma_wait3A_151, %dma_wait3A_152] : memref<10112x128xf32, #tpu.memory_space<vmem_shared>> -> memref<10112x128xf32, #tpu.memory_space<vmem_shared>>
        tpu.wait_indirect_dma semaphore(%run_scoped3A : memref<!tpu.dma_semaphore, #tpu.memory_space<semaphore_mem>>) src(%arg11 : memref<128x128xf32, #tpu.memory_space<vmem>>) dst(%dma_wait3A_153 : memref<10112x128xf32, #tpu.memory_space<vmem_shared>>)
        tpu.yield
      }) : () -> ()
    }
    %while3A_97 = arith.constant 1 : i32
    scf.for %while3A_103 = %while3A_95 to %while3A_91 step %while3A_97  : i32 {
      %mul3A_104 = arith.constant 2 : i32
      %mul3A_105 = arith.muli %while3A_103, %mul3A_104 : i32
      %add3A_106 = arith.constant 0 : i32
      %add3A_107 = arith.addi %mul3A_105, %add3A_106 : i32
      %mul3A_108 = arith.constant 128 : i32
      %mul3A_109 = arith.muli %add3A_107, %mul3A_108 : i32
      %dma_start3A = tpu.memref_slice %arg7[%mul3A_109] : memref<8704xi32, #tpu.memory_space<vmem>> -> memref<128xi32, #tpu.memory_space<vmem>>
      %dma_start3A_110 = arith.constant 0 : i32
      %dma_start3A_111 = arith.constant 0 : i32
      %dma_start3A_112 = tpu.memref_slice %arg2[%dma_start3A_110, %dma_start3A_111] : memref<10000x128xf32, #tpu.memory_space<hbm>> -> memref<10000x128xf32, #tpu.memory_space<hbm>>
      tpu.enqueue_indirect_dma source(%dma_start3A_112 : memref<10000x128xf32, #tpu.memory_space<hbm>>) target(%arg10 : memref<128x128xf32, #tpu.memory_space<vmem>>) offsets(%dma_start3A : memref<128xi32, #tpu.memory_space<vmem>>) semaphore(%arg14 : memref<!tpu.dma_semaphore, #tpu.memory_space<semaphore_mem>>)
      %add3A_113 = arith.constant 1 : i32
      %add3A_114 = arith.addi %mul3A_105, %add3A_113 : i32
      %mul3A_115 = arith.constant 128 : i32
      %mul3A_116 = arith.muli %add3A_114, %mul3A_115 : i32
      %dma_start3A_117 = tpu.memref_slice %arg7[%mul3A_116] : memref<8704xi32, #tpu.memory_space<vmem>> -> memref<128xi32, #tpu.memory_space<vmem>>
      %dma_start3A_118 = arith.constant 0 : i32
      %dma_start3A_119 = arith.constant 0 : i32
      %dma_start3A_120 = tpu.memref_slice %arg2[%dma_start3A_118, %dma_start3A_119] : memref<10000x128xf32, #tpu.memory_space<hbm>> -> memref<10000x128xf32, #tpu.memory_space<hbm>>
      tpu.enqueue_indirect_dma source(%dma_start3A_120 : memref<10000x128xf32, #tpu.memory_space<hbm>>) target(%arg11 : memref<128x128xf32, #tpu.memory_space<vmem>>) offsets(%dma_start3A_117 : memref<128xi32, #tpu.memory_space<vmem>>) semaphore(%arg15 : memref<!tpu.dma_semaphore, #tpu.memory_space<semaphore_mem>>)
      %add3A_121 = arith.constant 0 : i32
      %add3A_122 = arith.addi %mul3A_105, %add3A_121 : i32
      %add3A_123 = arith.addi %select_n3A, %mul3A_63 : i32
      %mul3A_124 = arith.constant 128 : i32
      %mul3A_125 = arith.muli %add3A_122, %mul3A_124 : i32
      %add3A_126 = arith.addi %add3A_123, %mul3A_125 : i32
      %dma_start3A_127 = tpu.memref_slice %arg4[%add3A_126] : memref<327680xi32, #tpu.memory_space<hbm>> -> memref<128xi32, #tpu.memory_space<hbm>>
      %dma_start3A_128 = tpu.memref_slice %arg4[%add3A_126] : memref<327680xi32, #tpu.memory_space<hbm>> -> memref<128xi32, #tpu.memory_space<hbm>>
      tpu.enqueue_dma source(%dma_start3A_128 : memref<128xi32, #tpu.memory_space<hbm>>) target(%arg8 : memref<128xi32, #tpu.memory_space<vmem>>) target_semaphore(%arg12 : memref<!tpu.dma_semaphore, #tpu.memory_space<semaphore_mem>>)
      %add3A_129 = arith.constant 1 : i32
      %add3A_130 = arith.addi %mul3A_105, %add3A_129 : i32
      %add3A_131 = arith.addi %select_n3A, %mul3A_63 : i32
      %mul3A_132 = arith.constant 128 : i32
      %mul3A_133 = arith.muli %add3A_130, %mul3A_132 : i32
      %add3A_134 = arith.addi %add3A_131, %mul3A_133 : i32
      %dma_start3A_135 = tpu.memref_slice %arg4[%add3A_134] : memref<327680xi32, #tpu.memory_space<hbm>> -> memref<128xi32, #tpu.memory_space<hbm>>
      %dma_start3A_136 = tpu.memref_slice %arg4[%add3A_134] : memref<327680xi32, #tpu.memory_space<hbm>> -> memref<128xi32, #tpu.memory_space<hbm>>
      tpu.enqueue_dma source(%dma_start3A_136 : memref<128xi32, #tpu.memory_space<hbm>>) target(%arg9 : memref<128xi32, #tpu.memory_space<vmem>>) target_semaphore(%arg13 : memref<!tpu.dma_semaphore, #tpu.memory_space<semaphore_mem>>)
      %dma_wait3A = tpu.memref_slice %arg7[%mul3A_109] : memref<8704xi32, #tpu.memory_space<vmem>> -> memref<128xi32, #tpu.memory_space<vmem>>
      %dma_wait3A_137 = arith.constant 0 : i32
      %dma_wait3A_138 = arith.constant 0 : i32
      %dma_wait3A_139 = tpu.memref_slice %arg2[%dma_wait3A_137, %dma_wait3A_138] : memref<10000x128xf32, #tpu.memory_space<hbm>> -> memref<10000x128xf32, #tpu.memory_space<hbm>>
      tpu.wait_indirect_dma semaphore(%arg14 : memref<!tpu.dma_semaphore, #tpu.memory_space<semaphore_mem>>) src(%dma_wait3A_139 : memref<10000x128xf32, #tpu.memory_space<hbm>>) dst(%arg10 : memref<128x128xf32, #tpu.memory_space<vmem>>)
      %dma_wait3A_140 = tpu.memref_slice %arg4[%add3A_126] : memref<327680xi32, #tpu.memory_space<hbm>> -> memref<128xi32, #tpu.memory_space<hbm>>
      %dma_wait3A_141 = tpu.memref_slice %arg4[%add3A_126] : memref<327680xi32, #tpu.memory_space<hbm>> -> memref<128xi32, #tpu.memory_space<hbm>>
      tpu.wait_dma2 semaphore(%arg12 : memref<!tpu.dma_semaphore, #tpu.memory_space<semaphore_mem>>) src(%dma_wait3A_141 : memref<128xi32, #tpu.memory_space<hbm>>) dst(%arg8 : memref<128xi32, #tpu.memory_space<vmem>>)
      "tpu.region"() ({
        %run_scoped3A = tpu.sem_alloc : memref<!tpu.dma_semaphore, #tpu.memory_space<semaphore_mem>>
        %dma_start3A_148 = arith.constant 0 : i32
        %dma_start3A_149 = arith.constant 0 : i32
        %dma_start3A_150 = tpu.memref_slice %arg16[%dma_start3A_148, %dma_start3A_149] : memref<10112x128xf32, #tpu.memory_space<vmem_shared>> -> memref<10112x128xf32, #tpu.memory_space<vmem_shared>>
        tpu.enqueue_indirect_dma source(%arg10 : memref<128x128xf32, #tpu.memory_space<vmem>>) target(%dma_start3A_150 : memref<10112x128xf32, #tpu.memory_space<vmem_shared>>) offsets(%arg8 : memref<128xi32, #tpu.memory_space<vmem>>) semaphore(%run_scoped3A : memref<!tpu.dma_semaphore, #tpu.memory_space<semaphore_mem>>) {add = true}
        %dma_wait3A_151 = arith.constant 0 : i32
        %dma_wait3A_152 = arith.constant 0 : i32
        %dma_wait3A_153 = tpu.memref_slice %arg16[%dma_wait3A_151, %dma_wait3A_152] : memref<10112x128xf32, #tpu.memory_space<vmem_shared>> -> memref<10112x128xf32, #tpu.memory_space<vmem_shared>>
        tpu.wait_indirect_dma semaphore(%run_scoped3A : memref<!tpu.dma_semaphore, #tpu.memory_space<semaphore_mem>>) src(%arg10 : memref<128x128xf32, #tpu.memory_space<vmem>>) dst(%dma_wait3A_153 : memref<10112x128xf32, #tpu.memory_space<vmem_shared>>)
        tpu.yield
      }) : () -> ()
      %dma_wait3A_142 = tpu.memref_slice %arg7[%mul3A_116] : memref<8704xi32, #tpu.memory_space<vmem>> -> memref<128xi32, #tpu.memory_space<vmem>>
      %dma_wait3A_143 = arith.constant 0 : i32
      %dma_wait3A_144 = arith.constant 0 : i32
      %dma_wait3A_145 = tpu.memref_slice %arg2[%dma_wait3A_143, %dma_wait3A_144] : memref<10000x128xf32, #tpu.memory_space<hbm>> -> memref<10000x128xf32, #tpu.memory_space<hbm>>
      tpu.wait_indirect_dma semaphore(%arg15 : memref<!tpu.dma_semaphore, #tpu.memory_space<semaphore_mem>>) src(%dma_wait3A_145 : memref<10000x128xf32, #tpu.memory_space<hbm>>) dst(%arg11 : memref<128x128xf32, #tpu.memory_space<vmem>>)
      %dma_wait3A_146 = tpu.memref_slice %arg4[%add3A_134] : memref<327680xi32, #tpu.memory_space<hbm>> -> memref<128xi32, #tpu.memory_space<hbm>>
      %dma_wait3A_147 = tpu.memref_slice %arg4[%add3A_134] : memref<327680xi32, #tpu.memory_space<hbm>> -> memref<128xi32, #tpu.memory_space<hbm>>
      tpu.wait_dma2 semaphore(%arg13 : memref<!tpu.dma_semaphore, #tpu.memory_space<semaphore_mem>>) src(%dma_wait3A_147 : memref<128xi32, #tpu.memory_space<hbm>>) dst(%arg9 : memref<128xi32, #tpu.memory_space<vmem>>)
      "tpu.region"() ({
        %run_scoped3A = tpu.sem_alloc : memref<!tpu.dma_semaphore, #tpu.memory_space<semaphore_mem>>
        %dma_start3A_148 = arith.constant 0 : i32
        %dma_start3A_149 = arith.constant 0 : i32
        %dma_start3A_150 = tpu.memref_slice %arg16[%dma_start3A_148, %dma_start3A_149] : memref<10112x128xf32, #tpu.memory_space<vmem_shared>> -> memref<10112x128xf32, #tpu.memory_space<vmem_shared>>
        tpu.enqueue_indirect_dma source(%arg11 : memref<128x128xf32, #tpu.memory_space<vmem>>) target(%dma_start3A_150 : memref<10112x128xf32, #tpu.memory_space<vmem_shared>>) offsets(%arg9 : memref<128xi32, #tpu.memory_space<vmem>>) semaphore(%run_scoped3A : memref<!tpu.dma_semaphore, #tpu.memory_space<semaphore_mem>>) {add = true}
        %dma_wait3A_151 = arith.constant 0 : i32
        %dma_wait3A_152 = arith.constant 0 : i32
        %dma_wait3A_153 = tpu.memref_slice %arg16[%dma_wait3A_151, %dma_wait3A_152] : memref<10112x128xf32, #tpu.memory_space<vmem_shared>> -> memref<10112x128xf32, #tpu.memory_space<vmem_shared>>
        tpu.wait_indirect_dma semaphore(%run_scoped3A : memref<!tpu.dma_semaphore, #tpu.memory_space<semaphore_mem>>) src(%arg11 : memref<128x128xf32, #tpu.memory_space<vmem>>) dst(%dma_wait3A_153 : memref<10112x128xf32, #tpu.memory_space<vmem_shared>>)
        tpu.yield
      }) : () -> ()
    }
    %barrier3A_98 = arith.constant 0 : index
    tpu.barrier barrier_id(%barrier3A_98)
    %mul3A_99 = arith.constant 632 : i32
    %mul3A_100 = arith.muli %arg1, %mul3A_99 : i32
    %mul3A_101 = arith.constant 632 : i32
    %mul3A_102 = arith.muli %arg1, %mul3A_101 : i32
    "tpu.region"() ({
      %run_scoped3A = tpu.sem_alloc : memref<!tpu.dma_semaphore, #tpu.memory_space<semaphore_mem>>
      %dma_start3A = arith.constant 0 : i32
      %dma_start3A_103 = tpu.memref_slice %arg6[%arg0, %mul3A_102, %dma_start3A] : memref<2x10112x128xf32, #tpu.memory_space<hbm>> -> memref<1x632x128xf32, #tpu.memory_space<hbm>>
      %dma_start3A_104 = tpu.memref_squeeze %dma_start3A_103 : memref<1x632x128xf32, #tpu.memory_space<hbm>> -> memref<632x128xf32, #tpu.memory_space<hbm>>
      %dma_start3A_105 = arith.constant 0 : i32
      %dma_start3A_106 = tpu.memref_slice %arg16[%mul3A_100, %dma_start3A_105] : memref<10112x128xf32, #tpu.memory_space<vmem_shared>> -> memref<632x128xf32, #tpu.memory_space<vmem_shared>>
      tpu.enqueue_dma source(%dma_start3A_106 : memref<632x128xf32, #tpu.memory_space<vmem_shared>>) target(%dma_start3A_104 : memref<632x128xf32, #tpu.memory_space<hbm>>) target_semaphore(%run_scoped3A : memref<!tpu.dma_semaphore, #tpu.memory_space<semaphore_mem>>)
      %dma_wait3A = arith.constant 0 : i32
      %dma_wait3A_107 = tpu.memref_slice %arg6[%arg0, %mul3A_102, %dma_wait3A] : memref<2x10112x128xf32, #tpu.memory_space<hbm>> -> memref<1x632x128xf32, #tpu.memory_space<hbm>>
      %dma_wait3A_108 = tpu.memref_squeeze %dma_wait3A_107 : memref<1x632x128xf32, #tpu.memory_space<hbm>> -> memref<632x128xf32, #tpu.memory_space<hbm>>
      %dma_wait3A_109 = arith.constant 0 : i32
      %dma_wait3A_110 = tpu.memref_slice %arg16[%mul3A_100, %dma_wait3A_109] : memref<10112x128xf32, #tpu.memory_space<vmem_shared>> -> memref<632x128xf32, #tpu.memory_space<vmem_shared>>
      tpu.wait_dma2 semaphore(%run_scoped3A : memref<!tpu.dma_semaphore, #tpu.memory_space<semaphore_mem>>) src(%dma_wait3A_110 : memref<632x128xf32, #tpu.memory_space<vmem_shared>>) dst(%dma_wait3A_108 : memref<632x128xf32, #tpu.memory_space<hbm>>)
      tpu.yield
    }) : () -> ()
    return
  }
}

#map = affine_map<(d0, d1) -> (0)>
#map1 = affine_map<(d0, d1) -> (0, 0)>
#map2 = affine_map<(d0, d1) -> (0, 0, 0)>
module attributes {stable_mosaic.version = 14 : i64} {
  func.func @_deg_body(%arg0: i32, %arg1: i32, %arg2: memref<327680xi32, #tpu.memory_space<hbm>>, %arg3: memref<128x128xf32, #tpu.memory_space<hbm>>, %arg4: memref<632x128xf32, #tpu.memory_space<hbm>>, %arg5: memref<2x10112x128xf32, #tpu.memory_space<hbm>>, %arg6: memref<128xi32, #tpu.memory_space<vmem>>, %arg7: memref<128x128xf32, #tpu.memory_space<vmem>>, %arg8: memref<10112x128xf32, #tpu.memory_space<vmem_shared>>) attributes {dimension_semantics = [#tpu.dimension_semantics<core_parallel>, #tpu.dimension_semantics<subcore_parallel>], iteration_bounds = array<i64: 2, 16>, scalar_prefetch = 0 : i64, scratch_operands = 3 : i64, tpu.core_type = #tpu.core_type<sc_vector_subcore>, window_params = [{transform_indices = #map}, {transform_indices = #map1}, {transform_indices = #map1}, {transform_indices = #map2}]} {
    %mul3A = arith.constant 16 : i32
    %mul3A_0 = arith.muli %arg0, %mul3A : i32
    %add3A = arith.addi %mul3A_0, %arg1 : i32
    %mul3A_1 = arith.constant 632 : i32
    %mul3A_2 = arith.muli %arg1, %mul3A_1 : i32
    "tpu.region"() ({
      %run_scoped3A = tpu.sem_alloc : memref<!tpu.dma_semaphore, #tpu.memory_space<semaphore_mem>>
      %dma_start3A = arith.constant 0 : i32
      %dma_start3A_13 = tpu.memref_slice %arg8[%mul3A_2, %dma_start3A] : memref<10112x128xf32, #tpu.memory_space<vmem_shared>> -> memref<632x128xf32, #tpu.memory_space<vmem_shared>>
      tpu.enqueue_dma source(%arg4 : memref<632x128xf32, #tpu.memory_space<hbm>>) target(%dma_start3A_13 : memref<632x128xf32, #tpu.memory_space<vmem_shared>>) target_semaphore(%run_scoped3A : memref<!tpu.dma_semaphore, #tpu.memory_space<semaphore_mem>>)
      %dma_wait3A = arith.constant 0 : i32
      %dma_wait3A_14 = tpu.memref_slice %arg8[%mul3A_2, %dma_wait3A] : memref<10112x128xf32, #tpu.memory_space<vmem_shared>> -> memref<632x128xf32, #tpu.memory_space<vmem_shared>>
      tpu.wait_dma2 semaphore(%run_scoped3A : memref<!tpu.dma_semaphore, #tpu.memory_space<semaphore_mem>>) src(%arg4 : memref<632x128xf32, #tpu.memory_space<hbm>>) dst(%dma_wait3A_14 : memref<632x128xf32, #tpu.memory_space<vmem_shared>>)
      tpu.yield
    }) : () -> ()
    "tpu.region"() ({
      %run_scoped3A = tpu.sem_alloc : memref<!tpu.dma_semaphore, #tpu.memory_space<semaphore_mem>>
      tpu.enqueue_dma source(%arg3 : memref<128x128xf32, #tpu.memory_space<hbm>>) target(%arg7 : memref<128x128xf32, #tpu.memory_space<vmem>>) target_semaphore(%run_scoped3A : memref<!tpu.dma_semaphore, #tpu.memory_space<semaphore_mem>>)
      tpu.wait_dma2 semaphore(%run_scoped3A : memref<!tpu.dma_semaphore, #tpu.memory_space<semaphore_mem>>) src(%arg3 : memref<128x128xf32, #tpu.memory_space<hbm>>) dst(%arg7 : memref<128x128xf32, #tpu.memory_space<vmem>>)
      tpu.yield
    }) : () -> ()
    %barrier3A = arith.constant 0 : index
    tpu.barrier barrier_id(%barrier3A)
    %scan3A = arith.constant 0 : i32
    %scan3A_3 = arith.constant 0 : i32
    %scan3A_4 = arith.constant 80 : i32
    %scan3A_5 = arith.addi %scan3A_3, %scan3A_4 : i32
    %scan3A_6 = arith.constant 1 : i32
    scf.for %scan3A_13 = %scan3A_3 to %scan3A_5 step %scan3A_6  : i32 {
      %mul3A_14 = arith.constant 10240 : i32
      %mul3A_15 = arith.muli %add3A, %mul3A_14 : i32
      %mul3A_16 = arith.constant 128 : i32
      %mul3A_17 = arith.muli %scan3A_13, %mul3A_16 : i32
      %add3A_18 = arith.addi %mul3A_15, %mul3A_17 : i32
      "tpu.region"() ({
        %run_scoped3A = tpu.sem_alloc : memref<!tpu.dma_semaphore, #tpu.memory_space<semaphore_mem>>
        %dma_start3A = tpu.memref_slice %arg2[%add3A_18] : memref<327680xi32, #tpu.memory_space<hbm>> -> memref<128xi32, #tpu.memory_space<hbm>>
        %dma_start3A_19 = tpu.memref_slice %arg2[%add3A_18] : memref<327680xi32, #tpu.memory_space<hbm>> -> memref<128xi32, #tpu.memory_space<hbm>>
        tpu.enqueue_dma source(%dma_start3A_19 : memref<128xi32, #tpu.memory_space<hbm>>) target(%arg6 : memref<128xi32, #tpu.memory_space<vmem>>) target_semaphore(%run_scoped3A : memref<!tpu.dma_semaphore, #tpu.memory_space<semaphore_mem>>)
        %dma_wait3A = tpu.memref_slice %arg2[%add3A_18] : memref<327680xi32, #tpu.memory_space<hbm>> -> memref<128xi32, #tpu.memory_space<hbm>>
        %dma_wait3A_20 = tpu.memref_slice %arg2[%add3A_18] : memref<327680xi32, #tpu.memory_space<hbm>> -> memref<128xi32, #tpu.memory_space<hbm>>
        tpu.wait_dma2 semaphore(%run_scoped3A : memref<!tpu.dma_semaphore, #tpu.memory_space<semaphore_mem>>) src(%dma_wait3A_20 : memref<128xi32, #tpu.memory_space<hbm>>) dst(%arg6 : memref<128xi32, #tpu.memory_space<vmem>>)
        tpu.yield
      }) : () -> ()
      "tpu.region"() ({
        %run_scoped3A = tpu.sem_alloc : memref<!tpu.dma_semaphore, #tpu.memory_space<semaphore_mem>>
        %dma_start3A = arith.constant 0 : i32
        %dma_start3A_19 = arith.constant 0 : i32
        %dma_start3A_20 = tpu.memref_slice %arg8[%dma_start3A, %dma_start3A_19] : memref<10112x128xf32, #tpu.memory_space<vmem_shared>> -> memref<10112x128xf32, #tpu.memory_space<vmem_shared>>
        tpu.enqueue_indirect_dma source(%arg7 : memref<128x128xf32, #tpu.memory_space<vmem>>) target(%dma_start3A_20 : memref<10112x128xf32, #tpu.memory_space<vmem_shared>>) offsets(%arg6 : memref<128xi32, #tpu.memory_space<vmem>>) semaphore(%run_scoped3A : memref<!tpu.dma_semaphore, #tpu.memory_space<semaphore_mem>>) {add = true}
        %dma_wait3A = arith.constant 0 : i32
        %dma_wait3A_21 = arith.constant 0 : i32
        %dma_wait3A_22 = tpu.memref_slice %arg8[%dma_wait3A, %dma_wait3A_21] : memref<10112x128xf32, #tpu.memory_space<vmem_shared>> -> memref<10112x128xf32, #tpu.memory_space<vmem_shared>>
        tpu.wait_indirect_dma semaphore(%run_scoped3A : memref<!tpu.dma_semaphore, #tpu.memory_space<semaphore_mem>>) src(%arg7 : memref<128x128xf32, #tpu.memory_space<vmem>>) dst(%dma_wait3A_22 : memref<10112x128xf32, #tpu.memory_space<vmem_shared>>)
        tpu.yield
      }) : () -> ()
    }
    %scan3A_7 = arith.constant 80 : i32
    %barrier3A_8 = arith.constant 0 : index
    tpu.barrier barrier_id(%barrier3A_8)
    %mul3A_9 = arith.constant 632 : i32
    %mul3A_10 = arith.muli %arg1, %mul3A_9 : i32
    %mul3A_11 = arith.constant 632 : i32
    %mul3A_12 = arith.muli %arg1, %mul3A_11 : i32
    "tpu.region"() ({
      %run_scoped3A = tpu.sem_alloc : memref<!tpu.dma_semaphore, #tpu.memory_space<semaphore_mem>>
      %dma_start3A = arith.constant 0 : i32
      %dma_start3A_13 = tpu.memref_slice %arg5[%arg0, %mul3A_12, %dma_start3A] : memref<2x10112x128xf32, #tpu.memory_space<hbm>> -> memref<1x632x128xf32, #tpu.memory_space<hbm>>
      %dma_start3A_14 = tpu.memref_squeeze %dma_start3A_13 : memref<1x632x128xf32, #tpu.memory_space<hbm>> -> memref<632x128xf32, #tpu.memory_space<hbm>>
      %dma_start3A_15 = arith.constant 0 : i32
      %dma_start3A_16 = tpu.memref_slice %arg8[%mul3A_10, %dma_start3A_15] : memref<10112x128xf32, #tpu.memory_space<vmem_shared>> -> memref<632x128xf32, #tpu.memory_space<vmem_shared>>
      tpu.enqueue_dma source(%dma_start3A_16 : memref<632x128xf32, #tpu.memory_space<vmem_shared>>) target(%dma_start3A_14 : memref<632x128xf32, #tpu.memory_space<hbm>>) target_semaphore(%run_scoped3A : memref<!tpu.dma_semaphore, #tpu.memory_space<semaphore_mem>>)
      %dma_wait3A = arith.constant 0 : i32
      %dma_wait3A_17 = tpu.memref_slice %arg5[%arg0, %mul3A_12, %dma_wait3A] : memref<2x10112x128xf32, #tpu.memory_space<hbm>> -> memref<1x632x128xf32, #tpu.memory_space<hbm>>
      %dma_wait3A_18 = tpu.memref_squeeze %dma_wait3A_17 : memref<1x632x128xf32, #tpu.memory_space<hbm>> -> memref<632x128xf32, #tpu.memory_space<hbm>>
      %dma_wait3A_19 = arith.constant 0 : i32
      %dma_wait3A_20 = tpu.memref_slice %arg8[%mul3A_10, %dma_wait3A_19] : memref<10112x128xf32, #tpu.memory_space<vmem_shared>> -> memref<632x128xf32, #tpu.memory_space<vmem_shared>>
      tpu.wait_dma2 semaphore(%run_scoped3A : memref<!tpu.dma_semaphore, #tpu.memory_space<semaphore_mem>>) src(%dma_wait3A_20 : memref<632x128xf32, #tpu.memory_space<vmem_shared>>) dst(%dma_wait3A_18 : memref<632x128xf32, #tpu.memory_space<hbm>>)
      tpu.yield
    }) : () -> ()
    return
  }
}

#map = affine_map<(d0, d1) -> (0, 0)>
#map1 = affine_map<(d0, d1) -> (0)>
#map2 = affine_map<(d0, d1) -> (0, 0, 0)>
module attributes {stable_mosaic.version = 14 : i64} {
  func.func @_prop_body(%arg0: i32, %arg1: i32, %arg2: memref<10000x128xf32, #tpu.memory_space<hbm>>, %arg3: memref<327680xi32, #tpu.memory_space<hbm>>, %arg4: memref<327680xi32, #tpu.memory_space<hbm>>, %arg5: memref<632x128xf32, #tpu.memory_space<hbm>>, %arg6: memref<2x10112x128xf32, #tpu.memory_space<hbm>>, %arg7: memref<8704xi32, #tpu.memory_space<vmem>>, %arg8: memref<128xi32, #tpu.memory_space<vmem>>, %arg9: memref<128xi32, #tpu.memory_space<vmem>>, %arg10: memref<128x128xf32, #tpu.memory_space<vmem>>, %arg11: memref<128x128xf32, #tpu.memory_space<vmem>>, %arg12: memref<!tpu.dma_semaphore, #tpu.memory_space<semaphore_mem>>, %arg13: memref<!tpu.dma_semaphore, #tpu.memory_space<semaphore_mem>>, %arg14: memref<!tpu.dma_semaphore, #tpu.memory_space<semaphore_mem>>, %arg15: memref<!tpu.dma_semaphore, #tpu.memory_space<semaphore_mem>>, %arg16: memref<10112x128xf32, #tpu.memory_space<vmem_shared>>) attributes {dimension_semantics = [#tpu.dimension_semantics<core_parallel>, #tpu.dimension_semantics<subcore_parallel>], iteration_bounds = array<i64: 2, 16>, scalar_prefetch = 0 : i64, scratch_operands = 10 : i64, tpu.core_type = #tpu.core_type<sc_vector_subcore>, window_params = [{transform_indices = #map}, {transform_indices = #map1}, {transform_indices = #map1}, {transform_indices = #map}, {transform_indices = #map2}]} {
    %eq3A = arith.constant 0 : i32
    %eq3A_0 = arith.cmpi eq, %arg0, %eq3A : i32
    %mul3A = arith.constant 17408 : i32
    %mul3A_1 = arith.muli %arg1, %mul3A : i32
    %mul3A_2 = arith.constant 3072 : i32
    %mul3A_3 = arith.muli %arg1, %mul3A_2 : i32
    %add3A = arith.constant 278528 : i32
    %add3A_4 = arith.addi %add3A, %mul3A_3 : i32
    %select_n3A = arith.select %eq3A_0, %mul3A_1, %add3A_4 : i32
    %eq3A_5 = arith.constant 0 : i32
    %eq3A_6 = arith.cmpi eq, %arg0, %eq3A_5 : i32
    %jit3A = arith.constant 68 : i32
    %jit3A_7 = arith.constant 12 : i32
    %select_n3A_8 = arith.select %eq3A_6, %jit3A, %jit3A_7 : i32
    %mul3A_9 = arith.constant 632 : i32
    %mul3A_10 = arith.muli %arg1, %mul3A_9 : i32
    "tpu.region"() ({
      %run_scoped3A = tpu.sem_alloc : memref<!tpu.dma_semaphore, #tpu.memory_space<semaphore_mem>>
      %dma_start3A = arith.constant 0 : i32
      %dma_start3A_103 = tpu.memref_slice %arg16[%mul3A_10, %dma_start3A] : memref<10112x128xf32, #tpu.memory_space<vmem_shared>> -> memref<632x128xf32, #tpu.memory_space<vmem_shared>>
      tpu.enqueue_dma source(%arg5 : memref<632x128xf32, #tpu.memory_space<hbm>>) target(%dma_start3A_103 : memref<632x128xf32, #tpu.memory_space<vmem_shared>>) target_semaphore(%run_scoped3A : memref<!tpu.dma_semaphore, #tpu.memory_space<semaphore_mem>>)
      %dma_wait3A = arith.constant 0 : i32
      %dma_wait3A_104 = tpu.memref_slice %arg16[%mul3A_10, %dma_wait3A] : memref<10112x128xf32, #tpu.memory_space<vmem_shared>> -> memref<632x128xf32, #tpu.memory_space<vmem_shared>>
      tpu.wait_dma2 semaphore(%run_scoped3A : memref<!tpu.dma_semaphore, #tpu.memory_space<semaphore_mem>>) src(%arg5 : memref<632x128xf32, #tpu.memory_space<hbm>>) dst(%dma_wait3A_104 : memref<632x128xf32, #tpu.memory_space<vmem_shared>>)
      tpu.yield
    }) : () -> ()
    %eq3A_11 = arith.constant 0 : i32
    %eq3A_12 = arith.cmpi eq, %arg0, %eq3A_11 : i32
    %convert_element_type3A = arith.extui %eq3A_12 : i1 to i32
    %cond3A = arith.constant 0 : i32
    %cond3A_13 = arith.cmpi ne, %convert_element_type3A, %cond3A : i32
    scf.if %cond3A_13 {
      %add3A_103 = arith.constant 0 : i32
      %add3A_104 = arith.addi %select_n3A, %add3A_103 : i32
      "tpu.region"() ({
        %run_scoped3A = tpu.sem_alloc : memref<!tpu.dma_semaphore, #tpu.memory_space<semaphore_mem>>
        %dma_start3A = arith.constant 0 : i32
        %dma_start3A_105 = tpu.memref_slice %arg7[%dma_start3A] : memref<8704xi32, #tpu.memory_space<vmem>> -> memref<8704xi32, #tpu.memory_space<vmem>>
        %dma_start3A_106 = tpu.memref_slice %arg3[%add3A_104] : memref<327680xi32, #tpu.memory_space<hbm>> -> memref<8704xi32, #tpu.memory_space<hbm>>
        %dma_start3A_107 = arith.constant 0 : i32
        %dma_start3A_108 = tpu.memref_slice %arg7[%dma_start3A_107] : memref<8704xi32, #tpu.memory_space<vmem>> -> memref<8704xi32, #tpu.memory_space<vmem>>
        %dma_start3A_109 = tpu.memref_slice %arg3[%add3A_104] : memref<327680xi32, #tpu.memory_space<hbm>> -> memref<8704xi32, #tpu.memory_space<hbm>>
        tpu.enqueue_dma source(%dma_start3A_109 : memref<8704xi32, #tpu.memory_space<hbm>>) target(%dma_start3A_108 : memref<8704xi32, #tpu.memory_space<vmem>>) target_semaphore(%run_scoped3A : memref<!tpu.dma_semaphore, #tpu.memory_space<semaphore_mem>>)
        %dma_wait3A = arith.constant 0 : i32
        %dma_wait3A_110 = tpu.memref_slice %arg7[%dma_wait3A] : memref<8704xi32, #tpu.memory_space<vmem>> -> memref<8704xi32, #tpu.memory_space<vmem>>
        %dma_wait3A_111 = tpu.memref_slice %arg3[%add3A_104] : memref<327680xi32, #tpu.memory_space<hbm>> -> memref<8704xi32, #tpu.memory_space<hbm>>
        %dma_wait3A_112 = arith.constant 0 : i32
        %dma_wait3A_113 = tpu.memref_slice %arg7[%dma_wait3A_112] : memref<8704xi32, #tpu.memory_space<vmem>> -> memref<8704xi32, #tpu.memory_space<vmem>>
        %dma_wait3A_114 = tpu.memref_slice %arg3[%add3A_104] : memref<327680xi32, #tpu.memory_space<hbm>> -> memref<8704xi32, #tpu.memory_space<hbm>>
        tpu.wait_dma2 semaphore(%run_scoped3A : memref<!tpu.dma_semaphore, #tpu.memory_space<semaphore_mem>>) src(%dma_wait3A_114 : memref<8704xi32, #tpu.memory_space<hbm>>) dst(%dma_wait3A_113 : memref<8704xi32, #tpu.memory_space<vmem>>)
        tpu.yield
      }) : () -> ()
    } else {
    }
    %eq3A_14 = arith.constant 1 : i32
    %eq3A_15 = arith.cmpi eq, %arg0, %eq3A_14 : i32
    %convert_element_type3A_16 = arith.extui %eq3A_15 : i1 to i32
    %cond3A_17 = arith.constant 0 : i32
    %cond3A_18 = arith.cmpi ne, %convert_element_type3A_16, %cond3A_17 : i32
    scf.if %cond3A_18 {
      %add3A_103 = arith.constant 0 : i32
      %add3A_104 = arith.addi %select_n3A, %add3A_103 : i32
      "tpu.region"() ({
        %run_scoped3A = tpu.sem_alloc : memref<!tpu.dma_semaphore, #tpu.memory_space<semaphore_mem>>
        %dma_start3A = arith.constant 0 : i32
        %dma_start3A_105 = tpu.memref_slice %arg7[%dma_start3A] : memref<8704xi32, #tpu.memory_space<vmem>> -> memref<1536xi32, #tpu.memory_space<vmem>>
        %dma_start3A_106 = tpu.memref_slice %arg3[%add3A_104] : memref<327680xi32, #tpu.memory_space<hbm>> -> memref<1536xi32, #tpu.memory_space<hbm>>
        %dma_start3A_107 = arith.constant 0 : i32
        %dma_start3A_108 = tpu.memref_slice %arg7[%dma_start3A_107] : memref<8704xi32, #tpu.memory_space<vmem>> -> memref<1536xi32, #tpu.memory_space<vmem>>
        %dma_start3A_109 = tpu.memref_slice %arg3[%add3A_104] : memref<327680xi32, #tpu.memory_space<hbm>> -> memref<1536xi32, #tpu.memory_space<hbm>>
        tpu.enqueue_dma source(%dma_start3A_109 : memref<1536xi32, #tpu.memory_space<hbm>>) target(%dma_start3A_108 : memref<1536xi32, #tpu.memory_space<vmem>>) target_semaphore(%run_scoped3A : memref<!tpu.dma_semaphore, #tpu.memory_space<semaphore_mem>>)
        %dma_wait3A = arith.constant 0 : i32
        %dma_wait3A_110 = tpu.memref_slice %arg7[%dma_wait3A] : memref<8704xi32, #tpu.memory_space<vmem>> -> memref<1536xi32, #tpu.memory_space<vmem>>
        %dma_wait3A_111 = tpu.memref_slice %arg3[%add3A_104] : memref<327680xi32, #tpu.memory_space<hbm>> -> memref<1536xi32, #tpu.memory_space<hbm>>
        %dma_wait3A_112 = arith.constant 0 : i32
        %dma_wait3A_113 = tpu.memref_slice %arg7[%dma_wait3A_112] : memref<8704xi32, #tpu.memory_space<vmem>> -> memref<1536xi32, #tpu.memory_space<vmem>>
        %dma_wait3A_114 = tpu.memref_slice %arg3[%add3A_104] : memref<327680xi32, #tpu.memory_space<hbm>> -> memref<1536xi32, #tpu.memory_space<hbm>>
        tpu.wait_dma2 semaphore(%run_scoped3A : memref<!tpu.dma_semaphore, #tpu.memory_space<semaphore_mem>>) src(%dma_wait3A_114 : memref<1536xi32, #tpu.memory_space<hbm>>) dst(%dma_wait3A_113 : memref<1536xi32, #tpu.memory_space<vmem>>)
        tpu.yield
      }) : () -> ()
    } else {
    }
    %barrier3A = arith.constant 0 : index
    tpu.barrier barrier_id(%barrier3A)
    %mul3A_19 = arith.constant 0 : i32
    %mul3A_20 = arith.muli %mul3A_19, %select_n3A_8 : i32
    %mul3A_21 = arith.constant 128 : i32
    %mul3A_22 = arith.muli %mul3A_20, %mul3A_21 : i32
    %jit3A_23 = arith.constant 2 : i32
    %div3A = arith.divsi %select_n3A_8, %jit3A_23 : i32
    %sign3A = arith.constant 0 : i32
    %sign3A_24 = arith.cmpi sgt, %select_n3A_8, %sign3A : i32
    %sign3A_25 = arith.extui %sign3A_24 : i1 to i32
    %sign3A_26 = arith.constant 0 : i32
    %sign3A_27 = arith.cmpi slt, %select_n3A_8, %sign3A_26 : i32
    %sign3A_28 = arith.extui %sign3A_27 : i1 to i32
    %sign3A_29 = arith.subi %sign3A_25, %sign3A_28 : i32
    %sign3A_30 = arith.constant 0 : i32
    %sign3A_31 = arith.cmpi sgt, %jit3A_23, %sign3A_30 : i32
    %sign3A_32 = arith.extui %sign3A_31 : i1 to i32
    %sign3A_33 = arith.constant 0 : i32
    %sign3A_34 = arith.cmpi slt, %jit3A_23, %sign3A_33 : i32
    %sign3A_35 = arith.extui %sign3A_34 : i1 to i32
    %sign3A_36 = arith.subi %sign3A_32, %sign3A_35 : i32
    %ne3A = arith.cmpi ne, %sign3A_29, %sign3A_36 : i32
    %rem3A = arith.remsi %select_n3A_8, %jit3A_23 : i32
    %ne3A_37 = arith.constant 0 : i32
    %ne3A_38 = arith.cmpi ne, %rem3A, %ne3A_37 : i32
    %and3A = arith.andi %ne3A, %ne3A_38 : i1
    %sub3A = arith.constant 1 : i32
    %sub3A_39 = arith.subi %div3A, %sub3A : i32
    %select_n3A_40 = arith.select %and3A, %sub3A_39, %div3A : i32
    %while3A = arith.constant 0 : i32
    %while3A_41 = arith.constant 0 : i32
    %while3A_42 = arith.subi %select_n3A_40, %while3A_41 : i32
    %while3A_43 = arith.addi %while3A_41, %while3A_42 : i32
    %while3A_44 = arith.constant 1 : i32
    %while3A_45 = arith.divsi %while3A_42, %while3A_44 : i32
    %while3A_46 = arith.muli %while3A_45, %while3A_44 : i32
    %while3A_47 = arith.addi %while3A_41, %while3A_46 : i32
    %while3A_48 = arith.constant 1 : i32
    scf.for %while3A_103 = %while3A_41 to %while3A_47 step %while3A_48  : i32 {
      %mul3A_104 = arith.constant 2 : i32
      %mul3A_105 = arith.muli %while3A_103, %mul3A_104 : i32
      %add3A_106 = arith.constant 0 : i32
      %add3A_107 = arith.addi %mul3A_105, %add3A_106 : i32
      %mul3A_108 = arith.constant 128 : i32
      %mul3A_109 = arith.muli %add3A_107, %mul3A_108 : i32
      %dma_start3A = tpu.memref_slice %arg7[%mul3A_109] : memref<8704xi32, #tpu.memory_space<vmem>> -> memref<128xi32, #tpu.memory_space<vmem>>
      %dma_start3A_110 = arith.constant 0 : i32
      %dma_start3A_111 = arith.constant 0 : i32
      %dma_start3A_112 = tpu.memref_slice %arg2[%dma_start3A_110, %dma_start3A_111] : memref<10000x128xf32, #tpu.memory_space<hbm>> -> memref<10000x128xf32, #tpu.memory_space<hbm>>
      tpu.enqueue_indirect_dma source(%dma_start3A_112 : memref<10000x128xf32, #tpu.memory_space<hbm>>) target(%arg10 : memref<128x128xf32, #tpu.memory_space<vmem>>) offsets(%dma_start3A : memref<128xi32, #tpu.memory_space<vmem>>) semaphore(%arg14 : memref<!tpu.dma_semaphore, #tpu.memory_space<semaphore_mem>>)
      %add3A_113 = arith.constant 1 : i32
      %add3A_114 = arith.addi %mul3A_105, %add3A_113 : i32
      %mul3A_115 = arith.constant 128 : i32
      %mul3A_116 = arith.muli %add3A_114, %mul3A_115 : i32
      %dma_start3A_117 = tpu.memref_slice %arg7[%mul3A_116] : memref<8704xi32, #tpu.memory_space<vmem>> -> memref<128xi32, #tpu.memory_space<vmem>>
      %dma_start3A_118 = arith.constant 0 : i32
      %dma_start3A_119 = arith.constant 0 : i32
      %dma_start3A_120 = tpu.memref_slice %arg2[%dma_start3A_118, %dma_start3A_119] : memref<10000x128xf32, #tpu.memory_space<hbm>> -> memref<10000x128xf32, #tpu.memory_space<hbm>>
      tpu.enqueue_indirect_dma source(%dma_start3A_120 : memref<10000x128xf32, #tpu.memory_space<hbm>>) target(%arg11 : memref<128x128xf32, #tpu.memory_space<vmem>>) offsets(%dma_start3A_117 : memref<128xi32, #tpu.memory_space<vmem>>) semaphore(%arg15 : memref<!tpu.dma_semaphore, #tpu.memory_space<semaphore_mem>>)
      %add3A_121 = arith.constant 0 : i32
      %add3A_122 = arith.addi %mul3A_105, %add3A_121 : i32
      %add3A_123 = arith.addi %select_n3A, %mul3A_22 : i32
      %mul3A_124 = arith.constant 128 : i32
      %mul3A_125 = arith.muli %add3A_122, %mul3A_124 : i32
      %add3A_126 = arith.addi %add3A_123, %mul3A_125 : i32
      %dma_start3A_127 = tpu.memref_slice %arg4[%add3A_126] : memref<327680xi32, #tpu.memory_space<hbm>> -> memref<128xi32, #tpu.memory_space<hbm>>
      %dma_start3A_128 = tpu.memref_slice %arg4[%add3A_126] : memref<327680xi32, #tpu.memory_space<hbm>> -> memref<128xi32, #tpu.memory_space<hbm>>
      tpu.enqueue_dma source(%dma_start3A_128 : memref<128xi32, #tpu.memory_space<hbm>>) target(%arg8 : memref<128xi32, #tpu.memory_space<vmem>>) target_semaphore(%arg12 : memref<!tpu.dma_semaphore, #tpu.memory_space<semaphore_mem>>)
      %add3A_129 = arith.constant 1 : i32
      %add3A_130 = arith.addi %mul3A_105, %add3A_129 : i32
      %add3A_131 = arith.addi %select_n3A, %mul3A_22 : i32
      %mul3A_132 = arith.constant 128 : i32
      %mul3A_133 = arith.muli %add3A_130, %mul3A_132 : i32
      %add3A_134 = arith.addi %add3A_131, %mul3A_133 : i32
      %dma_start3A_135 = tpu.memref_slice %arg4[%add3A_134] : memref<327680xi32, #tpu.memory_space<hbm>> -> memref<128xi32, #tpu.memory_space<hbm>>
      %dma_start3A_136 = tpu.memref_slice %arg4[%add3A_134] : memref<327680xi32, #tpu.memory_space<hbm>> -> memref<128xi32, #tpu.memory_space<hbm>>
      tpu.enqueue_dma source(%dma_start3A_136 : memref<128xi32, #tpu.memory_space<hbm>>) target(%arg9 : memref<128xi32, #tpu.memory_space<vmem>>) target_semaphore(%arg13 : memref<!tpu.dma_semaphore, #tpu.memory_space<semaphore_mem>>)
      %dma_wait3A = tpu.memref_slice %arg7[%mul3A_109] : memref<8704xi32, #tpu.memory_space<vmem>> -> memref<128xi32, #tpu.memory_space<vmem>>
      %dma_wait3A_137 = arith.constant 0 : i32
      %dma_wait3A_138 = arith.constant 0 : i32
      %dma_wait3A_139 = tpu.memref_slice %arg2[%dma_wait3A_137, %dma_wait3A_138] : memref<10000x128xf32, #tpu.memory_space<hbm>> -> memref<10000x128xf32, #tpu.memory_space<hbm>>
      tpu.wait_indirect_dma semaphore(%arg14 : memref<!tpu.dma_semaphore, #tpu.memory_space<semaphore_mem>>) src(%dma_wait3A_139 : memref<10000x128xf32, #tpu.memory_space<hbm>>) dst(%arg10 : memref<128x128xf32, #tpu.memory_space<vmem>>)
      %dma_wait3A_140 = tpu.memref_slice %arg4[%add3A_126] : memref<327680xi32, #tpu.memory_space<hbm>> -> memref<128xi32, #tpu.memory_space<hbm>>
      %dma_wait3A_141 = tpu.memref_slice %arg4[%add3A_126] : memref<327680xi32, #tpu.memory_space<hbm>> -> memref<128xi32, #tpu.memory_space<hbm>>
      tpu.wait_dma2 semaphore(%arg12 : memref<!tpu.dma_semaphore, #tpu.memory_space<semaphore_mem>>) src(%dma_wait3A_141 : memref<128xi32, #tpu.memory_space<hbm>>) dst(%arg8 : memref<128xi32, #tpu.memory_space<vmem>>)
      "tpu.region"() ({
        %run_scoped3A = tpu.sem_alloc : memref<!tpu.dma_semaphore, #tpu.memory_space<semaphore_mem>>
        %dma_start3A_148 = arith.constant 0 : i32
        %dma_start3A_149 = arith.constant 0 : i32
        %dma_start3A_150 = tpu.memref_slice %arg16[%dma_start3A_148, %dma_start3A_149] : memref<10112x128xf32, #tpu.memory_space<vmem_shared>> -> memref<10112x128xf32, #tpu.memory_space<vmem_shared>>
        tpu.enqueue_indirect_dma source(%arg10 : memref<128x128xf32, #tpu.memory_space<vmem>>) target(%dma_start3A_150 : memref<10112x128xf32, #tpu.memory_space<vmem_shared>>) offsets(%arg8 : memref<128xi32, #tpu.memory_space<vmem>>) semaphore(%run_scoped3A : memref<!tpu.dma_semaphore, #tpu.memory_space<semaphore_mem>>) {add = true}
        %dma_wait3A_151 = arith.constant 0 : i32
        %dma_wait3A_152 = arith.constant 0 : i32
        %dma_wait3A_153 = tpu.memref_slice %arg16[%dma_wait3A_151, %dma_wait3A_152] : memref<10112x128xf32, #tpu.memory_space<vmem_shared>> -> memref<10112x128xf32, #tpu.memory_space<vmem_shared>>
        tpu.wait_indirect_dma semaphore(%run_scoped3A : memref<!tpu.dma_semaphore, #tpu.memory_space<semaphore_mem>>) src(%arg10 : memref<128x128xf32, #tpu.memory_space<vmem>>) dst(%dma_wait3A_153 : memref<10112x128xf32, #tpu.memory_space<vmem_shared>>)
        tpu.yield
      }) : () -> ()
      %dma_wait3A_142 = tpu.memref_slice %arg7[%mul3A_116] : memref<8704xi32, #tpu.memory_space<vmem>> -> memref<128xi32, #tpu.memory_space<vmem>>
      %dma_wait3A_143 = arith.constant 0 : i32
      %dma_wait3A_144 = arith.constant 0 : i32
      %dma_wait3A_145 = tpu.memref_slice %arg2[%dma_wait3A_143, %dma_wait3A_144] : memref<10000x128xf32, #tpu.memory_space<hbm>> -> memref<10000x128xf32, #tpu.memory_space<hbm>>
      tpu.wait_indirect_dma semaphore(%arg15 : memref<!tpu.dma_semaphore, #tpu.memory_space<semaphore_mem>>) src(%dma_wait3A_145 : memref<10000x128xf32, #tpu.memory_space<hbm>>) dst(%arg11 : memref<128x128xf32, #tpu.memory_space<vmem>>)
      %dma_wait3A_146 = tpu.memref_slice %arg4[%add3A_134] : memref<327680xi32, #tpu.memory_space<hbm>> -> memref<128xi32, #tpu.memory_space<hbm>>
      %dma_wait3A_147 = tpu.memref_slice %arg4[%add3A_134] : memref<327680xi32, #tpu.memory_space<hbm>> -> memref<128xi32, #tpu.memory_space<hbm>>
      tpu.wait_dma2 semaphore(%arg13 : memref<!tpu.dma_semaphore, #tpu.memory_space<semaphore_mem>>) src(%dma_wait3A_147 : memref<128xi32, #tpu.memory_space<hbm>>) dst(%arg9 : memref<128xi32, #tpu.memory_space<vmem>>)
      "tpu.region"() ({
        %run_scoped3A = tpu.sem_alloc : memref<!tpu.dma_semaphore, #tpu.memory_space<semaphore_mem>>
        %dma_start3A_148 = arith.constant 0 : i32
        %dma_start3A_149 = arith.constant 0 : i32
        %dma_start3A_150 = tpu.memref_slice %arg16[%dma_start3A_148, %dma_start3A_149] : memref<10112x128xf32, #tpu.memory_space<vmem_shared>> -> memref<10112x128xf32, #tpu.memory_space<vmem_shared>>
        tpu.enqueue_indirect_dma source(%arg11 : memref<128x128xf32, #tpu.memory_space<vmem>>) target(%dma_start3A_150 : memref<10112x128xf32, #tpu.memory_space<vmem_shared>>) offsets(%arg9 : memref<128xi32, #tpu.memory_space<vmem>>) semaphore(%run_scoped3A : memref<!tpu.dma_semaphore, #tpu.memory_space<semaphore_mem>>) {add = true}
        %dma_wait3A_151 = arith.constant 0 : i32
        %dma_wait3A_152 = arith.constant 0 : i32
        %dma_wait3A_153 = tpu.memref_slice %arg16[%dma_wait3A_151, %dma_wait3A_152] : memref<10112x128xf32, #tpu.memory_space<vmem_shared>> -> memref<10112x128xf32, #tpu.memory_space<vmem_shared>>
        tpu.wait_indirect_dma semaphore(%run_scoped3A : memref<!tpu.dma_semaphore, #tpu.memory_space<semaphore_mem>>) src(%arg11 : memref<128x128xf32, #tpu.memory_space<vmem>>) dst(%dma_wait3A_153 : memref<10112x128xf32, #tpu.memory_space<vmem_shared>>)
        tpu.yield
      }) : () -> ()
    }
    %while3A_49 = arith.constant 1 : i32
    scf.for %while3A_103 = %while3A_47 to %while3A_43 step %while3A_49  : i32 {
      %mul3A_104 = arith.constant 2 : i32
      %mul3A_105 = arith.muli %while3A_103, %mul3A_104 : i32
      %add3A_106 = arith.constant 0 : i32
      %add3A_107 = arith.addi %mul3A_105, %add3A_106 : i32
      %mul3A_108 = arith.constant 128 : i32
      %mul3A_109 = arith.muli %add3A_107, %mul3A_108 : i32
      %dma_start3A = tpu.memref_slice %arg7[%mul3A_109] : memref<8704xi32, #tpu.memory_space<vmem>> -> memref<128xi32, #tpu.memory_space<vmem>>
      %dma_start3A_110 = arith.constant 0 : i32
      %dma_start3A_111 = arith.constant 0 : i32
      %dma_start3A_112 = tpu.memref_slice %arg2[%dma_start3A_110, %dma_start3A_111] : memref<10000x128xf32, #tpu.memory_space<hbm>> -> memref<10000x128xf32, #tpu.memory_space<hbm>>
      tpu.enqueue_indirect_dma source(%dma_start3A_112 : memref<10000x128xf32, #tpu.memory_space<hbm>>) target(%arg10 : memref<128x128xf32, #tpu.memory_space<vmem>>) offsets(%dma_start3A : memref<128xi32, #tpu.memory_space<vmem>>) semaphore(%arg14 : memref<!tpu.dma_semaphore, #tpu.memory_space<semaphore_mem>>)
      %add3A_113 = arith.constant 1 : i32
      %add3A_114 = arith.addi %mul3A_105, %add3A_113 : i32
      %mul3A_115 = arith.constant 128 : i32
      %mul3A_116 = arith.muli %add3A_114, %mul3A_115 : i32
      %dma_start3A_117 = tpu.memref_slice %arg7[%mul3A_116] : memref<8704xi32, #tpu.memory_space<vmem>> -> memref<128xi32, #tpu.memory_space<vmem>>
      %dma_start3A_118 = arith.constant 0 : i32
      %dma_start3A_119 = arith.constant 0 : i32
      %dma_start3A_120 = tpu.memref_slice %arg2[%dma_start3A_118, %dma_start3A_119] : memref<10000x128xf32, #tpu.memory_space<hbm>> -> memref<10000x128xf32, #tpu.memory_space<hbm>>
      tpu.enqueue_indirect_dma source(%dma_start3A_120 : memref<10000x128xf32, #tpu.memory_space<hbm>>) target(%arg11 : memref<128x128xf32, #tpu.memory_space<vmem>>) offsets(%dma_start3A_117 : memref<128xi32, #tpu.memory_space<vmem>>) semaphore(%arg15 : memref<!tpu.dma_semaphore, #tpu.memory_space<semaphore_mem>>)
      %add3A_121 = arith.constant 0 : i32
      %add3A_122 = arith.addi %mul3A_105, %add3A_121 : i32
      %add3A_123 = arith.addi %select_n3A, %mul3A_22 : i32
      %mul3A_124 = arith.constant 128 : i32
      %mul3A_125 = arith.muli %add3A_122, %mul3A_124 : i32
      %add3A_126 = arith.addi %add3A_123, %mul3A_125 : i32
      %dma_start3A_127 = tpu.memref_slice %arg4[%add3A_126] : memref<327680xi32, #tpu.memory_space<hbm>> -> memref<128xi32, #tpu.memory_space<hbm>>
      %dma_start3A_128 = tpu.memref_slice %arg4[%add3A_126] : memref<327680xi32, #tpu.memory_space<hbm>> -> memref<128xi32, #tpu.memory_space<hbm>>
      tpu.enqueue_dma source(%dma_start3A_128 : memref<128xi32, #tpu.memory_space<hbm>>) target(%arg8 : memref<128xi32, #tpu.memory_space<vmem>>) target_semaphore(%arg12 : memref<!tpu.dma_semaphore, #tpu.memory_space<semaphore_mem>>)
      %add3A_129 = arith.constant 1 : i32
      %add3A_130 = arith.addi %mul3A_105, %add3A_129 : i32
      %add3A_131 = arith.addi %select_n3A, %mul3A_22 : i32
      %mul3A_132 = arith.constant 128 : i32
      %mul3A_133 = arith.muli %add3A_130, %mul3A_132 : i32
      %add3A_134 = arith.addi %add3A_131, %mul3A_133 : i32
      %dma_start3A_135 = tpu.memref_slice %arg4[%add3A_134] : memref<327680xi32, #tpu.memory_space<hbm>> -> memref<128xi32, #tpu.memory_space<hbm>>
      %dma_start3A_136 = tpu.memref_slice %arg4[%add3A_134] : memref<327680xi32, #tpu.memory_space<hbm>> -> memref<128xi32, #tpu.memory_space<hbm>>
      tpu.enqueue_dma source(%dma_start3A_136 : memref<128xi32, #tpu.memory_space<hbm>>) target(%arg9 : memref<128xi32, #tpu.memory_space<vmem>>) target_semaphore(%arg13 : memref<!tpu.dma_semaphore, #tpu.memory_space<semaphore_mem>>)
      %dma_wait3A = tpu.memref_slice %arg7[%mul3A_109] : memref<8704xi32, #tpu.memory_space<vmem>> -> memref<128xi32, #tpu.memory_space<vmem>>
      %dma_wait3A_137 = arith.constant 0 : i32
      %dma_wait3A_138 = arith.constant 0 : i32
      %dma_wait3A_139 = tpu.memref_slice %arg2[%dma_wait3A_137, %dma_wait3A_138] : memref<10000x128xf32, #tpu.memory_space<hbm>> -> memref<10000x128xf32, #tpu.memory_space<hbm>>
      tpu.wait_indirect_dma semaphore(%arg14 : memref<!tpu.dma_semaphore, #tpu.memory_space<semaphore_mem>>) src(%dma_wait3A_139 : memref<10000x128xf32, #tpu.memory_space<hbm>>) dst(%arg10 : memref<128x128xf32, #tpu.memory_space<vmem>>)
      %dma_wait3A_140 = tpu.memref_slice %arg4[%add3A_126] : memref<327680xi32, #tpu.memory_space<hbm>> -> memref<128xi32, #tpu.memory_space<hbm>>
      %dma_wait3A_141 = tpu.memref_slice %arg4[%add3A_126] : memref<327680xi32, #tpu.memory_space<hbm>> -> memref<128xi32, #tpu.memory_space<hbm>>
      tpu.wait_dma2 semaphore(%arg12 : memref<!tpu.dma_semaphore, #tpu.memory_space<semaphore_mem>>) src(%dma_wait3A_141 : memref<128xi32, #tpu.memory_space<hbm>>) dst(%arg8 : memref<128xi32, #tpu.memory_space<vmem>>)
      "tpu.region"() ({
        %run_scoped3A = tpu.sem_alloc : memref<!tpu.dma_semaphore, #tpu.memory_space<semaphore_mem>>
        %dma_start3A_148 = arith.constant 0 : i32
        %dma_start3A_149 = arith.constant 0 : i32
        %dma_start3A_150 = tpu.memref_slice %arg16[%dma_start3A_148, %dma_start3A_149] : memref<10112x128xf32, #tpu.memory_space<vmem_shared>> -> memref<10112x128xf32, #tpu.memory_space<vmem_shared>>
        tpu.enqueue_indirect_dma source(%arg10 : memref<128x128xf32, #tpu.memory_space<vmem>>) target(%dma_start3A_150 : memref<10112x128xf32, #tpu.memory_space<vmem_shared>>) offsets(%arg8 : memref<128xi32, #tpu.memory_space<vmem>>) semaphore(%run_scoped3A : memref<!tpu.dma_semaphore, #tpu.memory_space<semaphore_mem>>) {add = true}
        %dma_wait3A_151 = arith.constant 0 : i32
        %dma_wait3A_152 = arith.constant 0 : i32
        %dma_wait3A_153 = tpu.memref_slice %arg16[%dma_wait3A_151, %dma_wait3A_152] : memref<10112x128xf32, #tpu.memory_space<vmem_shared>> -> memref<10112x128xf32, #tpu.memory_space<vmem_shared>>
        tpu.wait_indirect_dma semaphore(%run_scoped3A : memref<!tpu.dma_semaphore, #tpu.memory_space<semaphore_mem>>) src(%arg10 : memref<128x128xf32, #tpu.memory_space<vmem>>) dst(%dma_wait3A_153 : memref<10112x128xf32, #tpu.memory_space<vmem_shared>>)
        tpu.yield
      }) : () -> ()
      %dma_wait3A_142 = tpu.memref_slice %arg7[%mul3A_116] : memref<8704xi32, #tpu.memory_space<vmem>> -> memref<128xi32, #tpu.memory_space<vmem>>
      %dma_wait3A_143 = arith.constant 0 : i32
      %dma_wait3A_144 = arith.constant 0 : i32
      %dma_wait3A_145 = tpu.memref_slice %arg2[%dma_wait3A_143, %dma_wait3A_144] : memref<10000x128xf32, #tpu.memory_space<hbm>> -> memref<10000x128xf32, #tpu.memory_space<hbm>>
      tpu.wait_indirect_dma semaphore(%arg15 : memref<!tpu.dma_semaphore, #tpu.memory_space<semaphore_mem>>) src(%dma_wait3A_145 : memref<10000x128xf32, #tpu.memory_space<hbm>>) dst(%arg11 : memref<128x128xf32, #tpu.memory_space<vmem>>)
      %dma_wait3A_146 = tpu.memref_slice %arg4[%add3A_134] : memref<327680xi32, #tpu.memory_space<hbm>> -> memref<128xi32, #tpu.memory_space<hbm>>
      %dma_wait3A_147 = tpu.memref_slice %arg4[%add3A_134] : memref<327680xi32, #tpu.memory_space<hbm>> -> memref<128xi32, #tpu.memory_space<hbm>>
      tpu.wait_dma2 semaphore(%arg13 : memref<!tpu.dma_semaphore, #tpu.memory_space<semaphore_mem>>) src(%dma_wait3A_147 : memref<128xi32, #tpu.memory_space<hbm>>) dst(%arg9 : memref<128xi32, #tpu.memory_space<vmem>>)
      "tpu.region"() ({
        %run_scoped3A = tpu.sem_alloc : memref<!tpu.dma_semaphore, #tpu.memory_space<semaphore_mem>>
        %dma_start3A_148 = arith.constant 0 : i32
        %dma_start3A_149 = arith.constant 0 : i32
        %dma_start3A_150 = tpu.memref_slice %arg16[%dma_start3A_148, %dma_start3A_149] : memref<10112x128xf32, #tpu.memory_space<vmem_shared>> -> memref<10112x128xf32, #tpu.memory_space<vmem_shared>>
        tpu.enqueue_indirect_dma source(%arg11 : memref<128x128xf32, #tpu.memory_space<vmem>>) target(%dma_start3A_150 : memref<10112x128xf32, #tpu.memory_space<vmem_shared>>) offsets(%arg9 : memref<128xi32, #tpu.memory_space<vmem>>) semaphore(%run_scoped3A : memref<!tpu.dma_semaphore, #tpu.memory_space<semaphore_mem>>) {add = true}
        %dma_wait3A_151 = arith.constant 0 : i32
        %dma_wait3A_152 = arith.constant 0 : i32
        %dma_wait3A_153 = tpu.memref_slice %arg16[%dma_wait3A_151, %dma_wait3A_152] : memref<10112x128xf32, #tpu.memory_space<vmem_shared>> -> memref<10112x128xf32, #tpu.memory_space<vmem_shared>>
        tpu.wait_indirect_dma semaphore(%run_scoped3A : memref<!tpu.dma_semaphore, #tpu.memory_space<semaphore_mem>>) src(%arg11 : memref<128x128xf32, #tpu.memory_space<vmem>>) dst(%dma_wait3A_153 : memref<10112x128xf32, #tpu.memory_space<vmem_shared>>)
        tpu.yield
      }) : () -> ()
    }
    %eq3A_50 = arith.constant 0 : i32
    %eq3A_51 = arith.cmpi eq, %arg0, %eq3A_50 : i32
    %convert_element_type3A_52 = arith.extui %eq3A_51 : i1 to i32
    %cond3A_53 = arith.constant 0 : i32
    %cond3A_54 = arith.cmpi ne, %convert_element_type3A_52, %cond3A_53 : i32
    scf.if %cond3A_54 {
      %add3A_103 = arith.constant 8704 : i32
      %add3A_104 = arith.addi %select_n3A, %add3A_103 : i32
      "tpu.region"() ({
        %run_scoped3A = tpu.sem_alloc : memref<!tpu.dma_semaphore, #tpu.memory_space<semaphore_mem>>
        %dma_start3A = arith.constant 0 : i32
        %dma_start3A_105 = tpu.memref_slice %arg7[%dma_start3A] : memref<8704xi32, #tpu.memory_space<vmem>> -> memref<8704xi32, #tpu.memory_space<vmem>>
        %dma_start3A_106 = tpu.memref_slice %arg3[%add3A_104] : memref<327680xi32, #tpu.memory_space<hbm>> -> memref<8704xi32, #tpu.memory_space<hbm>>
        %dma_start3A_107 = arith.constant 0 : i32
        %dma_start3A_108 = tpu.memref_slice %arg7[%dma_start3A_107] : memref<8704xi32, #tpu.memory_space<vmem>> -> memref<8704xi32, #tpu.memory_space<vmem>>
        %dma_start3A_109 = tpu.memref_slice %arg3[%add3A_104] : memref<327680xi32, #tpu.memory_space<hbm>> -> memref<8704xi32, #tpu.memory_space<hbm>>
        tpu.enqueue_dma source(%dma_start3A_109 : memref<8704xi32, #tpu.memory_space<hbm>>) target(%dma_start3A_108 : memref<8704xi32, #tpu.memory_space<vmem>>) target_semaphore(%run_scoped3A : memref<!tpu.dma_semaphore, #tpu.memory_space<semaphore_mem>>)
        %dma_wait3A = arith.constant 0 : i32
        %dma_wait3A_110 = tpu.memref_slice %arg7[%dma_wait3A] : memref<8704xi32, #tpu.memory_space<vmem>> -> memref<8704xi32, #tpu.memory_space<vmem>>
        %dma_wait3A_111 = tpu.memref_slice %arg3[%add3A_104] : memref<327680xi32, #tpu.memory_space<hbm>> -> memref<8704xi32, #tpu.memory_space<hbm>>
        %dma_wait3A_112 = arith.constant 0 : i32
        %dma_wait3A_113 = tpu.memref_slice %arg7[%dma_wait3A_112] : memref<8704xi32, #tpu.memory_space<vmem>> -> memref<8704xi32, #tpu.memory_space<vmem>>
        %dma_wait3A_114 = tpu.memref_slice %arg3[%add3A_104] : memref<327680xi32, #tpu.memory_space<hbm>> -> memref<8704xi32, #tpu.memory_space<hbm>>
        tpu.wait_dma2 semaphore(%run_scoped3A : memref<!tpu.dma_semaphore, #tpu.memory_space<semaphore_mem>>) src(%dma_wait3A_114 : memref<8704xi32, #tpu.memory_space<hbm>>) dst(%dma_wait3A_113 : memref<8704xi32, #tpu.memory_space<vmem>>)
        tpu.yield
      }) : () -> ()
    } else {
    }
    %eq3A_55 = arith.constant 1 : i32
    %eq3A_56 = arith.cmpi eq, %arg0, %eq3A_55 : i32
    %convert_element_type3A_57 = arith.extui %eq3A_56 : i1 to i32
    %cond3A_58 = arith.constant 0 : i32
    %cond3A_59 = arith.cmpi ne, %convert_element_type3A_57, %cond3A_58 : i32
    scf.if %cond3A_59 {
      %add3A_103 = arith.constant 1536 : i32
      %add3A_104 = arith.addi %select_n3A, %add3A_103 : i32
      "tpu.region"() ({
        %run_scoped3A = tpu.sem_alloc : memref<!tpu.dma_semaphore, #tpu.memory_space<semaphore_mem>>
        %dma_start3A = arith.constant 0 : i32
        %dma_start3A_105 = tpu.memref_slice %arg7[%dma_start3A] : memref<8704xi32, #tpu.memory_space<vmem>> -> memref<1536xi32, #tpu.memory_space<vmem>>
        %dma_start3A_106 = tpu.memref_slice %arg3[%add3A_104] : memref<327680xi32, #tpu.memory_space<hbm>> -> memref<1536xi32, #tpu.memory_space<hbm>>
        %dma_start3A_107 = arith.constant 0 : i32
        %dma_start3A_108 = tpu.memref_slice %arg7[%dma_start3A_107] : memref<8704xi32, #tpu.memory_space<vmem>> -> memref<1536xi32, #tpu.memory_space<vmem>>
        %dma_start3A_109 = tpu.memref_slice %arg3[%add3A_104] : memref<327680xi32, #tpu.memory_space<hbm>> -> memref<1536xi32, #tpu.memory_space<hbm>>
        tpu.enqueue_dma source(%dma_start3A_109 : memref<1536xi32, #tpu.memory_space<hbm>>) target(%dma_start3A_108 : memref<1536xi32, #tpu.memory_space<vmem>>) target_semaphore(%run_scoped3A : memref<!tpu.dma_semaphore, #tpu.memory_space<semaphore_mem>>)
        %dma_wait3A = arith.constant 0 : i32
        %dma_wait3A_110 = tpu.memref_slice %arg7[%dma_wait3A] : memref<8704xi32, #tpu.memory_space<vmem>> -> memref<1536xi32, #tpu.memory_space<vmem>>
        %dma_wait3A_111 = tpu.memref_slice %arg3[%add3A_104] : memref<327680xi32, #tpu.memory_space<hbm>> -> memref<1536xi32, #tpu.memory_space<hbm>>
        %dma_wait3A_112 = arith.constant 0 : i32
        %dma_wait3A_113 = tpu.memref_slice %arg7[%dma_wait3A_112] : memref<8704xi32, #tpu.memory_space<vmem>> -> memref<1536xi32, #tpu.memory_space<vmem>>
        %dma_wait3A_114 = tpu.memref_slice %arg3[%add3A_104] : memref<327680xi32, #tpu.memory_space<hbm>> -> memref<1536xi32, #tpu.memory_space<hbm>>
        tpu.wait_dma2 semaphore(%run_scoped3A : memref<!tpu.dma_semaphore, #tpu.memory_space<semaphore_mem>>) src(%dma_wait3A_114 : memref<1536xi32, #tpu.memory_space<hbm>>) dst(%dma_wait3A_113 : memref<1536xi32, #tpu.memory_space<vmem>>)
        tpu.yield
      }) : () -> ()
    } else {
    }
    %mul3A_60 = arith.constant 1 : i32
    %mul3A_61 = arith.muli %mul3A_60, %select_n3A_8 : i32
    %mul3A_62 = arith.constant 128 : i32
    %mul3A_63 = arith.muli %mul3A_61, %mul3A_62 : i32
    %jit3A_64 = arith.constant 2 : i32
    %div3A_65 = arith.divsi %select_n3A_8, %jit3A_64 : i32
    %sign3A_66 = arith.constant 0 : i32
    %sign3A_67 = arith.cmpi sgt, %select_n3A_8, %sign3A_66 : i32
    %sign3A_68 = arith.extui %sign3A_67 : i1 to i32
    %sign3A_69 = arith.constant 0 : i32
    %sign3A_70 = arith.cmpi slt, %select_n3A_8, %sign3A_69 : i32
    %sign3A_71 = arith.extui %sign3A_70 : i1 to i32
    %sign3A_72 = arith.subi %sign3A_68, %sign3A_71 : i32
    %sign3A_73 = arith.constant 0 : i32
    %sign3A_74 = arith.cmpi sgt, %jit3A_64, %sign3A_73 : i32
    %sign3A_75 = arith.extui %sign3A_74 : i1 to i32
    %sign3A_76 = arith.constant 0 : i32
    %sign3A_77 = arith.cmpi slt, %jit3A_64, %sign3A_76 : i32
    %sign3A_78 = arith.extui %sign3A_77 : i1 to i32
    %sign3A_79 = arith.subi %sign3A_75, %sign3A_78 : i32
    %ne3A_80 = arith.cmpi ne, %sign3A_72, %sign3A_79 : i32
    %rem3A_81 = arith.remsi %select_n3A_8, %jit3A_64 : i32
    %ne3A_82 = arith.constant 0 : i32
    %ne3A_83 = arith.cmpi ne, %rem3A_81, %ne3A_82 : i32
    %and3A_84 = arith.andi %ne3A_80, %ne3A_83 : i1
    %sub3A_85 = arith.constant 1 : i32
    %sub3A_86 = arith.subi %div3A_65, %sub3A_85 : i32
    %select_n3A_87 = arith.select %and3A_84, %sub3A_86, %div3A_65 : i32
    %while3A_88 = arith.constant 0 : i32
    %while3A_89 = arith.constant 0 : i32
    %while3A_90 = arith.subi %select_n3A_87, %while3A_89 : i32
    %while3A_91 = arith.addi %while3A_89, %while3A_90 : i32
    %while3A_92 = arith.constant 1 : i32
    %while3A_93 = arith.divsi %while3A_90, %while3A_92 : i32
    %while3A_94 = arith.muli %while3A_93, %while3A_92 : i32
    %while3A_95 = arith.addi %while3A_89, %while3A_94 : i32
    %while3A_96 = arith.constant 1 : i32
    scf.for %while3A_103 = %while3A_89 to %while3A_95 step %while3A_96  : i32 {
      %mul3A_104 = arith.constant 2 : i32
      %mul3A_105 = arith.muli %while3A_103, %mul3A_104 : i32
      %add3A_106 = arith.constant 0 : i32
      %add3A_107 = arith.addi %mul3A_105, %add3A_106 : i32
      %mul3A_108 = arith.constant 128 : i32
      %mul3A_109 = arith.muli %add3A_107, %mul3A_108 : i32
      %dma_start3A = tpu.memref_slice %arg7[%mul3A_109] : memref<8704xi32, #tpu.memory_space<vmem>> -> memref<128xi32, #tpu.memory_space<vmem>>
      %dma_start3A_110 = arith.constant 0 : i32
      %dma_start3A_111 = arith.constant 0 : i32
      %dma_start3A_112 = tpu.memref_slice %arg2[%dma_start3A_110, %dma_start3A_111] : memref<10000x128xf32, #tpu.memory_space<hbm>> -> memref<10000x128xf32, #tpu.memory_space<hbm>>
      tpu.enqueue_indirect_dma source(%dma_start3A_112 : memref<10000x128xf32, #tpu.memory_space<hbm>>) target(%arg10 : memref<128x128xf32, #tpu.memory_space<vmem>>) offsets(%dma_start3A : memref<128xi32, #tpu.memory_space<vmem>>) semaphore(%arg14 : memref<!tpu.dma_semaphore, #tpu.memory_space<semaphore_mem>>)
      %add3A_113 = arith.constant 1 : i32
      %add3A_114 = arith.addi %mul3A_105, %add3A_113 : i32
      %mul3A_115 = arith.constant 128 : i32
      %mul3A_116 = arith.muli %add3A_114, %mul3A_115 : i32
      %dma_start3A_117 = tpu.memref_slice %arg7[%mul3A_116] : memref<8704xi32, #tpu.memory_space<vmem>> -> memref<128xi32, #tpu.memory_space<vmem>>
      %dma_start3A_118 = arith.constant 0 : i32
      %dma_start3A_119 = arith.constant 0 : i32
      %dma_start3A_120 = tpu.memref_slice %arg2[%dma_start3A_118, %dma_start3A_119] : memref<10000x128xf32, #tpu.memory_space<hbm>> -> memref<10000x128xf32, #tpu.memory_space<hbm>>
      tpu.enqueue_indirect_dma source(%dma_start3A_120 : memref<10000x128xf32, #tpu.memory_space<hbm>>) target(%arg11 : memref<128x128xf32, #tpu.memory_space<vmem>>) offsets(%dma_start3A_117 : memref<128xi32, #tpu.memory_space<vmem>>) semaphore(%arg15 : memref<!tpu.dma_semaphore, #tpu.memory_space<semaphore_mem>>)
      %add3A_121 = arith.constant 0 : i32
      %add3A_122 = arith.addi %mul3A_105, %add3A_121 : i32
      %add3A_123 = arith.addi %select_n3A, %mul3A_63 : i32
      %mul3A_124 = arith.constant 128 : i32
      %mul3A_125 = arith.muli %add3A_122, %mul3A_124 : i32
      %add3A_126 = arith.addi %add3A_123, %mul3A_125 : i32
      %dma_start3A_127 = tpu.memref_slice %arg4[%add3A_126] : memref<327680xi32, #tpu.memory_space<hbm>> -> memref<128xi32, #tpu.memory_space<hbm>>
      %dma_start3A_128 = tpu.memref_slice %arg4[%add3A_126] : memref<327680xi32, #tpu.memory_space<hbm>> -> memref<128xi32, #tpu.memory_space<hbm>>
      tpu.enqueue_dma source(%dma_start3A_128 : memref<128xi32, #tpu.memory_space<hbm>>) target(%arg8 : memref<128xi32, #tpu.memory_space<vmem>>) target_semaphore(%arg12 : memref<!tpu.dma_semaphore, #tpu.memory_space<semaphore_mem>>)
      %add3A_129 = arith.constant 1 : i32
      %add3A_130 = arith.addi %mul3A_105, %add3A_129 : i32
      %add3A_131 = arith.addi %select_n3A, %mul3A_63 : i32
      %mul3A_132 = arith.constant 128 : i32
      %mul3A_133 = arith.muli %add3A_130, %mul3A_132 : i32
      %add3A_134 = arith.addi %add3A_131, %mul3A_133 : i32
      %dma_start3A_135 = tpu.memref_slice %arg4[%add3A_134] : memref<327680xi32, #tpu.memory_space<hbm>> -> memref<128xi32, #tpu.memory_space<hbm>>
      %dma_start3A_136 = tpu.memref_slice %arg4[%add3A_134] : memref<327680xi32, #tpu.memory_space<hbm>> -> memref<128xi32, #tpu.memory_space<hbm>>
      tpu.enqueue_dma source(%dma_start3A_136 : memref<128xi32, #tpu.memory_space<hbm>>) target(%arg9 : memref<128xi32, #tpu.memory_space<vmem>>) target_semaphore(%arg13 : memref<!tpu.dma_semaphore, #tpu.memory_space<semaphore_mem>>)
      %dma_wait3A = tpu.memref_slice %arg7[%mul3A_109] : memref<8704xi32, #tpu.memory_space<vmem>> -> memref<128xi32, #tpu.memory_space<vmem>>
      %dma_wait3A_137 = arith.constant 0 : i32
      %dma_wait3A_138 = arith.constant 0 : i32
      %dma_wait3A_139 = tpu.memref_slice %arg2[%dma_wait3A_137, %dma_wait3A_138] : memref<10000x128xf32, #tpu.memory_space<hbm>> -> memref<10000x128xf32, #tpu.memory_space<hbm>>
      tpu.wait_indirect_dma semaphore(%arg14 : memref<!tpu.dma_semaphore, #tpu.memory_space<semaphore_mem>>) src(%dma_wait3A_139 : memref<10000x128xf32, #tpu.memory_space<hbm>>) dst(%arg10 : memref<128x128xf32, #tpu.memory_space<vmem>>)
      %dma_wait3A_140 = tpu.memref_slice %arg4[%add3A_126] : memref<327680xi32, #tpu.memory_space<hbm>> -> memref<128xi32, #tpu.memory_space<hbm>>
      %dma_wait3A_141 = tpu.memref_slice %arg4[%add3A_126] : memref<327680xi32, #tpu.memory_space<hbm>> -> memref<128xi32, #tpu.memory_space<hbm>>
      tpu.wait_dma2 semaphore(%arg12 : memref<!tpu.dma_semaphore, #tpu.memory_space<semaphore_mem>>) src(%dma_wait3A_141 : memref<128xi32, #tpu.memory_space<hbm>>) dst(%arg8 : memref<128xi32, #tpu.memory_space<vmem>>)
      "tpu.region"() ({
        %run_scoped3A = tpu.sem_alloc : memref<!tpu.dma_semaphore, #tpu.memory_space<semaphore_mem>>
        %dma_start3A_148 = arith.constant 0 : i32
        %dma_start3A_149 = arith.constant 0 : i32
        %dma_start3A_150 = tpu.memref_slice %arg16[%dma_start3A_148, %dma_start3A_149] : memref<10112x128xf32, #tpu.memory_space<vmem_shared>> -> memref<10112x128xf32, #tpu.memory_space<vmem_shared>>
        tpu.enqueue_indirect_dma source(%arg10 : memref<128x128xf32, #tpu.memory_space<vmem>>) target(%dma_start3A_150 : memref<10112x128xf32, #tpu.memory_space<vmem_shared>>) offsets(%arg8 : memref<128xi32, #tpu.memory_space<vmem>>) semaphore(%run_scoped3A : memref<!tpu.dma_semaphore, #tpu.memory_space<semaphore_mem>>) {add = true}
        %dma_wait3A_151 = arith.constant 0 : i32
        %dma_wait3A_152 = arith.constant 0 : i32
        %dma_wait3A_153 = tpu.memref_slice %arg16[%dma_wait3A_151, %dma_wait3A_152] : memref<10112x128xf32, #tpu.memory_space<vmem_shared>> -> memref<10112x128xf32, #tpu.memory_space<vmem_shared>>
        tpu.wait_indirect_dma semaphore(%run_scoped3A : memref<!tpu.dma_semaphore, #tpu.memory_space<semaphore_mem>>) src(%arg10 : memref<128x128xf32, #tpu.memory_space<vmem>>) dst(%dma_wait3A_153 : memref<10112x128xf32, #tpu.memory_space<vmem_shared>>)
        tpu.yield
      }) : () -> ()
      %dma_wait3A_142 = tpu.memref_slice %arg7[%mul3A_116] : memref<8704xi32, #tpu.memory_space<vmem>> -> memref<128xi32, #tpu.memory_space<vmem>>
      %dma_wait3A_143 = arith.constant 0 : i32
      %dma_wait3A_144 = arith.constant 0 : i32
      %dma_wait3A_145 = tpu.memref_slice %arg2[%dma_wait3A_143, %dma_wait3A_144] : memref<10000x128xf32, #tpu.memory_space<hbm>> -> memref<10000x128xf32, #tpu.memory_space<hbm>>
      tpu.wait_indirect_dma semaphore(%arg15 : memref<!tpu.dma_semaphore, #tpu.memory_space<semaphore_mem>>) src(%dma_wait3A_145 : memref<10000x128xf32, #tpu.memory_space<hbm>>) dst(%arg11 : memref<128x128xf32, #tpu.memory_space<vmem>>)
      %dma_wait3A_146 = tpu.memref_slice %arg4[%add3A_134] : memref<327680xi32, #tpu.memory_space<hbm>> -> memref<128xi32, #tpu.memory_space<hbm>>
      %dma_wait3A_147 = tpu.memref_slice %arg4[%add3A_134] : memref<327680xi32, #tpu.memory_space<hbm>> -> memref<128xi32, #tpu.memory_space<hbm>>
      tpu.wait_dma2 semaphore(%arg13 : memref<!tpu.dma_semaphore, #tpu.memory_space<semaphore_mem>>) src(%dma_wait3A_147 : memref<128xi32, #tpu.memory_space<hbm>>) dst(%arg9 : memref<128xi32, #tpu.memory_space<vmem>>)
      "tpu.region"() ({
        %run_scoped3A = tpu.sem_alloc : memref<!tpu.dma_semaphore, #tpu.memory_space<semaphore_mem>>
        %dma_start3A_148 = arith.constant 0 : i32
        %dma_start3A_149 = arith.constant 0 : i32
        %dma_start3A_150 = tpu.memref_slice %arg16[%dma_start3A_148, %dma_start3A_149] : memref<10112x128xf32, #tpu.memory_space<vmem_shared>> -> memref<10112x128xf32, #tpu.memory_space<vmem_shared>>
        tpu.enqueue_indirect_dma source(%arg11 : memref<128x128xf32, #tpu.memory_space<vmem>>) target(%dma_start3A_150 : memref<10112x128xf32, #tpu.memory_space<vmem_shared>>) offsets(%arg9 : memref<128xi32, #tpu.memory_space<vmem>>) semaphore(%run_scoped3A : memref<!tpu.dma_semaphore, #tpu.memory_space<semaphore_mem>>) {add = true}
        %dma_wait3A_151 = arith.constant 0 : i32
        %dma_wait3A_152 = arith.constant 0 : i32
        %dma_wait3A_153 = tpu.memref_slice %arg16[%dma_wait3A_151, %dma_wait3A_152] : memref<10112x128xf32, #tpu.memory_space<vmem_shared>> -> memref<10112x128xf32, #tpu.memory_space<vmem_shared>>
        tpu.wait_indirect_dma semaphore(%run_scoped3A : memref<!tpu.dma_semaphore, #tpu.memory_space<semaphore_mem>>) src(%arg11 : memref<128x128xf32, #tpu.memory_space<vmem>>) dst(%dma_wait3A_153 : memref<10112x128xf32, #tpu.memory_space<vmem_shared>>)
        tpu.yield
      }) : () -> ()
    }
    %while3A_97 = arith.constant 1 : i32
    scf.for %while3A_103 = %while3A_95 to %while3A_91 step %while3A_97  : i32 {
      %mul3A_104 = arith.constant 2 : i32
      %mul3A_105 = arith.muli %while3A_103, %mul3A_104 : i32
      %add3A_106 = arith.constant 0 : i32
      %add3A_107 = arith.addi %mul3A_105, %add3A_106 : i32
      %mul3A_108 = arith.constant 128 : i32
      %mul3A_109 = arith.muli %add3A_107, %mul3A_108 : i32
      %dma_start3A = tpu.memref_slice %arg7[%mul3A_109] : memref<8704xi32, #tpu.memory_space<vmem>> -> memref<128xi32, #tpu.memory_space<vmem>>
      %dma_start3A_110 = arith.constant 0 : i32
      %dma_start3A_111 = arith.constant 0 : i32
      %dma_start3A_112 = tpu.memref_slice %arg2[%dma_start3A_110, %dma_start3A_111] : memref<10000x128xf32, #tpu.memory_space<hbm>> -> memref<10000x128xf32, #tpu.memory_space<hbm>>
      tpu.enqueue_indirect_dma source(%dma_start3A_112 : memref<10000x128xf32, #tpu.memory_space<hbm>>) target(%arg10 : memref<128x128xf32, #tpu.memory_space<vmem>>) offsets(%dma_start3A : memref<128xi32, #tpu.memory_space<vmem>>) semaphore(%arg14 : memref<!tpu.dma_semaphore, #tpu.memory_space<semaphore_mem>>)
      %add3A_113 = arith.constant 1 : i32
      %add3A_114 = arith.addi %mul3A_105, %add3A_113 : i32
      %mul3A_115 = arith.constant 128 : i32
      %mul3A_116 = arith.muli %add3A_114, %mul3A_115 : i32
      %dma_start3A_117 = tpu.memref_slice %arg7[%mul3A_116] : memref<8704xi32, #tpu.memory_space<vmem>> -> memref<128xi32, #tpu.memory_space<vmem>>
      %dma_start3A_118 = arith.constant 0 : i32
      %dma_start3A_119 = arith.constant 0 : i32
      %dma_start3A_120 = tpu.memref_slice %arg2[%dma_start3A_118, %dma_start3A_119] : memref<10000x128xf32, #tpu.memory_space<hbm>> -> memref<10000x128xf32, #tpu.memory_space<hbm>>
      tpu.enqueue_indirect_dma source(%dma_start3A_120 : memref<10000x128xf32, #tpu.memory_space<hbm>>) target(%arg11 : memref<128x128xf32, #tpu.memory_space<vmem>>) offsets(%dma_start3A_117 : memref<128xi32, #tpu.memory_space<vmem>>) semaphore(%arg15 : memref<!tpu.dma_semaphore, #tpu.memory_space<semaphore_mem>>)
      %add3A_121 = arith.constant 0 : i32
      %add3A_122 = arith.addi %mul3A_105, %add3A_121 : i32
      %add3A_123 = arith.addi %select_n3A, %mul3A_63 : i32
      %mul3A_124 = arith.constant 128 : i32
      %mul3A_125 = arith.muli %add3A_122, %mul3A_124 : i32
      %add3A_126 = arith.addi %add3A_123, %mul3A_125 : i32
      %dma_start3A_127 = tpu.memref_slice %arg4[%add3A_126] : memref<327680xi32, #tpu.memory_space<hbm>> -> memref<128xi32, #tpu.memory_space<hbm>>
      %dma_start3A_128 = tpu.memref_slice %arg4[%add3A_126] : memref<327680xi32, #tpu.memory_space<hbm>> -> memref<128xi32, #tpu.memory_space<hbm>>
      tpu.enqueue_dma source(%dma_start3A_128 : memref<128xi32, #tpu.memory_space<hbm>>) target(%arg8 : memref<128xi32, #tpu.memory_space<vmem>>) target_semaphore(%arg12 : memref<!tpu.dma_semaphore, #tpu.memory_space<semaphore_mem>>)
      %add3A_129 = arith.constant 1 : i32
      %add3A_130 = arith.addi %mul3A_105, %add3A_129 : i32
      %add3A_131 = arith.addi %select_n3A, %mul3A_63 : i32
      %mul3A_132 = arith.constant 128 : i32
      %mul3A_133 = arith.muli %add3A_130, %mul3A_132 : i32
      %add3A_134 = arith.addi %add3A_131, %mul3A_133 : i32
      %dma_start3A_135 = tpu.memref_slice %arg4[%add3A_134] : memref<327680xi32, #tpu.memory_space<hbm>> -> memref<128xi32, #tpu.memory_space<hbm>>
      %dma_start3A_136 = tpu.memref_slice %arg4[%add3A_134] : memref<327680xi32, #tpu.memory_space<hbm>> -> memref<128xi32, #tpu.memory_space<hbm>>
      tpu.enqueue_dma source(%dma_start3A_136 : memref<128xi32, #tpu.memory_space<hbm>>) target(%arg9 : memref<128xi32, #tpu.memory_space<vmem>>) target_semaphore(%arg13 : memref<!tpu.dma_semaphore, #tpu.memory_space<semaphore_mem>>)
      %dma_wait3A = tpu.memref_slice %arg7[%mul3A_109] : memref<8704xi32, #tpu.memory_space<vmem>> -> memref<128xi32, #tpu.memory_space<vmem>>
      %dma_wait3A_137 = arith.constant 0 : i32
      %dma_wait3A_138 = arith.constant 0 : i32
      %dma_wait3A_139 = tpu.memref_slice %arg2[%dma_wait3A_137, %dma_wait3A_138] : memref<10000x128xf32, #tpu.memory_space<hbm>> -> memref<10000x128xf32, #tpu.memory_space<hbm>>
      tpu.wait_indirect_dma semaphore(%arg14 : memref<!tpu.dma_semaphore, #tpu.memory_space<semaphore_mem>>) src(%dma_wait3A_139 : memref<10000x128xf32, #tpu.memory_space<hbm>>) dst(%arg10 : memref<128x128xf32, #tpu.memory_space<vmem>>)
      %dma_wait3A_140 = tpu.memref_slice %arg4[%add3A_126] : memref<327680xi32, #tpu.memory_space<hbm>> -> memref<128xi32, #tpu.memory_space<hbm>>
      %dma_wait3A_141 = tpu.memref_slice %arg4[%add3A_126] : memref<327680xi32, #tpu.memory_space<hbm>> -> memref<128xi32, #tpu.memory_space<hbm>>
      tpu.wait_dma2 semaphore(%arg12 : memref<!tpu.dma_semaphore, #tpu.memory_space<semaphore_mem>>) src(%dma_wait3A_141 : memref<128xi32, #tpu.memory_space<hbm>>) dst(%arg8 : memref<128xi32, #tpu.memory_space<vmem>>)
      "tpu.region"() ({
        %run_scoped3A = tpu.sem_alloc : memref<!tpu.dma_semaphore, #tpu.memory_space<semaphore_mem>>
        %dma_start3A_148 = arith.constant 0 : i32
        %dma_start3A_149 = arith.constant 0 : i32
        %dma_start3A_150 = tpu.memref_slice %arg16[%dma_start3A_148, %dma_start3A_149] : memref<10112x128xf32, #tpu.memory_space<vmem_shared>> -> memref<10112x128xf32, #tpu.memory_space<vmem_shared>>
        tpu.enqueue_indirect_dma source(%arg10 : memref<128x128xf32, #tpu.memory_space<vmem>>) target(%dma_start3A_150 : memref<10112x128xf32, #tpu.memory_space<vmem_shared>>) offsets(%arg8 : memref<128xi32, #tpu.memory_space<vmem>>) semaphore(%run_scoped3A : memref<!tpu.dma_semaphore, #tpu.memory_space<semaphore_mem>>) {add = true}
        %dma_wait3A_151 = arith.constant 0 : i32
        %dma_wait3A_152 = arith.constant 0 : i32
        %dma_wait3A_153 = tpu.memref_slice %arg16[%dma_wait3A_151, %dma_wait3A_152] : memref<10112x128xf32, #tpu.memory_space<vmem_shared>> -> memref<10112x128xf32, #tpu.memory_space<vmem_shared>>
        tpu.wait_indirect_dma semaphore(%run_scoped3A : memref<!tpu.dma_semaphore, #tpu.memory_space<semaphore_mem>>) src(%arg10 : memref<128x128xf32, #tpu.memory_space<vmem>>) dst(%dma_wait3A_153 : memref<10112x128xf32, #tpu.memory_space<vmem_shared>>)
        tpu.yield
      }) : () -> ()
      %dma_wait3A_142 = tpu.memref_slice %arg7[%mul3A_116] : memref<8704xi32, #tpu.memory_space<vmem>> -> memref<128xi32, #tpu.memory_space<vmem>>
      %dma_wait3A_143 = arith.constant 0 : i32
      %dma_wait3A_144 = arith.constant 0 : i32
      %dma_wait3A_145 = tpu.memref_slice %arg2[%dma_wait3A_143, %dma_wait3A_144] : memref<10000x128xf32, #tpu.memory_space<hbm>> -> memref<10000x128xf32, #tpu.memory_space<hbm>>
      tpu.wait_indirect_dma semaphore(%arg15 : memref<!tpu.dma_semaphore, #tpu.memory_space<semaphore_mem>>) src(%dma_wait3A_145 : memref<10000x128xf32, #tpu.memory_space<hbm>>) dst(%arg11 : memref<128x128xf32, #tpu.memory_space<vmem>>)
      %dma_wait3A_146 = tpu.memref_slice %arg4[%add3A_134] : memref<327680xi32, #tpu.memory_space<hbm>> -> memref<128xi32, #tpu.memory_space<hbm>>
      %dma_wait3A_147 = tpu.memref_slice %arg4[%add3A_134] : memref<327680xi32, #tpu.memory_space<hbm>> -> memref<128xi32, #tpu.memory_space<hbm>>
      tpu.wait_dma2 semaphore(%arg13 : memref<!tpu.dma_semaphore, #tpu.memory_space<semaphore_mem>>) src(%dma_wait3A_147 : memref<128xi32, #tpu.memory_space<hbm>>) dst(%arg9 : memref<128xi32, #tpu.memory_space<vmem>>)
      "tpu.region"() ({
        %run_scoped3A = tpu.sem_alloc : memref<!tpu.dma_semaphore, #tpu.memory_space<semaphore_mem>>
        %dma_start3A_148 = arith.constant 0 : i32
        %dma_start3A_149 = arith.constant 0 : i32
        %dma_start3A_150 = tpu.memref_slice %arg16[%dma_start3A_148, %dma_start3A_149] : memref<10112x128xf32, #tpu.memory_space<vmem_shared>> -> memref<10112x128xf32, #tpu.memory_space<vmem_shared>>
        tpu.enqueue_indirect_dma source(%arg11 : memref<128x128xf32, #tpu.memory_space<vmem>>) target(%dma_start3A_150 : memref<10112x128xf32, #tpu.memory_space<vmem_shared>>) offsets(%arg9 : memref<128xi32, #tpu.memory_space<vmem>>) semaphore(%run_scoped3A : memref<!tpu.dma_semaphore, #tpu.memory_space<semaphore_mem>>) {add = true}
        %dma_wait3A_151 = arith.constant 0 : i32
        %dma_wait3A_152 = arith.constant 0 : i32
        %dma_wait3A_153 = tpu.memref_slice %arg16[%dma_wait3A_151, %dma_wait3A_152] : memref<10112x128xf32, #tpu.memory_space<vmem_shared>> -> memref<10112x128xf32, #tpu.memory_space<vmem_shared>>
        tpu.wait_indirect_dma semaphore(%run_scoped3A : memref<!tpu.dma_semaphore, #tpu.memory_space<semaphore_mem>>) src(%arg11 : memref<128x128xf32, #tpu.memory_space<vmem>>) dst(%dma_wait3A_153 : memref<10112x128xf32, #tpu.memory_space<vmem_shared>>)
        tpu.yield
      }) : () -> ()
    }
    %barrier3A_98 = arith.constant 0 : index
    tpu.barrier barrier_id(%barrier3A_98)
    %mul3A_99 = arith.constant 632 : i32
    %mul3A_100 = arith.muli %arg1, %mul3A_99 : i32
    %mul3A_101 = arith.constant 632 : i32
    %mul3A_102 = arith.muli %arg1, %mul3A_101 : i32
    "tpu.region"() ({
      %run_scoped3A = tpu.sem_alloc : memref<!tpu.dma_semaphore, #tpu.memory_space<semaphore_mem>>
      %dma_start3A = arith.constant 0 : i32
      %dma_start3A_103 = tpu.memref_slice %arg6[%arg0, %mul3A_102, %dma_start3A] : memref<2x10112x128xf32, #tpu.memory_space<hbm>> -> memref<1x632x128xf32, #tpu.memory_space<hbm>>
      %dma_start3A_104 = tpu.memref_squeeze %dma_start3A_103 : memref<1x632x128xf32, #tpu.memory_space<hbm>> -> memref<632x128xf32, #tpu.memory_space<hbm>>
      %dma_start3A_105 = arith.constant 0 : i32
      %dma_start3A_106 = tpu.memref_slice %arg16[%mul3A_100, %dma_start3A_105] : memref<10112x128xf32, #tpu.memory_space<vmem_shared>> -> memref<632x128xf32, #tpu.memory_space<vmem_shared>>
      tpu.enqueue_dma source(%dma_start3A_106 : memref<632x128xf32, #tpu.memory_space<vmem_shared>>) target(%dma_start3A_104 : memref<632x128xf32, #tpu.memory_space<hbm>>) target_semaphore(%run_scoped3A : memref<!tpu.dma_semaphore, #tpu.memory_space<semaphore_mem>>)
      %dma_wait3A = arith.constant 0 : i32
      %dma_wait3A_107 = tpu.memref_slice %arg6[%arg0, %mul3A_102, %dma_wait3A] : memref<2x10112x128xf32, #tpu.memory_space<hbm>> -> memref<1x632x128xf32, #tpu.memory_space<hbm>>
      %dma_wait3A_108 = tpu.memref_squeeze %dma_wait3A_107 : memref<1x632x128xf32, #tpu.memory_space<hbm>> -> memref<632x128xf32, #tpu.memory_space<hbm>>
      %dma_wait3A_109 = arith.constant 0 : i32
      %dma_wait3A_110 = tpu.memref_slice %arg16[%mul3A_100, %dma_wait3A_109] : memref<10112x128xf32, #tpu.memory_space<vmem_shared>> -> memref<632x128xf32, #tpu.memory_space<vmem_shared>>
      tpu.wait_dma2 semaphore(%run_scoped3A : memref<!tpu.dma_semaphore, #tpu.memory_space<semaphore_mem>>) src(%dma_wait3A_110 : memref<632x128xf32, #tpu.memory_space<vmem_shared>>) dst(%dma_wait3A_108 : memref<632x128xf32, #tpu.memory_space<hbm>>)
      tpu.yield
    }) : () -> ()
    return
  }
}

#map = affine_map<(d0, d1) -> (0, 0)>
#map1 = affine_map<(d0, d1) -> (0)>
#map2 = affine_map<(d0, d1) -> (0, 0, 0)>
module attributes {stable_mosaic.version = 14 : i64} {
  func.func @_prop_body(%arg0: i32, %arg1: i32, %arg2: memref<10000x128xf32, #tpu.memory_space<hbm>>, %arg3: memref<327680xi32, #tpu.memory_space<hbm>>, %arg4: memref<327680xi32, #tpu.memory_space<hbm>>, %arg5: memref<632x128xf32, #tpu.memory_space<hbm>>, %arg6: memref<2x10112x128xf32, #tpu.memory_space<hbm>>, %arg7: memref<8704xi32, #tpu.memory_space<vmem>>, %arg8: memref<128xi32, #tpu.memory_space<vmem>>, %arg9: memref<128xi32, #tpu.memory_space<vmem>>, %arg10: memref<128x128xf32, #tpu.memory_space<vmem>>, %arg11: memref<128x128xf32, #tpu.memory_space<vmem>>, %arg12: memref<!tpu.dma_semaphore, #tpu.memory_space<semaphore_mem>>, %arg13: memref<!tpu.dma_semaphore, #tpu.memory_space<semaphore_mem>>, %arg14: memref<!tpu.dma_semaphore, #tpu.memory_space<semaphore_mem>>, %arg15: memref<!tpu.dma_semaphore, #tpu.memory_space<semaphore_mem>>, %arg16: memref<10112x128xf32, #tpu.memory_space<vmem_shared>>) attributes {dimension_semantics = [#tpu.dimension_semantics<core_parallel>, #tpu.dimension_semantics<subcore_parallel>], iteration_bounds = array<i64: 2, 16>, scalar_prefetch = 0 : i64, scratch_operands = 10 : i64, tpu.core_type = #tpu.core_type<sc_vector_subcore>, window_params = [{transform_indices = #map}, {transform_indices = #map1}, {transform_indices = #map1}, {transform_indices = #map}, {transform_indices = #map2}]} {
    %eq3A = arith.constant 0 : i32
    %eq3A_0 = arith.cmpi eq, %arg0, %eq3A : i32
    %mul3A = arith.constant 17408 : i32
    %mul3A_1 = arith.muli %arg1, %mul3A : i32
    %mul3A_2 = arith.constant 3072 : i32
    %mul3A_3 = arith.muli %arg1, %mul3A_2 : i32
    %add3A = arith.constant 278528 : i32
    %add3A_4 = arith.addi %add3A, %mul3A_3 : i32
    %select_n3A = arith.select %eq3A_0, %mul3A_1, %add3A_4 : i32
    %eq3A_5 = arith.constant 0 : i32
    %eq3A_6 = arith.cmpi eq, %arg0, %eq3A_5 : i32
    %jit3A = arith.constant 68 : i32
    %jit3A_7 = arith.constant 12 : i32
    %select_n3A_8 = arith.select %eq3A_6, %jit3A, %jit3A_7 : i32
    %mul3A_9 = arith.constant 632 : i32
    %mul3A_10 = arith.muli %arg1, %mul3A_9 : i32
    "tpu.region"() ({
      %run_scoped3A = tpu.sem_alloc : memref<!tpu.dma_semaphore, #tpu.memory_space<semaphore_mem>>
      %dma_start3A = arith.constant 0 : i32
      %dma_start3A_103 = tpu.memref_slice %arg16[%mul3A_10, %dma_start3A] : memref<10112x128xf32, #tpu.memory_space<vmem_shared>> -> memref<632x128xf32, #tpu.memory_space<vmem_shared>>
      tpu.enqueue_dma source(%arg5 : memref<632x128xf32, #tpu.memory_space<hbm>>) target(%dma_start3A_103 : memref<632x128xf32, #tpu.memory_space<vmem_shared>>) target_semaphore(%run_scoped3A : memref<!tpu.dma_semaphore, #tpu.memory_space<semaphore_mem>>)
      %dma_wait3A = arith.constant 0 : i32
      %dma_wait3A_104 = tpu.memref_slice %arg16[%mul3A_10, %dma_wait3A] : memref<10112x128xf32, #tpu.memory_space<vmem_shared>> -> memref<632x128xf32, #tpu.memory_space<vmem_shared>>
      tpu.wait_dma2 semaphore(%run_scoped3A : memref<!tpu.dma_semaphore, #tpu.memory_space<semaphore_mem>>) src(%arg5 : memref<632x128xf32, #tpu.memory_space<hbm>>) dst(%dma_wait3A_104 : memref<632x128xf32, #tpu.memory_space<vmem_shared>>)
      tpu.yield
    }) : () -> ()
    %eq3A_11 = arith.constant 0 : i32
    %eq3A_12 = arith.cmpi eq, %arg0, %eq3A_11 : i32
    %convert_element_type3A = arith.extui %eq3A_12 : i1 to i32
    %cond3A = arith.constant 0 : i32
    %cond3A_13 = arith.cmpi ne, %convert_element_type3A, %cond3A : i32
    scf.if %cond3A_13 {
      %add3A_103 = arith.constant 0 : i32
      %add3A_104 = arith.addi %select_n3A, %add3A_103 : i32
      "tpu.region"() ({
        %run_scoped3A = tpu.sem_alloc : memref<!tpu.dma_semaphore, #tpu.memory_space<semaphore_mem>>
        %dma_start3A = arith.constant 0 : i32
        %dma_start3A_105 = tpu.memref_slice %arg7[%dma_start3A] : memref<8704xi32, #tpu.memory_space<vmem>> -> memref<8704xi32, #tpu.memory_space<vmem>>
        %dma_start3A_106 = tpu.memref_slice %arg3[%add3A_104] : memref<327680xi32, #tpu.memory_space<hbm>> -> memref<8704xi32, #tpu.memory_space<hbm>>
        %dma_start3A_107 = arith.constant 0 : i32
        %dma_start3A_108 = tpu.memref_slice %arg7[%dma_start3A_107] : memref<8704xi32, #tpu.memory_space<vmem>> -> memref<8704xi32, #tpu.memory_space<vmem>>
        %dma_start3A_109 = tpu.memref_slice %arg3[%add3A_104] : memref<327680xi32, #tpu.memory_space<hbm>> -> memref<8704xi32, #tpu.memory_space<hbm>>
        tpu.enqueue_dma source(%dma_start3A_109 : memref<8704xi32, #tpu.memory_space<hbm>>) target(%dma_start3A_108 : memref<8704xi32, #tpu.memory_space<vmem>>) target_semaphore(%run_scoped3A : memref<!tpu.dma_semaphore, #tpu.memory_space<semaphore_mem>>)
        %dma_wait3A = arith.constant 0 : i32
        %dma_wait3A_110 = tpu.memref_slice %arg7[%dma_wait3A] : memref<8704xi32, #tpu.memory_space<vmem>> -> memref<8704xi32, #tpu.memory_space<vmem>>
        %dma_wait3A_111 = tpu.memref_slice %arg3[%add3A_104] : memref<327680xi32, #tpu.memory_space<hbm>> -> memref<8704xi32, #tpu.memory_space<hbm>>
        %dma_wait3A_112 = arith.constant 0 : i32
        %dma_wait3A_113 = tpu.memref_slice %arg7[%dma_wait3A_112] : memref<8704xi32, #tpu.memory_space<vmem>> -> memref<8704xi32, #tpu.memory_space<vmem>>
        %dma_wait3A_114 = tpu.memref_slice %arg3[%add3A_104] : memref<327680xi32, #tpu.memory_space<hbm>> -> memref<8704xi32, #tpu.memory_space<hbm>>
        tpu.wait_dma2 semaphore(%run_scoped3A : memref<!tpu.dma_semaphore, #tpu.memory_space<semaphore_mem>>) src(%dma_wait3A_114 : memref<8704xi32, #tpu.memory_space<hbm>>) dst(%dma_wait3A_113 : memref<8704xi32, #tpu.memory_space<vmem>>)
        tpu.yield
      }) : () -> ()
    } else {
    }
    %eq3A_14 = arith.constant 1 : i32
    %eq3A_15 = arith.cmpi eq, %arg0, %eq3A_14 : i32
    %convert_element_type3A_16 = arith.extui %eq3A_15 : i1 to i32
    %cond3A_17 = arith.constant 0 : i32
    %cond3A_18 = arith.cmpi ne, %convert_element_type3A_16, %cond3A_17 : i32
    scf.if %cond3A_18 {
      %add3A_103 = arith.constant 0 : i32
      %add3A_104 = arith.addi %select_n3A, %add3A_103 : i32
      "tpu.region"() ({
        %run_scoped3A = tpu.sem_alloc : memref<!tpu.dma_semaphore, #tpu.memory_space<semaphore_mem>>
        %dma_start3A = arith.constant 0 : i32
        %dma_start3A_105 = tpu.memref_slice %arg7[%dma_start3A] : memref<8704xi32, #tpu.memory_space<vmem>> -> memref<1536xi32, #tpu.memory_space<vmem>>
        %dma_start3A_106 = tpu.memref_slice %arg3[%add3A_104] : memref<327680xi32, #tpu.memory_space<hbm>> -> memref<1536xi32, #tpu.memory_space<hbm>>
        %dma_start3A_107 = arith.constant 0 : i32
        %dma_start3A_108 = tpu.memref_slice %arg7[%dma_start3A_107] : memref<8704xi32, #tpu.memory_space<vmem>> -> memref<1536xi32, #tpu.memory_space<vmem>>
        %dma_start3A_109 = tpu.memref_slice %arg3[%add3A_104] : memref<327680xi32, #tpu.memory_space<hbm>> -> memref<1536xi32, #tpu.memory_space<hbm>>
        tpu.enqueue_dma source(%dma_start3A_109 : memref<1536xi32, #tpu.memory_space<hbm>>) target(%dma_start3A_108 : memref<1536xi32, #tpu.memory_space<vmem>>) target_semaphore(%run_scoped3A : memref<!tpu.dma_semaphore, #tpu.memory_space<semaphore_mem>>)
        %dma_wait3A = arith.constant 0 : i32
        %dma_wait3A_110 = tpu.memref_slice %arg7[%dma_wait3A] : memref<8704xi32, #tpu.memory_space<vmem>> -> memref<1536xi32, #tpu.memory_space<vmem>>
        %dma_wait3A_111 = tpu.memref_slice %arg3[%add3A_104] : memref<327680xi32, #tpu.memory_space<hbm>> -> memref<1536xi32, #tpu.memory_space<hbm>>
        %dma_wait3A_112 = arith.constant 0 : i32
        %dma_wait3A_113 = tpu.memref_slice %arg7[%dma_wait3A_112] : memref<8704xi32, #tpu.memory_space<vmem>> -> memref<1536xi32, #tpu.memory_space<vmem>>
        %dma_wait3A_114 = tpu.memref_slice %arg3[%add3A_104] : memref<327680xi32, #tpu.memory_space<hbm>> -> memref<1536xi32, #tpu.memory_space<hbm>>
        tpu.wait_dma2 semaphore(%run_scoped3A : memref<!tpu.dma_semaphore, #tpu.memory_space<semaphore_mem>>) src(%dma_wait3A_114 : memref<1536xi32, #tpu.memory_space<hbm>>) dst(%dma_wait3A_113 : memref<1536xi32, #tpu.memory_space<vmem>>)
        tpu.yield
      }) : () -> ()
    } else {
    }
    %barrier3A = arith.constant 0 : index
    tpu.barrier barrier_id(%barrier3A)
    %mul3A_19 = arith.constant 0 : i32
    %mul3A_20 = arith.muli %mul3A_19, %select_n3A_8 : i32
    %mul3A_21 = arith.constant 128 : i32
    %mul3A_22 = arith.muli %mul3A_20, %mul3A_21 : i32
    %jit3A_23 = arith.constant 2 : i32
    %div3A = arith.divsi %select_n3A_8, %jit3A_23 : i32
    %sign3A = arith.constant 0 : i32
    %sign3A_24 = arith.cmpi sgt, %select_n3A_8, %sign3A : i32
    %sign3A_25 = arith.extui %sign3A_24 : i1 to i32
    %sign3A_26 = arith.constant 0 : i32
    %sign3A_27 = arith.cmpi slt, %select_n3A_8, %sign3A_26 : i32
    %sign3A_28 = arith.extui %sign3A_27 : i1 to i32
    %sign3A_29 = arith.subi %sign3A_25, %sign3A_28 : i32
    %sign3A_30 = arith.constant 0 : i32
    %sign3A_31 = arith.cmpi sgt, %jit3A_23, %sign3A_30 : i32
    %sign3A_32 = arith.extui %sign3A_31 : i1 to i32
    %sign3A_33 = arith.constant 0 : i32
    %sign3A_34 = arith.cmpi slt, %jit3A_23, %sign3A_33 : i32
    %sign3A_35 = arith.extui %sign3A_34 : i1 to i32
    %sign3A_36 = arith.subi %sign3A_32, %sign3A_35 : i32
    %ne3A = arith.cmpi ne, %sign3A_29, %sign3A_36 : i32
    %rem3A = arith.remsi %select_n3A_8, %jit3A_23 : i32
    %ne3A_37 = arith.constant 0 : i32
    %ne3A_38 = arith.cmpi ne, %rem3A, %ne3A_37 : i32
    %and3A = arith.andi %ne3A, %ne3A_38 : i1
    %sub3A = arith.constant 1 : i32
    %sub3A_39 = arith.subi %div3A, %sub3A : i32
    %select_n3A_40 = arith.select %and3A, %sub3A_39, %div3A : i32
    %while3A = arith.constant 0 : i32
    %while3A_41 = arith.constant 0 : i32
    %while3A_42 = arith.subi %select_n3A_40, %while3A_41 : i32
    %while3A_43 = arith.addi %while3A_41, %while3A_42 : i32
    %while3A_44 = arith.constant 1 : i32
    %while3A_45 = arith.divsi %while3A_42, %while3A_44 : i32
    %while3A_46 = arith.muli %while3A_45, %while3A_44 : i32
    %while3A_47 = arith.addi %while3A_41, %while3A_46 : i32
    %while3A_48 = arith.constant 1 : i32
    scf.for %while3A_103 = %while3A_41 to %while3A_47 step %while3A_48  : i32 {
      %mul3A_104 = arith.constant 2 : i32
      %mul3A_105 = arith.muli %while3A_103, %mul3A_104 : i32
      %add3A_106 = arith.constant 0 : i32
      %add3A_107 = arith.addi %mul3A_105, %add3A_106 : i32
      %mul3A_108 = arith.constant 128 : i32
      %mul3A_109 = arith.muli %add3A_107, %mul3A_108 : i32
      %dma_start3A = tpu.memref_slice %arg7[%mul3A_109] : memref<8704xi32, #tpu.memory_space<vmem>> -> memref<128xi32, #tpu.memory_space<vmem>>
      %dma_start3A_110 = arith.constant 0 : i32
      %dma_start3A_111 = arith.constant 0 : i32
      %dma_start3A_112 = tpu.memref_slice %arg2[%dma_start3A_110, %dma_start3A_111] : memref<10000x128xf32, #tpu.memory_space<hbm>> -> memref<10000x128xf32, #tpu.memory_space<hbm>>
      tpu.enqueue_indirect_dma source(%dma_start3A_112 : memref<10000x128xf32, #tpu.memory_space<hbm>>) target(%arg10 : memref<128x128xf32, #tpu.memory_space<vmem>>) offsets(%dma_start3A : memref<128xi32, #tpu.memory_space<vmem>>) semaphore(%arg14 : memref<!tpu.dma_semaphore, #tpu.memory_space<semaphore_mem>>)
      %add3A_113 = arith.constant 1 : i32
      %add3A_114 = arith.addi %mul3A_105, %add3A_113 : i32
      %mul3A_115 = arith.constant 128 : i32
      %mul3A_116 = arith.muli %add3A_114, %mul3A_115 : i32
      %dma_start3A_117 = tpu.memref_slice %arg7[%mul3A_116] : memref<8704xi32, #tpu.memory_space<vmem>> -> memref<128xi32, #tpu.memory_space<vmem>>
      %dma_start3A_118 = arith.constant 0 : i32
      %dma_start3A_119 = arith.constant 0 : i32
      %dma_start3A_120 = tpu.memref_slice %arg2[%dma_start3A_118, %dma_start3A_119] : memref<10000x128xf32, #tpu.memory_space<hbm>> -> memref<10000x128xf32, #tpu.memory_space<hbm>>
      tpu.enqueue_indirect_dma source(%dma_start3A_120 : memref<10000x128xf32, #tpu.memory_space<hbm>>) target(%arg11 : memref<128x128xf32, #tpu.memory_space<vmem>>) offsets(%dma_start3A_117 : memref<128xi32, #tpu.memory_space<vmem>>) semaphore(%arg15 : memref<!tpu.dma_semaphore, #tpu.memory_space<semaphore_mem>>)
      %add3A_121 = arith.constant 0 : i32
      %add3A_122 = arith.addi %mul3A_105, %add3A_121 : i32
      %add3A_123 = arith.addi %select_n3A, %mul3A_22 : i32
      %mul3A_124 = arith.constant 128 : i32
      %mul3A_125 = arith.muli %add3A_122, %mul3A_124 : i32
      %add3A_126 = arith.addi %add3A_123, %mul3A_125 : i32
      %dma_start3A_127 = tpu.memref_slice %arg4[%add3A_126] : memref<327680xi32, #tpu.memory_space<hbm>> -> memref<128xi32, #tpu.memory_space<hbm>>
      %dma_start3A_128 = tpu.memref_slice %arg4[%add3A_126] : memref<327680xi32, #tpu.memory_space<hbm>> -> memref<128xi32, #tpu.memory_space<hbm>>
      tpu.enqueue_dma source(%dma_start3A_128 : memref<128xi32, #tpu.memory_space<hbm>>) target(%arg8 : memref<128xi32, #tpu.memory_space<vmem>>) target_semaphore(%arg12 : memref<!tpu.dma_semaphore, #tpu.memory_space<semaphore_mem>>)
      %add3A_129 = arith.constant 1 : i32
      %add3A_130 = arith.addi %mul3A_105, %add3A_129 : i32
      %add3A_131 = arith.addi %select_n3A, %mul3A_22 : i32
      %mul3A_132 = arith.constant 128 : i32
      %mul3A_133 = arith.muli %add3A_130, %mul3A_132 : i32
      %add3A_134 = arith.addi %add3A_131, %mul3A_133 : i32
      %dma_start3A_135 = tpu.memref_slice %arg4[%add3A_134] : memref<327680xi32, #tpu.memory_space<hbm>> -> memref<128xi32, #tpu.memory_space<hbm>>
      %dma_start3A_136 = tpu.memref_slice %arg4[%add3A_134] : memref<327680xi32, #tpu.memory_space<hbm>> -> memref<128xi32, #tpu.memory_space<hbm>>
      tpu.enqueue_dma source(%dma_start3A_136 : memref<128xi32, #tpu.memory_space<hbm>>) target(%arg9 : memref<128xi32, #tpu.memory_space<vmem>>) target_semaphore(%arg13 : memref<!tpu.dma_semaphore, #tpu.memory_space<semaphore_mem>>)
      %dma_wait3A = tpu.memref_slice %arg7[%mul3A_109] : memref<8704xi32, #tpu.memory_space<vmem>> -> memref<128xi32, #tpu.memory_space<vmem>>
      %dma_wait3A_137 = arith.constant 0 : i32
      %dma_wait3A_138 = arith.constant 0 : i32
      %dma_wait3A_139 = tpu.memref_slice %arg2[%dma_wait3A_137, %dma_wait3A_138] : memref<10000x128xf32, #tpu.memory_space<hbm>> -> memref<10000x128xf32, #tpu.memory_space<hbm>>
      tpu.wait_indirect_dma semaphore(%arg14 : memref<!tpu.dma_semaphore, #tpu.memory_space<semaphore_mem>>) src(%dma_wait3A_139 : memref<10000x128xf32, #tpu.memory_space<hbm>>) dst(%arg10 : memref<128x128xf32, #tpu.memory_space<vmem>>)
      %dma_wait3A_140 = tpu.memref_slice %arg4[%add3A_126] : memref<327680xi32, #tpu.memory_space<hbm>> -> memref<128xi32, #tpu.memory_space<hbm>>
      %dma_wait3A_141 = tpu.memref_slice %arg4[%add3A_126] : memref<327680xi32, #tpu.memory_space<hbm>> -> memref<128xi32, #tpu.memory_space<hbm>>
      tpu.wait_dma2 semaphore(%arg12 : memref<!tpu.dma_semaphore, #tpu.memory_space<semaphore_mem>>) src(%dma_wait3A_141 : memref<128xi32, #tpu.memory_space<hbm>>) dst(%arg8 : memref<128xi32, #tpu.memory_space<vmem>>)
      "tpu.region"() ({
        %run_scoped3A = tpu.sem_alloc : memref<!tpu.dma_semaphore, #tpu.memory_space<semaphore_mem>>
        %dma_start3A_148 = arith.constant 0 : i32
        %dma_start3A_149 = arith.constant 0 : i32
        %dma_start3A_150 = tpu.memref_slice %arg16[%dma_start3A_148, %dma_start3A_149] : memref<10112x128xf32, #tpu.memory_space<vmem_shared>> -> memref<10112x128xf32, #tpu.memory_space<vmem_shared>>
        tpu.enqueue_indirect_dma source(%arg10 : memref<128x128xf32, #tpu.memory_space<vmem>>) target(%dma_start3A_150 : memref<10112x128xf32, #tpu.memory_space<vmem_shared>>) offsets(%arg8 : memref<128xi32, #tpu.memory_space<vmem>>) semaphore(%run_scoped3A : memref<!tpu.dma_semaphore, #tpu.memory_space<semaphore_mem>>) {add = true}
        %dma_wait3A_151 = arith.constant 0 : i32
        %dma_wait3A_152 = arith.constant 0 : i32
        %dma_wait3A_153 = tpu.memref_slice %arg16[%dma_wait3A_151, %dma_wait3A_152] : memref<10112x128xf32, #tpu.memory_space<vmem_shared>> -> memref<10112x128xf32, #tpu.memory_space<vmem_shared>>
        tpu.wait_indirect_dma semaphore(%run_scoped3A : memref<!tpu.dma_semaphore, #tpu.memory_space<semaphore_mem>>) src(%arg10 : memref<128x128xf32, #tpu.memory_space<vmem>>) dst(%dma_wait3A_153 : memref<10112x128xf32, #tpu.memory_space<vmem_shared>>)
        tpu.yield
      }) : () -> ()
      %dma_wait3A_142 = tpu.memref_slice %arg7[%mul3A_116] : memref<8704xi32, #tpu.memory_space<vmem>> -> memref<128xi32, #tpu.memory_space<vmem>>
      %dma_wait3A_143 = arith.constant 0 : i32
      %dma_wait3A_144 = arith.constant 0 : i32
      %dma_wait3A_145 = tpu.memref_slice %arg2[%dma_wait3A_143, %dma_wait3A_144] : memref<10000x128xf32, #tpu.memory_space<hbm>> -> memref<10000x128xf32, #tpu.memory_space<hbm>>
      tpu.wait_indirect_dma semaphore(%arg15 : memref<!tpu.dma_semaphore, #tpu.memory_space<semaphore_mem>>) src(%dma_wait3A_145 : memref<10000x128xf32, #tpu.memory_space<hbm>>) dst(%arg11 : memref<128x128xf32, #tpu.memory_space<vmem>>)
      %dma_wait3A_146 = tpu.memref_slice %arg4[%add3A_134] : memref<327680xi32, #tpu.memory_space<hbm>> -> memref<128xi32, #tpu.memory_space<hbm>>
      %dma_wait3A_147 = tpu.memref_slice %arg4[%add3A_134] : memref<327680xi32, #tpu.memory_space<hbm>> -> memref<128xi32, #tpu.memory_space<hbm>>
      tpu.wait_dma2 semaphore(%arg13 : memref<!tpu.dma_semaphore, #tpu.memory_space<semaphore_mem>>) src(%dma_wait3A_147 : memref<128xi32, #tpu.memory_space<hbm>>) dst(%arg9 : memref<128xi32, #tpu.memory_space<vmem>>)
      "tpu.region"() ({
        %run_scoped3A = tpu.sem_alloc : memref<!tpu.dma_semaphore, #tpu.memory_space<semaphore_mem>>
        %dma_start3A_148 = arith.constant 0 : i32
        %dma_start3A_149 = arith.constant 0 : i32
        %dma_start3A_150 = tpu.memref_slice %arg16[%dma_start3A_148, %dma_start3A_149] : memref<10112x128xf32, #tpu.memory_space<vmem_shared>> -> memref<10112x128xf32, #tpu.memory_space<vmem_shared>>
        tpu.enqueue_indirect_dma source(%arg11 : memref<128x128xf32, #tpu.memory_space<vmem>>) target(%dma_start3A_150 : memref<10112x128xf32, #tpu.memory_space<vmem_shared>>) offsets(%arg9 : memref<128xi32, #tpu.memory_space<vmem>>) semaphore(%run_scoped3A : memref<!tpu.dma_semaphore, #tpu.memory_space<semaphore_mem>>) {add = true}
        %dma_wait3A_151 = arith.constant 0 : i32
        %dma_wait3A_152 = arith.constant 0 : i32
        %dma_wait3A_153 = tpu.memref_slice %arg16[%dma_wait3A_151, %dma_wait3A_152] : memref<10112x128xf32, #tpu.memory_space<vmem_shared>> -> memref<10112x128xf32, #tpu.memory_space<vmem_shared>>
        tpu.wait_indirect_dma semaphore(%run_scoped3A : memref<!tpu.dma_semaphore, #tpu.memory_space<semaphore_mem>>) src(%arg11 : memref<128x128xf32, #tpu.memory_space<vmem>>) dst(%dma_wait3A_153 : memref<10112x128xf32, #tpu.memory_space<vmem_shared>>)
        tpu.yield
      }) : () -> ()
    }
    %while3A_49 = arith.constant 1 : i32
    scf.for %while3A_103 = %while3A_47 to %while3A_43 step %while3A_49  : i32 {
      %mul3A_104 = arith.constant 2 : i32
      %mul3A_105 = arith.muli %while3A_103, %mul3A_104 : i32
      %add3A_106 = arith.constant 0 : i32
      %add3A_107 = arith.addi %mul3A_105, %add3A_106 : i32
      %mul3A_108 = arith.constant 128 : i32
      %mul3A_109 = arith.muli %add3A_107, %mul3A_108 : i32
      %dma_start3A = tpu.memref_slice %arg7[%mul3A_109] : memref<8704xi32, #tpu.memory_space<vmem>> -> memref<128xi32, #tpu.memory_space<vmem>>
      %dma_start3A_110 = arith.constant 0 : i32
      %dma_start3A_111 = arith.constant 0 : i32
      %dma_start3A_112 = tpu.memref_slice %arg2[%dma_start3A_110, %dma_start3A_111] : memref<10000x128xf32, #tpu.memory_space<hbm>> -> memref<10000x128xf32, #tpu.memory_space<hbm>>
      tpu.enqueue_indirect_dma source(%dma_start3A_112 : memref<10000x128xf32, #tpu.memory_space<hbm>>) target(%arg10 : memref<128x128xf32, #tpu.memory_space<vmem>>) offsets(%dma_start3A : memref<128xi32, #tpu.memory_space<vmem>>) semaphore(%arg14 : memref<!tpu.dma_semaphore, #tpu.memory_space<semaphore_mem>>)
      %add3A_113 = arith.constant 1 : i32
      %add3A_114 = arith.addi %mul3A_105, %add3A_113 : i32
      %mul3A_115 = arith.constant 128 : i32
      %mul3A_116 = arith.muli %add3A_114, %mul3A_115 : i32
      %dma_start3A_117 = tpu.memref_slice %arg7[%mul3A_116] : memref<8704xi32, #tpu.memory_space<vmem>> -> memref<128xi32, #tpu.memory_space<vmem>>
      %dma_start3A_118 = arith.constant 0 : i32
      %dma_start3A_119 = arith.constant 0 : i32
      %dma_start3A_120 = tpu.memref_slice %arg2[%dma_start3A_118, %dma_start3A_119] : memref<10000x128xf32, #tpu.memory_space<hbm>> -> memref<10000x128xf32, #tpu.memory_space<hbm>>
      tpu.enqueue_indirect_dma source(%dma_start3A_120 : memref<10000x128xf32, #tpu.memory_space<hbm>>) target(%arg11 : memref<128x128xf32, #tpu.memory_space<vmem>>) offsets(%dma_start3A_117 : memref<128xi32, #tpu.memory_space<vmem>>) semaphore(%arg15 : memref<!tpu.dma_semaphore, #tpu.memory_space<semaphore_mem>>)
      %add3A_121 = arith.constant 0 : i32
      %add3A_122 = arith.addi %mul3A_105, %add3A_121 : i32
      %add3A_123 = arith.addi %select_n3A, %mul3A_22 : i32
      %mul3A_124 = arith.constant 128 : i32
      %mul3A_125 = arith.muli %add3A_122, %mul3A_124 : i32
      %add3A_126 = arith.addi %add3A_123, %mul3A_125 : i32
      %dma_start3A_127 = tpu.memref_slice %arg4[%add3A_126] : memref<327680xi32, #tpu.memory_space<hbm>> -> memref<128xi32, #tpu.memory_space<hbm>>
      %dma_start3A_128 = tpu.memref_slice %arg4[%add3A_126] : memref<327680xi32, #tpu.memory_space<hbm>> -> memref<128xi32, #tpu.memory_space<hbm>>
      tpu.enqueue_dma source(%dma_start3A_128 : memref<128xi32, #tpu.memory_space<hbm>>) target(%arg8 : memref<128xi32, #tpu.memory_space<vmem>>) target_semaphore(%arg12 : memref<!tpu.dma_semaphore, #tpu.memory_space<semaphore_mem>>)
      %add3A_129 = arith.constant 1 : i32
      %add3A_130 = arith.addi %mul3A_105, %add3A_129 : i32
      %add3A_131 = arith.addi %select_n3A, %mul3A_22 : i32
      %mul3A_132 = arith.constant 128 : i32
      %mul3A_133 = arith.muli %add3A_130, %mul3A_132 : i32
      %add3A_134 = arith.addi %add3A_131, %mul3A_133 : i32
      %dma_start3A_135 = tpu.memref_slice %arg4[%add3A_134] : memref<327680xi32, #tpu.memory_space<hbm>> -> memref<128xi32, #tpu.memory_space<hbm>>
      %dma_start3A_136 = tpu.memref_slice %arg4[%add3A_134] : memref<327680xi32, #tpu.memory_space<hbm>> -> memref<128xi32, #tpu.memory_space<hbm>>
      tpu.enqueue_dma source(%dma_start3A_136 : memref<128xi32, #tpu.memory_space<hbm>>) target(%arg9 : memref<128xi32, #tpu.memory_space<vmem>>) target_semaphore(%arg13 : memref<!tpu.dma_semaphore, #tpu.memory_space<semaphore_mem>>)
      %dma_wait3A = tpu.memref_slice %arg7[%mul3A_109] : memref<8704xi32, #tpu.memory_space<vmem>> -> memref<128xi32, #tpu.memory_space<vmem>>
      %dma_wait3A_137 = arith.constant 0 : i32
      %dma_wait3A_138 = arith.constant 0 : i32
      %dma_wait3A_139 = tpu.memref_slice %arg2[%dma_wait3A_137, %dma_wait3A_138] : memref<10000x128xf32, #tpu.memory_space<hbm>> -> memref<10000x128xf32, #tpu.memory_space<hbm>>
      tpu.wait_indirect_dma semaphore(%arg14 : memref<!tpu.dma_semaphore, #tpu.memory_space<semaphore_mem>>) src(%dma_wait3A_139 : memref<10000x128xf32, #tpu.memory_space<hbm>>) dst(%arg10 : memref<128x128xf32, #tpu.memory_space<vmem>>)
      %dma_wait3A_140 = tpu.memref_slice %arg4[%add3A_126] : memref<327680xi32, #tpu.memory_space<hbm>> -> memref<128xi32, #tpu.memory_space<hbm>>
      %dma_wait3A_141 = tpu.memref_slice %arg4[%add3A_126] : memref<327680xi32, #tpu.memory_space<hbm>> -> memref<128xi32, #tpu.memory_space<hbm>>
      tpu.wait_dma2 semaphore(%arg12 : memref<!tpu.dma_semaphore, #tpu.memory_space<semaphore_mem>>) src(%dma_wait3A_141 : memref<128xi32, #tpu.memory_space<hbm>>) dst(%arg8 : memref<128xi32, #tpu.memory_space<vmem>>)
      "tpu.region"() ({
        %run_scoped3A = tpu.sem_alloc : memref<!tpu.dma_semaphore, #tpu.memory_space<semaphore_mem>>
        %dma_start3A_148 = arith.constant 0 : i32
        %dma_start3A_149 = arith.constant 0 : i32
        %dma_start3A_150 = tpu.memref_slice %arg16[%dma_start3A_148, %dma_start3A_149] : memref<10112x128xf32, #tpu.memory_space<vmem_shared>> -> memref<10112x128xf32, #tpu.memory_space<vmem_shared>>
        tpu.enqueue_indirect_dma source(%arg10 : memref<128x128xf32, #tpu.memory_space<vmem>>) target(%dma_start3A_150 : memref<10112x128xf32, #tpu.memory_space<vmem_shared>>) offsets(%arg8 : memref<128xi32, #tpu.memory_space<vmem>>) semaphore(%run_scoped3A : memref<!tpu.dma_semaphore, #tpu.memory_space<semaphore_mem>>) {add = true}
        %dma_wait3A_151 = arith.constant 0 : i32
        %dma_wait3A_152 = arith.constant 0 : i32
        %dma_wait3A_153 = tpu.memref_slice %arg16[%dma_wait3A_151, %dma_wait3A_152] : memref<10112x128xf32, #tpu.memory_space<vmem_shared>> -> memref<10112x128xf32, #tpu.memory_space<vmem_shared>>
        tpu.wait_indirect_dma semaphore(%run_scoped3A : memref<!tpu.dma_semaphore, #tpu.memory_space<semaphore_mem>>) src(%arg10 : memref<128x128xf32, #tpu.memory_space<vmem>>) dst(%dma_wait3A_153 : memref<10112x128xf32, #tpu.memory_space<vmem_shared>>)
        tpu.yield
      }) : () -> ()
      %dma_wait3A_142 = tpu.memref_slice %arg7[%mul3A_116] : memref<8704xi32, #tpu.memory_space<vmem>> -> memref<128xi32, #tpu.memory_space<vmem>>
      %dma_wait3A_143 = arith.constant 0 : i32
      %dma_wait3A_144 = arith.constant 0 : i32
      %dma_wait3A_145 = tpu.memref_slice %arg2[%dma_wait3A_143, %dma_wait3A_144] : memref<10000x128xf32, #tpu.memory_space<hbm>> -> memref<10000x128xf32, #tpu.memory_space<hbm>>
      tpu.wait_indirect_dma semaphore(%arg15 : memref<!tpu.dma_semaphore, #tpu.memory_space<semaphore_mem>>) src(%dma_wait3A_145 : memref<10000x128xf32, #tpu.memory_space<hbm>>) dst(%arg11 : memref<128x128xf32, #tpu.memory_space<vmem>>)
      %dma_wait3A_146 = tpu.memref_slice %arg4[%add3A_134] : memref<327680xi32, #tpu.memory_space<hbm>> -> memref<128xi32, #tpu.memory_space<hbm>>
      %dma_wait3A_147 = tpu.memref_slice %arg4[%add3A_134] : memref<327680xi32, #tpu.memory_space<hbm>> -> memref<128xi32, #tpu.memory_space<hbm>>
      tpu.wait_dma2 semaphore(%arg13 : memref<!tpu.dma_semaphore, #tpu.memory_space<semaphore_mem>>) src(%dma_wait3A_147 : memref<128xi32, #tpu.memory_space<hbm>>) dst(%arg9 : memref<128xi32, #tpu.memory_space<vmem>>)
      "tpu.region"() ({
        %run_scoped3A = tpu.sem_alloc : memref<!tpu.dma_semaphore, #tpu.memory_space<semaphore_mem>>
        %dma_start3A_148 = arith.constant 0 : i32
        %dma_start3A_149 = arith.constant 0 : i32
        %dma_start3A_150 = tpu.memref_slice %arg16[%dma_start3A_148, %dma_start3A_149] : memref<10112x128xf32, #tpu.memory_space<vmem_shared>> -> memref<10112x128xf32, #tpu.memory_space<vmem_shared>>
        tpu.enqueue_indirect_dma source(%arg11 : memref<128x128xf32, #tpu.memory_space<vmem>>) target(%dma_start3A_150 : memref<10112x128xf32, #tpu.memory_space<vmem_shared>>) offsets(%arg9 : memref<128xi32, #tpu.memory_space<vmem>>) semaphore(%run_scoped3A : memref<!tpu.dma_semaphore, #tpu.memory_space<semaphore_mem>>) {add = true}
        %dma_wait3A_151 = arith.constant 0 : i32
        %dma_wait3A_152 = arith.constant 0 : i32
        %dma_wait3A_153 = tpu.memref_slice %arg16[%dma_wait3A_151, %dma_wait3A_152] : memref<10112x128xf32, #tpu.memory_space<vmem_shared>> -> memref<10112x128xf32, #tpu.memory_space<vmem_shared>>
        tpu.wait_indirect_dma semaphore(%run_scoped3A : memref<!tpu.dma_semaphore, #tpu.memory_space<semaphore_mem>>) src(%arg11 : memref<128x128xf32, #tpu.memory_space<vmem>>) dst(%dma_wait3A_153 : memref<10112x128xf32, #tpu.memory_space<vmem_shared>>)
        tpu.yield
      }) : () -> ()
    }
    %eq3A_50 = arith.constant 0 : i32
    %eq3A_51 = arith.cmpi eq, %arg0, %eq3A_50 : i32
    %convert_element_type3A_52 = arith.extui %eq3A_51 : i1 to i32
    %cond3A_53 = arith.constant 0 : i32
    %cond3A_54 = arith.cmpi ne, %convert_element_type3A_52, %cond3A_53 : i32
    scf.if %cond3A_54 {
      %add3A_103 = arith.constant 8704 : i32
      %add3A_104 = arith.addi %select_n3A, %add3A_103 : i32
      "tpu.region"() ({
        %run_scoped3A = tpu.sem_alloc : memref<!tpu.dma_semaphore, #tpu.memory_space<semaphore_mem>>
        %dma_start3A = arith.constant 0 : i32
        %dma_start3A_105 = tpu.memref_slice %arg7[%dma_start3A] : memref<8704xi32, #tpu.memory_space<vmem>> -> memref<8704xi32, #tpu.memory_space<vmem>>
        %dma_start3A_106 = tpu.memref_slice %arg3[%add3A_104] : memref<327680xi32, #tpu.memory_space<hbm>> -> memref<8704xi32, #tpu.memory_space<hbm>>
        %dma_start3A_107 = arith.constant 0 : i32
        %dma_start3A_108 = tpu.memref_slice %arg7[%dma_start3A_107] : memref<8704xi32, #tpu.memory_space<vmem>> -> memref<8704xi32, #tpu.memory_space<vmem>>
        %dma_start3A_109 = tpu.memref_slice %arg3[%add3A_104] : memref<327680xi32, #tpu.memory_space<hbm>> -> memref<8704xi32, #tpu.memory_space<hbm>>
        tpu.enqueue_dma source(%dma_start3A_109 : memref<8704xi32, #tpu.memory_space<hbm>>) target(%dma_start3A_108 : memref<8704xi32, #tpu.memory_space<vmem>>) target_semaphore(%run_scoped3A : memref<!tpu.dma_semaphore, #tpu.memory_space<semaphore_mem>>)
        %dma_wait3A = arith.constant 0 : i32
        %dma_wait3A_110 = tpu.memref_slice %arg7[%dma_wait3A] : memref<8704xi32, #tpu.memory_space<vmem>> -> memref<8704xi32, #tpu.memory_space<vmem>>
        %dma_wait3A_111 = tpu.memref_slice %arg3[%add3A_104] : memref<327680xi32, #tpu.memory_space<hbm>> -> memref<8704xi32, #tpu.memory_space<hbm>>
        %dma_wait3A_112 = arith.constant 0 : i32
        %dma_wait3A_113 = tpu.memref_slice %arg7[%dma_wait3A_112] : memref<8704xi32, #tpu.memory_space<vmem>> -> memref<8704xi32, #tpu.memory_space<vmem>>
        %dma_wait3A_114 = tpu.memref_slice %arg3[%add3A_104] : memref<327680xi32, #tpu.memory_space<hbm>> -> memref<8704xi32, #tpu.memory_space<hbm>>
        tpu.wait_dma2 semaphore(%run_scoped3A : memref<!tpu.dma_semaphore, #tpu.memory_space<semaphore_mem>>) src(%dma_wait3A_114 : memref<8704xi32, #tpu.memory_space<hbm>>) dst(%dma_wait3A_113 : memref<8704xi32, #tpu.memory_space<vmem>>)
        tpu.yield
      }) : () -> ()
    } else {
    }
    %eq3A_55 = arith.constant 1 : i32
    %eq3A_56 = arith.cmpi eq, %arg0, %eq3A_55 : i32
    %convert_element_type3A_57 = arith.extui %eq3A_56 : i1 to i32
    %cond3A_58 = arith.constant 0 : i32
    %cond3A_59 = arith.cmpi ne, %convert_element_type3A_57, %cond3A_58 : i32
    scf.if %cond3A_59 {
      %add3A_103 = arith.constant 1536 : i32
      %add3A_104 = arith.addi %select_n3A, %add3A_103 : i32
      "tpu.region"() ({
        %run_scoped3A = tpu.sem_alloc : memref<!tpu.dma_semaphore, #tpu.memory_space<semaphore_mem>>
        %dma_start3A = arith.constant 0 : i32
        %dma_start3A_105 = tpu.memref_slice %arg7[%dma_start3A] : memref<8704xi32, #tpu.memory_space<vmem>> -> memref<1536xi32, #tpu.memory_space<vmem>>
        %dma_start3A_106 = tpu.memref_slice %arg3[%add3A_104] : memref<327680xi32, #tpu.memory_space<hbm>> -> memref<1536xi32, #tpu.memory_space<hbm>>
        %dma_start3A_107 = arith.constant 0 : i32
        %dma_start3A_108 = tpu.memref_slice %arg7[%dma_start3A_107] : memref<8704xi32, #tpu.memory_space<vmem>> -> memref<1536xi32, #tpu.memory_space<vmem>>
        %dma_start3A_109 = tpu.memref_slice %arg3[%add3A_104] : memref<327680xi32, #tpu.memory_space<hbm>> -> memref<1536xi32, #tpu.memory_space<hbm>>
        tpu.enqueue_dma source(%dma_start3A_109 : memref<1536xi32, #tpu.memory_space<hbm>>) target(%dma_start3A_108 : memref<1536xi32, #tpu.memory_space<vmem>>) target_semaphore(%run_scoped3A : memref<!tpu.dma_semaphore, #tpu.memory_space<semaphore_mem>>)
        %dma_wait3A = arith.constant 0 : i32
        %dma_wait3A_110 = tpu.memref_slice %arg7[%dma_wait3A] : memref<8704xi32, #tpu.memory_space<vmem>> -> memref<1536xi32, #tpu.memory_space<vmem>>
        %dma_wait3A_111 = tpu.memref_slice %arg3[%add3A_104] : memref<327680xi32, #tpu.memory_space<hbm>> -> memref<1536xi32, #tpu.memory_space<hbm>>
        %dma_wait3A_112 = arith.constant 0 : i32
        %dma_wait3A_113 = tpu.memref_slice %arg7[%dma_wait3A_112] : memref<8704xi32, #tpu.memory_space<vmem>> -> memref<1536xi32, #tpu.memory_space<vmem>>
        %dma_wait3A_114 = tpu.memref_slice %arg3[%add3A_104] : memref<327680xi32, #tpu.memory_space<hbm>> -> memref<1536xi32, #tpu.memory_space<hbm>>
        tpu.wait_dma2 semaphore(%run_scoped3A : memref<!tpu.dma_semaphore, #tpu.memory_space<semaphore_mem>>) src(%dma_wait3A_114 : memref<1536xi32, #tpu.memory_space<hbm>>) dst(%dma_wait3A_113 : memref<1536xi32, #tpu.memory_space<vmem>>)
        tpu.yield
      }) : () -> ()
    } else {
    }
    %mul3A_60 = arith.constant 1 : i32
    %mul3A_61 = arith.muli %mul3A_60, %select_n3A_8 : i32
    %mul3A_62 = arith.constant 128 : i32
    %mul3A_63 = arith.muli %mul3A_61, %mul3A_62 : i32
    %jit3A_64 = arith.constant 2 : i32
    %div3A_65 = arith.divsi %select_n3A_8, %jit3A_64 : i32
    %sign3A_66 = arith.constant 0 : i32
    %sign3A_67 = arith.cmpi sgt, %select_n3A_8, %sign3A_66 : i32
    %sign3A_68 = arith.extui %sign3A_67 : i1 to i32
    %sign3A_69 = arith.constant 0 : i32
    %sign3A_70 = arith.cmpi slt, %select_n3A_8, %sign3A_69 : i32
    %sign3A_71 = arith.extui %sign3A_70 : i1 to i32
    %sign3A_72 = arith.subi %sign3A_68, %sign3A_71 : i32
    %sign3A_73 = arith.constant 0 : i32
    %sign3A_74 = arith.cmpi sgt, %jit3A_64, %sign3A_73 : i32
    %sign3A_75 = arith.extui %sign3A_74 : i1 to i32
    %sign3A_76 = arith.constant 0 : i32
    %sign3A_77 = arith.cmpi slt, %jit3A_64, %sign3A_76 : i32
    %sign3A_78 = arith.extui %sign3A_77 : i1 to i32
    %sign3A_79 = arith.subi %sign3A_75, %sign3A_78 : i32
    %ne3A_80 = arith.cmpi ne, %sign3A_72, %sign3A_79 : i32
    %rem3A_81 = arith.remsi %select_n3A_8, %jit3A_64 : i32
    %ne3A_82 = arith.constant 0 : i32
    %ne3A_83 = arith.cmpi ne, %rem3A_81, %ne3A_82 : i32
    %and3A_84 = arith.andi %ne3A_80, %ne3A_83 : i1
    %sub3A_85 = arith.constant 1 : i32
    %sub3A_86 = arith.subi %div3A_65, %sub3A_85 : i32
    %select_n3A_87 = arith.select %and3A_84, %sub3A_86, %div3A_65 : i32
    %while3A_88 = arith.constant 0 : i32
    %while3A_89 = arith.constant 0 : i32
    %while3A_90 = arith.subi %select_n3A_87, %while3A_89 : i32
    %while3A_91 = arith.addi %while3A_89, %while3A_90 : i32
    %while3A_92 = arith.constant 1 : i32
    %while3A_93 = arith.divsi %while3A_90, %while3A_92 : i32
    %while3A_94 = arith.muli %while3A_93, %while3A_92 : i32
    %while3A_95 = arith.addi %while3A_89, %while3A_94 : i32
    %while3A_96 = arith.constant 1 : i32
    scf.for %while3A_103 = %while3A_89 to %while3A_95 step %while3A_96  : i32 {
      %mul3A_104 = arith.constant 2 : i32
      %mul3A_105 = arith.muli %while3A_103, %mul3A_104 : i32
      %add3A_106 = arith.constant 0 : i32
      %add3A_107 = arith.addi %mul3A_105, %add3A_106 : i32
      %mul3A_108 = arith.constant 128 : i32
      %mul3A_109 = arith.muli %add3A_107, %mul3A_108 : i32
      %dma_start3A = tpu.memref_slice %arg7[%mul3A_109] : memref<8704xi32, #tpu.memory_space<vmem>> -> memref<128xi32, #tpu.memory_space<vmem>>
      %dma_start3A_110 = arith.constant 0 : i32
      %dma_start3A_111 = arith.constant 0 : i32
      %dma_start3A_112 = tpu.memref_slice %arg2[%dma_start3A_110, %dma_start3A_111] : memref<10000x128xf32, #tpu.memory_space<hbm>> -> memref<10000x128xf32, #tpu.memory_space<hbm>>
      tpu.enqueue_indirect_dma source(%dma_start3A_112 : memref<10000x128xf32, #tpu.memory_space<hbm>>) target(%arg10 : memref<128x128xf32, #tpu.memory_space<vmem>>) offsets(%dma_start3A : memref<128xi32, #tpu.memory_space<vmem>>) semaphore(%arg14 : memref<!tpu.dma_semaphore, #tpu.memory_space<semaphore_mem>>)
      %add3A_113 = arith.constant 1 : i32
      %add3A_114 = arith.addi %mul3A_105, %add3A_113 : i32
      %mul3A_115 = arith.constant 128 : i32
      %mul3A_116 = arith.muli %add3A_114, %mul3A_115 : i32
      %dma_start3A_117 = tpu.memref_slice %arg7[%mul3A_116] : memref<8704xi32, #tpu.memory_space<vmem>> -> memref<128xi32, #tpu.memory_space<vmem>>
      %dma_start3A_118 = arith.constant 0 : i32
      %dma_start3A_119 = arith.constant 0 : i32
      %dma_start3A_120 = tpu.memref_slice %arg2[%dma_start3A_118, %dma_start3A_119] : memref<10000x128xf32, #tpu.memory_space<hbm>> -> memref<10000x128xf32, #tpu.memory_space<hbm>>
      tpu.enqueue_indirect_dma source(%dma_start3A_120 : memref<10000x128xf32, #tpu.memory_space<hbm>>) target(%arg11 : memref<128x128xf32, #tpu.memory_space<vmem>>) offsets(%dma_start3A_117 : memref<128xi32, #tpu.memory_space<vmem>>) semaphore(%arg15 : memref<!tpu.dma_semaphore, #tpu.memory_space<semaphore_mem>>)
      %add3A_121 = arith.constant 0 : i32
      %add3A_122 = arith.addi %mul3A_105, %add3A_121 : i32
      %add3A_123 = arith.addi %select_n3A, %mul3A_63 : i32
      %mul3A_124 = arith.constant 128 : i32
      %mul3A_125 = arith.muli %add3A_122, %mul3A_124 : i32
      %add3A_126 = arith.addi %add3A_123, %mul3A_125 : i32
      %dma_start3A_127 = tpu.memref_slice %arg4[%add3A_126] : memref<327680xi32, #tpu.memory_space<hbm>> -> memref<128xi32, #tpu.memory_space<hbm>>
      %dma_start3A_128 = tpu.memref_slice %arg4[%add3A_126] : memref<327680xi32, #tpu.memory_space<hbm>> -> memref<128xi32, #tpu.memory_space<hbm>>
      tpu.enqueue_dma source(%dma_start3A_128 : memref<128xi32, #tpu.memory_space<hbm>>) target(%arg8 : memref<128xi32, #tpu.memory_space<vmem>>) target_semaphore(%arg12 : memref<!tpu.dma_semaphore, #tpu.memory_space<semaphore_mem>>)
      %add3A_129 = arith.constant 1 : i32
      %add3A_130 = arith.addi %mul3A_105, %add3A_129 : i32
      %add3A_131 = arith.addi %select_n3A, %mul3A_63 : i32
      %mul3A_132 = arith.constant 128 : i32
      %mul3A_133 = arith.muli %add3A_130, %mul3A_132 : i32
      %add3A_134 = arith.addi %add3A_131, %mul3A_133 : i32
      %dma_start3A_135 = tpu.memref_slice %arg4[%add3A_134] : memref<327680xi32, #tpu.memory_space<hbm>> -> memref<128xi32, #tpu.memory_space<hbm>>
      %dma_start3A_136 = tpu.memref_slice %arg4[%add3A_134] : memref<327680xi32, #tpu.memory_space<hbm>> -> memref<128xi32, #tpu.memory_space<hbm>>
      tpu.enqueue_dma source(%dma_start3A_136 : memref<128xi32, #tpu.memory_space<hbm>>) target(%arg9 : memref<128xi32, #tpu.memory_space<vmem>>) target_semaphore(%arg13 : memref<!tpu.dma_semaphore, #tpu.memory_space<semaphore_mem>>)
      %dma_wait3A = tpu.memref_slice %arg7[%mul3A_109] : memref<8704xi32, #tpu.memory_space<vmem>> -> memref<128xi32, #tpu.memory_space<vmem>>
      %dma_wait3A_137 = arith.constant 0 : i32
      %dma_wait3A_138 = arith.constant 0 : i32
      %dma_wait3A_139 = tpu.memref_slice %arg2[%dma_wait3A_137, %dma_wait3A_138] : memref<10000x128xf32, #tpu.memory_space<hbm>> -> memref<10000x128xf32, #tpu.memory_space<hbm>>
      tpu.wait_indirect_dma semaphore(%arg14 : memref<!tpu.dma_semaphore, #tpu.memory_space<semaphore_mem>>) src(%dma_wait3A_139 : memref<10000x128xf32, #tpu.memory_space<hbm>>) dst(%arg10 : memref<128x128xf32, #tpu.memory_space<vmem>>)
      %dma_wait3A_140 = tpu.memref_slice %arg4[%add3A_126] : memref<327680xi32, #tpu.memory_space<hbm>> -> memref<128xi32, #tpu.memory_space<hbm>>
      %dma_wait3A_141 = tpu.memref_slice %arg4[%add3A_126] : memref<327680xi32, #tpu.memory_space<hbm>> -> memref<128xi32, #tpu.memory_space<hbm>>
      tpu.wait_dma2 semaphore(%arg12 : memref<!tpu.dma_semaphore, #tpu.memory_space<semaphore_mem>>) src(%dma_wait3A_141 : memref<128xi32, #tpu.memory_space<hbm>>) dst(%arg8 : memref<128xi32, #tpu.memory_space<vmem>>)
      "tpu.region"() ({
        %run_scoped3A = tpu.sem_alloc : memref<!tpu.dma_semaphore, #tpu.memory_space<semaphore_mem>>
        %dma_start3A_148 = arith.constant 0 : i32
        %dma_start3A_149 = arith.constant 0 : i32
        %dma_start3A_150 = tpu.memref_slice %arg16[%dma_start3A_148, %dma_start3A_149] : memref<10112x128xf32, #tpu.memory_space<vmem_shared>> -> memref<10112x128xf32, #tpu.memory_space<vmem_shared>>
        tpu.enqueue_indirect_dma source(%arg10 : memref<128x128xf32, #tpu.memory_space<vmem>>) target(%dma_start3A_150 : memref<10112x128xf32, #tpu.memory_space<vmem_shared>>) offsets(%arg8 : memref<128xi32, #tpu.memory_space<vmem>>) semaphore(%run_scoped3A : memref<!tpu.dma_semaphore, #tpu.memory_space<semaphore_mem>>) {add = true}
        %dma_wait3A_151 = arith.constant 0 : i32
        %dma_wait3A_152 = arith.constant 0 : i32
        %dma_wait3A_153 = tpu.memref_slice %arg16[%dma_wait3A_151, %dma_wait3A_152] : memref<10112x128xf32, #tpu.memory_space<vmem_shared>> -> memref<10112x128xf32, #tpu.memory_space<vmem_shared>>
        tpu.wait_indirect_dma semaphore(%run_scoped3A : memref<!tpu.dma_semaphore, #tpu.memory_space<semaphore_mem>>) src(%arg10 : memref<128x128xf32, #tpu.memory_space<vmem>>) dst(%dma_wait3A_153 : memref<10112x128xf32, #tpu.memory_space<vmem_shared>>)
        tpu.yield
      }) : () -> ()
      %dma_wait3A_142 = tpu.memref_slice %arg7[%mul3A_116] : memref<8704xi32, #tpu.memory_space<vmem>> -> memref<128xi32, #tpu.memory_space<vmem>>
      %dma_wait3A_143 = arith.constant 0 : i32
      %dma_wait3A_144 = arith.constant 0 : i32
      %dma_wait3A_145 = tpu.memref_slice %arg2[%dma_wait3A_143, %dma_wait3A_144] : memref<10000x128xf32, #tpu.memory_space<hbm>> -> memref<10000x128xf32, #tpu.memory_space<hbm>>
      tpu.wait_indirect_dma semaphore(%arg15 : memref<!tpu.dma_semaphore, #tpu.memory_space<semaphore_mem>>) src(%dma_wait3A_145 : memref<10000x128xf32, #tpu.memory_space<hbm>>) dst(%arg11 : memref<128x128xf32, #tpu.memory_space<vmem>>)
      %dma_wait3A_146 = tpu.memref_slice %arg4[%add3A_134] : memref<327680xi32, #tpu.memory_space<hbm>> -> memref<128xi32, #tpu.memory_space<hbm>>
      %dma_wait3A_147 = tpu.memref_slice %arg4[%add3A_134] : memref<327680xi32, #tpu.memory_space<hbm>> -> memref<128xi32, #tpu.memory_space<hbm>>
      tpu.wait_dma2 semaphore(%arg13 : memref<!tpu.dma_semaphore, #tpu.memory_space<semaphore_mem>>) src(%dma_wait3A_147 : memref<128xi32, #tpu.memory_space<hbm>>) dst(%arg9 : memref<128xi32, #tpu.memory_space<vmem>>)
      "tpu.region"() ({
        %run_scoped3A = tpu.sem_alloc : memref<!tpu.dma_semaphore, #tpu.memory_space<semaphore_mem>>
        %dma_start3A_148 = arith.constant 0 : i32
        %dma_start3A_149 = arith.constant 0 : i32
        %dma_start3A_150 = tpu.memref_slice %arg16[%dma_start3A_148, %dma_start3A_149] : memref<10112x128xf32, #tpu.memory_space<vmem_shared>> -> memref<10112x128xf32, #tpu.memory_space<vmem_shared>>
        tpu.enqueue_indirect_dma source(%arg11 : memref<128x128xf32, #tpu.memory_space<vmem>>) target(%dma_start3A_150 : memref<10112x128xf32, #tpu.memory_space<vmem_shared>>) offsets(%arg9 : memref<128xi32, #tpu.memory_space<vmem>>) semaphore(%run_scoped3A : memref<!tpu.dma_semaphore, #tpu.memory_space<semaphore_mem>>) {add = true}
        %dma_wait3A_151 = arith.constant 0 : i32
        %dma_wait3A_152 = arith.constant 0 : i32
        %dma_wait3A_153 = tpu.memref_slice %arg16[%dma_wait3A_151, %dma_wait3A_152] : memref<10112x128xf32, #tpu.memory_space<vmem_shared>> -> memref<10112x128xf32, #tpu.memory_space<vmem_shared>>
        tpu.wait_indirect_dma semaphore(%run_scoped3A : memref<!tpu.dma_semaphore, #tpu.memory_space<semaphore_mem>>) src(%arg11 : memref<128x128xf32, #tpu.memory_space<vmem>>) dst(%dma_wait3A_153 : memref<10112x128xf32, #tpu.memory_space<vmem_shared>>)
        tpu.yield
      }) : () -> ()
    }
    %while3A_97 = arith.constant 1 : i32
    scf.for %while3A_103 = %while3A_95 to %while3A_91 step %while3A_97  : i32 {
      %mul3A_104 = arith.constant 2 : i32
      %mul3A_105 = arith.muli %while3A_103, %mul3A_104 : i32
      %add3A_106 = arith.constant 0 : i32
      %add3A_107 = arith.addi %mul3A_105, %add3A_106 : i32
      %mul3A_108 = arith.constant 128 : i32
      %mul3A_109 = arith.muli %add3A_107, %mul3A_108 : i32
      %dma_start3A = tpu.memref_slice %arg7[%mul3A_109] : memref<8704xi32, #tpu.memory_space<vmem>> -> memref<128xi32, #tpu.memory_space<vmem>>
      %dma_start3A_110 = arith.constant 0 : i32
      %dma_start3A_111 = arith.constant 0 : i32
      %dma_start3A_112 = tpu.memref_slice %arg2[%dma_start3A_110, %dma_start3A_111] : memref<10000x128xf32, #tpu.memory_space<hbm>> -> memref<10000x128xf32, #tpu.memory_space<hbm>>
      tpu.enqueue_indirect_dma source(%dma_start3A_112 : memref<10000x128xf32, #tpu.memory_space<hbm>>) target(%arg10 : memref<128x128xf32, #tpu.memory_space<vmem>>) offsets(%dma_start3A : memref<128xi32, #tpu.memory_space<vmem>>) semaphore(%arg14 : memref<!tpu.dma_semaphore, #tpu.memory_space<semaphore_mem>>)
      %add3A_113 = arith.constant 1 : i32
      %add3A_114 = arith.addi %mul3A_105, %add3A_113 : i32
      %mul3A_115 = arith.constant 128 : i32
      %mul3A_116 = arith.muli %add3A_114, %mul3A_115 : i32
      %dma_start3A_117 = tpu.memref_slice %arg7[%mul3A_116] : memref<8704xi32, #tpu.memory_space<vmem>> -> memref<128xi32, #tpu.memory_space<vmem>>
      %dma_start3A_118 = arith.constant 0 : i32
      %dma_start3A_119 = arith.constant 0 : i32
      %dma_start3A_120 = tpu.memref_slice %arg2[%dma_start3A_118, %dma_start3A_119] : memref<10000x128xf32, #tpu.memory_space<hbm>> -> memref<10000x128xf32, #tpu.memory_space<hbm>>
      tpu.enqueue_indirect_dma source(%dma_start3A_120 : memref<10000x128xf32, #tpu.memory_space<hbm>>) target(%arg11 : memref<128x128xf32, #tpu.memory_space<vmem>>) offsets(%dma_start3A_117 : memref<128xi32, #tpu.memory_space<vmem>>) semaphore(%arg15 : memref<!tpu.dma_semaphore, #tpu.memory_space<semaphore_mem>>)
      %add3A_121 = arith.constant 0 : i32
      %add3A_122 = arith.addi %mul3A_105, %add3A_121 : i32
      %add3A_123 = arith.addi %select_n3A, %mul3A_63 : i32
      %mul3A_124 = arith.constant 128 : i32
      %mul3A_125 = arith.muli %add3A_122, %mul3A_124 : i32
      %add3A_126 = arith.addi %add3A_123, %mul3A_125 : i32
      %dma_start3A_127 = tpu.memref_slice %arg4[%add3A_126] : memref<327680xi32, #tpu.memory_space<hbm>> -> memref<128xi32, #tpu.memory_space<hbm>>
      %dma_start3A_128 = tpu.memref_slice %arg4[%add3A_126] : memref<327680xi32, #tpu.memory_space<hbm>> -> memref<128xi32, #tpu.memory_space<hbm>>
      tpu.enqueue_dma source(%dma_start3A_128 : memref<128xi32, #tpu.memory_space<hbm>>) target(%arg8 : memref<128xi32, #tpu.memory_space<vmem>>) target_semaphore(%arg12 : memref<!tpu.dma_semaphore, #tpu.memory_space<semaphore_mem>>)
      %add3A_129 = arith.constant 1 : i32
      %add3A_130 = arith.addi %mul3A_105, %add3A_129 : i32
      %add3A_131 = arith.addi %select_n3A, %mul3A_63 : i32
      %mul3A_132 = arith.constant 128 : i32
      %mul3A_133 = arith.muli %add3A_130, %mul3A_132 : i32
      %add3A_134 = arith.addi %add3A_131, %mul3A_133 : i32
      %dma_start3A_135 = tpu.memref_slice %arg4[%add3A_134] : memref<327680xi32, #tpu.memory_space<hbm>> -> memref<128xi32, #tpu.memory_space<hbm>>
      %dma_start3A_136 = tpu.memref_slice %arg4[%add3A_134] : memref<327680xi32, #tpu.memory_space<hbm>> -> memref<128xi32, #tpu.memory_space<hbm>>
      tpu.enqueue_dma source(%dma_start3A_136 : memref<128xi32, #tpu.memory_space<hbm>>) target(%arg9 : memref<128xi32, #tpu.memory_space<vmem>>) target_semaphore(%arg13 : memref<!tpu.dma_semaphore, #tpu.memory_space<semaphore_mem>>)
      %dma_wait3A = tpu.memref_slice %arg7[%mul3A_109] : memref<8704xi32, #tpu.memory_space<vmem>> -> memref<128xi32, #tpu.memory_space<vmem>>
      %dma_wait3A_137 = arith.constant 0 : i32
      %dma_wait3A_138 = arith.constant 0 : i32
      %dma_wait3A_139 = tpu.memref_slice %arg2[%dma_wait3A_137, %dma_wait3A_138] : memref<10000x128xf32, #tpu.memory_space<hbm>> -> memref<10000x128xf32, #tpu.memory_space<hbm>>
      tpu.wait_indirect_dma semaphore(%arg14 : memref<!tpu.dma_semaphore, #tpu.memory_space<semaphore_mem>>) src(%dma_wait3A_139 : memref<10000x128xf32, #tpu.memory_space<hbm>>) dst(%arg10 : memref<128x128xf32, #tpu.memory_space<vmem>>)
      %dma_wait3A_140 = tpu.memref_slice %arg4[%add3A_126] : memref<327680xi32, #tpu.memory_space<hbm>> -> memref<128xi32, #tpu.memory_space<hbm>>
      %dma_wait3A_141 = tpu.memref_slice %arg4[%add3A_126] : memref<327680xi32, #tpu.memory_space<hbm>> -> memref<128xi32, #tpu.memory_space<hbm>>
      tpu.wait_dma2 semaphore(%arg12 : memref<!tpu.dma_semaphore, #tpu.memory_space<semaphore_mem>>) src(%dma_wait3A_141 : memref<128xi32, #tpu.memory_space<hbm>>) dst(%arg8 : memref<128xi32, #tpu.memory_space<vmem>>)
      "tpu.region"() ({
        %run_scoped3A = tpu.sem_alloc : memref<!tpu.dma_semaphore, #tpu.memory_space<semaphore_mem>>
        %dma_start3A_148 = arith.constant 0 : i32
        %dma_start3A_149 = arith.constant 0 : i32
        %dma_start3A_150 = tpu.memref_slice %arg16[%dma_start3A_148, %dma_start3A_149] : memref<10112x128xf32, #tpu.memory_space<vmem_shared>> -> memref<10112x128xf32, #tpu.memory_space<vmem_shared>>
        tpu.enqueue_indirect_dma source(%arg10 : memref<128x128xf32, #tpu.memory_space<vmem>>) target(%dma_start3A_150 : memref<10112x128xf32, #tpu.memory_space<vmem_shared>>) offsets(%arg8 : memref<128xi32, #tpu.memory_space<vmem>>) semaphore(%run_scoped3A : memref<!tpu.dma_semaphore, #tpu.memory_space<semaphore_mem>>) {add = true}
        %dma_wait3A_151 = arith.constant 0 : i32
        %dma_wait3A_152 = arith.constant 0 : i32
        %dma_wait3A_153 = tpu.memref_slice %arg16[%dma_wait3A_151, %dma_wait3A_152] : memref<10112x128xf32, #tpu.memory_space<vmem_shared>> -> memref<10112x128xf32, #tpu.memory_space<vmem_shared>>
        tpu.wait_indirect_dma semaphore(%run_scoped3A : memref<!tpu.dma_semaphore, #tpu.memory_space<semaphore_mem>>) src(%arg10 : memref<128x128xf32, #tpu.memory_space<vmem>>) dst(%dma_wait3A_153 : memref<10112x128xf32, #tpu.memory_space<vmem_shared>>)
        tpu.yield
      }) : () -> ()
      %dma_wait3A_142 = tpu.memref_slice %arg7[%mul3A_116] : memref<8704xi32, #tpu.memory_space<vmem>> -> memref<128xi32, #tpu.memory_space<vmem>>
      %dma_wait3A_143 = arith.constant 0 : i32
      %dma_wait3A_144 = arith.constant 0 : i32
      %dma_wait3A_145 = tpu.memref_slice %arg2[%dma_wait3A_143, %dma_wait3A_144] : memref<10000x128xf32, #tpu.memory_space<hbm>> -> memref<10000x128xf32, #tpu.memory_space<hbm>>
      tpu.wait_indirect_dma semaphore(%arg15 : memref<!tpu.dma_semaphore, #tpu.memory_space<semaphore_mem>>) src(%dma_wait3A_145 : memref<10000x128xf32, #tpu.memory_space<hbm>>) dst(%arg11 : memref<128x128xf32, #tpu.memory_space<vmem>>)
      %dma_wait3A_146 = tpu.memref_slice %arg4[%add3A_134] : memref<327680xi32, #tpu.memory_space<hbm>> -> memref<128xi32, #tpu.memory_space<hbm>>
      %dma_wait3A_147 = tpu.memref_slice %arg4[%add3A_134] : memref<327680xi32, #tpu.memory_space<hbm>> -> memref<128xi32, #tpu.memory_space<hbm>>
      tpu.wait_dma2 semaphore(%arg13 : memref<!tpu.dma_semaphore, #tpu.memory_space<semaphore_mem>>) src(%dma_wait3A_147 : memref<128xi32, #tpu.memory_space<hbm>>) dst(%arg9 : memref<128xi32, #tpu.memory_space<vmem>>)
      "tpu.region"() ({
        %run_scoped3A = tpu.sem_alloc : memref<!tpu.dma_semaphore, #tpu.memory_space<semaphore_mem>>
        %dma_start3A_148 = arith.constant 0 : i32
        %dma_start3A_149 = arith.constant 0 : i32
        %dma_start3A_150 = tpu.memref_slice %arg16[%dma_start3A_148, %dma_start3A_149] : memref<10112x128xf32, #tpu.memory_space<vmem_shared>> -> memref<10112x128xf32, #tpu.memory_space<vmem_shared>>
        tpu.enqueue_indirect_dma source(%arg11 : memref<128x128xf32, #tpu.memory_space<vmem>>) target(%dma_start3A_150 : memref<10112x128xf32, #tpu.memory_space<vmem_shared>>) offsets(%arg9 : memref<128xi32, #tpu.memory_space<vmem>>) semaphore(%run_scoped3A : memref<!tpu.dma_semaphore, #tpu.memory_space<semaphore_mem>>) {add = true}
        %dma_wait3A_151 = arith.constant 0 : i32
        %dma_wait3A_152 = arith.constant 0 : i32
        %dma_wait3A_153 = tpu.memref_slice %arg16[%dma_wait3A_151, %dma_wait3A_152] : memref<10112x128xf32, #tpu.memory_space<vmem_shared>> -> memref<10112x128xf32, #tpu.memory_space<vmem_shared>>
        tpu.wait_indirect_dma semaphore(%run_scoped3A : memref<!tpu.dma_semaphore, #tpu.memory_space<semaphore_mem>>) src(%arg11 : memref<128x128xf32, #tpu.memory_space<vmem>>) dst(%dma_wait3A_153 : memref<10112x128xf32, #tpu.memory_space<vmem_shared>>)
        tpu.yield
      }) : () -> ()
    }
    %barrier3A_98 = arith.constant 0 : index
    tpu.barrier barrier_id(%barrier3A_98)
    %mul3A_99 = arith.constant 632 : i32
    %mul3A_100 = arith.muli %arg1, %mul3A_99 : i32
    %mul3A_101 = arith.constant 632 : i32
    %mul3A_102 = arith.muli %arg1, %mul3A_101 : i32
    "tpu.region"() ({
      %run_scoped3A = tpu.sem_alloc : memref<!tpu.dma_semaphore, #tpu.memory_space<semaphore_mem>>
      %dma_start3A = arith.constant 0 : i32
      %dma_start3A_103 = tpu.memref_slice %arg6[%arg0, %mul3A_102, %dma_start3A] : memref<2x10112x128xf32, #tpu.memory_space<hbm>> -> memref<1x632x128xf32, #tpu.memory_space<hbm>>
      %dma_start3A_104 = tpu.memref_squeeze %dma_start3A_103 : memref<1x632x128xf32, #tpu.memory_space<hbm>> -> memref<632x128xf32, #tpu.memory_space<hbm>>
      %dma_start3A_105 = arith.constant 0 : i32
      %dma_start3A_106 = tpu.memref_slice %arg16[%mul3A_100, %dma_start3A_105] : memref<10112x128xf32, #tpu.memory_space<vmem_shared>> -> memref<632x128xf32, #tpu.memory_space<vmem_shared>>
      tpu.enqueue_dma source(%dma_start3A_106 : memref<632x128xf32, #tpu.memory_space<vmem_shared>>) target(%dma_start3A_104 : memref<632x128xf32, #tpu.memory_space<hbm>>) target_semaphore(%run_scoped3A : memref<!tpu.dma_semaphore, #tpu.memory_space<semaphore_mem>>)
      %dma_wait3A = arith.constant 0 : i32
      %dma_wait3A_107 = tpu.memref_slice %arg6[%arg0, %mul3A_102, %dma_wait3A] : memref<2x10112x128xf32, #tpu.memory_space<hbm>> -> memref<1x632x128xf32, #tpu.memory_space<hbm>>
      %dma_wait3A_108 = tpu.memref_squeeze %dma_wait3A_107 : memref<1x632x128xf32, #tpu.memory_space<hbm>> -> memref<632x128xf32, #tpu.memory_space<hbm>>
      %dma_wait3A_109 = arith.constant 0 : i32
      %dma_wait3A_110 = tpu.memref_slice %arg16[%mul3A_100, %dma_wait3A_109] : memref<10112x128xf32, #tpu.memory_space<vmem_shared>> -> memref<632x128xf32, #tpu.memory_space<vmem_shared>>
      tpu.wait_dma2 semaphore(%run_scoped3A : memref<!tpu.dma_semaphore, #tpu.memory_space<semaphore_mem>>) src(%dma_wait3A_110 : memref<632x128xf32, #tpu.memory_space<vmem_shared>>) dst(%dma_wait3A_108 : memref<632x128xf32, #tpu.memory_space<hbm>>)
      tpu.yield
    }) : () -> ()
    return
  }
}

#map = affine_map<(d0, d1) -> (0, 0)>
#map1 = affine_map<(d0, d1) -> (0)>
#map2 = affine_map<(d0, d1) -> (0, 0, 0)>
module attributes {stable_mosaic.version = 14 : i64} {
  func.func @_prop_body(%arg0: i32, %arg1: i32, %arg2: memref<10000x128xf32, #tpu.memory_space<hbm>>, %arg3: memref<327680xi32, #tpu.memory_space<hbm>>, %arg4: memref<327680xi32, #tpu.memory_space<hbm>>, %arg5: memref<632x128xf32, #tpu.memory_space<hbm>>, %arg6: memref<2x10112x128xf32, #tpu.memory_space<hbm>>, %arg7: memref<8704xi32, #tpu.memory_space<vmem>>, %arg8: memref<128xi32, #tpu.memory_space<vmem>>, %arg9: memref<128xi32, #tpu.memory_space<vmem>>, %arg10: memref<128x128xf32, #tpu.memory_space<vmem>>, %arg11: memref<128x128xf32, #tpu.memory_space<vmem>>, %arg12: memref<!tpu.dma_semaphore, #tpu.memory_space<semaphore_mem>>, %arg13: memref<!tpu.dma_semaphore, #tpu.memory_space<semaphore_mem>>, %arg14: memref<!tpu.dma_semaphore, #tpu.memory_space<semaphore_mem>>, %arg15: memref<!tpu.dma_semaphore, #tpu.memory_space<semaphore_mem>>, %arg16: memref<10112x128xf32, #tpu.memory_space<vmem_shared>>) attributes {dimension_semantics = [#tpu.dimension_semantics<core_parallel>, #tpu.dimension_semantics<subcore_parallel>], iteration_bounds = array<i64: 2, 16>, scalar_prefetch = 0 : i64, scratch_operands = 10 : i64, tpu.core_type = #tpu.core_type<sc_vector_subcore>, window_params = [{transform_indices = #map}, {transform_indices = #map1}, {transform_indices = #map1}, {transform_indices = #map}, {transform_indices = #map2}]} {
    %eq3A = arith.constant 0 : i32
    %eq3A_0 = arith.cmpi eq, %arg0, %eq3A : i32
    %mul3A = arith.constant 17408 : i32
    %mul3A_1 = arith.muli %arg1, %mul3A : i32
    %mul3A_2 = arith.constant 3072 : i32
    %mul3A_3 = arith.muli %arg1, %mul3A_2 : i32
    %add3A = arith.constant 278528 : i32
    %add3A_4 = arith.addi %add3A, %mul3A_3 : i32
    %select_n3A = arith.select %eq3A_0, %mul3A_1, %add3A_4 : i32
    %eq3A_5 = arith.constant 0 : i32
    %eq3A_6 = arith.cmpi eq, %arg0, %eq3A_5 : i32
    %jit3A = arith.constant 68 : i32
    %jit3A_7 = arith.constant 12 : i32
    %select_n3A_8 = arith.select %eq3A_6, %jit3A, %jit3A_7 : i32
    %mul3A_9 = arith.constant 632 : i32
    %mul3A_10 = arith.muli %arg1, %mul3A_9 : i32
    "tpu.region"() ({
      %run_scoped3A = tpu.sem_alloc : memref<!tpu.dma_semaphore, #tpu.memory_space<semaphore_mem>>
      %dma_start3A = arith.constant 0 : i32
      %dma_start3A_103 = tpu.memref_slice %arg16[%mul3A_10, %dma_start3A] : memref<10112x128xf32, #tpu.memory_space<vmem_shared>> -> memref<632x128xf32, #tpu.memory_space<vmem_shared>>
      tpu.enqueue_dma source(%arg5 : memref<632x128xf32, #tpu.memory_space<hbm>>) target(%dma_start3A_103 : memref<632x128xf32, #tpu.memory_space<vmem_shared>>) target_semaphore(%run_scoped3A : memref<!tpu.dma_semaphore, #tpu.memory_space<semaphore_mem>>)
      %dma_wait3A = arith.constant 0 : i32
      %dma_wait3A_104 = tpu.memref_slice %arg16[%mul3A_10, %dma_wait3A] : memref<10112x128xf32, #tpu.memory_space<vmem_shared>> -> memref<632x128xf32, #tpu.memory_space<vmem_shared>>
      tpu.wait_dma2 semaphore(%run_scoped3A : memref<!tpu.dma_semaphore, #tpu.memory_space<semaphore_mem>>) src(%arg5 : memref<632x128xf32, #tpu.memory_space<hbm>>) dst(%dma_wait3A_104 : memref<632x128xf32, #tpu.memory_space<vmem_shared>>)
      tpu.yield
    }) : () -> ()
    %eq3A_11 = arith.constant 0 : i32
    %eq3A_12 = arith.cmpi eq, %arg0, %eq3A_11 : i32
    %convert_element_type3A = arith.extui %eq3A_12 : i1 to i32
    %cond3A = arith.constant 0 : i32
    %cond3A_13 = arith.cmpi ne, %convert_element_type3A, %cond3A : i32
    scf.if %cond3A_13 {
      %add3A_103 = arith.constant 0 : i32
      %add3A_104 = arith.addi %select_n3A, %add3A_103 : i32
      "tpu.region"() ({
        %run_scoped3A = tpu.sem_alloc : memref<!tpu.dma_semaphore, #tpu.memory_space<semaphore_mem>>
        %dma_start3A = arith.constant 0 : i32
        %dma_start3A_105 = tpu.memref_slice %arg7[%dma_start3A] : memref<8704xi32, #tpu.memory_space<vmem>> -> memref<8704xi32, #tpu.memory_space<vmem>>
        %dma_start3A_106 = tpu.memref_slice %arg3[%add3A_104] : memref<327680xi32, #tpu.memory_space<hbm>> -> memref<8704xi32, #tpu.memory_space<hbm>>
        %dma_start3A_107 = arith.constant 0 : i32
        %dma_start3A_108 = tpu.memref_slice %arg7[%dma_start3A_107] : memref<8704xi32, #tpu.memory_space<vmem>> -> memref<8704xi32, #tpu.memory_space<vmem>>
        %dma_start3A_109 = tpu.memref_slice %arg3[%add3A_104] : memref<327680xi32, #tpu.memory_space<hbm>> -> memref<8704xi32, #tpu.memory_space<hbm>>
        tpu.enqueue_dma source(%dma_start3A_109 : memref<8704xi32, #tpu.memory_space<hbm>>) target(%dma_start3A_108 : memref<8704xi32, #tpu.memory_space<vmem>>) target_semaphore(%run_scoped3A : memref<!tpu.dma_semaphore, #tpu.memory_space<semaphore_mem>>)
        %dma_wait3A = arith.constant 0 : i32
        %dma_wait3A_110 = tpu.memref_slice %arg7[%dma_wait3A] : memref<8704xi32, #tpu.memory_space<vmem>> -> memref<8704xi32, #tpu.memory_space<vmem>>
        %dma_wait3A_111 = tpu.memref_slice %arg3[%add3A_104] : memref<327680xi32, #tpu.memory_space<hbm>> -> memref<8704xi32, #tpu.memory_space<hbm>>
        %dma_wait3A_112 = arith.constant 0 : i32
        %dma_wait3A_113 = tpu.memref_slice %arg7[%dma_wait3A_112] : memref<8704xi32, #tpu.memory_space<vmem>> -> memref<8704xi32, #tpu.memory_space<vmem>>
        %dma_wait3A_114 = tpu.memref_slice %arg3[%add3A_104] : memref<327680xi32, #tpu.memory_space<hbm>> -> memref<8704xi32, #tpu.memory_space<hbm>>
        tpu.wait_dma2 semaphore(%run_scoped3A : memref<!tpu.dma_semaphore, #tpu.memory_space<semaphore_mem>>) src(%dma_wait3A_114 : memref<8704xi32, #tpu.memory_space<hbm>>) dst(%dma_wait3A_113 : memref<8704xi32, #tpu.memory_space<vmem>>)
        tpu.yield
      }) : () -> ()
    } else {
    }
    %eq3A_14 = arith.constant 1 : i32
    %eq3A_15 = arith.cmpi eq, %arg0, %eq3A_14 : i32
    %convert_element_type3A_16 = arith.extui %eq3A_15 : i1 to i32
    %cond3A_17 = arith.constant 0 : i32
    %cond3A_18 = arith.cmpi ne, %convert_element_type3A_16, %cond3A_17 : i32
    scf.if %cond3A_18 {
      %add3A_103 = arith.constant 0 : i32
      %add3A_104 = arith.addi %select_n3A, %add3A_103 : i32
      "tpu.region"() ({
        %run_scoped3A = tpu.sem_alloc : memref<!tpu.dma_semaphore, #tpu.memory_space<semaphore_mem>>
        %dma_start3A = arith.constant 0 : i32
        %dma_start3A_105 = tpu.memref_slice %arg7[%dma_start3A] : memref<8704xi32, #tpu.memory_space<vmem>> -> memref<1536xi32, #tpu.memory_space<vmem>>
        %dma_start3A_106 = tpu.memref_slice %arg3[%add3A_104] : memref<327680xi32, #tpu.memory_space<hbm>> -> memref<1536xi32, #tpu.memory_space<hbm>>
        %dma_start3A_107 = arith.constant 0 : i32
        %dma_start3A_108 = tpu.memref_slice %arg7[%dma_start3A_107] : memref<8704xi32, #tpu.memory_space<vmem>> -> memref<1536xi32, #tpu.memory_space<vmem>>
        %dma_start3A_109 = tpu.memref_slice %arg3[%add3A_104] : memref<327680xi32, #tpu.memory_space<hbm>> -> memref<1536xi32, #tpu.memory_space<hbm>>
        tpu.enqueue_dma source(%dma_start3A_109 : memref<1536xi32, #tpu.memory_space<hbm>>) target(%dma_start3A_108 : memref<1536xi32, #tpu.memory_space<vmem>>) target_semaphore(%run_scoped3A : memref<!tpu.dma_semaphore, #tpu.memory_space<semaphore_mem>>)
        %dma_wait3A = arith.constant 0 : i32
        %dma_wait3A_110 = tpu.memref_slice %arg7[%dma_wait3A] : memref<8704xi32, #tpu.memory_space<vmem>> -> memref<1536xi32, #tpu.memory_space<vmem>>
        %dma_wait3A_111 = tpu.memref_slice %arg3[%add3A_104] : memref<327680xi32, #tpu.memory_space<hbm>> -> memref<1536xi32, #tpu.memory_space<hbm>>
        %dma_wait3A_112 = arith.constant 0 : i32
        %dma_wait3A_113 = tpu.memref_slice %arg7[%dma_wait3A_112] : memref<8704xi32, #tpu.memory_space<vmem>> -> memref<1536xi32, #tpu.memory_space<vmem>>
        %dma_wait3A_114 = tpu.memref_slice %arg3[%add3A_104] : memref<327680xi32, #tpu.memory_space<hbm>> -> memref<1536xi32, #tpu.memory_space<hbm>>
        tpu.wait_dma2 semaphore(%run_scoped3A : memref<!tpu.dma_semaphore, #tpu.memory_space<semaphore_mem>>) src(%dma_wait3A_114 : memref<1536xi32, #tpu.memory_space<hbm>>) dst(%dma_wait3A_113 : memref<1536xi32, #tpu.memory_space<vmem>>)
        tpu.yield
      }) : () -> ()
    } else {
    }
    %barrier3A = arith.constant 0 : index
    tpu.barrier barrier_id(%barrier3A)
    %mul3A_19 = arith.constant 0 : i32
    %mul3A_20 = arith.muli %mul3A_19, %select_n3A_8 : i32
    %mul3A_21 = arith.constant 128 : i32
    %mul3A_22 = arith.muli %mul3A_20, %mul3A_21 : i32
    %jit3A_23 = arith.constant 2 : i32
    %div3A = arith.divsi %select_n3A_8, %jit3A_23 : i32
    %sign3A = arith.constant 0 : i32
    %sign3A_24 = arith.cmpi sgt, %select_n3A_8, %sign3A : i32
    %sign3A_25 = arith.extui %sign3A_24 : i1 to i32
    %sign3A_26 = arith.constant 0 : i32
    %sign3A_27 = arith.cmpi slt, %select_n3A_8, %sign3A_26 : i32
    %sign3A_28 = arith.extui %sign3A_27 : i1 to i32
    %sign3A_29 = arith.subi %sign3A_25, %sign3A_28 : i32
    %sign3A_30 = arith.constant 0 : i32
    %sign3A_31 = arith.cmpi sgt, %jit3A_23, %sign3A_30 : i32
    %sign3A_32 = arith.extui %sign3A_31 : i1 to i32
    %sign3A_33 = arith.constant 0 : i32
    %sign3A_34 = arith.cmpi slt, %jit3A_23, %sign3A_33 : i32
    %sign3A_35 = arith.extui %sign3A_34 : i1 to i32
    %sign3A_36 = arith.subi %sign3A_32, %sign3A_35 : i32
    %ne3A = arith.cmpi ne, %sign3A_29, %sign3A_36 : i32
    %rem3A = arith.remsi %select_n3A_8, %jit3A_23 : i32
    %ne3A_37 = arith.constant 0 : i32
    %ne3A_38 = arith.cmpi ne, %rem3A, %ne3A_37 : i32
    %and3A = arith.andi %ne3A, %ne3A_38 : i1
    %sub3A = arith.constant 1 : i32
    %sub3A_39 = arith.subi %div3A, %sub3A : i32
    %select_n3A_40 = arith.select %and3A, %sub3A_39, %div3A : i32
    %while3A = arith.constant 0 : i32
    %while3A_41 = arith.constant 0 : i32
    %while3A_42 = arith.subi %select_n3A_40, %while3A_41 : i32
    %while3A_43 = arith.addi %while3A_41, %while3A_42 : i32
    %while3A_44 = arith.constant 1 : i32
    %while3A_45 = arith.divsi %while3A_42, %while3A_44 : i32
    %while3A_46 = arith.muli %while3A_45, %while3A_44 : i32
    %while3A_47 = arith.addi %while3A_41, %while3A_46 : i32
    %while3A_48 = arith.constant 1 : i32
    scf.for %while3A_103 = %while3A_41 to %while3A_47 step %while3A_48  : i32 {
      %mul3A_104 = arith.constant 2 : i32
      %mul3A_105 = arith.muli %while3A_103, %mul3A_104 : i32
      %add3A_106 = arith.constant 0 : i32
      %add3A_107 = arith.addi %mul3A_105, %add3A_106 : i32
      %mul3A_108 = arith.constant 128 : i32
      %mul3A_109 = arith.muli %add3A_107, %mul3A_108 : i32
      %dma_start3A = tpu.memref_slice %arg7[%mul3A_109] : memref<8704xi32, #tpu.memory_space<vmem>> -> memref<128xi32, #tpu.memory_space<vmem>>
      %dma_start3A_110 = arith.constant 0 : i32
      %dma_start3A_111 = arith.constant 0 : i32
      %dma_start3A_112 = tpu.memref_slice %arg2[%dma_start3A_110, %dma_start3A_111] : memref<10000x128xf32, #tpu.memory_space<hbm>> -> memref<10000x128xf32, #tpu.memory_space<hbm>>
      tpu.enqueue_indirect_dma source(%dma_start3A_112 : memref<10000x128xf32, #tpu.memory_space<hbm>>) target(%arg10 : memref<128x128xf32, #tpu.memory_space<vmem>>) offsets(%dma_start3A : memref<128xi32, #tpu.memory_space<vmem>>) semaphore(%arg14 : memref<!tpu.dma_semaphore, #tpu.memory_space<semaphore_mem>>)
      %add3A_113 = arith.constant 1 : i32
      %add3A_114 = arith.addi %mul3A_105, %add3A_113 : i32
      %mul3A_115 = arith.constant 128 : i32
      %mul3A_116 = arith.muli %add3A_114, %mul3A_115 : i32
      %dma_start3A_117 = tpu.memref_slice %arg7[%mul3A_116] : memref<8704xi32, #tpu.memory_space<vmem>> -> memref<128xi32, #tpu.memory_space<vmem>>
      %dma_start3A_118 = arith.constant 0 : i32
      %dma_start3A_119 = arith.constant 0 : i32
      %dma_start3A_120 = tpu.memref_slice %arg2[%dma_start3A_118, %dma_start3A_119] : memref<10000x128xf32, #tpu.memory_space<hbm>> -> memref<10000x128xf32, #tpu.memory_space<hbm>>
      tpu.enqueue_indirect_dma source(%dma_start3A_120 : memref<10000x128xf32, #tpu.memory_space<hbm>>) target(%arg11 : memref<128x128xf32, #tpu.memory_space<vmem>>) offsets(%dma_start3A_117 : memref<128xi32, #tpu.memory_space<vmem>>) semaphore(%arg15 : memref<!tpu.dma_semaphore, #tpu.memory_space<semaphore_mem>>)
      %add3A_121 = arith.constant 0 : i32
      %add3A_122 = arith.addi %mul3A_105, %add3A_121 : i32
      %add3A_123 = arith.addi %select_n3A, %mul3A_22 : i32
      %mul3A_124 = arith.constant 128 : i32
      %mul3A_125 = arith.muli %add3A_122, %mul3A_124 : i32
      %add3A_126 = arith.addi %add3A_123, %mul3A_125 : i32
      %dma_start3A_127 = tpu.memref_slice %arg4[%add3A_126] : memref<327680xi32, #tpu.memory_space<hbm>> -> memref<128xi32, #tpu.memory_space<hbm>>
      %dma_start3A_128 = tpu.memref_slice %arg4[%add3A_126] : memref<327680xi32, #tpu.memory_space<hbm>> -> memref<128xi32, #tpu.memory_space<hbm>>
      tpu.enqueue_dma source(%dma_start3A_128 : memref<128xi32, #tpu.memory_space<hbm>>) target(%arg8 : memref<128xi32, #tpu.memory_space<vmem>>) target_semaphore(%arg12 : memref<!tpu.dma_semaphore, #tpu.memory_space<semaphore_mem>>)
      %add3A_129 = arith.constant 1 : i32
      %add3A_130 = arith.addi %mul3A_105, %add3A_129 : i32
      %add3A_131 = arith.addi %select_n3A, %mul3A_22 : i32
      %mul3A_132 = arith.constant 128 : i32
      %mul3A_133 = arith.muli %add3A_130, %mul3A_132 : i32
      %add3A_134 = arith.addi %add3A_131, %mul3A_133 : i32
      %dma_start3A_135 = tpu.memref_slice %arg4[%add3A_134] : memref<327680xi32, #tpu.memory_space<hbm>> -> memref<128xi32, #tpu.memory_space<hbm>>
      %dma_start3A_136 = tpu.memref_slice %arg4[%add3A_134] : memref<327680xi32, #tpu.memory_space<hbm>> -> memref<128xi32, #tpu.memory_space<hbm>>
      tpu.enqueue_dma source(%dma_start3A_136 : memref<128xi32, #tpu.memory_space<hbm>>) target(%arg9 : memref<128xi32, #tpu.memory_space<vmem>>) target_semaphore(%arg13 : memref<!tpu.dma_semaphore, #tpu.memory_space<semaphore_mem>>)
      %dma_wait3A = tpu.memref_slice %arg7[%mul3A_109] : memref<8704xi32, #tpu.memory_space<vmem>> -> memref<128xi32, #tpu.memory_space<vmem>>
      %dma_wait3A_137 = arith.constant 0 : i32
      %dma_wait3A_138 = arith.constant 0 : i32
      %dma_wait3A_139 = tpu.memref_slice %arg2[%dma_wait3A_137, %dma_wait3A_138] : memref<10000x128xf32, #tpu.memory_space<hbm>> -> memref<10000x128xf32, #tpu.memory_space<hbm>>
      tpu.wait_indirect_dma semaphore(%arg14 : memref<!tpu.dma_semaphore, #tpu.memory_space<semaphore_mem>>) src(%dma_wait3A_139 : memref<10000x128xf32, #tpu.memory_space<hbm>>) dst(%arg10 : memref<128x128xf32, #tpu.memory_space<vmem>>)
      %dma_wait3A_140 = tpu.memref_slice %arg4[%add3A_126] : memref<327680xi32, #tpu.memory_space<hbm>> -> memref<128xi32, #tpu.memory_space<hbm>>
      %dma_wait3A_141 = tpu.memref_slice %arg4[%add3A_126] : memref<327680xi32, #tpu.memory_space<hbm>> -> memref<128xi32, #tpu.memory_space<hbm>>
      tpu.wait_dma2 semaphore(%arg12 : memref<!tpu.dma_semaphore, #tpu.memory_space<semaphore_mem>>) src(%dma_wait3A_141 : memref<128xi32, #tpu.memory_space<hbm>>) dst(%arg8 : memref<128xi32, #tpu.memory_space<vmem>>)
      "tpu.region"() ({
        %run_scoped3A = tpu.sem_alloc : memref<!tpu.dma_semaphore, #tpu.memory_space<semaphore_mem>>
        %dma_start3A_148 = arith.constant 0 : i32
        %dma_start3A_149 = arith.constant 0 : i32
        %dma_start3A_150 = tpu.memref_slice %arg16[%dma_start3A_148, %dma_start3A_149] : memref<10112x128xf32, #tpu.memory_space<vmem_shared>> -> memref<10112x128xf32, #tpu.memory_space<vmem_shared>>
        tpu.enqueue_indirect_dma source(%arg10 : memref<128x128xf32, #tpu.memory_space<vmem>>) target(%dma_start3A_150 : memref<10112x128xf32, #tpu.memory_space<vmem_shared>>) offsets(%arg8 : memref<128xi32, #tpu.memory_space<vmem>>) semaphore(%run_scoped3A : memref<!tpu.dma_semaphore, #tpu.memory_space<semaphore_mem>>) {add = true}
        %dma_wait3A_151 = arith.constant 0 : i32
        %dma_wait3A_152 = arith.constant 0 : i32
        %dma_wait3A_153 = tpu.memref_slice %arg16[%dma_wait3A_151, %dma_wait3A_152] : memref<10112x128xf32, #tpu.memory_space<vmem_shared>> -> memref<10112x128xf32, #tpu.memory_space<vmem_shared>>
        tpu.wait_indirect_dma semaphore(%run_scoped3A : memref<!tpu.dma_semaphore, #tpu.memory_space<semaphore_mem>>) src(%arg10 : memref<128x128xf32, #tpu.memory_space<vmem>>) dst(%dma_wait3A_153 : memref<10112x128xf32, #tpu.memory_space<vmem_shared>>)
        tpu.yield
      }) : () -> ()
      %dma_wait3A_142 = tpu.memref_slice %arg7[%mul3A_116] : memref<8704xi32, #tpu.memory_space<vmem>> -> memref<128xi32, #tpu.memory_space<vmem>>
      %dma_wait3A_143 = arith.constant 0 : i32
      %dma_wait3A_144 = arith.constant 0 : i32
      %dma_wait3A_145 = tpu.memref_slice %arg2[%dma_wait3A_143, %dma_wait3A_144] : memref<10000x128xf32, #tpu.memory_space<hbm>> -> memref<10000x128xf32, #tpu.memory_space<hbm>>
      tpu.wait_indirect_dma semaphore(%arg15 : memref<!tpu.dma_semaphore, #tpu.memory_space<semaphore_mem>>) src(%dma_wait3A_145 : memref<10000x128xf32, #tpu.memory_space<hbm>>) dst(%arg11 : memref<128x128xf32, #tpu.memory_space<vmem>>)
      %dma_wait3A_146 = tpu.memref_slice %arg4[%add3A_134] : memref<327680xi32, #tpu.memory_space<hbm>> -> memref<128xi32, #tpu.memory_space<hbm>>
      %dma_wait3A_147 = tpu.memref_slice %arg4[%add3A_134] : memref<327680xi32, #tpu.memory_space<hbm>> -> memref<128xi32, #tpu.memory_space<hbm>>
      tpu.wait_dma2 semaphore(%arg13 : memref<!tpu.dma_semaphore, #tpu.memory_space<semaphore_mem>>) src(%dma_wait3A_147 : memref<128xi32, #tpu.memory_space<hbm>>) dst(%arg9 : memref<128xi32, #tpu.memory_space<vmem>>)
      "tpu.region"() ({
        %run_scoped3A = tpu.sem_alloc : memref<!tpu.dma_semaphore, #tpu.memory_space<semaphore_mem>>
        %dma_start3A_148 = arith.constant 0 : i32
        %dma_start3A_149 = arith.constant 0 : i32
        %dma_start3A_150 = tpu.memref_slice %arg16[%dma_start3A_148, %dma_start3A_149] : memref<10112x128xf32, #tpu.memory_space<vmem_shared>> -> memref<10112x128xf32, #tpu.memory_space<vmem_shared>>
        tpu.enqueue_indirect_dma source(%arg11 : memref<128x128xf32, #tpu.memory_space<vmem>>) target(%dma_start3A_150 : memref<10112x128xf32, #tpu.memory_space<vmem_shared>>) offsets(%arg9 : memref<128xi32, #tpu.memory_space<vmem>>) semaphore(%run_scoped3A : memref<!tpu.dma_semaphore, #tpu.memory_space<semaphore_mem>>) {add = true}
        %dma_wait3A_151 = arith.constant 0 : i32
        %dma_wait3A_152 = arith.constant 0 : i32
        %dma_wait3A_153 = tpu.memref_slice %arg16[%dma_wait3A_151, %dma_wait3A_152] : memref<10112x128xf32, #tpu.memory_space<vmem_shared>> -> memref<10112x128xf32, #tpu.memory_space<vmem_shared>>
        tpu.wait_indirect_dma semaphore(%run_scoped3A : memref<!tpu.dma_semaphore, #tpu.memory_space<semaphore_mem>>) src(%arg11 : memref<128x128xf32, #tpu.memory_space<vmem>>) dst(%dma_wait3A_153 : memref<10112x128xf32, #tpu.memory_space<vmem_shared>>)
        tpu.yield
      }) : () -> ()
    }
    %while3A_49 = arith.constant 1 : i32
    scf.for %while3A_103 = %while3A_47 to %while3A_43 step %while3A_49  : i32 {
      %mul3A_104 = arith.constant 2 : i32
      %mul3A_105 = arith.muli %while3A_103, %mul3A_104 : i32
      %add3A_106 = arith.constant 0 : i32
      %add3A_107 = arith.addi %mul3A_105, %add3A_106 : i32
      %mul3A_108 = arith.constant 128 : i32
      %mul3A_109 = arith.muli %add3A_107, %mul3A_108 : i32
      %dma_start3A = tpu.memref_slice %arg7[%mul3A_109] : memref<8704xi32, #tpu.memory_space<vmem>> -> memref<128xi32, #tpu.memory_space<vmem>>
      %dma_start3A_110 = arith.constant 0 : i32
      %dma_start3A_111 = arith.constant 0 : i32
      %dma_start3A_112 = tpu.memref_slice %arg2[%dma_start3A_110, %dma_start3A_111] : memref<10000x128xf32, #tpu.memory_space<hbm>> -> memref<10000x128xf32, #tpu.memory_space<hbm>>
      tpu.enqueue_indirect_dma source(%dma_start3A_112 : memref<10000x128xf32, #tpu.memory_space<hbm>>) target(%arg10 : memref<128x128xf32, #tpu.memory_space<vmem>>) offsets(%dma_start3A : memref<128xi32, #tpu.memory_space<vmem>>) semaphore(%arg14 : memref<!tpu.dma_semaphore, #tpu.memory_space<semaphore_mem>>)
      %add3A_113 = arith.constant 1 : i32
      %add3A_114 = arith.addi %mul3A_105, %add3A_113 : i32
      %mul3A_115 = arith.constant 128 : i32
      %mul3A_116 = arith.muli %add3A_114, %mul3A_115 : i32
      %dma_start3A_117 = tpu.memref_slice %arg7[%mul3A_116] : memref<8704xi32, #tpu.memory_space<vmem>> -> memref<128xi32, #tpu.memory_space<vmem>>
      %dma_start3A_118 = arith.constant 0 : i32
      %dma_start3A_119 = arith.constant 0 : i32
      %dma_start3A_120 = tpu.memref_slice %arg2[%dma_start3A_118, %dma_start3A_119] : memref<10000x128xf32, #tpu.memory_space<hbm>> -> memref<10000x128xf32, #tpu.memory_space<hbm>>
      tpu.enqueue_indirect_dma source(%dma_start3A_120 : memref<10000x128xf32, #tpu.memory_space<hbm>>) target(%arg11 : memref<128x128xf32, #tpu.memory_space<vmem>>) offsets(%dma_start3A_117 : memref<128xi32, #tpu.memory_space<vmem>>) semaphore(%arg15 : memref<!tpu.dma_semaphore, #tpu.memory_space<semaphore_mem>>)
      %add3A_121 = arith.constant 0 : i32
      %add3A_122 = arith.addi %mul3A_105, %add3A_121 : i32
      %add3A_123 = arith.addi %select_n3A, %mul3A_22 : i32
      %mul3A_124 = arith.constant 128 : i32
      %mul3A_125 = arith.muli %add3A_122, %mul3A_124 : i32
      %add3A_126 = arith.addi %add3A_123, %mul3A_125 : i32
      %dma_start3A_127 = tpu.memref_slice %arg4[%add3A_126] : memref<327680xi32, #tpu.memory_space<hbm>> -> memref<128xi32, #tpu.memory_space<hbm>>
      %dma_start3A_128 = tpu.memref_slice %arg4[%add3A_126] : memref<327680xi32, #tpu.memory_space<hbm>> -> memref<128xi32, #tpu.memory_space<hbm>>
      tpu.enqueue_dma source(%dma_start3A_128 : memref<128xi32, #tpu.memory_space<hbm>>) target(%arg8 : memref<128xi32, #tpu.memory_space<vmem>>) target_semaphore(%arg12 : memref<!tpu.dma_semaphore, #tpu.memory_space<semaphore_mem>>)
      %add3A_129 = arith.constant 1 : i32
      %add3A_130 = arith.addi %mul3A_105, %add3A_129 : i32
      %add3A_131 = arith.addi %select_n3A, %mul3A_22 : i32
      %mul3A_132 = arith.constant 128 : i32
      %mul3A_133 = arith.muli %add3A_130, %mul3A_132 : i32
      %add3A_134 = arith.addi %add3A_131, %mul3A_133 : i32
      %dma_start3A_135 = tpu.memref_slice %arg4[%add3A_134] : memref<327680xi32, #tpu.memory_space<hbm>> -> memref<128xi32, #tpu.memory_space<hbm>>
      %dma_start3A_136 = tpu.memref_slice %arg4[%add3A_134] : memref<327680xi32, #tpu.memory_space<hbm>> -> memref<128xi32, #tpu.memory_space<hbm>>
      tpu.enqueue_dma source(%dma_start3A_136 : memref<128xi32, #tpu.memory_space<hbm>>) target(%arg9 : memref<128xi32, #tpu.memory_space<vmem>>) target_semaphore(%arg13 : memref<!tpu.dma_semaphore, #tpu.memory_space<semaphore_mem>>)
      %dma_wait3A = tpu.memref_slice %arg7[%mul3A_109] : memref<8704xi32, #tpu.memory_space<vmem>> -> memref<128xi32, #tpu.memory_space<vmem>>
      %dma_wait3A_137 = arith.constant 0 : i32
      %dma_wait3A_138 = arith.constant 0 : i32
      %dma_wait3A_139 = tpu.memref_slice %arg2[%dma_wait3A_137, %dma_wait3A_138] : memref<10000x128xf32, #tpu.memory_space<hbm>> -> memref<10000x128xf32, #tpu.memory_space<hbm>>
      tpu.wait_indirect_dma semaphore(%arg14 : memref<!tpu.dma_semaphore, #tpu.memory_space<semaphore_mem>>) src(%dma_wait3A_139 : memref<10000x128xf32, #tpu.memory_space<hbm>>) dst(%arg10 : memref<128x128xf32, #tpu.memory_space<vmem>>)
      %dma_wait3A_140 = tpu.memref_slice %arg4[%add3A_126] : memref<327680xi32, #tpu.memory_space<hbm>> -> memref<128xi32, #tpu.memory_space<hbm>>
      %dma_wait3A_141 = tpu.memref_slice %arg4[%add3A_126] : memref<327680xi32, #tpu.memory_space<hbm>> -> memref<128xi32, #tpu.memory_space<hbm>>
      tpu.wait_dma2 semaphore(%arg12 : memref<!tpu.dma_semaphore, #tpu.memory_space<semaphore_mem>>) src(%dma_wait3A_141 : memref<128xi32, #tpu.memory_space<hbm>>) dst(%arg8 : memref<128xi32, #tpu.memory_space<vmem>>)
      "tpu.region"() ({
        %run_scoped3A = tpu.sem_alloc : memref<!tpu.dma_semaphore, #tpu.memory_space<semaphore_mem>>
        %dma_start3A_148 = arith.constant 0 : i32
        %dma_start3A_149 = arith.constant 0 : i32
        %dma_start3A_150 = tpu.memref_slice %arg16[%dma_start3A_148, %dma_start3A_149] : memref<10112x128xf32, #tpu.memory_space<vmem_shared>> -> memref<10112x128xf32, #tpu.memory_space<vmem_shared>>
        tpu.enqueue_indirect_dma source(%arg10 : memref<128x128xf32, #tpu.memory_space<vmem>>) target(%dma_start3A_150 : memref<10112x128xf32, #tpu.memory_space<vmem_shared>>) offsets(%arg8 : memref<128xi32, #tpu.memory_space<vmem>>) semaphore(%run_scoped3A : memref<!tpu.dma_semaphore, #tpu.memory_space<semaphore_mem>>) {add = true}
        %dma_wait3A_151 = arith.constant 0 : i32
        %dma_wait3A_152 = arith.constant 0 : i32
        %dma_wait3A_153 = tpu.memref_slice %arg16[%dma_wait3A_151, %dma_wait3A_152] : memref<10112x128xf32, #tpu.memory_space<vmem_shared>> -> memref<10112x128xf32, #tpu.memory_space<vmem_shared>>
        tpu.wait_indirect_dma semaphore(%run_scoped3A : memref<!tpu.dma_semaphore, #tpu.memory_space<semaphore_mem>>) src(%arg10 : memref<128x128xf32, #tpu.memory_space<vmem>>) dst(%dma_wait3A_153 : memref<10112x128xf32, #tpu.memory_space<vmem_shared>>)
        tpu.yield
      }) : () -> ()
      %dma_wait3A_142 = tpu.memref_slice %arg7[%mul3A_116] : memref<8704xi32, #tpu.memory_space<vmem>> -> memref<128xi32, #tpu.memory_space<vmem>>
      %dma_wait3A_143 = arith.constant 0 : i32
      %dma_wait3A_144 = arith.constant 0 : i32
      %dma_wait3A_145 = tpu.memref_slice %arg2[%dma_wait3A_143, %dma_wait3A_144] : memref<10000x128xf32, #tpu.memory_space<hbm>> -> memref<10000x128xf32, #tpu.memory_space<hbm>>
      tpu.wait_indirect_dma semaphore(%arg15 : memref<!tpu.dma_semaphore, #tpu.memory_space<semaphore_mem>>) src(%dma_wait3A_145 : memref<10000x128xf32, #tpu.memory_space<hbm>>) dst(%arg11 : memref<128x128xf32, #tpu.memory_space<vmem>>)
      %dma_wait3A_146 = tpu.memref_slice %arg4[%add3A_134] : memref<327680xi32, #tpu.memory_space<hbm>> -> memref<128xi32, #tpu.memory_space<hbm>>
      %dma_wait3A_147 = tpu.memref_slice %arg4[%add3A_134] : memref<327680xi32, #tpu.memory_space<hbm>> -> memref<128xi32, #tpu.memory_space<hbm>>
      tpu.wait_dma2 semaphore(%arg13 : memref<!tpu.dma_semaphore, #tpu.memory_space<semaphore_mem>>) src(%dma_wait3A_147 : memref<128xi32, #tpu.memory_space<hbm>>) dst(%arg9 : memref<128xi32, #tpu.memory_space<vmem>>)
      "tpu.region"() ({
        %run_scoped3A = tpu.sem_alloc : memref<!tpu.dma_semaphore, #tpu.memory_space<semaphore_mem>>
        %dma_start3A_148 = arith.constant 0 : i32
        %dma_start3A_149 = arith.constant 0 : i32
        %dma_start3A_150 = tpu.memref_slice %arg16[%dma_start3A_148, %dma_start3A_149] : memref<10112x128xf32, #tpu.memory_space<vmem_shared>> -> memref<10112x128xf32, #tpu.memory_space<vmem_shared>>
        tpu.enqueue_indirect_dma source(%arg11 : memref<128x128xf32, #tpu.memory_space<vmem>>) target(%dma_start3A_150 : memref<10112x128xf32, #tpu.memory_space<vmem_shared>>) offsets(%arg9 : memref<128xi32, #tpu.memory_space<vmem>>) semaphore(%run_scoped3A : memref<!tpu.dma_semaphore, #tpu.memory_space<semaphore_mem>>) {add = true}
        %dma_wait3A_151 = arith.constant 0 : i32
        %dma_wait3A_152 = arith.constant 0 : i32
        %dma_wait3A_153 = tpu.memref_slice %arg16[%dma_wait3A_151, %dma_wait3A_152] : memref<10112x128xf32, #tpu.memory_space<vmem_shared>> -> memref<10112x128xf32, #tpu.memory_space<vmem_shared>>
        tpu.wait_indirect_dma semaphore(%run_scoped3A : memref<!tpu.dma_semaphore, #tpu.memory_space<semaphore_mem>>) src(%arg11 : memref<128x128xf32, #tpu.memory_space<vmem>>) dst(%dma_wait3A_153 : memref<10112x128xf32, #tpu.memory_space<vmem_shared>>)
        tpu.yield
      }) : () -> ()
    }
    %eq3A_50 = arith.constant 0 : i32
    %eq3A_51 = arith.cmpi eq, %arg0, %eq3A_50 : i32
    %convert_element_type3A_52 = arith.extui %eq3A_51 : i1 to i32
    %cond3A_53 = arith.constant 0 : i32
    %cond3A_54 = arith.cmpi ne, %convert_element_type3A_52, %cond3A_53 : i32
    scf.if %cond3A_54 {
      %add3A_103 = arith.constant 8704 : i32
      %add3A_104 = arith.addi %select_n3A, %add3A_103 : i32
      "tpu.region"() ({
        %run_scoped3A = tpu.sem_alloc : memref<!tpu.dma_semaphore, #tpu.memory_space<semaphore_mem>>
        %dma_start3A = arith.constant 0 : i32
        %dma_start3A_105 = tpu.memref_slice %arg7[%dma_start3A] : memref<8704xi32, #tpu.memory_space<vmem>> -> memref<8704xi32, #tpu.memory_space<vmem>>
        %dma_start3A_106 = tpu.memref_slice %arg3[%add3A_104] : memref<327680xi32, #tpu.memory_space<hbm>> -> memref<8704xi32, #tpu.memory_space<hbm>>
        %dma_start3A_107 = arith.constant 0 : i32
        %dma_start3A_108 = tpu.memref_slice %arg7[%dma_start3A_107] : memref<8704xi32, #tpu.memory_space<vmem>> -> memref<8704xi32, #tpu.memory_space<vmem>>
        %dma_start3A_109 = tpu.memref_slice %arg3[%add3A_104] : memref<327680xi32, #tpu.memory_space<hbm>> -> memref<8704xi32, #tpu.memory_space<hbm>>
        tpu.enqueue_dma source(%dma_start3A_109 : memref<8704xi32, #tpu.memory_space<hbm>>) target(%dma_start3A_108 : memref<8704xi32, #tpu.memory_space<vmem>>) target_semaphore(%run_scoped3A : memref<!tpu.dma_semaphore, #tpu.memory_space<semaphore_mem>>)
        %dma_wait3A = arith.constant 0 : i32
        %dma_wait3A_110 = tpu.memref_slice %arg7[%dma_wait3A] : memref<8704xi32, #tpu.memory_space<vmem>> -> memref<8704xi32, #tpu.memory_space<vmem>>
        %dma_wait3A_111 = tpu.memref_slice %arg3[%add3A_104] : memref<327680xi32, #tpu.memory_space<hbm>> -> memref<8704xi32, #tpu.memory_space<hbm>>
        %dma_wait3A_112 = arith.constant 0 : i32
        %dma_wait3A_113 = tpu.memref_slice %arg7[%dma_wait3A_112] : memref<8704xi32, #tpu.memory_space<vmem>> -> memref<8704xi32, #tpu.memory_space<vmem>>
        %dma_wait3A_114 = tpu.memref_slice %arg3[%add3A_104] : memref<327680xi32, #tpu.memory_space<hbm>> -> memref<8704xi32, #tpu.memory_space<hbm>>
        tpu.wait_dma2 semaphore(%run_scoped3A : memref<!tpu.dma_semaphore, #tpu.memory_space<semaphore_mem>>) src(%dma_wait3A_114 : memref<8704xi32, #tpu.memory_space<hbm>>) dst(%dma_wait3A_113 : memref<8704xi32, #tpu.memory_space<vmem>>)
        tpu.yield
      }) : () -> ()
    } else {
    }
    %eq3A_55 = arith.constant 1 : i32
    %eq3A_56 = arith.cmpi eq, %arg0, %eq3A_55 : i32
    %convert_element_type3A_57 = arith.extui %eq3A_56 : i1 to i32
    %cond3A_58 = arith.constant 0 : i32
    %cond3A_59 = arith.cmpi ne, %convert_element_type3A_57, %cond3A_58 : i32
    scf.if %cond3A_59 {
      %add3A_103 = arith.constant 1536 : i32
      %add3A_104 = arith.addi %select_n3A, %add3A_103 : i32
      "tpu.region"() ({
        %run_scoped3A = tpu.sem_alloc : memref<!tpu.dma_semaphore, #tpu.memory_space<semaphore_mem>>
        %dma_start3A = arith.constant 0 : i32
        %dma_start3A_105 = tpu.memref_slice %arg7[%dma_start3A] : memref<8704xi32, #tpu.memory_space<vmem>> -> memref<1536xi32, #tpu.memory_space<vmem>>
        %dma_start3A_106 = tpu.memref_slice %arg3[%add3A_104] : memref<327680xi32, #tpu.memory_space<hbm>> -> memref<1536xi32, #tpu.memory_space<hbm>>
        %dma_start3A_107 = arith.constant 0 : i32
        %dma_start3A_108 = tpu.memref_slice %arg7[%dma_start3A_107] : memref<8704xi32, #tpu.memory_space<vmem>> -> memref<1536xi32, #tpu.memory_space<vmem>>
        %dma_start3A_109 = tpu.memref_slice %arg3[%add3A_104] : memref<327680xi32, #tpu.memory_space<hbm>> -> memref<1536xi32, #tpu.memory_space<hbm>>
        tpu.enqueue_dma source(%dma_start3A_109 : memref<1536xi32, #tpu.memory_space<hbm>>) target(%dma_start3A_108 : memref<1536xi32, #tpu.memory_space<vmem>>) target_semaphore(%run_scoped3A : memref<!tpu.dma_semaphore, #tpu.memory_space<semaphore_mem>>)
        %dma_wait3A = arith.constant 0 : i32
        %dma_wait3A_110 = tpu.memref_slice %arg7[%dma_wait3A] : memref<8704xi32, #tpu.memory_space<vmem>> -> memref<1536xi32, #tpu.memory_space<vmem>>
        %dma_wait3A_111 = tpu.memref_slice %arg3[%add3A_104] : memref<327680xi32, #tpu.memory_space<hbm>> -> memref<1536xi32, #tpu.memory_space<hbm>>
        %dma_wait3A_112 = arith.constant 0 : i32
        %dma_wait3A_113 = tpu.memref_slice %arg7[%dma_wait3A_112] : memref<8704xi32, #tpu.memory_space<vmem>> -> memref<1536xi32, #tpu.memory_space<vmem>>
        %dma_wait3A_114 = tpu.memref_slice %arg3[%add3A_104] : memref<327680xi32, #tpu.memory_space<hbm>> -> memref<1536xi32, #tpu.memory_space<hbm>>
        tpu.wait_dma2 semaphore(%run_scoped3A : memref<!tpu.dma_semaphore, #tpu.memory_space<semaphore_mem>>) src(%dma_wait3A_114 : memref<1536xi32, #tpu.memory_space<hbm>>) dst(%dma_wait3A_113 : memref<1536xi32, #tpu.memory_space<vmem>>)
        tpu.yield
      }) : () -> ()
    } else {
    }
    %mul3A_60 = arith.constant 1 : i32
    %mul3A_61 = arith.muli %mul3A_60, %select_n3A_8 : i32
    %mul3A_62 = arith.constant 128 : i32
    %mul3A_63 = arith.muli %mul3A_61, %mul3A_62 : i32
    %jit3A_64 = arith.constant 2 : i32
    %div3A_65 = arith.divsi %select_n3A_8, %jit3A_64 : i32
    %sign3A_66 = arith.constant 0 : i32
    %sign3A_67 = arith.cmpi sgt, %select_n3A_8, %sign3A_66 : i32
    %sign3A_68 = arith.extui %sign3A_67 : i1 to i32
    %sign3A_69 = arith.constant 0 : i32
    %sign3A_70 = arith.cmpi slt, %select_n3A_8, %sign3A_69 : i32
    %sign3A_71 = arith.extui %sign3A_70 : i1 to i32
    %sign3A_72 = arith.subi %sign3A_68, %sign3A_71 : i32
    %sign3A_73 = arith.constant 0 : i32
    %sign3A_74 = arith.cmpi sgt, %jit3A_64, %sign3A_73 : i32
    %sign3A_75 = arith.extui %sign3A_74 : i1 to i32
    %sign3A_76 = arith.constant 0 : i32
    %sign3A_77 = arith.cmpi slt, %jit3A_64, %sign3A_76 : i32
    %sign3A_78 = arith.extui %sign3A_77 : i1 to i32
    %sign3A_79 = arith.subi %sign3A_75, %sign3A_78 : i32
    %ne3A_80 = arith.cmpi ne, %sign3A_72, %sign3A_79 : i32
    %rem3A_81 = arith.remsi %select_n3A_8, %jit3A_64 : i32
    %ne3A_82 = arith.constant 0 : i32
    %ne3A_83 = arith.cmpi ne, %rem3A_81, %ne3A_82 : i32
    %and3A_84 = arith.andi %ne3A_80, %ne3A_83 : i1
    %sub3A_85 = arith.constant 1 : i32
    %sub3A_86 = arith.subi %div3A_65, %sub3A_85 : i32
    %select_n3A_87 = arith.select %and3A_84, %sub3A_86, %div3A_65 : i32
    %while3A_88 = arith.constant 0 : i32
    %while3A_89 = arith.constant 0 : i32
    %while3A_90 = arith.subi %select_n3A_87, %while3A_89 : i32
    %while3A_91 = arith.addi %while3A_89, %while3A_90 : i32
    %while3A_92 = arith.constant 1 : i32
    %while3A_93 = arith.divsi %while3A_90, %while3A_92 : i32
    %while3A_94 = arith.muli %while3A_93, %while3A_92 : i32
    %while3A_95 = arith.addi %while3A_89, %while3A_94 : i32
    %while3A_96 = arith.constant 1 : i32
    scf.for %while3A_103 = %while3A_89 to %while3A_95 step %while3A_96  : i32 {
      %mul3A_104 = arith.constant 2 : i32
      %mul3A_105 = arith.muli %while3A_103, %mul3A_104 : i32
      %add3A_106 = arith.constant 0 : i32
      %add3A_107 = arith.addi %mul3A_105, %add3A_106 : i32
      %mul3A_108 = arith.constant 128 : i32
      %mul3A_109 = arith.muli %add3A_107, %mul3A_108 : i32
      %dma_start3A = tpu.memref_slice %arg7[%mul3A_109] : memref<8704xi32, #tpu.memory_space<vmem>> -> memref<128xi32, #tpu.memory_space<vmem>>
      %dma_start3A_110 = arith.constant 0 : i32
      %dma_start3A_111 = arith.constant 0 : i32
      %dma_start3A_112 = tpu.memref_slice %arg2[%dma_start3A_110, %dma_start3A_111] : memref<10000x128xf32, #tpu.memory_space<hbm>> -> memref<10000x128xf32, #tpu.memory_space<hbm>>
      tpu.enqueue_indirect_dma source(%dma_start3A_112 : memref<10000x128xf32, #tpu.memory_space<hbm>>) target(%arg10 : memref<128x128xf32, #tpu.memory_space<vmem>>) offsets(%dma_start3A : memref<128xi32, #tpu.memory_space<vmem>>) semaphore(%arg14 : memref<!tpu.dma_semaphore, #tpu.memory_space<semaphore_mem>>)
      %add3A_113 = arith.constant 1 : i32
      %add3A_114 = arith.addi %mul3A_105, %add3A_113 : i32
      %mul3A_115 = arith.constant 128 : i32
      %mul3A_116 = arith.muli %add3A_114, %mul3A_115 : i32
      %dma_start3A_117 = tpu.memref_slice %arg7[%mul3A_116] : memref<8704xi32, #tpu.memory_space<vmem>> -> memref<128xi32, #tpu.memory_space<vmem>>
      %dma_start3A_118 = arith.constant 0 : i32
      %dma_start3A_119 = arith.constant 0 : i32
      %dma_start3A_120 = tpu.memref_slice %arg2[%dma_start3A_118, %dma_start3A_119] : memref<10000x128xf32, #tpu.memory_space<hbm>> -> memref<10000x128xf32, #tpu.memory_space<hbm>>
      tpu.enqueue_indirect_dma source(%dma_start3A_120 : memref<10000x128xf32, #tpu.memory_space<hbm>>) target(%arg11 : memref<128x128xf32, #tpu.memory_space<vmem>>) offsets(%dma_start3A_117 : memref<128xi32, #tpu.memory_space<vmem>>) semaphore(%arg15 : memref<!tpu.dma_semaphore, #tpu.memory_space<semaphore_mem>>)
      %add3A_121 = arith.constant 0 : i32
      %add3A_122 = arith.addi %mul3A_105, %add3A_121 : i32
      %add3A_123 = arith.addi %select_n3A, %mul3A_63 : i32
      %mul3A_124 = arith.constant 128 : i32
      %mul3A_125 = arith.muli %add3A_122, %mul3A_124 : i32
      %add3A_126 = arith.addi %add3A_123, %mul3A_125 : i32
      %dma_start3A_127 = tpu.memref_slice %arg4[%add3A_126] : memref<327680xi32, #tpu.memory_space<hbm>> -> memref<128xi32, #tpu.memory_space<hbm>>
      %dma_start3A_128 = tpu.memref_slice %arg4[%add3A_126] : memref<327680xi32, #tpu.memory_space<hbm>> -> memref<128xi32, #tpu.memory_space<hbm>>
      tpu.enqueue_dma source(%dma_start3A_128 : memref<128xi32, #tpu.memory_space<hbm>>) target(%arg8 : memref<128xi32, #tpu.memory_space<vmem>>) target_semaphore(%arg12 : memref<!tpu.dma_semaphore, #tpu.memory_space<semaphore_mem>>)
      %add3A_129 = arith.constant 1 : i32
      %add3A_130 = arith.addi %mul3A_105, %add3A_129 : i32
      %add3A_131 = arith.addi %select_n3A, %mul3A_63 : i32
      %mul3A_132 = arith.constant 128 : i32
      %mul3A_133 = arith.muli %add3A_130, %mul3A_132 : i32
      %add3A_134 = arith.addi %add3A_131, %mul3A_133 : i32
      %dma_start3A_135 = tpu.memref_slice %arg4[%add3A_134] : memref<327680xi32, #tpu.memory_space<hbm>> -> memref<128xi32, #tpu.memory_space<hbm>>
      %dma_start3A_136 = tpu.memref_slice %arg4[%add3A_134] : memref<327680xi32, #tpu.memory_space<hbm>> -> memref<128xi32, #tpu.memory_space<hbm>>
      tpu.enqueue_dma source(%dma_start3A_136 : memref<128xi32, #tpu.memory_space<hbm>>) target(%arg9 : memref<128xi32, #tpu.memory_space<vmem>>) target_semaphore(%arg13 : memref<!tpu.dma_semaphore, #tpu.memory_space<semaphore_mem>>)
      %dma_wait3A = tpu.memref_slice %arg7[%mul3A_109] : memref<8704xi32, #tpu.memory_space<vmem>> -> memref<128xi32, #tpu.memory_space<vmem>>
      %dma_wait3A_137 = arith.constant 0 : i32
      %dma_wait3A_138 = arith.constant 0 : i32
      %dma_wait3A_139 = tpu.memref_slice %arg2[%dma_wait3A_137, %dma_wait3A_138] : memref<10000x128xf32, #tpu.memory_space<hbm>> -> memref<10000x128xf32, #tpu.memory_space<hbm>>
      tpu.wait_indirect_dma semaphore(%arg14 : memref<!tpu.dma_semaphore, #tpu.memory_space<semaphore_mem>>) src(%dma_wait3A_139 : memref<10000x128xf32, #tpu.memory_space<hbm>>) dst(%arg10 : memref<128x128xf32, #tpu.memory_space<vmem>>)
      %dma_wait3A_140 = tpu.memref_slice %arg4[%add3A_126] : memref<327680xi32, #tpu.memory_space<hbm>> -> memref<128xi32, #tpu.memory_space<hbm>>
      %dma_wait3A_141 = tpu.memref_slice %arg4[%add3A_126] : memref<327680xi32, #tpu.memory_space<hbm>> -> memref<128xi32, #tpu.memory_space<hbm>>
      tpu.wait_dma2 semaphore(%arg12 : memref<!tpu.dma_semaphore, #tpu.memory_space<semaphore_mem>>) src(%dma_wait3A_141 : memref<128xi32, #tpu.memory_space<hbm>>) dst(%arg8 : memref<128xi32, #tpu.memory_space<vmem>>)
      "tpu.region"() ({
        %run_scoped3A = tpu.sem_alloc : memref<!tpu.dma_semaphore, #tpu.memory_space<semaphore_mem>>
        %dma_start3A_148 = arith.constant 0 : i32
        %dma_start3A_149 = arith.constant 0 : i32
        %dma_start3A_150 = tpu.memref_slice %arg16[%dma_start3A_148, %dma_start3A_149] : memref<10112x128xf32, #tpu.memory_space<vmem_shared>> -> memref<10112x128xf32, #tpu.memory_space<vmem_shared>>
        tpu.enqueue_indirect_dma source(%arg10 : memref<128x128xf32, #tpu.memory_space<vmem>>) target(%dma_start3A_150 : memref<10112x128xf32, #tpu.memory_space<vmem_shared>>) offsets(%arg8 : memref<128xi32, #tpu.memory_space<vmem>>) semaphore(%run_scoped3A : memref<!tpu.dma_semaphore, #tpu.memory_space<semaphore_mem>>) {add = true}
        %dma_wait3A_151 = arith.constant 0 : i32
        %dma_wait3A_152 = arith.constant 0 : i32
        %dma_wait3A_153 = tpu.memref_slice %arg16[%dma_wait3A_151, %dma_wait3A_152] : memref<10112x128xf32, #tpu.memory_space<vmem_shared>> -> memref<10112x128xf32, #tpu.memory_space<vmem_shared>>
        tpu.wait_indirect_dma semaphore(%run_scoped3A : memref<!tpu.dma_semaphore, #tpu.memory_space<semaphore_mem>>) src(%arg10 : memref<128x128xf32, #tpu.memory_space<vmem>>) dst(%dma_wait3A_153 : memref<10112x128xf32, #tpu.memory_space<vmem_shared>>)
        tpu.yield
      }) : () -> ()
      %dma_wait3A_142 = tpu.memref_slice %arg7[%mul3A_116] : memref<8704xi32, #tpu.memory_space<vmem>> -> memref<128xi32, #tpu.memory_space<vmem>>
      %dma_wait3A_143 = arith.constant 0 : i32
      %dma_wait3A_144 = arith.constant 0 : i32
      %dma_wait3A_145 = tpu.memref_slice %arg2[%dma_wait3A_143, %dma_wait3A_144] : memref<10000x128xf32, #tpu.memory_space<hbm>> -> memref<10000x128xf32, #tpu.memory_space<hbm>>
      tpu.wait_indirect_dma semaphore(%arg15 : memref<!tpu.dma_semaphore, #tpu.memory_space<semaphore_mem>>) src(%dma_wait3A_145 : memref<10000x128xf32, #tpu.memory_space<hbm>>) dst(%arg11 : memref<128x128xf32, #tpu.memory_space<vmem>>)
      %dma_wait3A_146 = tpu.memref_slice %arg4[%add3A_134] : memref<327680xi32, #tpu.memory_space<hbm>> -> memref<128xi32, #tpu.memory_space<hbm>>
      %dma_wait3A_147 = tpu.memref_slice %arg4[%add3A_134] : memref<327680xi32, #tpu.memory_space<hbm>> -> memref<128xi32, #tpu.memory_space<hbm>>
      tpu.wait_dma2 semaphore(%arg13 : memref<!tpu.dma_semaphore, #tpu.memory_space<semaphore_mem>>) src(%dma_wait3A_147 : memref<128xi32, #tpu.memory_space<hbm>>) dst(%arg9 : memref<128xi32, #tpu.memory_space<vmem>>)
      "tpu.region"() ({
        %run_scoped3A = tpu.sem_alloc : memref<!tpu.dma_semaphore, #tpu.memory_space<semaphore_mem>>
        %dma_start3A_148 = arith.constant 0 : i32
        %dma_start3A_149 = arith.constant 0 : i32
        %dma_start3A_150 = tpu.memref_slice %arg16[%dma_start3A_148, %dma_start3A_149] : memref<10112x128xf32, #tpu.memory_space<vmem_shared>> -> memref<10112x128xf32, #tpu.memory_space<vmem_shared>>
        tpu.enqueue_indirect_dma source(%arg11 : memref<128x128xf32, #tpu.memory_space<vmem>>) target(%dma_start3A_150 : memref<10112x128xf32, #tpu.memory_space<vmem_shared>>) offsets(%arg9 : memref<128xi32, #tpu.memory_space<vmem>>) semaphore(%run_scoped3A : memref<!tpu.dma_semaphore, #tpu.memory_space<semaphore_mem>>) {add = true}
        %dma_wait3A_151 = arith.constant 0 : i32
        %dma_wait3A_152 = arith.constant 0 : i32
        %dma_wait3A_153 = tpu.memref_slice %arg16[%dma_wait3A_151, %dma_wait3A_152] : memref<10112x128xf32, #tpu.memory_space<vmem_shared>> -> memref<10112x128xf32, #tpu.memory_space<vmem_shared>>
        tpu.wait_indirect_dma semaphore(%run_scoped3A : memref<!tpu.dma_semaphore, #tpu.memory_space<semaphore_mem>>) src(%arg11 : memref<128x128xf32, #tpu.memory_space<vmem>>) dst(%dma_wait3A_153 : memref<10112x128xf32, #tpu.memory_space<vmem_shared>>)
        tpu.yield
      }) : () -> ()
    }
    %while3A_97 = arith.constant 1 : i32
    scf.for %while3A_103 = %while3A_95 to %while3A_91 step %while3A_97  : i32 {
      %mul3A_104 = arith.constant 2 : i32
      %mul3A_105 = arith.muli %while3A_103, %mul3A_104 : i32
      %add3A_106 = arith.constant 0 : i32
      %add3A_107 = arith.addi %mul3A_105, %add3A_106 : i32
      %mul3A_108 = arith.constant 128 : i32
      %mul3A_109 = arith.muli %add3A_107, %mul3A_108 : i32
      %dma_start3A = tpu.memref_slice %arg7[%mul3A_109] : memref<8704xi32, #tpu.memory_space<vmem>> -> memref<128xi32, #tpu.memory_space<vmem>>
      %dma_start3A_110 = arith.constant 0 : i32
      %dma_start3A_111 = arith.constant 0 : i32
      %dma_start3A_112 = tpu.memref_slice %arg2[%dma_start3A_110, %dma_start3A_111] : memref<10000x128xf32, #tpu.memory_space<hbm>> -> memref<10000x128xf32, #tpu.memory_space<hbm>>
      tpu.enqueue_indirect_dma source(%dma_start3A_112 : memref<10000x128xf32, #tpu.memory_space<hbm>>) target(%arg10 : memref<128x128xf32, #tpu.memory_space<vmem>>) offsets(%dma_start3A : memref<128xi32, #tpu.memory_space<vmem>>) semaphore(%arg14 : memref<!tpu.dma_semaphore, #tpu.memory_space<semaphore_mem>>)
      %add3A_113 = arith.constant 1 : i32
      %add3A_114 = arith.addi %mul3A_105, %add3A_113 : i32
      %mul3A_115 = arith.constant 128 : i32
      %mul3A_116 = arith.muli %add3A_114, %mul3A_115 : i32
      %dma_start3A_117 = tpu.memref_slice %arg7[%mul3A_116] : memref<8704xi32, #tpu.memory_space<vmem>> -> memref<128xi32, #tpu.memory_space<vmem>>
      %dma_start3A_118 = arith.constant 0 : i32
      %dma_start3A_119 = arith.constant 0 : i32
      %dma_start3A_120 = tpu.memref_slice %arg2[%dma_start3A_118, %dma_start3A_119] : memref<10000x128xf32, #tpu.memory_space<hbm>> -> memref<10000x128xf32, #tpu.memory_space<hbm>>
      tpu.enqueue_indirect_dma source(%dma_start3A_120 : memref<10000x128xf32, #tpu.memory_space<hbm>>) target(%arg11 : memref<128x128xf32, #tpu.memory_space<vmem>>) offsets(%dma_start3A_117 : memref<128xi32, #tpu.memory_space<vmem>>) semaphore(%arg15 : memref<!tpu.dma_semaphore, #tpu.memory_space<semaphore_mem>>)
      %add3A_121 = arith.constant 0 : i32
      %add3A_122 = arith.addi %mul3A_105, %add3A_121 : i32
      %add3A_123 = arith.addi %select_n3A, %mul3A_63 : i32
      %mul3A_124 = arith.constant 128 : i32
      %mul3A_125 = arith.muli %add3A_122, %mul3A_124 : i32
      %add3A_126 = arith.addi %add3A_123, %mul3A_125 : i32
      %dma_start3A_127 = tpu.memref_slice %arg4[%add3A_126] : memref<327680xi32, #tpu.memory_space<hbm>> -> memref<128xi32, #tpu.memory_space<hbm>>
      %dma_start3A_128 = tpu.memref_slice %arg4[%add3A_126] : memref<327680xi32, #tpu.memory_space<hbm>> -> memref<128xi32, #tpu.memory_space<hbm>>
      tpu.enqueue_dma source(%dma_start3A_128 : memref<128xi32, #tpu.memory_space<hbm>>) target(%arg8 : memref<128xi32, #tpu.memory_space<vmem>>) target_semaphore(%arg12 : memref<!tpu.dma_semaphore, #tpu.memory_space<semaphore_mem>>)
      %add3A_129 = arith.constant 1 : i32
      %add3A_130 = arith.addi %mul3A_105, %add3A_129 : i32
      %add3A_131 = arith.addi %select_n3A, %mul3A_63 : i32
      %mul3A_132 = arith.constant 128 : i32
      %mul3A_133 = arith.muli %add3A_130, %mul3A_132 : i32
      %add3A_134 = arith.addi %add3A_131, %mul3A_133 : i32
      %dma_start3A_135 = tpu.memref_slice %arg4[%add3A_134] : memref<327680xi32, #tpu.memory_space<hbm>> -> memref<128xi32, #tpu.memory_space<hbm>>
      %dma_start3A_136 = tpu.memref_slice %arg4[%add3A_134] : memref<327680xi32, #tpu.memory_space<hbm>> -> memref<128xi32, #tpu.memory_space<hbm>>
      tpu.enqueue_dma source(%dma_start3A_136 : memref<128xi32, #tpu.memory_space<hbm>>) target(%arg9 : memref<128xi32, #tpu.memory_space<vmem>>) target_semaphore(%arg13 : memref<!tpu.dma_semaphore, #tpu.memory_space<semaphore_mem>>)
      %dma_wait3A = tpu.memref_slice %arg7[%mul3A_109] : memref<8704xi32, #tpu.memory_space<vmem>> -> memref<128xi32, #tpu.memory_space<vmem>>
      %dma_wait3A_137 = arith.constant 0 : i32
      %dma_wait3A_138 = arith.constant 0 : i32
      %dma_wait3A_139 = tpu.memref_slice %arg2[%dma_wait3A_137, %dma_wait3A_138] : memref<10000x128xf32, #tpu.memory_space<hbm>> -> memref<10000x128xf32, #tpu.memory_space<hbm>>
      tpu.wait_indirect_dma semaphore(%arg14 : memref<!tpu.dma_semaphore, #tpu.memory_space<semaphore_mem>>) src(%dma_wait3A_139 : memref<10000x128xf32, #tpu.memory_space<hbm>>) dst(%arg10 : memref<128x128xf32, #tpu.memory_space<vmem>>)
      %dma_wait3A_140 = tpu.memref_slice %arg4[%add3A_126] : memref<327680xi32, #tpu.memory_space<hbm>> -> memref<128xi32, #tpu.memory_space<hbm>>
      %dma_wait3A_141 = tpu.memref_slice %arg4[%add3A_126] : memref<327680xi32, #tpu.memory_space<hbm>> -> memref<128xi32, #tpu.memory_space<hbm>>
      tpu.wait_dma2 semaphore(%arg12 : memref<!tpu.dma_semaphore, #tpu.memory_space<semaphore_mem>>) src(%dma_wait3A_141 : memref<128xi32, #tpu.memory_space<hbm>>) dst(%arg8 : memref<128xi32, #tpu.memory_space<vmem>>)
      "tpu.region"() ({
        %run_scoped3A = tpu.sem_alloc : memref<!tpu.dma_semaphore, #tpu.memory_space<semaphore_mem>>
        %dma_start3A_148 = arith.constant 0 : i32
        %dma_start3A_149 = arith.constant 0 : i32
        %dma_start3A_150 = tpu.memref_slice %arg16[%dma_start3A_148, %dma_start3A_149] : memref<10112x128xf32, #tpu.memory_space<vmem_shared>> -> memref<10112x128xf32, #tpu.memory_space<vmem_shared>>
        tpu.enqueue_indirect_dma source(%arg10 : memref<128x128xf32, #tpu.memory_space<vmem>>) target(%dma_start3A_150 : memref<10112x128xf32, #tpu.memory_space<vmem_shared>>) offsets(%arg8 : memref<128xi32, #tpu.memory_space<vmem>>) semaphore(%run_scoped3A : memref<!tpu.dma_semaphore, #tpu.memory_space<semaphore_mem>>) {add = true}
        %dma_wait3A_151 = arith.constant 0 : i32
        %dma_wait3A_152 = arith.constant 0 : i32
        %dma_wait3A_153 = tpu.memref_slice %arg16[%dma_wait3A_151, %dma_wait3A_152] : memref<10112x128xf32, #tpu.memory_space<vmem_shared>> -> memref<10112x128xf32, #tpu.memory_space<vmem_shared>>
        tpu.wait_indirect_dma semaphore(%run_scoped3A : memref<!tpu.dma_semaphore, #tpu.memory_space<semaphore_mem>>) src(%arg10 : memref<128x128xf32, #tpu.memory_space<vmem>>) dst(%dma_wait3A_153 : memref<10112x128xf32, #tpu.memory_space<vmem_shared>>)
        tpu.yield
      }) : () -> ()
      %dma_wait3A_142 = tpu.memref_slice %arg7[%mul3A_116] : memref<8704xi32, #tpu.memory_space<vmem>> -> memref<128xi32, #tpu.memory_space<vmem>>
      %dma_wait3A_143 = arith.constant 0 : i32
      %dma_wait3A_144 = arith.constant 0 : i32
      %dma_wait3A_145 = tpu.memref_slice %arg2[%dma_wait3A_143, %dma_wait3A_144] : memref<10000x128xf32, #tpu.memory_space<hbm>> -> memref<10000x128xf32, #tpu.memory_space<hbm>>
      tpu.wait_indirect_dma semaphore(%arg15 : memref<!tpu.dma_semaphore, #tpu.memory_space<semaphore_mem>>) src(%dma_wait3A_145 : memref<10000x128xf32, #tpu.memory_space<hbm>>) dst(%arg11 : memref<128x128xf32, #tpu.memory_space<vmem>>)
      %dma_wait3A_146 = tpu.memref_slice %arg4[%add3A_134] : memref<327680xi32, #tpu.memory_space<hbm>> -> memref<128xi32, #tpu.memory_space<hbm>>
      %dma_wait3A_147 = tpu.memref_slice %arg4[%add3A_134] : memref<327680xi32, #tpu.memory_space<hbm>> -> memref<128xi32, #tpu.memory_space<hbm>>
      tpu.wait_dma2 semaphore(%arg13 : memref<!tpu.dma_semaphore, #tpu.memory_space<semaphore_mem>>) src(%dma_wait3A_147 : memref<128xi32, #tpu.memory_space<hbm>>) dst(%arg9 : memref<128xi32, #tpu.memory_space<vmem>>)
      "tpu.region"() ({
        %run_scoped3A = tpu.sem_alloc : memref<!tpu.dma_semaphore, #tpu.memory_space<semaphore_mem>>
        %dma_start3A_148 = arith.constant 0 : i32
        %dma_start3A_149 = arith.constant 0 : i32
        %dma_start3A_150 = tpu.memref_slice %arg16[%dma_start3A_148, %dma_start3A_149] : memref<10112x128xf32, #tpu.memory_space<vmem_shared>> -> memref<10112x128xf32, #tpu.memory_space<vmem_shared>>
        tpu.enqueue_indirect_dma source(%arg11 : memref<128x128xf32, #tpu.memory_space<vmem>>) target(%dma_start3A_150 : memref<10112x128xf32, #tpu.memory_space<vmem_shared>>) offsets(%arg9 : memref<128xi32, #tpu.memory_space<vmem>>) semaphore(%run_scoped3A : memref<!tpu.dma_semaphore, #tpu.memory_space<semaphore_mem>>) {add = true}
        %dma_wait3A_151 = arith.constant 0 : i32
        %dma_wait3A_152 = arith.constant 0 : i32
        %dma_wait3A_153 = tpu.memref_slice %arg16[%dma_wait3A_151, %dma_wait3A_152] : memref<10112x128xf32, #tpu.memory_space<vmem_shared>> -> memref<10112x128xf32, #tpu.memory_space<vmem_shared>>
        tpu.wait_indirect_dma semaphore(%run_scoped3A : memref<!tpu.dma_semaphore, #tpu.memory_space<semaphore_mem>>) src(%arg11 : memref<128x128xf32, #tpu.memory_space<vmem>>) dst(%dma_wait3A_153 : memref<10112x128xf32, #tpu.memory_space<vmem_shared>>)
        tpu.yield
      }) : () -> ()
    }
    %barrier3A_98 = arith.constant 0 : index
    tpu.barrier barrier_id(%barrier3A_98)
    %mul3A_99 = arith.constant 632 : i32
    %mul3A_100 = arith.muli %arg1, %mul3A_99 : i32
    %mul3A_101 = arith.constant 632 : i32
    %mul3A_102 = arith.muli %arg1, %mul3A_101 : i32
    "tpu.region"() ({
      %run_scoped3A = tpu.sem_alloc : memref<!tpu.dma_semaphore, #tpu.memory_space<semaphore_mem>>
      %dma_start3A = arith.constant 0 : i32
      %dma_start3A_103 = tpu.memref_slice %arg6[%arg0, %mul3A_102, %dma_start3A] : memref<2x10112x128xf32, #tpu.memory_space<hbm>> -> memref<1x632x128xf32, #tpu.memory_space<hbm>>
      %dma_start3A_104 = tpu.memref_squeeze %dma_start3A_103 : memref<1x632x128xf32, #tpu.memory_space<hbm>> -> memref<632x128xf32, #tpu.memory_space<hbm>>
      %dma_start3A_105 = arith.constant 0 : i32
      %dma_start3A_106 = tpu.memref_slice %arg16[%mul3A_100, %dma_start3A_105] : memref<10112x128xf32, #tpu.memory_space<vmem_shared>> -> memref<632x128xf32, #tpu.memory_space<vmem_shared>>
      tpu.enqueue_dma source(%dma_start3A_106 : memref<632x128xf32, #tpu.memory_space<vmem_shared>>) target(%dma_start3A_104 : memref<632x128xf32, #tpu.memory_space<hbm>>) target_semaphore(%run_scoped3A : memref<!tpu.dma_semaphore, #tpu.memory_space<semaphore_mem>>)
      %dma_wait3A = arith.constant 0 : i32
      %dma_wait3A_107 = tpu.memref_slice %arg6[%arg0, %mul3A_102, %dma_wait3A] : memref<2x10112x128xf32, #tpu.memory_space<hbm>> -> memref<1x632x128xf32, #tpu.memory_space<hbm>>
      %dma_wait3A_108 = tpu.memref_squeeze %dma_wait3A_107 : memref<1x632x128xf32, #tpu.memory_space<hbm>> -> memref<632x128xf32, #tpu.memory_space<hbm>>
      %dma_wait3A_109 = arith.constant 0 : i32
      %dma_wait3A_110 = tpu.memref_slice %arg16[%mul3A_100, %dma_wait3A_109] : memref<10112x128xf32, #tpu.memory_space<vmem_shared>> -> memref<632x128xf32, #tpu.memory_space<vmem_shared>>
      tpu.wait_dma2 semaphore(%run_scoped3A : memref<!tpu.dma_semaphore, #tpu.memory_space<semaphore_mem>>) src(%dma_wait3A_110 : memref<632x128xf32, #tpu.memory_space<vmem_shared>>) dst(%dma_wait3A_108 : memref<632x128xf32, #tpu.memory_space<hbm>>)
      tpu.yield
    }) : () -> ()
    return
  }
}

module attributes {stable_mosaic.version = 14 : i64} {
  func.func @_dense0_body(%arg0: memref<10000x128xf32, #tpu.memory_space<vmem>>, %arg1: memref<128x128xf32, #tpu.memory_space<vmem>>, %arg2: memref<2x10112x128xf32, #tpu.memory_space<vmem>>, %arg3: memref<10000x128xf32, #tpu.memory_space<vmem>>, %arg4: memref<10000x1xf32, #tpu.memory_space<vmem>>) attributes {dimension_semantics = [], scalar_prefetch = 0 : i64, scratch_operands = 0 : i64, tpu.core_type = #tpu.core_type<tc>} {
    %get3A = arith.constant 0 : index
    %get3A_0 = arith.constant 0 : index
    %get3A_1 = arith.constant 0 : index
    %get3A_2 = vector.load %arg2[%get3A, %get3A_0, %get3A_1] : memref<2x10112x128xf32, #tpu.memory_space<vmem>>, vector<1x10000x1xf32>
    %get3A_3 = vector.shape_cast %get3A_2 : vector<1x10000x1xf32> to vector<10000x1xf32>
    %get3A_4 = arith.constant 1 : index
    %get3A_5 = arith.constant 0 : index
    %get3A_6 = arith.constant 0 : index
    %get3A_7 = vector.load %arg2[%get3A_4, %get3A_5, %get3A_6] : memref<2x10112x128xf32, #tpu.memory_space<vmem>>, vector<1x10000x1xf32>
    %get3A_8 = vector.shape_cast %get3A_7 : vector<1x10000x1xf32> to vector<10000x1xf32>
    %add3A = arith.addf %get3A_3, %get3A_8 : vector<10000x1xf32>
    %add3A_9 = arith.constant 1.000000e+00 : f32
    %add3A_10 = vector.broadcast %add3A_9 : f32 to vector<10000x1xf32>
    %add3A_11 = arith.addf %add3A, %add3A_10 : vector<10000x1xf32>
    %rsqrt3A = math.rsqrt %add3A_11 : vector<10000x1xf32>
    %get3A_12 = arith.constant 0 : index
    %get3A_13 = arith.constant 0 : index
    %get3A_14 = vector.load %arg0[%get3A_12, %get3A_13] : memref<10000x128xf32, #tpu.memory_space<vmem>>, vector<10000x128xf32>
    %get3A_15 = arith.constant 0 : index
    %get3A_16 = arith.constant 0 : index
    %get3A_17 = vector.load %arg1[%get3A_15, %get3A_16] : memref<128x128xf32, #tpu.memory_space<vmem>>, vector<128x128xf32>
    %dot_general3A = arith.constant dense<0.000000e+00> : vector<10000x128xf32>
    %dot_general3A_18 = tpu.matmul %get3A_14, %get3A_17, %dot_general3A {dimension_numbers = #tpu.dot_dimension_numbers<[1], [0], [0], [1], [0, 0, 1, 1], [], []>, transpose_lhs_hint = false} : vector<10000x128xf32>, vector<128x128xf32>, vector<10000x128xf32> -> vector<10000x128xf32>
    %mul3A = vector.broadcast %rsqrt3A : vector<10000x1xf32> to vector<10000x128xf32>
    %mul3A_19 = arith.mulf %dot_general3A_18, %mul3A : vector<10000x128xf32>
    %swap3A = arith.constant 0 : index
    %swap3A_20 = arith.constant 0 : index
    %swap3A_21 = vector.load %arg3[%swap3A, %swap3A_20] : memref<10000x128xf32, #tpu.memory_space<vmem>>, vector<10000x128xf32>
    tpu.vector_store %arg3[%swap3A, %swap3A_20], %mul3A_19 {strides = array<i32>} : memref<10000x128xf32, #tpu.memory_space<vmem>>, vector<10000x128xf32>,
    %swap3A_22 = arith.constant 0 : index
    %swap3A_23 = arith.constant 0 : index
    %swap3A_24 = vector.load %arg4[%swap3A_22, %swap3A_23] : memref<10000x1xf32, #tpu.memory_space<vmem>>, vector<10000x1xf32>
    tpu.vector_store %arg4[%swap3A_22, %swap3A_23], %rsqrt3A {strides = array<i32>} : memref<10000x1xf32, #tpu.memory_space<vmem>>, vector<10000x1xf32>,
    return
  }
}

module attributes {stable_mosaic.version = 14 : i64} {
  func.func @_dense_mid_body(%arg0: memref<2x10112x128xf32, #tpu.memory_space<vmem>>, %arg1: memref<10000x128xf32, #tpu.memory_space<vmem>>, %arg2: memref<10000x1xf32, #tpu.memory_space<vmem>>, %arg3: memref<1x128xf32, #tpu.memory_space<vmem>>, %arg4: memref<128x128xf32, #tpu.memory_space<vmem>>, %arg5: memref<10000x128xf32, #tpu.memory_space<vmem>>) attributes {dimension_semantics = [], scalar_prefetch = 0 : i64, scratch_operands = 0 : i64, tpu.core_type = #tpu.core_type<tc>} {
    %get3A = arith.constant 0 : index
    %get3A_0 = arith.constant 0 : index
    %get3A_1 = vector.load %arg2[%get3A, %get3A_0] : memref<10000x1xf32, #tpu.memory_space<vmem>>, vector<10000x1xf32>
    %get3A_2 = arith.constant 0 : index
    %get3A_3 = arith.constant 0 : index
    %get3A_4 = arith.constant 0 : index
    %get3A_5 = vector.load %arg0[%get3A_2, %get3A_3, %get3A_4] : memref<2x10112x128xf32, #tpu.memory_space<vmem>>, vector<1x10000x128xf32>
    %get3A_6 = vector.shape_cast %get3A_5 : vector<1x10000x128xf32> to vector<10000x128xf32>
    %get3A_7 = arith.constant 1 : index
    %get3A_8 = arith.constant 0 : index
    %get3A_9 = arith.constant 0 : index
    %get3A_10 = vector.load %arg0[%get3A_7, %get3A_8, %get3A_9] : memref<2x10112x128xf32, #tpu.memory_space<vmem>>, vector<1x10000x128xf32>
    %get3A_11 = vector.shape_cast %get3A_10 : vector<1x10000x128xf32> to vector<10000x128xf32>
    %add3A = arith.addf %get3A_6, %get3A_11 : vector<10000x128xf32>
    %get3A_12 = arith.constant 0 : index
    %get3A_13 = arith.constant 0 : index
    %get3A_14 = vector.load %arg1[%get3A_12, %get3A_13] : memref<10000x128xf32, #tpu.memory_space<vmem>>, vector<10000x128xf32>
    %add3A_15 = arith.addf %add3A, %get3A_14 : vector<10000x128xf32>
    %mul3A = vector.broadcast %get3A_1 : vector<10000x1xf32> to vector<10000x128xf32>
    %mul3A_16 = arith.mulf %add3A_15, %mul3A : vector<10000x128xf32>
    %get3A_17 = arith.constant 0 : index
    %get3A_18 = arith.constant 0 : index
    %get3A_19 = vector.load %arg3[%get3A_17, %get3A_18] : memref<1x128xf32, #tpu.memory_space<vmem>>, vector<1x128xf32>
    %add3A_20 = vector.broadcast %get3A_19 : vector<1x128xf32> to vector<10000x128xf32>
    %add3A_21 = arith.addf %mul3A_16, %add3A_20 : vector<10000x128xf32>
    %max3A = arith.constant 0.000000e+00 : f32
    %max3A_22 = vector.broadcast %max3A : f32 to vector<10000x128xf32>
    %max3A_23 = arith.maximumf %add3A_21, %max3A_22 : vector<10000x128xf32>
    %get3A_24 = arith.constant 0 : index
    %get3A_25 = arith.constant 0 : index
    %get3A_26 = vector.load %arg4[%get3A_24, %get3A_25] : memref<128x128xf32, #tpu.memory_space<vmem>>, vector<128x128xf32>
    %dot_general3A = arith.constant dense<0.000000e+00> : vector<10000x128xf32>
    %dot_general3A_27 = tpu.matmul %max3A_23, %get3A_26, %dot_general3A {dimension_numbers = #tpu.dot_dimension_numbers<[1], [0], [0], [1], [0, 0, 1, 1], [], []>, transpose_lhs_hint = false} : vector<10000x128xf32>, vector<128x128xf32>, vector<10000x128xf32> -> vector<10000x128xf32>
    %mul3A_28 = vector.broadcast %get3A_1 : vector<10000x1xf32> to vector<10000x128xf32>
    %mul3A_29 = arith.mulf %dot_general3A_27, %mul3A_28 : vector<10000x128xf32>
    %swap3A = arith.constant 0 : index
    %swap3A_30 = arith.constant 0 : index
    %swap3A_31 = vector.load %arg5[%swap3A, %swap3A_30] : memref<10000x128xf32, #tpu.memory_space<vmem>>, vector<10000x128xf32>
    tpu.vector_store %arg5[%swap3A, %swap3A_30], %mul3A_29 {strides = array<i32>} : memref<10000x128xf32, #tpu.memory_space<vmem>>, vector<10000x128xf32>,
    return
  }
}

module attributes {stable_mosaic.version = 14 : i64} {
  func.func @_final_body(%arg0: memref<2x10112x128xf32, #tpu.memory_space<vmem>>, %arg1: memref<10000x128xf32, #tpu.memory_space<vmem>>, %arg2: memref<10000x1xf32, #tpu.memory_space<vmem>>, %arg3: memref<1x128xf32, #tpu.memory_space<vmem>>, %arg4: memref<10000x40xf32, #tpu.memory_space<vmem>>) attributes {dimension_semantics = [], scalar_prefetch = 0 : i64, scratch_operands = 0 : i64, tpu.core_type = #tpu.core_type<tc>} {
    %get3A = arith.constant 0 : index
    %get3A_0 = arith.constant 0 : index
    %get3A_1 = vector.load %arg2[%get3A, %get3A_0] : memref<10000x1xf32, #tpu.memory_space<vmem>>, vector<10000x1xf32>
    %get3A_2 = arith.constant 0 : index
    %get3A_3 = arith.constant 0 : index
    %get3A_4 = arith.constant 0 : index
    %get3A_5 = vector.load %arg0[%get3A_2, %get3A_3, %get3A_4] : memref<2x10112x128xf32, #tpu.memory_space<vmem>>, vector<1x10000x128xf32>
    %get3A_6 = vector.shape_cast %get3A_5 : vector<1x10000x128xf32> to vector<10000x128xf32>
    %get3A_7 = arith.constant 1 : index
    %get3A_8 = arith.constant 0 : index
    %get3A_9 = arith.constant 0 : index
    %get3A_10 = vector.load %arg0[%get3A_7, %get3A_8, %get3A_9] : memref<2x10112x128xf32, #tpu.memory_space<vmem>>, vector<1x10000x128xf32>
    %get3A_11 = vector.shape_cast %get3A_10 : vector<1x10000x128xf32> to vector<10000x128xf32>
    %add3A = arith.addf %get3A_6, %get3A_11 : vector<10000x128xf32>
    %get3A_12 = arith.constant 0 : index
    %get3A_13 = arith.constant 0 : index
    %get3A_14 = vector.load %arg1[%get3A_12, %get3A_13] : memref<10000x128xf32, #tpu.memory_space<vmem>>, vector<10000x128xf32>
    %add3A_15 = arith.addf %add3A, %get3A_14 : vector<10000x128xf32>
    %mul3A = vector.broadcast %get3A_1 : vector<10000x1xf32> to vector<10000x128xf32>
    %mul3A_16 = arith.mulf %add3A_15, %mul3A : vector<10000x128xf32>
    %get3A_17 = arith.constant 0 : index
    %get3A_18 = arith.constant 0 : index
    %get3A_19 = vector.load %arg3[%get3A_17, %get3A_18] : memref<1x128xf32, #tpu.memory_space<vmem>>, vector<1x128xf32>
    %add3A_20 = vector.broadcast %get3A_19 : vector<1x128xf32> to vector<10000x128xf32>
    %add3A_21 = arith.addf %mul3A_16, %add3A_20 : vector<10000x128xf32>
    %max3A = arith.constant 0.000000e+00 : f32
    %max3A_22 = vector.broadcast %max3A : f32 to vector<10000x128xf32>
    %max3A_23 = arith.maximumf %add3A_21, %max3A_22 : vector<10000x128xf32>
    %iota3A = tpu.iota {dimensions = array<i32: 1>} : vector<10000x128xi32>
    %lt3A = arith.constant 40 : i32
    %lt3A_24 = vector.broadcast %lt3A : i32 to vector<10000x128xi32>
    %lt3A_25 = arith.cmpi slt, %iota3A, %lt3A_24 : vector<10000x128xi32>
    %jit3A = arith.constant 0xFF800000 : f32
    %broadcast_in_dim3A = vector.broadcast %jit3A : f32 to vector<10000x128xf32>
    %select_n3A = arith.select %lt3A_25, %max3A_23, %broadcast_in_dim3A : vector<10000x128xi1>, vector<10000x128xf32>
    %reduce_max3A = arith.constant dense<0xFF800000> : vector<10000xf32>
    %reduce_max3A_26 = vector.multi_reduction <maximumf>, %select_n3A, %reduce_max3A [1] : vector<10000x128xf32> to vector<10000xf32>
    %broadcast_in_dim3A_27 = vector.shape_cast %reduce_max3A_26 : vector<10000xf32> to vector<10000x1xf32>
    %sub3A = vector.broadcast %broadcast_in_dim3A_27 : vector<10000x1xf32> to vector<10000x128xf32>
    %sub3A_28 = arith.subf %max3A_23, %sub3A : vector<10000x128xf32>
    %exp3A = math.exp %sub3A_28 : vector<10000x128xf32>
    %jit3A_29 = arith.constant 0.000000e+00 : f32
    %broadcast_in_dim3A_30 = vector.broadcast %jit3A_29 : f32 to vector<10000x128xf32>
    %select_n3A_31 = arith.select %lt3A_25, %exp3A, %broadcast_in_dim3A_30 : vector<10000x128xi1>, vector<10000x128xf32>
    %reduce_sum3A = arith.constant dense<0.000000e+00> : vector<10000xf32>
    %reduce_sum3A_32 = vector.multi_reduction <add>, %select_n3A_31, %reduce_sum3A [1] : vector<10000x128xf32> to vector<10000xf32>
    %broadcast_in_dim3A_33 = vector.shape_cast %reduce_sum3A_32 : vector<10000xf32> to vector<10000x1xf32>
    %log3A = math.log %broadcast_in_dim3A_33 : vector<10000x1xf32>
    %add3A_34 = arith.addf %log3A, %broadcast_in_dim3A_27 : vector<10000x1xf32>
    %sub3A_35 = vector.broadcast %add3A_34 : vector<10000x1xf32> to vector<10000x128xf32>
    %sub3A_36 = arith.subf %max3A_23, %sub3A_35 : vector<10000x128xf32>
    %slice3A = vector.extract_strided_slice %sub3A_36 {offsets = [0, 0], sizes = [10000, 40], strides = [1, 1]} : vector<10000x128xf32> to vector<10000x40xf32>
    %swap3A = arith.constant 0 : index
    %swap3A_37 = arith.constant 0 : index
    %swap3A_38 = vector.load %arg4[%swap3A, %swap3A_37] : memref<10000x40xf32, #tpu.memory_space<vmem>>, vector<10000x40xf32>
    tpu.vector_store %arg4[%swap3A, %swap3A_37], %slice3A {strides = array<i32>} : memref<10000x40xf32, #tpu.memory_space<vmem>>, vector<10000x40xf32>,
    return
  }
}

</mosaic_0001>

<sc_bundles>
// kernel: kernel.12.cloned.1.call-start
scs
__scs_entry_jumppad:
0x0: {  	(pc) =	sbr.rel $0x88, $3  }
0x1: {  	(tag) =	ssettag $0x0;
	lr =	simm.s32 $0x1  }
0x2: {  	[smem:$0x3F97] =	sst lr;
	_ =	strace $0xD0000000  }
0x3: {  	_ = 	snop  }
0x4: {  	_ = 	snop  }
0x5: {  	_ = 	snop  }
0x6: {  	_ = 	snop  }
0x7: {  	_ = 	snop  }
__scs_overlays_trampoline_lowered:
0x8: {  	[smem:$0x3FA6] =	sst s0  }
0x9: {  	[smem:$0x3FA7] =	sst s1  }
0xa: {  	[smem:$0x3FA8] =	sst s2  }
0xb: {  	[smem:$0x3FA9] =	sst s3  }
0xc: {  	[smem:$0x3FAA] =	sst s4  }
0xd: {  	[smem:$0x3FAB] =	sst s5  }
0xe: {  	[smem:$0x3FAC] =	sst s6  }
0xf: {  	[smem:$0x3FAD] =	sst s7  }
0x10: {  	[smem:$0x3FAE] =	sst s8  }
0x11: {  	[smem:$0x3FAF] =	sst s9;
	s0 =	simm.s32 @!p0 $0x0  }
0x12: {  	s1 =	sld [smem:$0x3F95];
	s0 =	simm.s32 @p0 $0x1  }
0x13: {  	[smem:$0x3FB0] =	sst s0;
	s0 =	simm.s32 @!p1 $0x0  }
0x14: {  	s2 =	sld [smem:$0x3F94];
	s0 =	simm.s32 @p1 $0x1  }
0x15: {  	[smem:$0x3FB1] =	sst s0;
	s0 =	simm.s32 @!p2 $0x0  }
0x16: {  	s3 =	sld [smem:$0x3FDB];
	s0 =	simm.s32 @p2 $0x1  }
0x17: {  	s4 =	simm.s32 $0x1BF5;
	[smem:$0x3FB3] =	sst s0  }
0x18: {  	s0 =	sld [smem:$0x3F96];
	_ =	swait.ge [sflag:s4], $0x0  }
0x19: {  	s7 =	sld [smem:$0x3F97]  }
0x1a: {  	s8 =	sadd.s32 $0xFFFFE003, lr  }
0x1b: {  	s9 =	sadd.s32 $0xFFFFFEF7, lr;
	s5 =	simm.s32 $0xFFFFFFFF;
	p2 =	slt.u32 s8, $0xFFFFF086  }
0x1c: {  	p1 =	slt.u32 s9, $0xF7A;
	s5 =	simm.s32 @!p2 $0x0  }
0x1d: {  	s5 =	simm.s32 @p1 $0x1;
	p0 =	seq.s32 s7, s2  }
0x1e: {  	s7 =	smul.u32 @!p0 $0xF7A, s2;
	p2 =	seq.s32 @!p0 s5, $0x0  }
0x1f: {  	s9 =	smul.u32 $0xF7A, s1;
	s8 =	simm.s32 @!p0 $0x1BF5;
	p2 =	por !p2, p0  }
0x20: {  	[sflag:s8] =	ssyncset.s32 @!p0 $0xFFFFF086;
	s6 =	sadd.s32 @!p0 s3, s7;
	s7 =	simm.s32 @!p0 $0x108  }
0x21: {  	s3 =	sadd.s32 s3, s9;
	s6 =	sadd.s32 @!p0 $0x88, s6;
	s7 =	simm.s32 @p2 $0x1082  }
0x22: {  	[simem:s7], [sflag:s8] =	dma.local @!p0 [hbm:s6], $0xF7A  }
0x23: {  	s9 =	sor.u32 $0xD0000000, s2;
	s6 =	simm.s32 $0x108;
	_ =	swait.ge @!p0 [sflag:s8], $0x0  }
0x24: {  	s3 =	sadd.s32 $0x88, s3;
	s6 =	simm.s32 @!p1 $0x1082;
	[sflag:s4] =	ssyncset.s32 $0xFFFFF086  }
0x25: {  	[simem:s6], [sflag:s4] =	dma.local [hbm:s3], $0xF7A  }
0x26: {  	[smem:$0x3F97] =	sst s1;
	(tag) =	ssettag s2;
	_ =	strace s9  }
0x27: {  	s1 =	sld [smem:$0x3FA7]  }
0x28: {  	s2 =	sld [smem:$0x3FA8]  }
0x29: {  	s4 =	sld [smem:$0x3FAA]  }
0x2a: {  	p0 =	seq.s32 s5, $0x0;
	s5 =	sld [smem:$0x3FAB]  }
0x2b: {  	s6 =	sld [smem:$0x3FAC]  }
0x2c: {  	s7 =	sld [smem:$0x3FAD]  }
0x2d: {  	s3 =	simm.s32 $0x108;
	s8 =	sld [smem:$0x3FAE]  }
0x2e: {  	s3 =	simm.s32 @!p0 $0x1082;
	s9 =	sld [smem:$0x3FAF]  }
0x2f: {  	lr =	sadd.s32 s0, s3;
	s0 =	sld [smem:$0x3FA6]  }
0x30: {  	s3 =	sld [smem:$0x3FA9]  }
0x31: {  	[smem:$0x3FB2] =	sst s10  }
0x32: {  	s10 =	sld [smem:$0x3FB0];
	_ =	sdelay $0x3  }
0x33: {  	p0 =	seq.s32 s10, $0x1;
	s10 =	sld [smem:$0x3FB2];
	_ =	sdelay $0x3  }
0x34: {  	[smem:$0x3FB2] =	sst s10  }
0x35: {  	s10 =	sld [smem:$0x3FB1];
	_ =	sdelay $0x3  }
0x36: {  	p1 =	seq.s32 s10, $0x1;
	s10 =	sld [smem:$0x3FB2];
	_ =	sdelay $0x3  }
0x37: {  	[smem:$0x3FB2] =	sst s10  }
0x38: {  	s10 =	sld [smem:$0x3FB3]  }
0x39: {  	_ = 	snop;
	(pc) =	sbr.ind lr, $3  }
0x3a: {  	_ = 	snop  }
0x3b: {  	_ = 	snop  }
0x3c: {  	p2 =	seq.s32 s10, $0x1;
	s10 =	sld [smem:$0x3FB2]  }
0x3d: {  	_ =	shalt  }
0x3e: {  	_ =	shalt  }
0x3f: {  	_ =	shalt  }
0x40: {  	_ =	shalt  }
0x41: {  	_ =	shalt  }
0x42: {  	_ =	shalt  }
0x43: {  	_ =	shalt  }
0x44: {  	_ =	shalt  }
0x45: {  	_ =	shalt  }
0x46: {  	_ =	shalt  }
0x47: {  	_ =	shalt  }
0x48: {  	_ =	shalt  }
0x49: {  	_ =	shalt  }
0x4a: {  	_ =	shalt  }
0x4b: {  	_ =	shalt  }
0x4c: {  	_ =	shalt  }
0x4d: {  	_ =	shalt  }
0x4e: {  	_ =	shalt  }
0x4f: {  	_ =	shalt  }
0x50: {  	_ =	shalt  }
0x51: {  	_ =	shalt  }
0x52: {  	_ =	shalt  }
0x53: {  	_ =	shalt  }
0x54: {  	_ =	shalt  }
0x55: {  	_ =	shalt  }
0x56: {  	_ =	shalt  }
0x57: {  	_ =	shalt  }
0x58: {  	_ =	shalt  }
0x59: {  	_ =	shalt  }
0x5a: {  	_ =	shalt  }
0x5b: {  	_ =	shalt  }
0x5c: {  	_ =	shalt  }
0x5d: {  	_ =	shalt  }
0x5e: {  	_ =	shalt  }
0x5f: {  	_ =	shalt  }
0x60: {  	_ =	shalt  }
0x61: {  	_ =	shalt  }
0x62: {  	_ =	shalt  }
0x63: {  	_ =	shalt  }
0x64: {  	_ =	shalt  }
0x65: {  	_ =	shalt  }
0x66: {  	_ =	shalt  }
0x67: {  	_ =	shalt  }
0x68: {  	_ =	shalt  }
0x69: {  	_ =	shalt  }
0x6a: {  	_ =	shalt  }
0x6b: {  	_ =	shalt  }
0x6c: {  	_ =	shalt  }
0x6d: {  	_ =	shalt  }
0x6e: {  	_ =	shalt  }
0x6f: {  	_ =	shalt  }
0x70: {  	_ =	shalt  }
0x71: {  	_ =	shalt  }
0x72: {  	_ =	shalt  }
0x73: {  	_ =	shalt  }
0x74: {  	_ =	shalt  }
0x75: {  	_ =	shalt  }
0x76: {  	_ =	shalt  }
0x77: {  	_ =	shalt  }
0x78: {  	_ =	shalt  }
0x79: {  	_ =	shalt  }
0x7a: {  	_ =	shalt  }
0x7b: {  	_ =	shalt  }
0x7c: {  	_ =	shalt  }
0x7d: {  	_ =	shalt  }
0x7e: {  	_ =	shalt  }
0x7f: {  	_ =	shalt  }
0x80: {  	_ =	shalt  }
0x81: {  	_ =	shalt  }
0x82: {  	_ =	shalt  }
0x83: {  	_ =	shalt  }
0x84: {  	_ =	shalt  }
0x85: {  	_ =	shalt  }
0x86: {  	_ =	shalt  }
0x87: {  	_ =	shalt  }
.Lfunc_end0:
.L_simem_size_0:
called_computation_lowered:
.L_overlay_start_0:
0x88: {  	s2 =	sld [smem:$0x3FD9]  }
0x89: {  	s3 =	sld [smem:$0x3FFE];
	_ =	sdelay $0x1  }
0x8a: {  	s1 =	srdreg.scid  }
0x8b: {  	s0 =	sand.u32 $0x1, s1  }
0x8c: {  	s17 =	sshll.u32 s0, $0xA;
	s2 =	sadd.s32 s3, s2  }
0x8d: {  	s2 =	sadd.s32 s2, s17  }
0x8e: {  	[smem:$0x3FBE] =	sst s2  }
0x8f: {  	_ = 	snop  }
0x90: {  	s2 =	sld [smem:$0x3FD0];
	(tm) =	ssettm $0x1  }
0x91: {  	s18 =	sld [smem:$0x3FFB];
	_ =	sdelay $0x3  }
0x92: {  	_ =	strace s18  }
0x93: {  	s3 =	sld [smem:$0x3FFC];
	_ =	sdelay $0x3  }
0x94: {  	_ =	strace s3  }
0x95: {  	s3 =	sld [smem:$0x3FFD];
	_ =	sdelay $0x3  }
0x96: {  	_ =	strace s3  }
0x97: {  	_ =	strace $0x8FFFFFFF  }
0x98: {  	s19 =	sld [smem:$0x3FDB];
	_ =	sdelay $0x1  }
0x99: {  	s4 =	simm.s32 $_scs_section_size  }
0x9a: {  	s5 =	simm.s32 $_size__tile_overlayer_lowered;
	s6 =	simm.s32 $_tile_overlayer_lowered  }
0x9b: {  	s22 =	simm.s32 $0x1BFF;
	s21 =	sshll.u32 s6, $0x1;
	s3 =	sadd.s32 s4, s19  }
0x9c: {  	s7 =	simm.s32 $0x0;
	s20 =	sshll.u32 s5, $0x1;
	s5 =	sadd.s32 s21, s3  }
0x9d: {  	[timem:s7], [sflag:s22] =	dma.local [hbm:s5], s20  }
0x9e: {  	_ =	swait.ge [sflag:s22], s20  }
0x9f: {  	s4 =	ssub.s32 $0x0, s20;
	[sflag:s22] =	ssyncset.done $0x0  }
0xa0: {  	[sflag:s22] =	ssyncadd.s32 s4;
	_ =	sdelay $0x1  }
0xa1: {  	s23 =	simm.s32 $0x1B8B  }
0xa2: {  	_ =	swait.ge [sflag:s23], $0x1  }
0xa3: {  	[sflag:s23] =	ssyncset.done $0x0  }
0xa4: {  	s25 =	simm.s32 $0x1B8E;
	s24 =	sld [smem:$0x3FFE];
	[sflag:s23] =	ssyncadd.s32 $0xFFFFFFFF  }
0xa5: {  	s26 =	simm.s32 $execute0_lowered;
	[smem:$0x3FD2] =	sst s25  }
0xa6: {  	s5 =	sshll.u32 s26, $0x1;
	_ =	strace $0x80000046;
	[dreg:$0x1] =	wrdreg $0xFFFFFFFF  }
0xa7: {  	s28 =	simm.s32 $_size_execute0_lowered;
	s3 =	sadd.s32 s3, s5;
	[dreg:$0x0] =	wrdreg $0x0  }
0xa8: {  	s5 =	sshll.u32 s28, $0x1;
	[dreg:$0x2] =	wrdreg s3  }
0xa9: {  	[dreg:$0x3] =	wrdreg s5  }
0xaa: {  	[dreg:$0x4] =	wrdreg $0xC0  }
0xab: {  	_ =	task [dreg:s7], $0x5FFFF  }
0xac: {  	[dreg:$0x1] =	wrdreg $0xFFFFFFFF  }
0xad: {  	[dreg:$0x0] =	wrdreg $0x60  }
0xae: {  	[dreg:$0x2] =	wrdreg s2  }
0xaf: {  	[dreg:$0x3] =	wrdreg s24  }
0xb0: {  	[dreg:$0x4] =	wrdreg $0x40800  }
0xb1: {  	[dreg:$0x5] =	wrdreg $0x9  }
0xb2: {  	_ =	task.clear_ibuf [dreg:s7], $0x6FFFF;
	_ =	strace $0x90000046  }
0xb3: {  	s29 =	simm.s32 $0x9;
	_ =	strace $0x80000048  }
0xb4: {  	_ =	swait.ge [sflag:s29], $0x1  }
0xb5: {  	[sflag:s29] =	ssyncadd.s32 $0xFFFFFFFF  }
0xb6: {  	_ =	strace $0x90000048  }
0xb7: {  	_ =	sfence  }
0xb8: {  	s30 =	sld [smem:$0x0];
	_ =	sdelay $0x2  }
0xb9: {  	s31 =	sshll.u32 s1, $0xD;
	s1 =	sshrl.u32 s1, $0x2  }
0xba: {  	s3 =	sand.u32 $0x4000, s31;
	s1 =	sadd.s32 s1, s30  }
0xbb: {  	s0 =	sor.u32 s3, s0;
	s1 =	sshll.u32 s1, $0x11  }
0xbc: {  	s0 =	sor.u32 s1, s0  }
0xbd: {  	s0 =	sadd.s32 $0x8F2B, s0  }
0xbe: {  	[sflag:s0] =	ssyncadd.remote.s32 $0x1  }
0xbf: {  	_ =	sfence.sel $0xFFFF  }
0xc0: {  	[dreg:$0x0] =	wrdreg $0xFFFFFFFF;
	(pc) =	sbr.abs _section_cstart, $3  }
0xc1: {  	[dreg:$0x1] =	wrdreg $0xFFFFFFFF  }
0xc2: {  	_ =	task.clear_ibuf [dreg:s7], $0x2FFFF;
	_ =	strace $0x9FFFFFFF  }
0xc3: {  	(tm) =	ssettm $0x7FFFFFFF  }
tec
execute0_lowered:
.L_overlay_start_1:
0x0: {  	(tag) =	ssettag $0x1  }
0x1: {  	s8 =	rddreg [dreg:$0x0]  }
0x2: {  	s6 =	rddreg [dreg:$0x1];
	s0 =	srdreg.scid  }
0x3: {  	s2 =	rddreg [dreg:$0x2];
	s1 =	stileid.u32;
	s3 =	simm.s32 $0x0  }
0x4: {  	s7 =	sand.u32 $0x1, s0;
	s0 =	rddreg [dreg:$0x3];
	s9 =	smul.u32 $0x13C00, s1  }
0x5: {  	[smem:$0x7FF] =	sst s3;
	s11 =	smul.u32 $0x4F000, s1  }
0x6: {  	s4 =	sadd.s32 $0x5E00, s6;
	s30 =	sshll.u32 s1, $0x6;
	s13 =	smul.u32 $0x500, s1  }
0x7: {  	s5 =	smul.u32 $0x13C000, s7;
	_ =	strace $0x80000047;
	s10 =	ssub.s32 $0x2, s7  }
0x8: {  	s29 =	smul.u32 $0x5000, s7;
	s26 =	sshrl.u32 s10, $0x1;
	s28 =	sshrl.u32 s11, $0x2  }
0x9: {  	s11 =	simm.s32 $0x1;
	s5 =	sadd.s32 s9, s5;
	s10 =	ssub.s32 s10, s26  }
0xa: {  	s12 =	sadd.s32 s28, s2;
	s31 =	sadd.s32 s29, s8;
	s9 =	sshrl.u32 s5, $0x3  }
0xb: {  	s5 =	sadd.s32 $0x3600, s6;
	s8 =	smax.u32 s10, $0x1;
	s10 =	sshrl.u32 s12, $0x3  }
0xc: {  	s12 =	simm.s32 $0x80;
	s9 =	sadd.s32 s9, s6;
	s6 =	sor.u32 $0x1C01, s30  }
0xd: {  	s7 =	sadd.s32 $0x6600, s9;
	s9 =	sadd.s32 s13, s31;
	s13 =	simm.s32 $0x0  }
.LBB2_1:
0xe: {  	[spmem:s10], [sflag:s6] =	dma.local [hbm:s5], $0x2780  }
0xf: {  	_ =	swait.ge [sflag:s11], $0x2780  }
0x10: {  	[sflag:s11] =	ssyncset.done $0x0  }
0x11: {  	[sflag:s11] =	ssyncadd.s32 $0xFFFFD880  }
0x12: {  	[tilespmem:s12], [sflag:$0x1] =	stream.linear.gather [hbm4b:s4+s3], $0x4000, $0x38;
	[tilespmem:$0x17C80] =	vst v63  }
0x13: {  	_ =	swait.ge [sflag:s11], $0x4000  }
0x14: {  	[sflag:s11] =	ssyncset.done $0x0  }
0x15: {  	[sflag:s11] =	ssyncadd.s32 $0xFFFFC000  }
0x16: {  	s14 =	sadd.s32 $0x0, s9;
	[bflag:$0x0] =	sbarrier.arrive $0xFFFF  }
0x17: {  	[tilespmem:s3], [sflag:$0x1] =	stream.linear.gather [hbm4b:s14+s3], $0x80, $0x38;
	[tilespmem:$0x17C80] =	vst v63  }
0x18: {  	_ =	swait.ge [sflag:s11], $0x80  }
0x19: {  	[sflag:s11] =	ssyncset.done $0x0  }
0x1a: {  	[sflag:s11] =	ssyncadd.s32 $0xFFFFFF80  }
0x1b: {  	[spmem:s2] =	stream.indirect.scatter.add.f32 [tilespmem:s12], [sflag:$0x1], $0x80, s3, s12, $0xb8;
	[tilespmem:$0x17C80] =	vst v63  }
0x1c: {  	_ =	swait.ge [sflag:s11], $0x4000  }
0x1d: {  	s15 =	simm.s32 $0x20;
	s14 =	simm.s32 $0x10;
	[sflag:s11] =	ssyncset.done $0x0  }
.LBB2_2:
0x1e: {  	s16 =	sadd.s32 s14, s9  }
0x1f: {  	[sflag:s11] =	ssyncadd.s32 $0xFFFFC000;
	s14 =	smov.u32 s15;
	s17 =	sadd.s32 $0x10, s15  }
0x20: {  	[tilespmem:s3], [sflag:$0x1] =	stream.linear.gather [hbm4b:s16+s3], $0x80, $0x38;
	[tilespmem:$0x17C80] =	vst v63  }
0x21: {  	p0 =	sne.s32 s15, $0x4F0;
	_ =	swait.ge [sflag:s11], $0x80  }
.Ltmp0:
0x22: {  	[sflag:s11] =	ssyncset.done $0x0;
	(pc) =	sbr.rel @p0 .LBB2_2-.Ltmp0, $4  }
0x23: {  	[sflag:s11] =	ssyncadd.s32 $0xFFFFFF80  }
0x24: {  	[spmem:s2] =	stream.indirect.scatter.add.f32 [tilespmem:s12], [sflag:$0x1], $0x80, s3, s12, $0xb8;
	[tilespmem:$0x17C80] =	vst v63  }
0x25: {  	_ =	swait.ge [sflag:s11], $0x4000  }
0x26: {  	s15 =	smov.u32 s17;
	[sflag:s11] =	ssyncset.done $0x0  }
0x27: {  	s14 =	sadd.s32 s14, s9;
	[sflag:s11] =	ssyncadd.s32 $0xFFFFC000  }
0x28: {  	[tilespmem:s3], [sflag:$0x1] =	stream.linear.gather [hbm4b:s14+s3], $0x80, $0x38;
	[tilespmem:$0x17C80] =	vst v63  }
0x29: {  	_ =	swait.ge [sflag:s11], $0x80  }
0x2a: {  	[sflag:s11] =	ssyncset.done $0x0  }
0x2b: {  	[sflag:s11] =	ssyncadd.s32 $0xFFFFFF80  }
0x2c: {  	[spmem:s2] =	stream.indirect.scatter.add.f32 [tilespmem:s12], [sflag:$0x1], $0x80, s3, s12, $0xb8;
	[tilespmem:$0x17C80] =	vst v63  }
0x2d: {  	_ =	swait.ge [sflag:s11], $0x4000  }
0x2e: {  	s13 =	sadd.s32 $0x1, s13;
	[sflag:s11] =	ssyncset.done $0x0  }
0x2f: {  	p0 =	sne.s32 s13, s8;
	[sflag:s11] =	ssyncadd.s32 $0xFFFFC000  }
.Ltmp1:
0x30: {  	[bflag:$0x0] =	sbarrier.arrive $0xFFFF;
	(pc) =	sbr.rel @p0 .LBB2_1-.Ltmp1, $4  }
0x31: {  	[hbm:s7], [sflag:s6] =	dma.local [spmem:s10], $0x2780  }
0x32: {  	_ =	swait.ge [sflag:s11], $0x2780  }
0x33: {  	[sflag:s11] =	ssyncset.done $0x0  }
0x34: {  	[sflag:s11] =	ssyncadd.s32 $0xFFFFD880  }
0x35: {  	_ =	sfence.sel $0x180000  }
0x36: {  	[bflag:$0x0] =	sbarrier.arrive $0xFFFF  }
0x37: {  	p0 =	sne.s32 s1, $0x0;
	_ =	strace $0x90000047  }
0x38: {  	s0 =	sadd.s32 @!p0 $0x100000, s0;
	[bflag:$0x2] =	sbarrier.arrive $0xFFFF  }
0x39: {  	[sflag:s0] =	ssyncadd.tile.s32 @!p0 $0x1;
	_ =	shalt  }
.Lfunc_end2:
_tile_overlayer_lowered:
.L_overlay_start_2:
0x3a: {  	(tag) =	ssettag $0x2  }
0x3b: {  	s0 =	rddreg [dreg:$0x0];
	s2 =	stileid.u32  }
0x3c: {  	s1 =	rddreg [dreg:$0x1];
	p0 =	sne.s32 s2, $0x0  }
0x3d: {  	s3 =	rddreg [dreg:$0x2];
	[bflag:$0x3] =	sbarrier.arrive $0xFFFF;
	s2 =	simm.s32 @!p0 $0x1C01  }
0x3e: {  	[timem:s3], [sflag:s2] =	dma.local @!p0 [hbm:s0], s1  }
0x3f: {  	s0 =	simm.s32 @!p0 $0x1  }
0x40: {  	_ =	swait.ge @!p0 [sflag:s0], s1  }
0x41: {  	s1 =	ssub.s32 @!p0 $0x0, s1;
	[sflag:s0] =	ssyncset.done @!p0 $0x0  }
0x42: {  	[sflag:s0] =	ssyncadd.s32 @!p0 s1  }
0x43: {  	[bflag:$0x3] =	sbarrier.arrive $0xFFFF  }
0x44: {  	_ =	shalt  }

// kernel: kernel.15.cloned.1.call-start
scs
__scs_entry_jumppad:
0x0: {  	(pc) =	sbr.rel $0x88, $3  }
0x1: {  	(tag) =	ssettag $0x0;
	lr =	simm.s32 $0x1  }
0x2: {  	[smem:$0x3F97] =	sst lr;
	_ =	strace $0xD0000000  }
0x3: {  	_ = 	snop  }
0x4: {  	_ = 	snop  }
0x5: {  	_ = 	snop  }
0x6: {  	_ = 	snop  }
0x7: {  	_ = 	snop  }
__scs_overlays_trampoline_lowered:
0x8: {  	[smem:$0x3FA6] =	sst s0  }
0x9: {  	[smem:$0x3FA7] =	sst s1  }
0xa: {  	[smem:$0x3FA8] =	sst s2  }
0xb: {  	[smem:$0x3FA9] =	sst s3  }
0xc: {  	[smem:$0x3FAA] =	sst s4  }
0xd: {  	[smem:$0x3FAB] =	sst s5  }
0xe: {  	[smem:$0x3FAC] =	sst s6  }
0xf: {  	[smem:$0x3FAD] =	sst s7  }
0x10: {  	[smem:$0x3FAE] =	sst s8  }
0x11: {  	[smem:$0x3FAF] =	sst s9;
	s0 =	simm.s32 @!p0 $0x0  }
0x12: {  	s1 =	sld [smem:$0x3F95];
	s0 =	simm.s32 @p0 $0x1  }
0x13: {  	[smem:$0x3FB0] =	sst s0;
	s0 =	simm.s32 @!p1 $0x0  }
0x14: {  	s2 =	sld [smem:$0x3F94];
	s0 =	simm.s32 @p1 $0x1  }
0x15: {  	[smem:$0x3FB1] =	sst s0;
	s0 =	simm.s32 @!p2 $0x0  }
0x16: {  	s3 =	sld [smem:$0x3FDB];
	s0 =	simm.s32 @p2 $0x1  }
0x17: {  	s4 =	simm.s32 $0x1BF5;
	[smem:$0x3FB3] =	sst s0  }
0x18: {  	s0 =	sld [smem:$0x3F96];
	_ =	swait.ge [sflag:s4], $0x0  }
0x19: {  	s7 =	sld [smem:$0x3F97]  }
0x1a: {  	s8 =	sadd.s32 $0xFFFFE003, lr  }
0x1b: {  	s9 =	sadd.s32 $0xFFFFFEF7, lr;
	s5 =	simm.s32 $0xFFFFFFFF;
	p2 =	slt.u32 s8, $0xFFFFF086  }
0x1c: {  	p1 =	slt.u32 s9, $0xF7A;
	s5 =	simm.s32 @!p2 $0x0  }
0x1d: {  	s5 =	simm.s32 @p1 $0x1;
	p0 =	seq.s32 s7, s2  }
0x1e: {  	s7 =	smul.u32 @!p0 $0xF7A, s2;
	p2 =	seq.s32 @!p0 s5, $0x0  }
0x1f: {  	s9 =	smul.u32 $0xF7A, s1;
	s8 =	simm.s32 @!p0 $0x1BF5;
	p2 =	por !p2, p0  }
0x20: {  	[sflag:s8] =	ssyncset.s32 @!p0 $0xFFFFF086;
	s6 =	sadd.s32 @!p0 s3, s7;
	s7 =	simm.s32 @!p0 $0x108  }
0x21: {  	s3 =	sadd.s32 s3, s9;
	s6 =	sadd.s32 @!p0 $0x88, s6;
	s7 =	simm.s32 @p2 $0x1082  }
0x22: {  	[simem:s7], [sflag:s8] =	dma.local @!p0 [hbm:s6], $0xF7A  }
0x23: {  	s9 =	sor.u32 $0xD0000000, s2;
	s6 =	simm.s32 $0x108;
	_ =	swait.ge @!p0 [sflag:s8], $0x0  }
0x24: {  	s3 =	sadd.s32 $0x88, s3;
	s6 =	simm.s32 @!p1 $0x1082;
	[sflag:s4] =	ssyncset.s32 $0xFFFFF086  }
0x25: {  	[simem:s6], [sflag:s4] =	dma.local [hbm:s3], $0xF7A  }
0x26: {  	[smem:$0x3F97] =	sst s1;
	(tag) =	ssettag s2;
	_ =	strace s9  }
0x27: {  	s1 =	sld [smem:$0x3FA7]  }
0x28: {  	s2 =	sld [smem:$0x3FA8]  }
0x29: {  	s4 =	sld [smem:$0x3FAA]  }
0x2a: {  	p0 =	seq.s32 s5, $0x0;
	s5 =	sld [smem:$0x3FAB]  }
0x2b: {  	s6 =	sld [smem:$0x3FAC]  }
0x2c: {  	s7 =	sld [smem:$0x3FAD]  }
0x2d: {  	s3 =	simm.s32 $0x108;
	s8 =	sld [smem:$0x3FAE]  }
0x2e: {  	s3 =	simm.s32 @!p0 $0x1082;
	s9 =	sld [smem:$0x3FAF]  }
0x2f: {  	lr =	sadd.s32 s0, s3;
	s0 =	sld [smem:$0x3FA6]  }
0x30: {  	s3 =	sld [smem:$0x3FA9]  }
0x31: {  	[smem:$0x3FB2] =	sst s10  }
0x32: {  	s10 =	sld [smem:$0x3FB0];
	_ =	sdelay $0x3  }
0x33: {  	p0 =	seq.s32 s10, $0x1;
	s10 =	sld [smem:$0x3FB2];
	_ =	sdelay $0x3  }
0x34: {  	[smem:$0x3FB2] =	sst s10  }
0x35: {  	s10 =	sld [smem:$0x3FB1];
	_ =	sdelay $0x3  }
0x36: {  	p1 =	seq.s32 s10, $0x1;
	s10 =	sld [smem:$0x3FB2];
	_ =	sdelay $0x3  }
0x37: {  	[smem:$0x3FB2] =	sst s10  }
0x38: {  	s10 =	sld [smem:$0x3FB3]  }
0x39: {  	_ = 	snop;
	(pc) =	sbr.ind lr, $3  }
0x3a: {  	_ = 	snop  }
0x3b: {  	_ = 	snop  }
0x3c: {  	p2 =	seq.s32 s10, $0x1;
	s10 =	sld [smem:$0x3FB2]  }
0x3d: {  	_ =	shalt  }
0x3e: {  	_ =	shalt  }
0x3f: {  	_ =	shalt  }
0x40: {  	_ =	shalt  }
0x41: {  	_ =	shalt  }
0x42: {  	_ =	shalt  }
0x43: {  	_ =	shalt  }
0x44: {  	_ =	shalt  }
0x45: {  	_ =	shalt  }
0x46: {  	_ =	shalt  }
0x47: {  	_ =	shalt  }
0x48: {  	_ =	shalt  }
0x49: {  	_ =	shalt  }
0x4a: {  	_ =	shalt  }
0x4b: {  	_ =	shalt  }
0x4c: {  	_ =	shalt  }
0x4d: {  	_ =	shalt  }
0x4e: {  	_ =	shalt  }
0x4f: {  	_ =	shalt  }
0x50: {  	_ =	shalt  }
0x51: {  	_ =	shalt  }
0x52: {  	_ =	shalt  }
0x53: {  	_ =	shalt  }
0x54: {  	_ =	shalt  }
0x55: {  	_ =	shalt  }
0x56: {  	_ =	shalt  }
0x57: {  	_ =	shalt  }
0x58: {  	_ =	shalt  }
0x59: {  	_ =	shalt  }
0x5a: {  	_ =	shalt  }
0x5b: {  	_ =	shalt  }
0x5c: {  	_ =	shalt  }
0x5d: {  	_ =	shalt  }
0x5e: {  	_ =	shalt  }
0x5f: {  	_ =	shalt  }
0x60: {  	_ =	shalt  }
0x61: {  	_ =	shalt  }
0x62: {  	_ =	shalt  }
0x63: {  	_ =	shalt  }
0x64: {  	_ =	shalt  }
0x65: {  	_ =	shalt  }
0x66: {  	_ =	shalt  }
0x67: {  	_ =	shalt  }
0x68: {  	_ =	shalt  }
0x69: {  	_ =	shalt  }
0x6a: {  	_ =	shalt  }
0x6b: {  	_ =	shalt  }
0x6c: {  	_ =	shalt  }
0x6d: {  	_ =	shalt  }
0x6e: {  	_ =	shalt  }
0x6f: {  	_ =	shalt  }
0x70: {  	_ =	shalt  }
0x71: {  	_ =	shalt  }
0x72: {  	_ =	shalt  }
0x73: {  	_ =	shalt  }
0x74: {  	_ =	shalt  }
0x75: {  	_ =	shalt  }
0x76: {  	_ =	shalt  }
0x77: {  	_ =	shalt  }
0x78: {  	_ =	shalt  }
0x79: {  	_ =	shalt  }
0x7a: {  	_ =	shalt  }
0x7b: {  	_ =	shalt  }
0x7c: {  	_ =	shalt  }
0x7d: {  	_ =	shalt  }
0x7e: {  	_ =	shalt  }
0x7f: {  	_ =	shalt  }
0x80: {  	_ =	shalt  }
0x81: {  	_ =	shalt  }
0x82: {  	_ =	shalt  }
0x83: {  	_ =	shalt  }
0x84: {  	_ =	shalt  }
0x85: {  	_ =	shalt  }
0x86: {  	_ =	shalt  }
0x87: {  	_ =	shalt  }
.Lfunc_end0:
.L_simem_size_0:
called_computation.1_lowered:
.L_overlay_start_0:
0x88: {  	s2 =	sld [smem:$0x3FD9]  }
0x89: {  	s3 =	sld [smem:$0x3FFE];
	_ =	sdelay $0x1  }
0x8a: {  	s1 =	srdreg.scid  }
0x8b: {  	s0 =	sand.u32 $0x1, s1  }
0x8c: {  	s17 =	sshll.u32 s0, $0xA;
	s2 =	sadd.s32 s3, s2  }
0x8d: {  	s2 =	sadd.s32 s2, s17  }
0x8e: {  	[smem:$0x3FBE] =	sst s2  }
0x8f: {  	_ = 	snop  }
0x90: {  	s2 =	sld [smem:$0x3FD0];
	(tm) =	ssettm $0x1  }
0x91: {  	s18 =	sld [smem:$0x3FFB];
	_ =	sdelay $0x3  }
0x92: {  	_ =	strace s18  }
0x93: {  	s3 =	sld [smem:$0x3FFC];
	_ =	sdelay $0x3  }
0x94: {  	_ =	strace s3  }
0x95: {  	s3 =	sld [smem:$0x3FFD];
	_ =	sdelay $0x3  }
0x96: {  	_ =	strace s3  }
0x97: {  	_ =	strace $0x8FFFFFFF  }
0x98: {  	s19 =	sld [smem:$0x3FDB];
	_ =	sdelay $0x1  }
0x99: {  	s4 =	simm.s32 $_scs_section_size  }
0x9a: {  	s5 =	simm.s32 $_size__tile_overlayer_lowered;
	s6 =	simm.s32 $_tile_overlayer_lowered  }
0x9b: {  	s22 =	simm.s32 $0x1BFF;
	s21 =	sshll.u32 s6, $0x1;
	s3 =	sadd.s32 s4, s19  }
0x9c: {  	s7 =	simm.s32 $0x0;
	s20 =	sshll.u32 s5, $0x1;
	s5 =	sadd.s32 s21, s3  }
0x9d: {  	[timem:s7], [sflag:s22] =	dma.local [hbm:s5], s20  }
0x9e: {  	_ =	swait.ge [sflag:s22], s20  }
0x9f: {  	s4 =	ssub.s32 $0x0, s20;
	[sflag:s22] =	ssyncset.done $0x0  }
0xa0: {  	[sflag:s22] =	ssyncadd.s32 s4;
	_ =	sdelay $0x1  }
0xa1: {  	s23 =	simm.s32 $0x1B8B  }
0xa2: {  	_ =	swait.ge [sflag:s23], $0x1  }
0xa3: {  	[sflag:s23] =	ssyncset.done $0x0  }
0xa4: {  	s25 =	simm.s32 $0x1B8E;
	s24 =	sld [smem:$0x3FFE];
	[sflag:s23] =	ssyncadd.s32 $0xFFFFFFFF  }
0xa5: {  	s26 =	simm.s32 $execute0_lowered;
	[smem:$0x3FD2] =	sst s25  }
0xa6: {  	s5 =	sshll.u32 s26, $0x1;
	_ =	strace $0x80000049;
	[dreg:$0x1] =	wrdreg $0xFFFFFFFF  }
0xa7: {  	s28 =	simm.s32 $_size_execute0_lowered;
	s3 =	sadd.s32 s3, s5;
	[dreg:$0x0] =	wrdreg $0x0  }
0xa8: {  	s5 =	sshll.u32 s28, $0x1;
	[dreg:$0x2] =	wrdreg s3  }
0xa9: {  	[dreg:$0x3] =	wrdreg s5  }
0xaa: {  	[dreg:$0x4] =	wrdreg $0xC0  }
0xab: {  	_ =	task [dreg:s7], $0x5FFFF  }
0xac: {  	[dreg:$0x1] =	wrdreg $0xFFFFFFFF  }
0xad: {  	[dreg:$0x0] =	wrdreg $0x60  }
0xae: {  	[dreg:$0x2] =	wrdreg s24  }
0xaf: {  	[dreg:$0x3] =	wrdreg s2  }
0xb0: {  	[dreg:$0x4] =	wrdreg $0xA3000  }
0xb1: {  	[dreg:$0x5] =	wrdreg $0x9  }
0xb2: {  	_ =	task.clear_ibuf [dreg:s7], $0x6FFFF;
	_ =	strace $0x90000049  }
0xb3: {  	s29 =	simm.s32 $0x9;
	_ =	strace $0x8000004B  }
0xb4: {  	_ =	swait.ge [sflag:s29], $0x1  }
0xb5: {  	[sflag:s29] =	ssyncadd.s32 $0xFFFFFFFF  }
0xb6: {  	_ =	strace $0x9000004B  }
0xb7: {  	_ =	sfence  }
0xb8: {  	s30 =	sld [smem:$0x0];
	_ =	sdelay $0x2  }
0xb9: {  	s31 =	sshll.u32 s1, $0xD;
	s1 =	sshrl.u32 s1, $0x2  }
0xba: {  	s3 =	sand.u32 $0x4000, s31;
	s1 =	sadd.s32 s1, s30  }
0xbb: {  	s0 =	sor.u32 s3, s0;
	s1 =	sshll.u32 s1, $0x11  }
0xbc: {  	s0 =	sor.u32 s1, s0  }
0xbd: {  	s0 =	sadd.s32 $0x8F2B, s0  }
0xbe: {  	[sflag:s0] =	ssyncadd.remote.s32 $0x1  }
0xbf: {  	_ =	sfence.sel $0xFFFF  }
0xc0: {  	[dreg:$0x0] =	wrdreg $0xFFFFFFFF;
	(pc) =	sbr.abs _section_cstart, $3  }
0xc1: {  	[dreg:$0x1] =	wrdreg $0xFFFFFFFF  }
0xc2: {  	_ =	task.clear_ibuf [dreg:s7], $0x2FFFF;
	_ =	strace $0x9FFFFFFF  }
0xc3: {  	(tm) =	ssettm $0x7FFFFFFF  }
tec
execute0_lowered:
.L_overlay_start_1:
0x0: {  	(tag) =	ssettag $0x1  }
0x1: {  	s0 =	rddreg [dreg:$0x0]  }
0x2: {  	s2 =	rddreg [dreg:$0x1]  }
0x3: {  	s1 =	rddreg [dreg:$0x2]  }
0x4: {  	s3 =	srdreg.scid;
	s17 =	stileid.u32;
	s16 =	simm.s32 $0x44  }
0x5: {  	s28 =	simm.s32 $0x4;
	s29 =	simm.s32 $0x2;
	s7 =	smul.u32 $0x13C00, s17  }
0x6: {  	s30 =	simm.s32 $0x0;
	s5 =	sand.u32 $0x1, s3;
	s18 =	smul.u32 $0xC00, s17  }
0x7: {  	s3 =	simm.s32 $0x0;
	s4 =	sadd.s32 $0x5E00, s0;
	s11 =	smul.u32 $0x4400, s17  }
0x8: {  	s10 =	sadd.s32 $0x55600, s0;
	s8 =	sadd.s32 $0x3600, s0;
	s14 =	smul.u32 $0x4F000, s17  }
0x9: {  	s21 =	sshll.u32 s17, $0x6;
	s6 =	smul.u32 $0x13C000, s5;
	[smem:$0x7FF] =	sst s3  }
0xa: {  	s19 =	ssub.s32 $0x2, s5;
	p0 =	seq.s32 s5, $0x0;
	_ =	strace $0x8000004A  }
0xb: {  	[dreg:$0x4] =	wrdreg s8;
	s9 =	sshrl.u32 s19, $0x1;
	s12 =	sadd.s32 $0x44000, s18  }
0xc: {  	s20 =	sshrl.u32 s14, $0x2;
	s16 =	simm.s32 @!p0 $0xC;
	s23 =	sshrl.u32 s11, $0x3  }
0xd: {  	s6 =	sadd.s32 s7, s6;
	s13 =	sshrl.u32 s12, $0x3;
	s15 =	ssub.s32 s19, s9  }
0xe: {  	s12 =	smov.u32 @p0 s11;
	s14 =	sadd.s32 s20, s1;
	s7 =	sshrl.u32 s18, $0x3  }
0xf: {  	s8 =	sadd.s32 s10, s23;
	s9 =	sshrl.u32 s16, $0x1;
	s25 =	sshll.u32 s16, $0x7  }
0x10: {  	p0 =	sne.s32 s5, $0x0;
	s19 =	simm.s32 $0x5;
	s20 =	simm.s32 $0x80  }
0x11: {  	s23 =	simm.s32 $0x2200;
	s6 =	sshrl.u32 s6, $0x3;
	s22 =	sadd.s32 s10, s13  }
0x12: {  	s7 =	sadd.s32 s10, s7;
	[dreg:$0x6] =	wrdreg s8;
	s24 =	sadd.s32 $0x440, s8  }
0x13: {  	s26 =	sshrl.u32 s12, $0x3;
	s13 =	smax.u32 s15, $0x1;
	s18 =	sshrl.u32 s14, $0x3  }
0x14: {  	s0 =	sadd.s32 s6, s0;
	s6 =	sor.u32 $0x1C05, s21;
	[dreg:$0x5] =	wrdreg s22  }
0x15: {  	s7 =	sadd.s32 $0x88C0, s7;
	[dreg:$0x8] =	wrdreg s24;
	s11 =	sadd.s32 s26, s2  }
0x16: {  	s21 =	simm.s32 $0x2300;
	s22 =	simm.s32 $0x6300;
	s24 =	simm.s32 $0x2280  }
0x17: {  	s26 =	simm.s32 $0x1;
	[dreg:$0x7] =	wrdreg s7;
	s7 =	sadd.s32 s25, s12  }
0x18: {  	s0 =	sadd.s32 $0x5F600, s0;
	s15 =	sadd.s32 $0x10, s11;
	s31 =	sor.u32 $0x80, s7  }
0x19: {  	[dreg:$0x9] =	wrdreg s0;
	s7 =	sshrl.u32 s7, $0x3;
	s0 =	sshrl.u32 s31, $0x3  }
0x1a: {  	s25 =	simm.s32 $0x3;
	s16 =	sadd.s32 s7, s2;
	s17 =	sadd.s32 s0, s2  }
.LBB2_1:
0x1b: {  	s0 =	rddreg [dreg:$0x4]  }
0x1c: {  	[spmem:s18], [sflag:s6] =	dma.local [hbm:s0], $0x2780  }
0x1d: {  	_ =	swait.ge [sflag:s19], $0x2780  }
0x1e: {  	s31 =	simm.s32 @p0 $0x5;
	[sflag:s19] =	ssyncset.done $0x0  }
0x1f: {  	s0 =	simm.s32 @p0 $0x0;
	s2 =	rddreg [dreg:$0x5];
	[sflag:s19] =	ssyncadd.s32 $0xFFFFD880  }
0x20: {  	[tilespmem:s0], [sflag:$0x5] =	stream.linear.gather @p0 [hbm4b:s2+s0], $0x600, $0x38;
	[tilespmem:$0x1DF00] =	vst v63  }
0x21: {  	_ =	swait.ge @p0 [sflag:s31], $0x600  }
0x22: {  	[sflag:s31] =	ssyncset.done @p0 $0x0  }
0x23: {  	s5 =	simm.s32 @!p0 $0x0;
	s2 =	rddreg [dreg:$0x6];
	[sflag:s31] =	ssyncadd.s32 @p0 $0xFFFFFA00  }
0x24: {  	[tilespmem:s5], [sflag:$0x5] =	stream.linear.gather @!p0 [hbm4b:s2+s5], $0x2200, $0x38;
	[tilespmem:$0x1DF00] =	vst v63  }
0x25: {  	s2 =	simm.s32 @!p0 $0x5  }
0x26: {  	_ =	swait.ge @!p0 [sflag:s2], $0x2200  }
0x27: {  	[sflag:s2] =	ssyncset.done @!p0 $0x0  }
0x28: {  	[sflag:s2] =	ssyncadd.s32 @!p0 $0xFFFFDE00  }
0x29: {  	[bflag:$0x0] =	sbarrier.arrive $0xFFFF  }
0x2a: {  	[tilespmem:s21], [sflag:$0x3] =	stream.indirect.gather [hbm4b:s4+s20], $0x80, s3, s20, $0xb8;
	[tilespmem:$0x1DF00] =	vst v63  }
0x2b: {  	s7 =	simm.s32 $0x80  }
0x2c: {  	[tilespmem:s22], [sflag:$0x4] =	stream.indirect.gather [hbm4b:s4+s20], $0x80, s7, s20, $0xb8;
	[tilespmem:$0x1DF00] =	vst v63  }
0x2d: {  	_ = 	snop  }
0x2e: {  	[tilespmem:s23], [sflag:$0x1] =	stream.linear.gather [hbm4b:s11+s3], $0x80, $0x38;
	[tilespmem:$0x1DF00] =	vst v63  }
0x2f: {  	_ = 	snop  }
0x30: {  	[tilespmem:s24], [sflag:$0x2] =	stream.linear.gather [hbm4b:s15+s3], $0x80, $0x38;
	[tilespmem:$0x1DF00] =	vst v63  }
0x31: {  	_ =	swait.ge [sflag:s25], $0x4000  }
0x32: {  	[sflag:s25] =	ssyncset.done $0x0  }
0x33: {  	[sflag:s25] =	ssyncadd.s32 $0xFFFFC000  }
0x34: {  	_ =	swait.ge [sflag:s26], $0x80  }
0x35: {  	[sflag:s26] =	ssyncset.done $0x0  }
0x36: {  	[sflag:s26] =	ssyncadd.s32 $0xFFFFFF80  }
0x37: {  	[spmem:s1] =	stream.indirect.scatter.add.f32 [tilespmem:s21], [sflag:$0x5], $0x80, s23, s20, $0xb8;
	[tilespmem:$0x1DF00] =	vst v63  }
0x38: {  	_ =	swait.ge [sflag:s19], $0x4000  }
0x39: {  	[sflag:s19] =	ssyncset.done $0x0  }
0x3a: {  	[sflag:s19] =	ssyncadd.s32 $0xFFFFC000  }
0x3b: {  	_ =	swait.ge [sflag:s28], $0x4000  }
0x3c: {  	[sflag:s28] =	ssyncset.done $0x0  }
0x3d: {  	[sflag:s28] =	ssyncadd.s32 $0xFFFFC000  }
0x3e: {  	p1 =	sne.s32 s9, $0x1;
	_ =	swait.ge [sflag:s29], $0x80  }
.Ltmp0:
0x3f: {  	[sflag:s29] =	ssyncset.done $0x0;
	(pc) =	sbr.rel @!p1 .LBB2_3-.Ltmp0, $4  }
0x40: {  	[sflag:s29] =	ssyncadd.s32 $0xFFFFFF80  }
0x41: {  	[spmem:s1] =	stream.indirect.scatter.add.f32 [tilespmem:s22], [sflag:$0x5], $0x80, s24, s20, $0xb8;
	[tilespmem:$0x1DF00] =	vst v63  }
0x42: {  	s10 =	sadd.s32 $0x20, s15;
	s14 =	smov.u32 s11;
	_ =	swait.ge [sflag:s19], $0x4000  }
0x43: {  	s12 =	simm.s32 $0x0;
	s7 =	sadd.s32 $0xFFFFFFFF, s9;
	[sflag:s19] =	ssyncset.done $0x0  }
.LBB2_2:
0x44: {  	[sflag:s19] =	ssyncadd.s32 $0xFFFFC000;
	s14 =	sadd.s32 $0x20, s14;
	s12 =	sadd.s32 $0x100, s12  }
0x45: {  	[tilespmem:s21], [sflag:$0x3] =	stream.indirect.gather [hbm4b:s4+s20], $0x80, s12, s20, $0xb8;
	[tilespmem:$0x1DF00] =	vst v63  }
0x46: {  	p2 =	sne.s32 s7, $0x1;
	s7 =	sadd.s32 $0xFFFFFFFF, s7;
	s8 =	sadd.s32 $0x80, s12  }
0x47: {  	[tilespmem:s22], [sflag:$0x4] =	stream.indirect.gather [hbm4b:s4+s20], $0x80, s8, s20, $0xb8;
	[tilespmem:$0x1DF00] =	vst v63  }
0x48: {  	_ = 	snop  }
0x49: {  	[tilespmem:s23], [sflag:$0x1] =	stream.linear.gather [hbm4b:s14+s3], $0x80, $0x38;
	[tilespmem:$0x1DF00] =	vst v63  }
0x4a: {  	_ = 	snop  }
0x4b: {  	[tilespmem:s24], [sflag:$0x2] =	stream.linear.gather [hbm4b:s10+s3], $0x80, $0x38;
	[tilespmem:$0x1DF00] =	vst v63  }
0x4c: {  	_ =	swait.ge [sflag:s25], $0x4000  }
0x4d: {  	[sflag:s25] =	ssyncset.done $0x0  }
0x4e: {  	[sflag:s25] =	ssyncadd.s32 $0xFFFFC000  }
0x4f: {  	_ =	swait.ge [sflag:s26], $0x80  }
0x50: {  	[sflag:s26] =	ssyncset.done $0x0  }
0x51: {  	[sflag:s26] =	ssyncadd.s32 $0xFFFFFF80  }
0x52: {  	[spmem:s1] =	stream.indirect.scatter.add.f32 [tilespmem:s21], [sflag:$0x5], $0x80, s23, s20, $0xb8;
	[tilespmem:$0x1DF00] =	vst v63  }
0x53: {  	_ =	swait.ge [sflag:s19], $0x4000  }
0x54: {  	[sflag:s19] =	ssyncset.done $0x0  }
0x55: {  	[sflag:s19] =	ssyncadd.s32 $0xFFFFC000  }
0x56: {  	_ =	swait.ge [sflag:s28], $0x4000  }
0x57: {  	[sflag:s28] =	ssyncset.done $0x0  }
0x58: {  	[sflag:s28] =	ssyncadd.s32 $0xFFFFC000  }
0x59: {  	_ =	swait.ge [sflag:s29], $0x80  }
.Ltmp1:
0x5a: {  	[sflag:s29] =	ssyncset.done $0x0;
	(pc) =	sbr.rel @p2 .LBB2_2-.Ltmp1, $4  }
0x5b: {  	[sflag:s29] =	ssyncadd.s32 $0xFFFFFF80  }
0x5c: {  	[spmem:s1] =	stream.indirect.scatter.add.f32 [tilespmem:s22], [sflag:$0x5], $0x80, s24, s20, $0xb8;
	[tilespmem:$0x1DF00] =	vst v63  }
0x5d: {  	_ =	swait.ge [sflag:s19], $0x4000  }
0x5e: {  	s10 =	sadd.s32 $0x20, s10;
	[sflag:s19] =	ssyncset.done $0x0  }
.LBB2_3:
0x5f: {  	[sflag:s19] =	ssyncadd.s32 $0xFFFFC000;
	s7 =	rddreg [dreg:$0x7]  }
0x60: {  	[tilespmem:s0], [sflag:$0x5] =	stream.linear.gather @p0 [hbm4b:s7+s0], $0x600, $0x38;
	[tilespmem:$0x1DF00] =	vst v63  }
0x61: {  	_ =	swait.ge @p0 [sflag:s31], $0x600  }
0x62: {  	[sflag:s31] =	ssyncset.done @p0 $0x0  }
0x63: {  	s0 =	rddreg [dreg:$0x8];
	[sflag:s31] =	ssyncadd.s32 @p0 $0xFFFFFA00  }
0x64: {  	[tilespmem:s5], [sflag:$0x5] =	stream.linear.gather @!p0 [hbm4b:s0+s5], $0x2200, $0x38;
	[tilespmem:$0x1DF00] =	vst v63  }
0x65: {  	_ =	swait.ge @!p0 [sflag:s2], $0x2200  }
0x66: {  	[sflag:s2] =	ssyncset.done @!p0 $0x0  }
0x67: {  	s0 =	simm.s32 $0x0;
	[sflag:s2] =	ssyncadd.s32 @!p0 $0xFFFFDE00  }
0x68: {  	[tilespmem:s21], [sflag:$0x3] =	stream.indirect.gather [hbm4b:s4+s20], $0x80, s0, s20, $0xb8;
	[tilespmem:$0x1DF00] =	vst v63  }
0x69: {  	s31 =	simm.s32 $0x80  }
0x6a: {  	[tilespmem:s22], [sflag:$0x4] =	stream.indirect.gather [hbm4b:s4+s20], $0x80, s31, s20, $0xb8;
	[tilespmem:$0x1DF00] =	vst v63  }
0x6b: {  	_ = 	snop  }
0x6c: {  	[tilespmem:s23], [sflag:$0x1] =	stream.linear.gather [hbm4b:s16+s3], $0x80, $0x38;
	[tilespmem:$0x1DF00] =	vst v63  }
0x6d: {  	_ = 	snop  }
0x6e: {  	[tilespmem:s24], [sflag:$0x2] =	stream.linear.gather [hbm4b:s17+s3], $0x80, $0x38;
	[tilespmem:$0x1DF00] =	vst v63  }
0x6f: {  	_ =	swait.ge [sflag:s25], $0x4000  }
0x70: {  	[sflag:s25] =	ssyncset.done $0x0  }
0x71: {  	[sflag:s25] =	ssyncadd.s32 $0xFFFFC000  }
0x72: {  	_ =	swait.ge [sflag:s26], $0x80  }
0x73: {  	[sflag:s26] =	ssyncset.done $0x0  }
0x74: {  	[sflag:s26] =	ssyncadd.s32 $0xFFFFFF80  }
0x75: {  	[spmem:s1] =	stream.indirect.scatter.add.f32 [tilespmem:s21], [sflag:$0x5], $0x80, s23, s20, $0xb8;
	[tilespmem:$0x1DF00] =	vst v63  }
0x76: {  	_ =	swait.ge [sflag:s19], $0x4000  }
0x77: {  	[sflag:s19] =	ssyncset.done $0x0  }
0x78: {  	[sflag:s19] =	ssyncadd.s32 $0xFFFFC000  }
0x79: {  	_ =	swait.ge [sflag:s28], $0x4000  }
0x7a: {  	[sflag:s28] =	ssyncset.done $0x0  }
0x7b: {  	[sflag:s28] =	ssyncadd.s32 $0xFFFFC000  }
0x7c: {  	_ =	swait.ge [sflag:s29], $0x80  }
.Ltmp2:
0x7d: {  	[sflag:s29] =	ssyncset.done $0x0;
	(pc) =	sbr.rel @!p1 .LBB2_5-.Ltmp2, $4  }
0x7e: {  	[sflag:s29] =	ssyncadd.s32 $0xFFFFFF80  }
0x7f: {  	[spmem:s1] =	stream.indirect.scatter.add.f32 [tilespmem:s22], [sflag:$0x5], $0x80, s24, s20, $0xb8;
	[tilespmem:$0x1DF00] =	vst v63  }
0x80: {  	s7 =	smov.u32 s16;
	_ =	swait.ge [sflag:s19], $0x4000  }
0x81: {  	s5 =	sadd.s32 $0x20, s17;
	s2 =	sadd.s32 $0xFFFFFFFF, s9;
	[sflag:s19] =	ssyncset.done $0x0  }
.LBB2_4:
0x82: {  	[sflag:s19] =	ssyncadd.s32 $0xFFFFC000;
	s7 =	sadd.s32 $0x20, s7;
	s0 =	sadd.s32 $0x100, s0  }
0x83: {  	[tilespmem:s21], [sflag:$0x3] =	stream.indirect.gather [hbm4b:s4+s20], $0x80, s0, s20, $0xb8;
	[tilespmem:$0x1DF00] =	vst v63  }
0x84: {  	p1 =	sne.s32 s2, $0x1;
	s2 =	sadd.s32 $0xFFFFFFFF, s2;
	s8 =	sadd.s32 $0x80, s0  }
0x85: {  	[tilespmem:s22], [sflag:$0x4] =	stream.indirect.gather [hbm4b:s4+s20], $0x80, s8, s20, $0xb8;
	[tilespmem:$0x1DF00] =	vst v63  }
0x86: {  	_ = 	snop  }
0x87: {  	[tilespmem:s23], [sflag:$0x1] =	stream.linear.gather [hbm4b:s7+s3], $0x80, $0x38;
	[tilespmem:$0x1DF00] =	vst v63  }
0x88: {  	_ = 	snop  }
0x89: {  	[tilespmem:s24], [sflag:$0x2] =	stream.linear.gather [hbm4b:s5+s3], $0x80, $0x38;
	[tilespmem:$0x1DF00] =	vst v63  }
0x8a: {  	_ =	swait.ge [sflag:s25], $0x4000  }
0x8b: {  	[sflag:s25] =	ssyncset.done $0x0  }
0x8c: {  	[sflag:s25] =	ssyncadd.s32 $0xFFFFC000  }
0x8d: {  	_ =	swait.ge [sflag:s26], $0x80  }
0x8e: {  	[sflag:s26] =	ssyncset.done $0x0  }
0x8f: {  	[sflag:s26] =	ssyncadd.s32 $0xFFFFFF80  }
0x90: {  	[spmem:s1] =	stream.indirect.scatter.add.f32 [tilespmem:s21], [sflag:$0x5], $0x80, s23, s20, $0xb8;
	[tilespmem:$0x1DF00] =	vst v63  }
0x91: {  	_ =	swait.ge [sflag:s19], $0x4000  }
0x92: {  	[sflag:s19] =	ssyncset.done $0x0  }
0x93: {  	[sflag:s19] =	ssyncadd.s32 $0xFFFFC000  }
0x94: {  	_ =	swait.ge [sflag:s28], $0x4000  }
0x95: {  	[sflag:s28] =	ssyncset.done $0x0  }
0x96: {  	[sflag:s28] =	ssyncadd.s32 $0xFFFFC000  }
0x97: {  	_ =	swait.ge [sflag:s29], $0x80  }
.Ltmp3:
0x98: {  	[sflag:s29] =	ssyncset.done $0x0;
	(pc) =	sbr.rel @p1 .LBB2_4-.Ltmp3, $4  }
0x99: {  	[sflag:s29] =	ssyncadd.s32 $0xFFFFFF80  }
0x9a: {  	[spmem:s1] =	stream.indirect.scatter.add.f32 [tilespmem:s22], [sflag:$0x5], $0x80, s24, s20, $0xb8;
	[tilespmem:$0x1DF00] =	vst v63  }
0x9b: {  	_ =	swait.ge [sflag:s19], $0x4000  }
0x9c: {  	s5 =	sadd.s32 $0x20, s5;
	[sflag:s19] =	ssyncset.done $0x0  }
.LBB2_5:
0x9d: {  	[sflag:s19] =	ssyncadd.s32 $0xFFFFC000;
	s30 =	sadd.s32 $0x1, s30  }
0x9e: {  	[bflag:$0x0] =	sbarrier.arrive $0xFFFF;
	p1 =	sne.s32 s30, s13  }
.Ltmp4:
0x9f: {  	s0 =	rddreg [dreg:$0x9];
	(pc) =	sbr.rel @p1 .LBB2_1-.Ltmp4, $4  }
0xa0: {  	[hbm:s0], [sflag:s6] =	dma.local [spmem:s18], $0x2780  }
0xa1: {  	_ =	swait.ge [sflag:s19], $0x2780  }
0xa2: {  	[sflag:s19] =	ssyncset.done $0x0  }
0xa3: {  	[sflag:s19] =	ssyncadd.s32 $0xFFFFD880  }
0xa4: {  	_ =	sfence.sel $0x180000  }
0xa5: {  	[bflag:$0x0] =	sbarrier.arrive $0xFFFF  }
0xa6: {  	_ =	strace $0x9000004A  }
0xa7: {  	s0 =	stileid.u32;
	[bflag:$0x2] =	sbarrier.arrive $0xFFFF  }
0xa8: {  	p0 =	sne.s32 s0, $0x0;
	s0 =	rddreg [dreg:$0x3]  }
0xa9: {  	s0 =	sadd.s32 @!p0 $0x100000, s0  }
0xaa: {  	[sflag:s0] =	ssyncadd.tile.s32 @!p0 $0x1;
	_ =	shalt  }
.Lfunc_end2:
_tile_overlayer_lowered:
.L_overlay_start_2:
0xab: {  	(tag) =	ssettag $0x2  }
0xac: {  	s0 =	rddreg [dreg:$0x0];
	s2 =	stileid.u32  }
0xad: {  	s1 =	rddreg [dreg:$0x1];
	p0 =	sne.s32 s2, $0x0  }
0xae: {  	s3 =	rddreg [dreg:$0x2];
	[bflag:$0x3] =	sbarrier.arrive $0xFFFF;
	s2 =	simm.s32 @!p0 $0x1C05  }
0xaf: {  	[timem:s3], [sflag:s2] =	dma.local @!p0 [hbm:s0], s1  }
0xb0: {  	s0 =	simm.s32 @!p0 $0x5  }
0xb1: {  	_ =	swait.ge @!p0 [sflag:s0], s1  }
0xb2: {  	s1 =	ssub.s32 @!p0 $0x0, s1;
	[sflag:s0] =	ssyncset.done @!p0 $0x0  }
0xb3: {  	[sflag:s0] =	ssyncadd.s32 @!p0 s1  }
0xb4: {  	[bflag:$0x3] =	sbarrier.arrive $0xFFFF  }
0xb5: {  	_ =	shalt  }

// kernel: kernel.18.cloned.1.call-start
scs
__scs_entry_jumppad:
0x0: {  	(pc) =	sbr.rel $0x88, $3  }
0x1: {  	(tag) =	ssettag $0x0;
	lr =	simm.s32 $0x1  }
0x2: {  	[smem:$0x3F97] =	sst lr;
	_ =	strace $0xD0000000  }
0x3: {  	_ = 	snop  }
0x4: {  	_ = 	snop  }
0x5: {  	_ = 	snop  }
0x6: {  	_ = 	snop  }
0x7: {  	_ = 	snop  }
__scs_overlays_trampoline_lowered:
0x8: {  	[smem:$0x3FA6] =	sst s0  }
0x9: {  	[smem:$0x3FA7] =	sst s1  }
0xa: {  	[smem:$0x3FA8] =	sst s2  }
0xb: {  	[smem:$0x3FA9] =	sst s3  }
0xc: {  	[smem:$0x3FAA] =	sst s4  }
0xd: {  	[smem:$0x3FAB] =	sst s5  }
0xe: {  	[smem:$0x3FAC] =	sst s6  }
0xf: {  	[smem:$0x3FAD] =	sst s7  }
0x10: {  	[smem:$0x3FAE] =	sst s8  }
0x11: {  	[smem:$0x3FAF] =	sst s9;
	s0 =	simm.s32 @!p0 $0x0  }
0x12: {  	s1 =	sld [smem:$0x3F95];
	s0 =	simm.s32 @p0 $0x1  }
0x13: {  	[smem:$0x3FB0] =	sst s0;
	s0 =	simm.s32 @!p1 $0x0  }
0x14: {  	s2 =	sld [smem:$0x3F94];
	s0 =	simm.s32 @p1 $0x1  }
0x15: {  	[smem:$0x3FB1] =	sst s0;
	s0 =	simm.s32 @!p2 $0x0  }
0x16: {  	s3 =	sld [smem:$0x3FDB];
	s0 =	simm.s32 @p2 $0x1  }
0x17: {  	s4 =	simm.s32 $0x1BF5;
	[smem:$0x3FB3] =	sst s0  }
0x18: {  	s0 =	sld [smem:$0x3F96];
	_ =	swait.ge [sflag:s4], $0x0  }
0x19: {  	s7 =	sld [smem:$0x3F97]  }
0x1a: {  	s8 =	sadd.s32 $0xFFFFE003, lr  }
0x1b: {  	s9 =	sadd.s32 $0xFFFFFEF7, lr;
	s5 =	simm.s32 $0xFFFFFFFF;
	p2 =	slt.u32 s8, $0xFFFFF086  }
0x1c: {  	p1 =	slt.u32 s9, $0xF7A;
	s5 =	simm.s32 @!p2 $0x0  }
0x1d: {  	s5 =	simm.s32 @p1 $0x1;
	p0 =	seq.s32 s7, s2  }
0x1e: {  	s7 =	smul.u32 @!p0 $0xF7A, s2;
	p2 =	seq.s32 @!p0 s5, $0x0  }
0x1f: {  	s9 =	smul.u32 $0xF7A, s1;
	s8 =	simm.s32 @!p0 $0x1BF5;
	p2 =	por !p2, p0  }
0x20: {  	[sflag:s8] =	ssyncset.s32 @!p0 $0xFFFFF086;
	s6 =	sadd.s32 @!p0 s3, s7;
	s7 =	simm.s32 @!p0 $0x108  }
0x21: {  	s3 =	sadd.s32 s3, s9;
	s6 =	sadd.s32 @!p0 $0x88, s6;
	s7 =	simm.s32 @p2 $0x1082  }
0x22: {  	[simem:s7], [sflag:s8] =	dma.local @!p0 [hbm:s6], $0xF7A  }
0x23: {  	s9 =	sor.u32 $0xD0000000, s2;
	s6 =	simm.s32 $0x108;
	_ =	swait.ge @!p0 [sflag:s8], $0x0  }
0x24: {  	s3 =	sadd.s32 $0x88, s3;
	s6 =	simm.s32 @!p1 $0x1082;
	[sflag:s4] =	ssyncset.s32 $0xFFFFF086  }
0x25: {  	[simem:s6], [sflag:s4] =	dma.local [hbm:s3], $0xF7A  }
0x26: {  	[smem:$0x3F97] =	sst s1;
	(tag) =	ssettag s2;
	_ =	strace s9  }
0x27: {  	s1 =	sld [smem:$0x3FA7]  }
0x28: {  	s2 =	sld [smem:$0x3FA8]  }
0x29: {  	s4 =	sld [smem:$0x3FAA]  }
0x2a: {  	p0 =	seq.s32 s5, $0x0;
	s5 =	sld [smem:$0x3FAB]  }
0x2b: {  	s6 =	sld [smem:$0x3FAC]  }
0x2c: {  	s7 =	sld [smem:$0x3FAD]  }
0x2d: {  	s3 =	simm.s32 $0x108;
	s8 =	sld [smem:$0x3FAE]  }
0x2e: {  	s3 =	simm.s32 @!p0 $0x1082;
	s9 =	sld [smem:$0x3FAF]  }
0x2f: {  	lr =	sadd.s32 s0, s3;
	s0 =	sld [smem:$0x3FA6]  }
0x30: {  	s3 =	sld [smem:$0x3FA9]  }
0x31: {  	[smem:$0x3FB2] =	sst s10  }
0x32: {  	s10 =	sld [smem:$0x3FB0];
	_ =	sdelay $0x3  }
0x33: {  	p0 =	seq.s32 s10, $0x1;
	s10 =	sld [smem:$0x3FB2];
	_ =	sdelay $0x3  }
0x34: {  	[smem:$0x3FB2] =	sst s10  }
0x35: {  	s10 =	sld [smem:$0x3FB1];
	_ =	sdelay $0x3  }
0x36: {  	p1 =	seq.s32 s10, $0x1;
	s10 =	sld [smem:$0x3FB2];
	_ =	sdelay $0x3  }
0x37: {  	[smem:$0x3FB2] =	sst s10  }
0x38: {  	s10 =	sld [smem:$0x3FB3]  }
0x39: {  	_ = 	snop;
	(pc) =	sbr.ind lr, $3  }
0x3a: {  	_ = 	snop  }
0x3b: {  	_ = 	snop  }
0x3c: {  	p2 =	seq.s32 s10, $0x1;
	s10 =	sld [smem:$0x3FB2]  }
0x3d: {  	_ =	shalt  }
0x3e: {  	_ =	shalt  }
0x3f: {  	_ =	shalt  }
0x40: {  	_ =	shalt  }
0x41: {  	_ =	shalt  }
0x42: {  	_ =	shalt  }
0x43: {  	_ =	shalt  }
0x44: {  	_ =	shalt  }
0x45: {  	_ =	shalt  }
0x46: {  	_ =	shalt  }
0x47: {  	_ =	shalt  }
0x48: {  	_ =	shalt  }
0x49: {  	_ =	shalt  }
0x4a: {  	_ =	shalt  }
0x4b: {  	_ =	shalt  }
0x4c: {  	_ =	shalt  }
0x4d: {  	_ =	shalt  }
0x4e: {  	_ =	shalt  }
0x4f: {  	_ =	shalt  }
0x50: {  	_ =	shalt  }
0x51: {  	_ =	shalt  }
0x52: {  	_ =	shalt  }
0x53: {  	_ =	shalt  }
0x54: {  	_ =	shalt  }
0x55: {  	_ =	shalt  }
0x56: {  	_ =	shalt  }
0x57: {  	_ =	shalt  }
0x58: {  	_ =	shalt  }
0x59: {  	_ =	shalt  }
0x5a: {  	_ =	shalt  }
0x5b: {  	_ =	shalt  }
0x5c: {  	_ =	shalt  }
0x5d: {  	_ =	shalt  }
0x5e: {  	_ =	shalt  }
0x5f: {  	_ =	shalt  }
0x60: {  	_ =	shalt  }
0x61: {  	_ =	shalt  }
0x62: {  	_ =	shalt  }
0x63: {  	_ =	shalt  }
0x64: {  	_ =	shalt  }
0x65: {  	_ =	shalt  }
0x66: {  	_ =	shalt  }
0x67: {  	_ =	shalt  }
0x68: {  	_ =	shalt  }
0x69: {  	_ =	shalt  }
0x6a: {  	_ =	shalt  }
0x6b: {  	_ =	shalt  }
0x6c: {  	_ =	shalt  }
0x6d: {  	_ =	shalt  }
0x6e: {  	_ =	shalt  }
0x6f: {  	_ =	shalt  }
0x70: {  	_ =	shalt  }
0x71: {  	_ =	shalt  }
0x72: {  	_ =	shalt  }
0x73: {  	_ =	shalt  }
0x74: {  	_ =	shalt  }
0x75: {  	_ =	shalt  }
0x76: {  	_ =	shalt  }
0x77: {  	_ =	shalt  }
0x78: {  	_ =	shalt  }
0x79: {  	_ =	shalt  }
0x7a: {  	_ =	shalt  }
0x7b: {  	_ =	shalt  }
0x7c: {  	_ =	shalt  }
0x7d: {  	_ =	shalt  }
0x7e: {  	_ =	shalt  }
0x7f: {  	_ =	shalt  }
0x80: {  	_ =	shalt  }
0x81: {  	_ =	shalt  }
0x82: {  	_ =	shalt  }
0x83: {  	_ =	shalt  }
0x84: {  	_ =	shalt  }
0x85: {  	_ =	shalt  }
0x86: {  	_ =	shalt  }
0x87: {  	_ =	shalt  }
.Lfunc_end0:
.L_simem_size_0:
called_computation.2_lowered:
.L_overlay_start_0:
0x88: {  	s2 =	sld [smem:$0x3FD9]  }
0x89: {  	s3 =	sld [smem:$0x3FFE];
	_ =	sdelay $0x1  }
0x8a: {  	s1 =	srdreg.scid  }
0x8b: {  	s0 =	sand.u32 $0x1, s1  }
0x8c: {  	s17 =	sshll.u32 s0, $0xA;
	s2 =	sadd.s32 s3, s2  }
0x8d: {  	s2 =	sadd.s32 s2, s17  }
0x8e: {  	[smem:$0x3FBE] =	sst s2  }
0x8f: {  	_ = 	snop  }
0x90: {  	s2 =	sld [smem:$0x3FD0];
	(tm) =	ssettm $0x1  }
0x91: {  	s18 =	sld [smem:$0x3FFB];
	_ =	sdelay $0x3  }
0x92: {  	_ =	strace s18  }
0x93: {  	s3 =	sld [smem:$0x3FFC];
	_ =	sdelay $0x3  }
0x94: {  	_ =	strace s3  }
0x95: {  	s3 =	sld [smem:$0x3FFD];
	_ =	sdelay $0x3  }
0x96: {  	_ =	strace s3  }
0x97: {  	_ =	strace $0x8FFFFFFF  }
0x98: {  	s19 =	sld [smem:$0x3FDB];
	_ =	sdelay $0x1  }
0x99: {  	s4 =	simm.s32 $_scs_section_size  }
0x9a: {  	s5 =	simm.s32 $_size__tile_overlayer_lowered;
	s6 =	simm.s32 $_tile_overlayer_lowered  }
0x9b: {  	s22 =	simm.s32 $0x1BFF;
	s21 =	sshll.u32 s6, $0x1;
	s3 =	sadd.s32 s4, s19  }
0x9c: {  	s7 =	simm.s32 $0x0;
	s20 =	sshll.u32 s5, $0x1;
	s5 =	sadd.s32 s21, s3  }
0x9d: {  	[timem:s7], [sflag:s22] =	dma.local [hbm:s5], s20  }
0x9e: {  	_ =	swait.ge [sflag:s22], s20  }
0x9f: {  	s4 =	ssub.s32 $0x0, s20;
	[sflag:s22] =	ssyncset.done $0x0  }
0xa0: {  	[sflag:s22] =	ssyncadd.s32 s4;
	_ =	sdelay $0x1  }
0xa1: {  	s23 =	simm.s32 $0x1B8B  }
0xa2: {  	_ =	swait.ge [sflag:s23], $0x1  }
0xa3: {  	[sflag:s23] =	ssyncset.done $0x0  }
0xa4: {  	s25 =	simm.s32 $0x1B8E;
	s24 =	sld [smem:$0x3FFE];
	[sflag:s23] =	ssyncadd.s32 $0xFFFFFFFF  }
0xa5: {  	s26 =	simm.s32 $execute0_lowered;
	[smem:$0x3FD2] =	sst s25  }
0xa6: {  	s5 =	sshll.u32 s26, $0x1;
	_ =	strace $0x8000004C;
	[dreg:$0x1] =	wrdreg $0xFFFFFFFF  }
0xa7: {  	s28 =	simm.s32 $_size_execute0_lowered;
	s3 =	sadd.s32 s3, s5;
	[dreg:$0x0] =	wrdreg $0x0  }
0xa8: {  	s5 =	sshll.u32 s28, $0x1;
	[dreg:$0x2] =	wrdreg s3  }
0xa9: {  	[dreg:$0x3] =	wrdreg s5  }
0xaa: {  	[dreg:$0x4] =	wrdreg $0xC0  }
0xab: {  	_ =	task [dreg:s7], $0x5FFFF  }
0xac: {  	[dreg:$0x1] =	wrdreg $0xFFFFFFFF  }
0xad: {  	[dreg:$0x0] =	wrdreg $0x60  }
0xae: {  	[dreg:$0x2] =	wrdreg s24  }
0xaf: {  	[dreg:$0x3] =	wrdreg s2  }
0xb0: {  	[dreg:$0x4] =	wrdreg $0xA3000  }
0xb1: {  	[dreg:$0x5] =	wrdreg $0x9  }
0xb2: {  	_ =	task.clear_ibuf [dreg:s7], $0x6FFFF;
	_ =	strace $0x9000004C  }
0xb3: {  	s29 =	simm.s32 $0x9;
	_ =	strace $0x8000004E  }
0xb4: {  	_ =	swait.ge [sflag:s29], $0x1  }
0xb5: {  	[sflag:s29] =	ssyncadd.s32 $0xFFFFFFFF  }
0xb6: {  	_ =	strace $0x9000004E  }
0xb7: {  	_ =	sfence  }
0xb8: {  	s30 =	sld [smem:$0x0];
	_ =	sdelay $0x2  }
0xb9: {  	s31 =	sshll.u32 s1, $0xD;
	s1 =	sshrl.u32 s1, $0x2  }
0xba: {  	s3 =	sand.u32 $0x4000, s31;
	s1 =	sadd.s32 s1, s30  }
0xbb: {  	s0 =	sor.u32 s3, s0;
	s1 =	sshll.u32 s1, $0x11  }
0xbc: {  	s0 =	sor.u32 s1, s0  }
0xbd: {  	s0 =	sadd.s32 $0x8F2B, s0  }
0xbe: {  	[sflag:s0] =	ssyncadd.remote.s32 $0x1  }
0xbf: {  	_ =	sfence.sel $0xFFFF  }
0xc0: {  	[dreg:$0x0] =	wrdreg $0xFFFFFFFF;
	(pc) =	sbr.abs _section_cstart, $3  }
0xc1: {  	[dreg:$0x1] =	wrdreg $0xFFFFFFFF  }
0xc2: {  	_ =	task.clear_ibuf [dreg:s7], $0x2FFFF;
	_ =	strace $0x9FFFFFFF  }
0xc3: {  	(tm) =	ssettm $0x7FFFFFFF  }
tec
execute0_lowered:
.L_overlay_start_1:
0x0: {  	(tag) =	ssettag $0x1  }
0x1: {  	s0 =	rddreg [dreg:$0x0]  }
0x2: {  	s2 =	rddreg [dreg:$0x1]  }
0x3: {  	s1 =	rddreg [dreg:$0x2]  }
0x4: {  	s3 =	srdreg.scid;
	s17 =	stileid.u32;
	s16 =	simm.s32 $0x44  }
0x5: {  	s28 =	simm.s32 $0x4;
	s29 =	simm.s32 $0x2;
	s7 =	smul.u32 $0x13C00, s17  }
0x6: {  	s30 =	simm.s32 $0x0;
	s5 =	sand.u32 $0x1, s3;
	s18 =	smul.u32 $0xC00, s17  }
0x7: {  	s3 =	simm.s32 $0x0;
	s4 =	sadd.s32 $0x5E00, s0;
	s11 =	smul.u32 $0x4400, s17  }
0x8: {  	s10 =	sadd.s32 $0x55600, s0;
	s8 =	sadd.s32 $0x3600, s0;
	s14 =	smul.u32 $0x4F000, s17  }
0x9: {  	s21 =	sshll.u32 s17, $0x6;
	s6 =	smul.u32 $0x13C000, s5;
	[smem:$0x7FF] =	sst s3  }
0xa: {  	s19 =	ssub.s32 $0x2, s5;
	p0 =	seq.s32 s5, $0x0;
	_ =	strace $0x8000004D  }
0xb: {  	[dreg:$0x4] =	wrdreg s8;
	s9 =	sshrl.u32 s19, $0x1;
	s12 =	sadd.s32 $0x44000, s18  }
0xc: {  	s20 =	sshrl.u32 s14, $0x2;
	s16 =	simm.s32 @!p0 $0xC;
	s23 =	sshrl.u32 s11, $0x3  }
0xd: {  	s6 =	sadd.s32 s7, s6;
	s13 =	sshrl.u32 s12, $0x3;
	s15 =	ssub.s32 s19, s9  }
0xe: {  	s12 =	smov.u32 @p0 s11;
	s14 =	sadd.s32 s20, s1;
	s7 =	sshrl.u32 s18, $0x3  }
0xf: {  	s8 =	sadd.s32 s10, s23;
	s9 =	sshrl.u32 s16, $0x1;
	s25 =	sshll.u32 s16, $0x7  }
0x10: {  	p0 =	sne.s32 s5, $0x0;
	s19 =	simm.s32 $0x5;
	s20 =	simm.s32 $0x80  }
0x11: {  	s23 =	simm.s32 $0x2200;
	s6 =	sshrl.u32 s6, $0x3;
	s22 =	sadd.s32 s10, s13  }
0x12: {  	s7 =	sadd.s32 s10, s7;
	[dreg:$0x6] =	wrdreg s8;
	s24 =	sadd.s32 $0x440, s8  }
0x13: {  	s26 =	sshrl.u32 s12, $0x3;
	s13 =	smax.u32 s15, $0x1;
	s18 =	sshrl.u32 s14, $0x3  }
0x14: {  	s0 =	sadd.s32 s6, s0;
	s6 =	sor.u32 $0x1C05, s21;
	[dreg:$0x5] =	wrdreg s22  }
0x15: {  	s7 =	sadd.s32 $0x88C0, s7;
	[dreg:$0x8] =	wrdreg s24;
	s11 =	sadd.s32 s26, s2  }
0x16: {  	s21 =	simm.s32 $0x2300;
	s22 =	simm.s32 $0x6300;
	s24 =	simm.s32 $0x2280  }
0x17: {  	s26 =	simm.s32 $0x1;
	[dreg:$0x7] =	wrdreg s7;
	s7 =	sadd.s32 s25, s12  }
0x18: {  	s0 =	sadd.s32 $0x5F600, s0;
	s15 =	sadd.s32 $0x10, s11;
	s31 =	sor.u32 $0x80, s7  }
0x19: {  	[dreg:$0x9] =	wrdreg s0;
	s7 =	sshrl.u32 s7, $0x3;
	s0 =	sshrl.u32 s31, $0x3  }
0x1a: {  	s25 =	simm.s32 $0x3;
	s16 =	sadd.s32 s7, s2;
	s17 =	sadd.s32 s0, s2  }
.LBB2_1:
0x1b: {  	s0 =	rddreg [dreg:$0x4]  }
0x1c: {  	[spmem:s18], [sflag:s6] =	dma.local [hbm:s0], $0x2780  }
0x1d: {  	_ =	swait.ge [sflag:s19], $0x2780  }
0x1e: {  	s31 =	simm.s32 @p0 $0x5;
	[sflag:s19] =	ssyncset.done $0x0  }
0x1f: {  	s0 =	simm.s32 @p0 $0x0;
	s2 =	rddreg [dreg:$0x5];
	[sflag:s19] =	ssyncadd.s32 $0xFFFFD880  }
0x20: {  	[tilespmem:s0], [sflag:$0x5] =	stream.linear.gather @p0 [hbm4b:s2+s0], $0x600, $0x38;
	[tilespmem:$0x1DF00] =	vst v63  }
0x21: {  	_ =	swait.ge @p0 [sflag:s31], $0x600  }
0x22: {  	[sflag:s31] =	ssyncset.done @p0 $0x0  }
0x23: {  	s5 =	simm.s32 @!p0 $0x0;
	s2 =	rddreg [dreg:$0x6];
	[sflag:s31] =	ssyncadd.s32 @p0 $0xFFFFFA00  }
0x24: {  	[tilespmem:s5], [sflag:$0x5] =	stream.linear.gather @!p0 [hbm4b:s2+s5], $0x2200, $0x38;
	[tilespmem:$0x1DF00] =	vst v63  }
0x25: {  	s2 =	simm.s32 @!p0 $0x5  }
0x26: {  	_ =	swait.ge @!p0 [sflag:s2], $0x2200  }
0x27: {  	[sflag:s2] =	ssyncset.done @!p0 $0x0  }
0x28: {  	[sflag:s2] =	ssyncadd.s32 @!p0 $0xFFFFDE00  }
0x29: {  	[bflag:$0x0] =	sbarrier.arrive $0xFFFF  }
0x2a: {  	[tilespmem:s21], [sflag:$0x3] =	stream.indirect.gather [hbm4b:s4+s20], $0x80, s3, s20, $0xb8;
	[tilespmem:$0x1DF00] =	vst v63  }
0x2b: {  	s7 =	simm.s32 $0x80  }
0x2c: {  	[tilespmem:s22], [sflag:$0x4] =	stream.indirect.gather [hbm4b:s4+s20], $0x80, s7, s20, $0xb8;
	[tilespmem:$0x1DF00] =	vst v63  }
0x2d: {  	_ = 	snop  }
0x2e: {  	[tilespmem:s23], [sflag:$0x1] =	stream.linear.gather [hbm4b:s11+s3], $0x80, $0x38;
	[tilespmem:$0x1DF00] =	vst v63  }
0x2f: {  	_ = 	snop  }
0x30: {  	[tilespmem:s24], [sflag:$0x2] =	stream.linear.gather [hbm4b:s15+s3], $0x80, $0x38;
	[tilespmem:$0x1DF00] =	vst v63  }
0x31: {  	_ =	swait.ge [sflag:s25], $0x4000  }
0x32: {  	[sflag:s25] =	ssyncset.done $0x0  }
0x33: {  	[sflag:s25] =	ssyncadd.s32 $0xFFFFC000  }
0x34: {  	_ =	swait.ge [sflag:s26], $0x80  }
0x35: {  	[sflag:s26] =	ssyncset.done $0x0  }
0x36: {  	[sflag:s26] =	ssyncadd.s32 $0xFFFFFF80  }
0x37: {  	[spmem:s1] =	stream.indirect.scatter.add.f32 [tilespmem:s21], [sflag:$0x5], $0x80, s23, s20, $0xb8;
	[tilespmem:$0x1DF00] =	vst v63  }
0x38: {  	_ =	swait.ge [sflag:s19], $0x4000  }
0x39: {  	[sflag:s19] =	ssyncset.done $0x0  }
0x3a: {  	[sflag:s19] =	ssyncadd.s32 $0xFFFFC000  }
0x3b: {  	_ =	swait.ge [sflag:s28], $0x4000  }
0x3c: {  	[sflag:s28] =	ssyncset.done $0x0  }
0x3d: {  	[sflag:s28] =	ssyncadd.s32 $0xFFFFC000  }
0x3e: {  	p1 =	sne.s32 s9, $0x1;
	_ =	swait.ge [sflag:s29], $0x80  }
.Ltmp0:
0x3f: {  	[sflag:s29] =	ssyncset.done $0x0;
	(pc) =	sbr.rel @!p1 .LBB2_3-.Ltmp0, $4  }
0x40: {  	[sflag:s29] =	ssyncadd.s32 $0xFFFFFF80  }
0x41: {  	[spmem:s1] =	stream.indirect.scatter.add.f32 [tilespmem:s22], [sflag:$0x5], $0x80, s24, s20, $0xb8;
	[tilespmem:$0x1DF00] =	vst v63  }
0x42: {  	s10 =	sadd.s32 $0x20, s15;
	s14 =	smov.u32 s11;
	_ =	swait.ge [sflag:s19], $0x4000  }
0x43: {  	s12 =	simm.s32 $0x0;
	s7 =	sadd.s32 $0xFFFFFFFF, s9;
	[sflag:s19] =	ssyncset.done $0x0  }
.LBB2_2:
0x44: {  	[sflag:s19] =	ssyncadd.s32 $0xFFFFC000;
	s14 =	sadd.s32 $0x20, s14;
	s12 =	sadd.s32 $0x100, s12  }
0x45: {  	[tilespmem:s21], [sflag:$0x3] =	stream.indirect.gather [hbm4b:s4+s20], $0x80, s12, s20, $0xb8;
	[tilespmem:$0x1DF00] =	vst v63  }
0x46: {  	p2 =	sne.s32 s7, $0x1;
	s7 =	sadd.s32 $0xFFFFFFFF, s7;
	s8 =	sadd.s32 $0x80, s12  }
0x47: {  	[tilespmem:s22], [sflag:$0x4] =	stream.indirect.gather [hbm4b:s4+s20], $0x80, s8, s20, $0xb8;
	[tilespmem:$0x1DF00] =	vst v63  }
0x48: {  	_ = 	snop  }
0x49: {  	[tilespmem:s23], [sflag:$0x1] =	stream.linear.gather [hbm4b:s14+s3], $0x80, $0x38;
	[tilespmem:$0x1DF00] =	vst v63  }
0x4a: {  	_ = 	snop  }
0x4b: {  	[tilespmem:s24], [sflag:$0x2] =	stream.linear.gather [hbm4b:s10+s3], $0x80, $0x38;
	[tilespmem:$0x1DF00] =	vst v63  }
0x4c: {  	_ =	swait.ge [sflag:s25], $0x4000  }
0x4d: {  	[sflag:s25] =	ssyncset.done $0x0  }
0x4e: {  	[sflag:s25] =	ssyncadd.s32 $0xFFFFC000  }
0x4f: {  	_ =	swait.ge [sflag:s26], $0x80  }
0x50: {  	[sflag:s26] =	ssyncset.done $0x0  }
0x51: {  	[sflag:s26] =	ssyncadd.s32 $0xFFFFFF80  }
0x52: {  	[spmem:s1] =	stream.indirect.scatter.add.f32 [tilespmem:s21], [sflag:$0x5], $0x80, s23, s20, $0xb8;
	[tilespmem:$0x1DF00] =	vst v63  }
0x53: {  	_ =	swait.ge [sflag:s19], $0x4000  }
0x54: {  	[sflag:s19] =	ssyncset.done $0x0  }
0x55: {  	[sflag:s19] =	ssyncadd.s32 $0xFFFFC000  }
0x56: {  	_ =	swait.ge [sflag:s28], $0x4000  }
0x57: {  	[sflag:s28] =	ssyncset.done $0x0  }
0x58: {  	[sflag:s28] =	ssyncadd.s32 $0xFFFFC000  }
0x59: {  	_ =	swait.ge [sflag:s29], $0x80  }
.Ltmp1:
0x5a: {  	[sflag:s29] =	ssyncset.done $0x0;
	(pc) =	sbr.rel @p2 .LBB2_2-.Ltmp1, $4  }
0x5b: {  	[sflag:s29] =	ssyncadd.s32 $0xFFFFFF80  }
0x5c: {  	[spmem:s1] =	stream.indirect.scatter.add.f32 [tilespmem:s22], [sflag:$0x5], $0x80, s24, s20, $0xb8;
	[tilespmem:$0x1DF00] =	vst v63  }
0x5d: {  	_ =	swait.ge [sflag:s19], $0x4000  }
0x5e: {  	s10 =	sadd.s32 $0x20, s10;
	[sflag:s19] =	ssyncset.done $0x0  }
.LBB2_3:
0x5f: {  	[sflag:s19] =	ssyncadd.s32 $0xFFFFC000;
	s7 =	rddreg [dreg:$0x7]  }
0x60: {  	[tilespmem:s0], [sflag:$0x5] =	stream.linear.gather @p0 [hbm4b:s7+s0], $0x600, $0x38;
	[tilespmem:$0x1DF00] =	vst v63  }
0x61: {  	_ =	swait.ge @p0 [sflag:s31], $0x600  }
0x62: {  	[sflag:s31] =	ssyncset.done @p0 $0x0  }
0x63: {  	s0 =	rddreg [dreg:$0x8];
	[sflag:s31] =	ssyncadd.s32 @p0 $0xFFFFFA00  }
0x64: {  	[tilespmem:s5], [sflag:$0x5] =	stream.linear.gather @!p0 [hbm4b:s0+s5], $0x2200, $0x38;
	[tilespmem:$0x1DF00] =	vst v63  }
0x65: {  	_ =	swait.ge @!p0 [sflag:s2], $0x2200  }
0x66: {  	[sflag:s2] =	ssyncset.done @!p0 $0x0  }
0x67: {  	s0 =	simm.s32 $0x0;
	[sflag:s2] =	ssyncadd.s32 @!p0 $0xFFFFDE00  }
0x68: {  	[tilespmem:s21], [sflag:$0x3] =	stream.indirect.gather [hbm4b:s4+s20], $0x80, s0, s20, $0xb8;
	[tilespmem:$0x1DF00] =	vst v63  }
0x69: {  	s31 =	simm.s32 $0x80  }
0x6a: {  	[tilespmem:s22], [sflag:$0x4] =	stream.indirect.gather [hbm4b:s4+s20], $0x80, s31, s20, $0xb8;
	[tilespmem:$0x1DF00] =	vst v63  }
0x6b: {  	_ = 	snop  }
0x6c: {  	[tilespmem:s23], [sflag:$0x1] =	stream.linear.gather [hbm4b:s16+s3], $0x80, $0x38;
	[tilespmem:$0x1DF00] =	vst v63  }
0x6d: {  	_ = 	snop  }
0x6e: {  	[tilespmem:s24], [sflag:$0x2] =	stream.linear.gather [hbm4b:s17+s3], $0x80, $0x38;
	[tilespmem:$0x1DF00] =	vst v63  }
0x6f: {  	_ =	swait.ge [sflag:s25], $0x4000  }
0x70: {  	[sflag:s25] =	ssyncset.done $0x0  }
0x71: {  	[sflag:s25] =	ssyncadd.s32 $0xFFFFC000  }
0x72: {  	_ =	swait.ge [sflag:s26], $0x80  }
0x73: {  	[sflag:s26] =	ssyncset.done $0x0  }
0x74: {  	[sflag:s26] =	ssyncadd.s32 $0xFFFFFF80  }
0x75: {  	[spmem:s1] =	stream.indirect.scatter.add.f32 [tilespmem:s21], [sflag:$0x5], $0x80, s23, s20, $0xb8;
	[tilespmem:$0x1DF00] =	vst v63  }
0x76: {  	_ =	swait.ge [sflag:s19], $0x4000  }
0x77: {  	[sflag:s19] =	ssyncset.done $0x0  }
0x78: {  	[sflag:s19] =	ssyncadd.s32 $0xFFFFC000  }
0x79: {  	_ =	swait.ge [sflag:s28], $0x4000  }
0x7a: {  	[sflag:s28] =	ssyncset.done $0x0  }
0x7b: {  	[sflag:s28] =	ssyncadd.s32 $0xFFFFC000  }
0x7c: {  	_ =	swait.ge [sflag:s29], $0x80  }
.Ltmp2:
0x7d: {  	[sflag:s29] =	ssyncset.done $0x0;
	(pc) =	sbr.rel @!p1 .LBB2_5-.Ltmp2, $4  }
0x7e: {  	[sflag:s29] =	ssyncadd.s32 $0xFFFFFF80  }
0x7f: {  	[spmem:s1] =	stream.indirect.scatter.add.f32 [tilespmem:s22], [sflag:$0x5], $0x80, s24, s20, $0xb8;
	[tilespmem:$0x1DF00] =	vst v63  }
0x80: {  	s7 =	smov.u32 s16;
	_ =	swait.ge [sflag:s19], $0x4000  }
0x81: {  	s5 =	sadd.s32 $0x20, s17;
	s2 =	sadd.s32 $0xFFFFFFFF, s9;
	[sflag:s19] =	ssyncset.done $0x0  }
.LBB2_4:
0x82: {  	[sflag:s19] =	ssyncadd.s32 $0xFFFFC000;
	s7 =	sadd.s32 $0x20, s7;
	s0 =	sadd.s32 $0x100, s0  }
0x83: {  	[tilespmem:s21], [sflag:$0x3] =	stream.indirect.gather [hbm4b:s4+s20], $0x80, s0, s20, $0xb8;
	[tilespmem:$0x1DF00] =	vst v63  }
0x84: {  	p1 =	sne.s32 s2, $0x1;
	s2 =	sadd.s32 $0xFFFFFFFF, s2;
	s8 =	sadd.s32 $0x80, s0  }
0x85: {  	[tilespmem:s22], [sflag:$0x4] =	stream.indirect.gather [hbm4b:s4+s20], $0x80, s8, s20, $0xb8;
	[tilespmem:$0x1DF00] =	vst v63  }
0x86: {  	_ = 	snop  }
0x87: {  	[tilespmem:s23], [sflag:$0x1] =	stream.linear.gather [hbm4b:s7+s3], $0x80, $0x38;
	[tilespmem:$0x1DF00] =	vst v63  }
0x88: {  	_ = 	snop  }
0x89: {  	[tilespmem:s24], [sflag:$0x2] =	stream.linear.gather [hbm4b:s5+s3], $0x80, $0x38;
	[tilespmem:$0x1DF00] =	vst v63  }
0x8a: {  	_ =	swait.ge [sflag:s25], $0x4000  }
0x8b: {  	[sflag:s25] =	ssyncset.done $0x0  }
0x8c: {  	[sflag:s25] =	ssyncadd.s32 $0xFFFFC000  }
0x8d: {  	_ =	swait.ge [sflag:s26], $0x80  }
0x8e: {  	[sflag:s26] =	ssyncset.done $0x0  }
0x8f: {  	[sflag:s26] =	ssyncadd.s32 $0xFFFFFF80  }
0x90: {  	[spmem:s1] =	stream.indirect.scatter.add.f32 [tilespmem:s21], [sflag:$0x5], $0x80, s23, s20, $0xb8;
	[tilespmem:$0x1DF00] =	vst v63  }
0x91: {  	_ =	swait.ge [sflag:s19], $0x4000  }
0x92: {  	[sflag:s19] =	ssyncset.done $0x0  }
0x93: {  	[sflag:s19] =	ssyncadd.s32 $0xFFFFC000  }
0x94: {  	_ =	swait.ge [sflag:s28], $0x4000  }
0x95: {  	[sflag:s28] =	ssyncset.done $0x0  }
0x96: {  	[sflag:s28] =	ssyncadd.s32 $0xFFFFC000  }
0x97: {  	_ =	swait.ge [sflag:s29], $0x80  }
.Ltmp3:
0x98: {  	[sflag:s29] =	ssyncset.done $0x0;
	(pc) =	sbr.rel @p1 .LBB2_4-.Ltmp3, $4  }
0x99: {  	[sflag:s29] =	ssyncadd.s32 $0xFFFFFF80  }
0x9a: {  	[spmem:s1] =	stream.indirect.scatter.add.f32 [tilespmem:s22], [sflag:$0x5], $0x80, s24, s20, $0xb8;
	[tilespmem:$0x1DF00] =	vst v63  }
0x9b: {  	_ =	swait.ge [sflag:s19], $0x4000  }
0x9c: {  	s5 =	sadd.s32 $0x20, s5;
	[sflag:s19] =	ssyncset.done $0x0  }
.LBB2_5:
0x9d: {  	[sflag:s19] =	ssyncadd.s32 $0xFFFFC000;
	s30 =	sadd.s32 $0x1, s30  }
0x9e: {  	[bflag:$0x0] =	sbarrier.arrive $0xFFFF;
	p1 =	sne.s32 s30, s13  }
.Ltmp4:
0x9f: {  	s0 =	rddreg [dreg:$0x9];
	(pc) =	sbr.rel @p1 .LBB2_1-.Ltmp4, $4  }
0xa0: {  	[hbm:s0], [sflag:s6] =	dma.local [spmem:s18], $0x2780  }
0xa1: {  	_ =	swait.ge [sflag:s19], $0x2780  }
0xa2: {  	[sflag:s19] =	ssyncset.done $0x0  }
0xa3: {  	[sflag:s19] =	ssyncadd.s32 $0xFFFFD880  }
0xa4: {  	_ =	sfence.sel $0x180000  }
0xa5: {  	[bflag:$0x0] =	sbarrier.arrive $0xFFFF  }
0xa6: {  	_ =	strace $0x9000004D  }
0xa7: {  	s0 =	stileid.u32;
	[bflag:$0x2] =	sbarrier.arrive $0xFFFF  }
0xa8: {  	p0 =	sne.s32 s0, $0x0;
	s0 =	rddreg [dreg:$0x3]  }
0xa9: {  	s0 =	sadd.s32 @!p0 $0x100000, s0  }
0xaa: {  	[sflag:s0] =	ssyncadd.tile.s32 @!p0 $0x1;
	_ =	shalt  }
.Lfunc_end2:
_tile_overlayer_lowered:
.L_overlay_start_2:
0xab: {  	(tag) =	ssettag $0x2  }
0xac: {  	s0 =	rddreg [dreg:$0x0];
	s2 =	stileid.u32  }
0xad: {  	s1 =	rddreg [dreg:$0x1];
	p0 =	sne.s32 s2, $0x0  }
0xae: {  	s3 =	rddreg [dreg:$0x2];
	[bflag:$0x3] =	sbarrier.arrive $0xFFFF;
	s2 =	simm.s32 @!p0 $0x1C05  }
0xaf: {  	[timem:s3], [sflag:s2] =	dma.local @!p0 [hbm:s0], s1  }
0xb0: {  	s0 =	simm.s32 @!p0 $0x5  }
0xb1: {  	_ =	swait.ge @!p0 [sflag:s0], s1  }
0xb2: {  	s1 =	ssub.s32 @!p0 $0x0, s1;
	[sflag:s0] =	ssyncset.done @!p0 $0x0  }
0xb3: {  	[sflag:s0] =	ssyncadd.s32 @!p0 s1  }
0xb4: {  	[bflag:$0x3] =	sbarrier.arrive $0xFFFF  }
0xb5: {  	_ =	shalt  }

// kernel: kernel.21.cloned.1.call-start
scs
__scs_entry_jumppad:
0x0: {  	(pc) =	sbr.rel $0x88, $3  }
0x1: {  	(tag) =	ssettag $0x0;
	lr =	simm.s32 $0x1  }
0x2: {  	[smem:$0x3F97] =	sst lr;
	_ =	strace $0xD0000000  }
0x3: {  	_ = 	snop  }
0x4: {  	_ = 	snop  }
0x5: {  	_ = 	snop  }
0x6: {  	_ = 	snop  }
0x7: {  	_ = 	snop  }
__scs_overlays_trampoline_lowered:
0x8: {  	[smem:$0x3FA6] =	sst s0  }
0x9: {  	[smem:$0x3FA7] =	sst s1  }
0xa: {  	[smem:$0x3FA8] =	sst s2  }
0xb: {  	[smem:$0x3FA9] =	sst s3  }
0xc: {  	[smem:$0x3FAA] =	sst s4  }
0xd: {  	[smem:$0x3FAB] =	sst s5  }
0xe: {  	[smem:$0x3FAC] =	sst s6  }
0xf: {  	[smem:$0x3FAD] =	sst s7  }
0x10: {  	[smem:$0x3FAE] =	sst s8  }
0x11: {  	[smem:$0x3FAF] =	sst s9;
	s0 =	simm.s32 @!p0 $0x0  }
0x12: {  	s1 =	sld [smem:$0x3F95];
	s0 =	simm.s32 @p0 $0x1  }
0x13: {  	[smem:$0x3FB0] =	sst s0;
	s0 =	simm.s32 @!p1 $0x0  }
0x14: {  	s2 =	sld [smem:$0x3F94];
	s0 =	simm.s32 @p1 $0x1  }
0x15: {  	[smem:$0x3FB1] =	sst s0;
	s0 =	simm.s32 @!p2 $0x0  }
0x16: {  	s3 =	sld [smem:$0x3FDB];
	s0 =	simm.s32 @p2 $0x1  }
0x17: {  	s4 =	simm.s32 $0x1BF5;
	[smem:$0x3FB3] =	sst s0  }
0x18: {  	s0 =	sld [smem:$0x3F96];
	_ =	swait.ge [sflag:s4], $0x0  }
0x19: {  	s7 =	sld [smem:$0x3F97]  }
0x1a: {  	s8 =	sadd.s32 $0xFFFFE003, lr  }
0x1b: {  	s9 =	sadd.s32 $0xFFFFFEF7, lr;
	s5 =	simm.s32 $0xFFFFFFFF;
	p2 =	slt.u32 s8, $0xFFFFF086  }
0x1c: {  	p1 =	slt.u32 s9, $0xF7A;
	s5 =	simm.s32 @!p2 $0x0  }
0x1d: {  	s5 =	simm.s32 @p1 $0x1;
	p0 =	seq.s32 s7, s2  }
0x1e: {  	s7 =	smul.u32 @!p0 $0xF7A, s2;
	p2 =	seq.s32 @!p0 s5, $0x0  }
0x1f: {  	s9 =	smul.u32 $0xF7A, s1;
	s8 =	simm.s32 @!p0 $0x1BF5;
	p2 =	por !p2, p0  }
0x20: {  	[sflag:s8] =	ssyncset.s32 @!p0 $0xFFFFF086;
	s6 =	sadd.s32 @!p0 s3, s7;
	s7 =	simm.s32 @!p0 $0x108  }
0x21: {  	s3 =	sadd.s32 s3, s9;
	s6 =	sadd.s32 @!p0 $0x88, s6;
	s7 =	simm.s32 @p2 $0x1082  }
0x22: {  	[simem:s7], [sflag:s8] =	dma.local @!p0 [hbm:s6], $0xF7A  }
0x23: {  	s9 =	sor.u32 $0xD0000000, s2;
	s6 =	simm.s32 $0x108;
	_ =	swait.ge @!p0 [sflag:s8], $0x0  }
0x24: {  	s3 =	sadd.s32 $0x88, s3;
	s6 =	simm.s32 @!p1 $0x1082;
	[sflag:s4] =	ssyncset.s32 $0xFFFFF086  }
0x25: {  	[simem:s6], [sflag:s4] =	dma.local [hbm:s3], $0xF7A  }
0x26: {  	[smem:$0x3F97] =	sst s1;
	(tag) =	ssettag s2;
	_ =	strace s9  }
0x27: {  	s1 =	sld [smem:$0x3FA7]  }
0x28: {  	s2 =	sld [smem:$0x3FA8]  }
0x29: {  	s4 =	sld [smem:$0x3FAA]  }
0x2a: {  	p0 =	seq.s32 s5, $0x0;
	s5 =	sld [smem:$0x3FAB]  }
0x2b: {  	s6 =	sld [smem:$0x3FAC]  }
0x2c: {  	s7 =	sld [smem:$0x3FAD]  }
0x2d: {  	s3 =	simm.s32 $0x108;
	s8 =	sld [smem:$0x3FAE]  }
0x2e: {  	s3 =	simm.s32 @!p0 $0x1082;
	s9 =	sld [smem:$0x3FAF]  }
0x2f: {  	lr =	sadd.s32 s0, s3;
	s0 =	sld [smem:$0x3FA6]  }
0x30: {  	s3 =	sld [smem:$0x3FA9]  }
0x31: {  	[smem:$0x3FB2] =	sst s10  }
0x32: {  	s10 =	sld [smem:$0x3FB0];
	_ =	sdelay $0x3  }
0x33: {  	p0 =	seq.s32 s10, $0x1;
	s10 =	sld [smem:$0x3FB2];
	_ =	sdelay $0x3  }
0x34: {  	[smem:$0x3FB2] =	sst s10  }
0x35: {  	s10 =	sld [smem:$0x3FB1];
	_ =	sdelay $0x3  }
0x36: {  	p1 =	seq.s32 s10, $0x1;
	s10 =	sld [smem:$0x3FB2];
	_ =	sdelay $0x3  }
0x37: {  	[smem:$0x3FB2] =	sst s10  }
0x38: {  	s10 =	sld [smem:$0x3FB3]  }
0x39: {  	_ = 	snop;
	(pc) =	sbr.ind lr, $3  }
0x3a: {  	_ = 	snop  }
0x3b: {  	_ = 	snop  }
0x3c: {  	p2 =	seq.s32 s10, $0x1;
	s10 =	sld [smem:$0x3FB2]  }
0x3d: {  	_ =	shalt  }
0x3e: {  	_ =	shalt  }
0x3f: {  	_ =	shalt  }
0x40: {  	_ =	shalt  }
0x41: {  	_ =	shalt  }
0x42: {  	_ =	shalt  }
0x43: {  	_ =	shalt  }
0x44: {  	_ =	shalt  }
0x45: {  	_ =	shalt  }
0x46: {  	_ =	shalt  }
0x47: {  	_ =	shalt  }
0x48: {  	_ =	shalt  }
0x49: {  	_ =	shalt  }
0x4a: {  	_ =	shalt  }
0x4b: {  	_ =	shalt  }
0x4c: {  	_ =	shalt  }
0x4d: {  	_ =	shalt  }
0x4e: {  	_ =	shalt  }
0x4f: {  	_ =	shalt  }
0x50: {  	_ =	shalt  }
0x51: {  	_ =	shalt  }
0x52: {  	_ =	shalt  }
0x53: {  	_ =	shalt  }
0x54: {  	_ =	shalt  }
0x55: {  	_ =	shalt  }
0x56: {  	_ =	shalt  }
0x57: {  	_ =	shalt  }
0x58: {  	_ =	shalt  }
0x59: {  	_ =	shalt  }
0x5a: {  	_ =	shalt  }
0x5b: {  	_ =	shalt  }
0x5c: {  	_ =	shalt  }
0x5d: {  	_ =	shalt  }
0x5e: {  	_ =	shalt  }
0x5f: {  	_ =	shalt  }
0x60: {  	_ =	shalt  }
0x61: {  	_ =	shalt  }
0x62: {  	_ =	shalt  }
0x63: {  	_ =	shalt  }
0x64: {  	_ =	shalt  }
0x65: {  	_ =	shalt  }
0x66: {  	_ =	shalt  }
0x67: {  	_ =	shalt  }
0x68: {  	_ =	shalt  }
0x69: {  	_ =	shalt  }
0x6a: {  	_ =	shalt  }
0x6b: {  	_ =	shalt  }
0x6c: {  	_ =	shalt  }
0x6d: {  	_ =	shalt  }
0x6e: {  	_ =	shalt  }
0x6f: {  	_ =	shalt  }
0x70: {  	_ =	shalt  }
0x71: {  	_ =	shalt  }
0x72: {  	_ =	shalt  }
0x73: {  	_ =	shalt  }
0x74: {  	_ =	shalt  }
0x75: {  	_ =	shalt  }
0x76: {  	_ =	shalt  }
0x77: {  	_ =	shalt  }
0x78: {  	_ =	shalt  }
0x79: {  	_ =	shalt  }
0x7a: {  	_ =	shalt  }
0x7b: {  	_ =	shalt  }
0x7c: {  	_ =	shalt  }
0x7d: {  	_ =	shalt  }
0x7e: {  	_ =	shalt  }
0x7f: {  	_ =	shalt  }
0x80: {  	_ =	shalt  }
0x81: {  	_ =	shalt  }
0x82: {  	_ =	shalt  }
0x83: {  	_ =	shalt  }
0x84: {  	_ =	shalt  }
0x85: {  	_ =	shalt  }
0x86: {  	_ =	shalt  }
0x87: {  	_ =	shalt  }
.Lfunc_end0:
.L_simem_size_0:
called_computation.3_lowered:
.L_overlay_start_0:
0x88: {  	s2 =	sld [smem:$0x3FD9]  }
0x89: {  	s3 =	sld [smem:$0x3FFE];
	_ =	sdelay $0x1  }
0x8a: {  	s1 =	srdreg.scid  }
0x8b: {  	s0 =	sand.u32 $0x1, s1  }
0x8c: {  	s17 =	sshll.u32 s0, $0xA;
	s2 =	sadd.s32 s3, s2  }
0x8d: {  	s2 =	sadd.s32 s2, s17  }
0x8e: {  	[smem:$0x3FBE] =	sst s2  }
0x8f: {  	_ = 	snop  }
0x90: {  	s2 =	sld [smem:$0x3FD0];
	(tm) =	ssettm $0x1  }
0x91: {  	s18 =	sld [smem:$0x3FFB];
	_ =	sdelay $0x3  }
0x92: {  	_ =	strace s18  }
0x93: {  	s3 =	sld [smem:$0x3FFC];
	_ =	sdelay $0x3  }
0x94: {  	_ =	strace s3  }
0x95: {  	s3 =	sld [smem:$0x3FFD];
	_ =	sdelay $0x3  }
0x96: {  	_ =	strace s3  }
0x97: {  	_ =	strace $0x8FFFFFFF  }
0x98: {  	s19 =	sld [smem:$0x3FDB];
	_ =	sdelay $0x1  }
0x99: {  	s4 =	simm.s32 $_scs_section_size  }
0x9a: {  	s5 =	simm.s32 $_size__tile_overlayer_lowered;
	s6 =	simm.s32 $_tile_overlayer_lowered  }
0x9b: {  	s22 =	simm.s32 $0x1BFF;
	s21 =	sshll.u32 s6, $0x1;
	s3 =	sadd.s32 s4, s19  }
0x9c: {  	s7 =	simm.s32 $0x0;
	s20 =	sshll.u32 s5, $0x1;
	s5 =	sadd.s32 s21, s3  }
0x9d: {  	[timem:s7], [sflag:s22] =	dma.local [hbm:s5], s20  }
0x9e: {  	_ =	swait.ge [sflag:s22], s20  }
0x9f: {  	s4 =	ssub.s32 $0x0, s20;
	[sflag:s22] =	ssyncset.done $0x0  }
0xa0: {  	[sflag:s22] =	ssyncadd.s32 s4;
	_ =	sdelay $0x1  }
0xa1: {  	s23 =	simm.s32 $0x1B8B  }
0xa2: {  	_ =	swait.ge [sflag:s23], $0x1  }
0xa3: {  	[sflag:s23] =	ssyncset.done $0x0  }
0xa4: {  	s25 =	simm.s32 $0x1B8E;
	s24 =	sld [smem:$0x3FFE];
	[sflag:s23] =	ssyncadd.s32 $0xFFFFFFFF  }
0xa5: {  	s26 =	simm.s32 $execute0_lowered;
	[smem:$0x3FD2] =	sst s25  }
0xa6: {  	s5 =	sshll.u32 s26, $0x1;
	_ =	strace $0x8000004F;
	[dreg:$0x1] =	wrdreg $0xFFFFFFFF  }
0xa7: {  	s28 =	simm.s32 $_size_execute0_lowered;
	s3 =	sadd.s32 s3, s5;
	[dreg:$0x0] =	wrdreg $0x0  }
0xa8: {  	s5 =	sshll.u32 s28, $0x1;
	[dreg:$0x2] =	wrdreg s3  }
0xa9: {  	[dreg:$0x3] =	wrdreg s5  }
0xaa: {  	[dreg:$0x4] =	wrdreg $0xC0  }
0xab: {  	_ =	task [dreg:s7], $0x5FFFF  }
0xac: {  	[dreg:$0x1] =	wrdreg $0xFFFFFFFF  }
0xad: {  	[dreg:$0x0] =	wrdreg $0x60  }
0xae: {  	[dreg:$0x2] =	wrdreg s24  }
0xaf: {  	[dreg:$0x3] =	wrdreg s2  }
0xb0: {  	[dreg:$0x4] =	wrdreg $0xA3000  }
0xb1: {  	[dreg:$0x5] =	wrdreg $0x9  }
0xb2: {  	_ =	task.clear_ibuf [dreg:s7], $0x6FFFF;
	_ =	strace $0x9000004F  }
0xb3: {  	s29 =	simm.s32 $0x9;
	_ =	strace $0x80000051  }
0xb4: {  	_ =	swait.ge [sflag:s29], $0x1  }
0xb5: {  	[sflag:s29] =	ssyncadd.s32 $0xFFFFFFFF  }
0xb6: {  	_ =	strace $0x90000051  }
0xb7: {  	_ =	sfence  }
0xb8: {  	s30 =	sld [smem:$0x0];
	_ =	sdelay $0x2  }
0xb9: {  	s31 =	sshll.u32 s1, $0xD;
	s1 =	sshrl.u32 s1, $0x2  }
0xba: {  	s3 =	sand.u32 $0x4000, s31;
	s1 =	sadd.s32 s1, s30  }
0xbb: {  	s0 =	sor.u32 s3, s0;
	s1 =	sshll.u32 s1, $0x11  }
0xbc: {  	s0 =	sor.u32 s1, s0  }
0xbd: {  	s0 =	sadd.s32 $0x8F2B, s0  }
0xbe: {  	[sflag:s0] =	ssyncadd.remote.s32 $0x1  }
0xbf: {  	_ =	sfence.sel $0xFFFF  }
0xc0: {  	[dreg:$0x0] =	wrdreg $0xFFFFFFFF;
	(pc) =	sbr.abs _section_cstart, $3  }
0xc1: {  	[dreg:$0x1] =	wrdreg $0xFFFFFFFF  }
0xc2: {  	_ =	task.clear_ibuf [dreg:s7], $0x2FFFF;
	_ =	strace $0x9FFFFFFF  }
0xc3: {  	(tm) =	ssettm $0x7FFFFFFF  }
tec
execute0_lowered:
.L_overlay_start_1:
0x0: {  	(tag) =	ssettag $0x1  }
0x1: {  	s0 =	rddreg [dreg:$0x0]  }
0x2: {  	s2 =	rddreg [dreg:$0x1]  }
0x3: {  	s1 =	rddreg [dreg:$0x2]  }
0x4: {  	s3 =	srdreg.scid;
	s17 =	stileid.u32;
	s16 =	simm.s32 $0x44  }
0x5: {  	s28 =	simm.s32 $0x4;
	s29 =	simm.s32 $0x2;
	s7 =	smul.u32 $0x13C00, s17  }
0x6: {  	s30 =	simm.s32 $0x0;
	s5 =	sand.u32 $0x1, s3;
	s18 =	smul.u32 $0xC00, s17  }
0x7: {  	s3 =	simm.s32 $0x0;
	s4 =	sadd.s32 $0x5E00, s0;
	s11 =	smul.u32 $0x4400, s17  }
0x8: {  	s10 =	sadd.s32 $0x55600, s0;
	s8 =	sadd.s32 $0x3600, s0;
	s14 =	smul.u32 $0x4F000, s17  }
0x9: {  	s21 =	sshll.u32 s17, $0x6;
	s6 =	smul.u32 $0x13C000, s5;
	[smem:$0x7FF] =	sst s3  }
0xa: {  	s19 =	ssub.s32 $0x2, s5;
	p0 =	seq.s32 s5, $0x0;
	_ =	strace $0x80000050  }
0xb: {  	[dreg:$0x4] =	wrdreg s8;
	s9 =	sshrl.u32 s19, $0x1;
	s12 =	sadd.s32 $0x44000, s18  }
0xc: {  	s20 =	sshrl.u32 s14, $0x2;
	s16 =	simm.s32 @!p0 $0xC;
	s23 =	sshrl.u32 s11, $0x3  }
0xd: {  	s6 =	sadd.s32 s7, s6;
	s13 =	sshrl.u32 s12, $0x3;
	s15 =	ssub.s32 s19, s9  }
0xe: {  	s12 =	smov.u32 @p0 s11;
	s14 =	sadd.s32 s20, s1;
	s7 =	sshrl.u32 s18, $0x3  }
0xf: {  	s8 =	sadd.s32 s10, s23;
	s9 =	sshrl.u32 s16, $0x1;
	s25 =	sshll.u32 s16, $0x7  }
0x10: {  	p0 =	sne.s32 s5, $0x0;
	s19 =	simm.s32 $0x5;
	s20 =	simm.s32 $0x80  }
0x11: {  	s23 =	simm.s32 $0x2200;
	s6 =	sshrl.u32 s6, $0x3;
	s22 =	sadd.s32 s10, s13  }
0x12: {  	s7 =	sadd.s32 s10, s7;
	[dreg:$0x6] =	wrdreg s8;
	s24 =	sadd.s32 $0x440, s8  }
0x13: {  	s26 =	sshrl.u32 s12, $0x3;
	s13 =	smax.u32 s15, $0x1;
	s18 =	sshrl.u32 s14, $0x3  }
0x14: {  	s0 =	sadd.s32 s6, s0;
	s6 =	sor.u32 $0x1C05, s21;
	[dreg:$0x5] =	wrdreg s22  }
0x15: {  	s7 =	sadd.s32 $0x88C0, s7;
	[dreg:$0x8] =	wrdreg s24;
	s11 =	sadd.s32 s26, s2  }
0x16: {  	s21 =	simm.s32 $0x2300;
	s22 =	simm.s32 $0x6300;
	s24 =	simm.s32 $0x2280  }
0x17: {  	s26 =	simm.s32 $0x1;
	[dreg:$0x7] =	wrdreg s7;
	s7 =	sadd.s32 s25, s12  }
0x18: {  	s0 =	sadd.s32 $0x5F600, s0;
	s15 =	sadd.s32 $0x10, s11;
	s31 =	sor.u32 $0x80, s7  }
0x19: {  	[dreg:$0x9] =	wrdreg s0;
	s7 =	sshrl.u32 s7, $0x3;
	s0 =	sshrl.u32 s31, $0x3  }
0x1a: {  	s25 =	simm.s32 $0x3;
	s16 =	sadd.s32 s7, s2;
	s17 =	sadd.s32 s0, s2  }
.LBB2_1:
0x1b: {  	s0 =	rddreg [dreg:$0x4]  }
0x1c: {  	[spmem:s18], [sflag:s6] =	dma.local [hbm:s0], $0x2780  }
0x1d: {  	_ =	swait.ge [sflag:s19], $0x2780  }
0x1e: {  	s31 =	simm.s32 @p0 $0x5;
	[sflag:s19] =	ssyncset.done $0x0  }
0x1f: {  	s0 =	simm.s32 @p0 $0x0;
	s2 =	rddreg [dreg:$0x5];
	[sflag:s19] =	ssyncadd.s32 $0xFFFFD880  }
0x20: {  	[tilespmem:s0], [sflag:$0x5] =	stream.linear.gather @p0 [hbm4b:s2+s0], $0x600, $0x38;
	[tilespmem:$0x1DF00] =	vst v63  }
0x21: {  	_ =	swait.ge @p0 [sflag:s31], $0x600  }
0x22: {  	[sflag:s31] =	ssyncset.done @p0 $0x0  }
0x23: {  	s5 =	simm.s32 @!p0 $0x0;
	s2 =	rddreg [dreg:$0x6];
	[sflag:s31] =	ssyncadd.s32 @p0 $0xFFFFFA00  }
0x24: {  	[tilespmem:s5], [sflag:$0x5] =	stream.linear.gather @!p0 [hbm4b:s2+s5], $0x2200, $0x38;
	[tilespmem:$0x1DF00] =	vst v63  }
0x25: {  	s2 =	simm.s32 @!p0 $0x5  }
0x26: {  	_ =	swait.ge @!p0 [sflag:s2], $0x2200  }
0x27: {  	[sflag:s2] =	ssyncset.done @!p0 $0x0  }
0x28: {  	[sflag:s2] =	ssyncadd.s32 @!p0 $0xFFFFDE00  }
0x29: {  	[bflag:$0x0] =	sbarrier.arrive $0xFFFF  }
0x2a: {  	[tilespmem:s21], [sflag:$0x3] =	stream.indirect.gather [hbm4b:s4+s20], $0x80, s3, s20, $0xb8;
	[tilespmem:$0x1DF00] =	vst v63  }
0x2b: {  	s7 =	simm.s32 $0x80  }
0x2c: {  	[tilespmem:s22], [sflag:$0x4] =	stream.indirect.gather [hbm4b:s4+s20], $0x80, s7, s20, $0xb8;
	[tilespmem:$0x1DF00] =	vst v63  }
0x2d: {  	_ = 	snop  }
0x2e: {  	[tilespmem:s23], [sflag:$0x1] =	stream.linear.gather [hbm4b:s11+s3], $0x80, $0x38;
	[tilespmem:$0x1DF00] =	vst v63  }
0x2f: {  	_ = 	snop  }
0x30: {  	[tilespmem:s24], [sflag:$0x2] =	stream.linear.gather [hbm4b:s15+s3], $0x80, $0x38;
	[tilespmem:$0x1DF00] =	vst v63  }
0x31: {  	_ =	swait.ge [sflag:s25], $0x4000  }
0x32: {  	[sflag:s25] =	ssyncset.done $0x0  }
0x33: {  	[sflag:s25] =	ssyncadd.s32 $0xFFFFC000  }
0x34: {  	_ =	swait.ge [sflag:s26], $0x80  }
0x35: {  	[sflag:s26] =	ssyncset.done $0x0  }
0x36: {  	[sflag:s26] =	ssyncadd.s32 $0xFFFFFF80  }
0x37: {  	[spmem:s1] =	stream.indirect.scatter.add.f32 [tilespmem:s21], [sflag:$0x5], $0x80, s23, s20, $0xb8;
	[tilespmem:$0x1DF00] =	vst v63  }
0x38: {  	_ =	swait.ge [sflag:s19], $0x4000  }
0x39: {  	[sflag:s19] =	ssyncset.done $0x0  }
0x3a: {  	[sflag:s19] =	ssyncadd.s32 $0xFFFFC000  }
0x3b: {  	_ =	swait.ge [sflag:s28], $0x4000  }
0x3c: {  	[sflag:s28] =	ssyncset.done $0x0  }
0x3d: {  	[sflag:s28] =	ssyncadd.s32 $0xFFFFC000  }
0x3e: {  	p1 =	sne.s32 s9, $0x1;
	_ =	swait.ge [sflag:s29], $0x80  }
.Ltmp0:
0x3f: {  	[sflag:s29] =	ssyncset.done $0x0;
	(pc) =	sbr.rel @!p1 .LBB2_3-.Ltmp0, $4  }
0x40: {  	[sflag:s29] =	ssyncadd.s32 $0xFFFFFF80  }
0x41: {  	[spmem:s1] =	stream.indirect.scatter.add.f32 [tilespmem:s22], [sflag:$0x5], $0x80, s24, s20, $0xb8;
	[tilespmem:$0x1DF00] =	vst v63  }
0x42: {  	s10 =	sadd.s32 $0x20, s15;
	s14 =	smov.u32 s11;
	_ =	swait.ge [sflag:s19], $0x4000  }
0x43: {  	s12 =	simm.s32 $0x0;
	s7 =	sadd.s32 $0xFFFFFFFF, s9;
	[sflag:s19] =	ssyncset.done $0x0  }
.LBB2_2:
0x44: {  	[sflag:s19] =	ssyncadd.s32 $0xFFFFC000;
	s14 =	sadd.s32 $0x20, s14;
	s12 =	sadd.s32 $0x100, s12  }
0x45: {  	[tilespmem:s21], [sflag:$0x3] =	stream.indirect.gather [hbm4b:s4+s20], $0x80, s12, s20, $0xb8;
	[tilespmem:$0x1DF00] =	vst v63  }
0x46: {  	p2 =	sne.s32 s7, $0x1;
	s7 =	sadd.s32 $0xFFFFFFFF, s7;
	s8 =	sadd.s32 $0x80, s12  }
0x47: {  	[tilespmem:s22], [sflag:$0x4] =	stream.indirect.gather [hbm4b:s4+s20], $0x80, s8, s20, $0xb8;
	[tilespmem:$0x1DF00] =	vst v63  }
0x48: {  	_ = 	snop  }
0x49: {  	[tilespmem:s23], [sflag:$0x1] =	stream.linear.gather [hbm4b:s14+s3], $0x80, $0x38;
	[tilespmem:$0x1DF00] =	vst v63  }
0x4a: {  	_ = 	snop  }
0x4b: {  	[tilespmem:s24], [sflag:$0x2] =	stream.linear.gather [hbm4b:s10+s3], $0x80, $0x38;
	[tilespmem:$0x1DF00] =	vst v63  }
0x4c: {  	_ =	swait.ge [sflag:s25], $0x4000  }
0x4d: {  	[sflag:s25] =	ssyncset.done $0x0  }
0x4e: {  	[sflag:s25] =	ssyncadd.s32 $0xFFFFC000  }
0x4f: {  	_ =	swait.ge [sflag:s26], $0x80  }
0x50: {  	[sflag:s26] =	ssyncset.done $0x0  }
0x51: {  	[sflag:s26] =	ssyncadd.s32 $0xFFFFFF80  }
0x52: {  	[spmem:s1] =	stream.indirect.scatter.add.f32 [tilespmem:s21], [sflag:$0x5], $0x80, s23, s20, $0xb8;
	[tilespmem:$0x1DF00] =	vst v63  }
0x53: {  	_ =	swait.ge [sflag:s19], $0x4000  }
0x54: {  	[sflag:s19] =	ssyncset.done $0x0  }
0x55: {  	[sflag:s19] =	ssyncadd.s32 $0xFFFFC000  }
0x56: {  	_ =	swait.ge [sflag:s28], $0x4000  }
0x57: {  	[sflag:s28] =	ssyncset.done $0x0  }
0x58: {  	[sflag:s28] =	ssyncadd.s32 $0xFFFFC000  }
0x59: {  	_ =	swait.ge [sflag:s29], $0x80  }
.Ltmp1:
0x5a: {  	[sflag:s29] =	ssyncset.done $0x0;
	(pc) =	sbr.rel @p2 .LBB2_2-.Ltmp1, $4  }
0x5b: {  	[sflag:s29] =	ssyncadd.s32 $0xFFFFFF80  }
0x5c: {  	[spmem:s1] =	stream.indirect.scatter.add.f32 [tilespmem:s22], [sflag:$0x5], $0x80, s24, s20, $0xb8;
	[tilespmem:$0x1DF00] =	vst v63  }
0x5d: {  	_ =	swait.ge [sflag:s19], $0x4000  }
0x5e: {  	s10 =	sadd.s32 $0x20, s10;
	[sflag:s19] =	ssyncset.done $0x0  }
.LBB2_3:
0x5f: {  	[sflag:s19] =	ssyncadd.s32 $0xFFFFC000;
	s7 =	rddreg [dreg:$0x7]  }
0x60: {  	[tilespmem:s0], [sflag:$0x5] =	stream.linear.gather @p0 [hbm4b:s7+s0], $0x600, $0x38;
	[tilespmem:$0x1DF00] =	vst v63  }
0x61: {  	_ =	swait.ge @p0 [sflag:s31], $0x600  }
0x62: {  	[sflag:s31] =	ssyncset.done @p0 $0x0  }
0x63: {  	s0 =	rddreg [dreg:$0x8];
	[sflag:s31] =	ssyncadd.s32 @p0 $0xFFFFFA00  }
0x64: {  	[tilespmem:s5], [sflag:$0x5] =	stream.linear.gather @!p0 [hbm4b:s0+s5], $0x2200, $0x38;
	[tilespmem:$0x1DF00] =	vst v63  }
0x65: {  	_ =	swait.ge @!p0 [sflag:s2], $0x2200  }
0x66: {  	[sflag:s2] =	ssyncset.done @!p0 $0x0  }
0x67: {  	s0 =	simm.s32 $0x0;
	[sflag:s2] =	ssyncadd.s32 @!p0 $0xFFFFDE00  }
0x68: {  	[tilespmem:s21], [sflag:$0x3] =	stream.indirect.gather [hbm4b:s4+s20], $0x80, s0, s20, $0xb8;
	[tilespmem:$0x1DF00] =	vst v63  }
0x69: {  	s31 =	simm.s32 $0x80  }
0x6a: {  	[tilespmem:s22], [sflag:$0x4] =	stream.indirect.gather [hbm4b:s4+s20], $0x80, s31, s20, $0xb8;
	[tilespmem:$0x1DF00] =	vst v63  }
0x6b: {  	_ = 	snop  }
0x6c: {  	[tilespmem:s23], [sflag:$0x1] =	stream.linear.gather [hbm4b:s16+s3], $0x80, $0x38;
	[tilespmem:$0x1DF00] =	vst v63  }
0x6d: {  	_ = 	snop  }
0x6e: {  	[tilespmem:s24], [sflag:$0x2] =	stream.linear.gather [hbm4b:s17+s3], $0x80, $0x38;
	[tilespmem:$0x1DF00] =	vst v63  }
0x6f: {  	_ =	swait.ge [sflag:s25], $0x4000  }
0x70: {  	[sflag:s25] =	ssyncset.done $0x0  }
0x71: {  	[sflag:s25] =	ssyncadd.s32 $0xFFFFC000  }
0x72: {  	_ =	swait.ge [sflag:s26], $0x80  }
0x73: {  	[sflag:s26] =	ssyncset.done $0x0  }
0x74: {  	[sflag:s26] =	ssyncadd.s32 $0xFFFFFF80  }
0x75: {  	[spmem:s1] =	stream.indirect.scatter.add.f32 [tilespmem:s21], [sflag:$0x5], $0x80, s23, s20, $0xb8;
	[tilespmem:$0x1DF00] =	vst v63  }
0x76: {  	_ =	swait.ge [sflag:s19], $0x4000  }
0x77: {  	[sflag:s19] =	ssyncset.done $0x0  }
0x78: {  	[sflag:s19] =	ssyncadd.s32 $0xFFFFC000  }
0x79: {  	_ =	swait.ge [sflag:s28], $0x4000  }
0x7a: {  	[sflag:s28] =	ssyncset.done $0x0  }
0x7b: {  	[sflag:s28] =	ssyncadd.s32 $0xFFFFC000  }
0x7c: {  	_ =	swait.ge [sflag:s29], $0x80  }
.Ltmp2:
0x7d: {  	[sflag:s29] =	ssyncset.done $0x0;
	(pc) =	sbr.rel @!p1 .LBB2_5-.Ltmp2, $4  }
0x7e: {  	[sflag:s29] =	ssyncadd.s32 $0xFFFFFF80  }
0x7f: {  	[spmem:s1] =	stream.indirect.scatter.add.f32 [tilespmem:s22], [sflag:$0x5], $0x80, s24, s20, $0xb8;
	[tilespmem:$0x1DF00] =	vst v63  }
0x80: {  	s7 =	smov.u32 s16;
	_ =	swait.ge [sflag:s19], $0x4000  }
0x81: {  	s5 =	sadd.s32 $0x20, s17;
	s2 =	sadd.s32 $0xFFFFFFFF, s9;
	[sflag:s19] =	ssyncset.done $0x0  }
.LBB2_4:
0x82: {  	[sflag:s19] =	ssyncadd.s32 $0xFFFFC000;
	s7 =	sadd.s32 $0x20, s7;
	s0 =	sadd.s32 $0x100, s0  }
0x83: {  	[tilespmem:s21], [sflag:$0x3] =	stream.indirect.gather [hbm4b:s4+s20], $0x80, s0, s20, $0xb8;
	[tilespmem:$0x1DF00] =	vst v63  }
0x84: {  	p1 =	sne.s32 s2, $0x1;
	s2 =	sadd.s32 $0xFFFFFFFF, s2;
	s8 =	sadd.s32 $0x80, s0  }
0x85: {  	[tilespmem:s22], [sflag:$0x4] =	stream.indirect.gather [hbm4b:s4+s20], $0x80, s8, s20, $0xb8;
	[tilespmem:$0x1DF00] =	vst v63  }
0x86: {  	_ = 	snop  }
0x87: {  	[tilespmem:s23], [sflag:$0x1] =	stream.linear.gather [hbm4b:s7+s3], $0x80, $0x38;
	[tilespmem:$0x1DF00] =	vst v63  }
0x88: {  	_ = 	snop  }
0x89: {  	[tilespmem:s24], [sflag:$0x2] =	stream.linear.gather [hbm4b:s5+s3], $0x80, $0x38;
	[tilespmem:$0x1DF00] =	vst v63  }
0x8a: {  	_ =	swait.ge [sflag:s25], $0x4000  }
0x8b: {  	[sflag:s25] =	ssyncset.done $0x0  }
0x8c: {  	[sflag:s25] =	ssyncadd.s32 $0xFFFFC000  }
0x8d: {  	_ =	swait.ge [sflag:s26], $0x80  }
0x8e: {  	[sflag:s26] =	ssyncset.done $0x0  }
0x8f: {  	[sflag:s26] =	ssyncadd.s32 $0xFFFFFF80  }
0x90: {  	[spmem:s1] =	stream.indirect.scatter.add.f32 [tilespmem:s21], [sflag:$0x5], $0x80, s23, s20, $0xb8;
	[tilespmem:$0x1DF00] =	vst v63  }
0x91: {  	_ =	swait.ge [sflag:s19], $0x4000  }
0x92: {  	[sflag:s19] =	ssyncset.done $0x0  }
0x93: {  	[sflag:s19] =	ssyncadd.s32 $0xFFFFC000  }
0x94: {  	_ =	swait.ge [sflag:s28], $0x4000  }
0x95: {  	[sflag:s28] =	ssyncset.done $0x0  }
0x96: {  	[sflag:s28] =	ssyncadd.s32 $0xFFFFC000  }
0x97: {  	_ =	swait.ge [sflag:s29], $0x80  }
.Ltmp3:
0x98: {  	[sflag:s29] =	ssyncset.done $0x0;
	(pc) =	sbr.rel @p1 .LBB2_4-.Ltmp3, $4  }
0x99: {  	[sflag:s29] =	ssyncadd.s32 $0xFFFFFF80  }
0x9a: {  	[spmem:s1] =	stream.indirect.scatter.add.f32 [tilespmem:s22], [sflag:$0x5], $0x80, s24, s20, $0xb8;
	[tilespmem:$0x1DF00] =	vst v63  }
0x9b: {  	_ =	swait.ge [sflag:s19], $0x4000  }
0x9c: {  	s5 =	sadd.s32 $0x20, s5;
	[sflag:s19] =	ssyncset.done $0x0  }
.LBB2_5:
0x9d: {  	[sflag:s19] =	ssyncadd.s32 $0xFFFFC000;
	s30 =	sadd.s32 $0x1, s30  }
0x9e: {  	[bflag:$0x0] =	sbarrier.arrive $0xFFFF;
	p1 =	sne.s32 s30, s13  }
.Ltmp4:
0x9f: {  	s0 =	rddreg [dreg:$0x9];
	(pc) =	sbr.rel @p1 .LBB2_1-.Ltmp4, $4  }
0xa0: {  	[hbm:s0], [sflag:s6] =	dma.local [spmem:s18], $0x2780  }
0xa1: {  	_ =	swait.ge [sflag:s19], $0x2780  }
0xa2: {  	[sflag:s19] =	ssyncset.done $0x0  }
0xa3: {  	[sflag:s19] =	ssyncadd.s32 $0xFFFFD880  }
0xa4: {  	_ =	sfence.sel $0x180000  }
0xa5: {  	[bflag:$0x0] =	sbarrier.arrive $0xFFFF  }
0xa6: {  	_ =	strace $0x90000050  }
0xa7: {  	s0 =	stileid.u32;
	[bflag:$0x2] =	sbarrier.arrive $0xFFFF  }
0xa8: {  	p0 =	sne.s32 s0, $0x0;
	s0 =	rddreg [dreg:$0x3]  }
0xa9: {  	s0 =	sadd.s32 @!p0 $0x100000, s0  }
0xaa: {  	[sflag:s0] =	ssyncadd.tile.s32 @!p0 $0x1;
	_ =	shalt  }
.Lfunc_end2:
_tile_overlayer_lowered:
.L_overlay_start_2:
0xab: {  	(tag) =	ssettag $0x2  }
0xac: {  	s0 =	rddreg [dreg:$0x0];
	s2 =	stileid.u32  }
0xad: {  	s1 =	rddreg [dreg:$0x1];
	p0 =	sne.s32 s2, $0x0  }
0xae: {  	s3 =	rddreg [dreg:$0x2];
	[bflag:$0x3] =	sbarrier.arrive $0xFFFF;
	s2 =	simm.s32 @!p0 $0x1C05  }
0xaf: {  	[timem:s3], [sflag:s2] =	dma.local @!p0 [hbm:s0], s1  }
0xb0: {  	s0 =	simm.s32 @!p0 $0x5  }
0xb1: {  	_ =	swait.ge @!p0 [sflag:s0], s1  }
0xb2: {  	s1 =	ssub.s32 @!p0 $0x0, s1;
	[sflag:s0] =	ssyncset.done @!p0 $0x0  }
0xb3: {  	[sflag:s0] =	ssyncadd.s32 @!p0 s1  }
0xb4: {  	[bflag:$0x3] =	sbarrier.arrive $0xFFFF  }
0xb5: {  	_ =	shalt  }

// kernel: kernel.24.cloned.1.call-start
scs
__scs_entry_jumppad:
0x0: {  	(pc) =	sbr.rel $0x88, $3  }
0x1: {  	(tag) =	ssettag $0x0;
	lr =	simm.s32 $0x1  }
0x2: {  	[smem:$0x3F97] =	sst lr;
	_ =	strace $0xD0000000  }
0x3: {  	_ = 	snop  }
0x4: {  	_ = 	snop  }
0x5: {  	_ = 	snop  }
0x6: {  	_ = 	snop  }
0x7: {  	_ = 	snop  }
__scs_overlays_trampoline_lowered:
0x8: {  	[smem:$0x3FA6] =	sst s0  }
0x9: {  	[smem:$0x3FA7] =	sst s1  }
0xa: {  	[smem:$0x3FA8] =	sst s2  }
0xb: {  	[smem:$0x3FA9] =	sst s3  }
0xc: {  	[smem:$0x3FAA] =	sst s4  }
0xd: {  	[smem:$0x3FAB] =	sst s5  }
0xe: {  	[smem:$0x3FAC] =	sst s6  }
0xf: {  	[smem:$0x3FAD] =	sst s7  }
0x10: {  	[smem:$0x3FAE] =	sst s8  }
0x11: {  	[smem:$0x3FAF] =	sst s9;
	s0 =	simm.s32 @!p0 $0x0  }
0x12: {  	s1 =	sld [smem:$0x3F95];
	s0 =	simm.s32 @p0 $0x1  }
0x13: {  	[smem:$0x3FB0] =	sst s0;
	s0 =	simm.s32 @!p1 $0x0  }
0x14: {  	s2 =	sld [smem:$0x3F94];
	s0 =	simm.s32 @p1 $0x1  }
0x15: {  	[smem:$0x3FB1] =	sst s0;
	s0 =	simm.s32 @!p2 $0x0  }
0x16: {  	s3 =	sld [smem:$0x3FDB];
	s0 =	simm.s32 @p2 $0x1  }
0x17: {  	s4 =	simm.s32 $0x1BF5;
	[smem:$0x3FB3] =	sst s0  }
0x18: {  	s0 =	sld [smem:$0x3F96];
	_ =	swait.ge [sflag:s4], $0x0  }
0x19: {  	s7 =	sld [smem:$0x3F97]  }
0x1a: {  	s8 =	sadd.s32 $0xFFFFE003, lr  }
0x1b: {  	s9 =	sadd.s32 $0xFFFFFEF7, lr;
	s5 =	simm.s32 $0xFFFFFFFF;
	p2 =	slt.u32 s8, $0xFFFFF086  }
0x1c: {  	p1 =	slt.u32 s9, $0xF7A;
	s5 =	simm.s32 @!p2 $0x0  }
0x1d: {  	s5 =	simm.s32 @p1 $0x1;
	p0 =	seq.s32 s7, s2  }
0x1e: {  	s7 =	smul.u32 @!p0 $0xF7A, s2;
	p2 =	seq.s32 @!p0 s5, $0x0  }
0x1f: {  	s9 =	smul.u32 $0xF7A, s1;
	s8 =	simm.s32 @!p0 $0x1BF5;
	p2 =	por !p2, p0  }
0x20: {  	[sflag:s8] =	ssyncset.s32 @!p0 $0xFFFFF086;
	s6 =	sadd.s32 @!p0 s3, s7;
	s7 =	simm.s32 @!p0 $0x108  }
0x21: {  	s3 =	sadd.s32 s3, s9;
	s6 =	sadd.s32 @!p0 $0x88, s6;
	s7 =	simm.s32 @p2 $0x1082  }
0x22: {  	[simem:s7], [sflag:s8] =	dma.local @!p0 [hbm:s6], $0xF7A  }
0x23: {  	s9 =	sor.u32 $0xD0000000, s2;
	s6 =	simm.s32 $0x108;
	_ =	swait.ge @!p0 [sflag:s8], $0x0  }
0x24: {  	s3 =	sadd.s32 $0x88, s3;
	s6 =	simm.s32 @!p1 $0x1082;
	[sflag:s4] =	ssyncset.s32 $0xFFFFF086  }
0x25: {  	[simem:s6], [sflag:s4] =	dma.local [hbm:s3], $0xF7A  }
0x26: {  	[smem:$0x3F97] =	sst s1;
	(tag) =	ssettag s2;
	_ =	strace s9  }
0x27: {  	s1 =	sld [smem:$0x3FA7]  }
0x28: {  	s2 =	sld [smem:$0x3FA8]  }
0x29: {  	s4 =	sld [smem:$0x3FAA]  }
0x2a: {  	p0 =	seq.s32 s5, $0x0;
	s5 =	sld [smem:$0x3FAB]  }
0x2b: {  	s6 =	sld [smem:$0x3FAC]  }
0x2c: {  	s7 =	sld [smem:$0x3FAD]  }
0x2d: {  	s3 =	simm.s32 $0x108;
	s8 =	sld [smem:$0x3FAE]  }
0x2e: {  	s3 =	simm.s32 @!p0 $0x1082;
	s9 =	sld [smem:$0x3FAF]  }
0x2f: {  	lr =	sadd.s32 s0, s3;
	s0 =	sld [smem:$0x3FA6]  }
0x30: {  	s3 =	sld [smem:$0x3FA9]  }
0x31: {  	[smem:$0x3FB2] =	sst s10  }
0x32: {  	s10 =	sld [smem:$0x3FB0];
	_ =	sdelay $0x3  }
0x33: {  	p0 =	seq.s32 s10, $0x1;
	s10 =	sld [smem:$0x3FB2];
	_ =	sdelay $0x3  }
0x34: {  	[smem:$0x3FB2] =	sst s10  }
0x35: {  	s10 =	sld [smem:$0x3FB1];
	_ =	sdelay $0x3  }
0x36: {  	p1 =	seq.s32 s10, $0x1;
	s10 =	sld [smem:$0x3FB2];
	_ =	sdelay $0x3  }
0x37: {  	[smem:$0x3FB2] =	sst s10  }
0x38: {  	s10 =	sld [smem:$0x3FB3]  }
0x39: {  	_ = 	snop;
	(pc) =	sbr.ind lr, $3  }
0x3a: {  	_ = 	snop  }
0x3b: {  	_ = 	snop  }
0x3c: {  	p2 =	seq.s32 s10, $0x1;
	s10 =	sld [smem:$0x3FB2]  }
0x3d: {  	_ =	shalt  }
0x3e: {  	_ =	shalt  }
0x3f: {  	_ =	shalt  }
0x40: {  	_ =	shalt  }
0x41: {  	_ =	shalt  }
0x42: {  	_ =	shalt  }
0x43: {  	_ =	shalt  }
0x44: {  	_ =	shalt  }
0x45: {  	_ =	shalt  }
0x46: {  	_ =	shalt  }
0x47: {  	_ =	shalt  }
0x48: {  	_ =	shalt  }
0x49: {  	_ =	shalt  }
0x4a: {  	_ =	shalt  }
0x4b: {  	_ =	shalt  }
0x4c: {  	_ =	shalt  }
0x4d: {  	_ =	shalt  }
0x4e: {  	_ =	shalt  }
0x4f: {  	_ =	shalt  }
0x50: {  	_ =	shalt  }
0x51: {  	_ =	shalt  }
0x52: {  	_ =	shalt  }
0x53: {  	_ =	shalt  }
0x54: {  	_ =	shalt  }
0x55: {  	_ =	shalt  }
0x56: {  	_ =	shalt  }
0x57: {  	_ =	shalt  }
0x58: {  	_ =	shalt  }
0x59: {  	_ =	shalt  }
0x5a: {  	_ =	shalt  }
0x5b: {  	_ =	shalt  }
0x5c: {  	_ =	shalt  }
0x5d: {  	_ =	shalt  }
0x5e: {  	_ =	shalt  }
0x5f: {  	_ =	shalt  }
0x60: {  	_ =	shalt  }
0x61: {  	_ =	shalt  }
0x62: {  	_ =	shalt  }
0x63: {  	_ =	shalt  }
0x64: {  	_ =	shalt  }
0x65: {  	_ =	shalt  }
0x66: {  	_ =	shalt  }
0x67: {  	_ =	shalt  }
0x68: {  	_ =	shalt  }
0x69: {  	_ =	shalt  }
0x6a: {  	_ =	shalt  }
0x6b: {  	_ =	shalt  }
0x6c: {  	_ =	shalt  }
0x6d: {  	_ =	shalt  }
0x6e: {  	_ =	shalt  }
0x6f: {  	_ =	shalt  }
0x70: {  	_ =	shalt  }
0x71: {  	_ =	shalt  }
0x72: {  	_ =	shalt  }
0x73: {  	_ =	shalt  }
0x74: {  	_ =	shalt  }
0x75: {  	_ =	shalt  }
0x76: {  	_ =	shalt  }
0x77: {  	_ =	shalt  }
0x78: {  	_ =	shalt  }
0x79: {  	_ =	shalt  }
0x7a: {  	_ =	shalt  }
0x7b: {  	_ =	shalt  }
0x7c: {  	_ =	shalt  }
0x7d: {  	_ =	shalt  }
0x7e: {  	_ =	shalt  }
0x7f: {  	_ =	shalt  }
0x80: {  	_ =	shalt  }
0x81: {  	_ =	shalt  }
0x82: {  	_ =	shalt  }
0x83: {  	_ =	shalt  }
0x84: {  	_ =	shalt  }
0x85: {  	_ =	shalt  }
0x86: {  	_ =	shalt  }
0x87: {  	_ =	shalt  }
.Lfunc_end0:
.L_simem_size_0:
called_computation.4_lowered:
.L_overlay_start_0:
0x88: {  	s2 =	sld [smem:$0x3FD9]  }
0x89: {  	s3 =	sld [smem:$0x3FFE];
	_ =	sdelay $0x1  }
0x8a: {  	s1 =	srdreg.scid  }
0x8b: {  	s0 =	sand.u32 $0x1, s1  }
0x8c: {  	s17 =	sshll.u32 s0, $0xA;
	s2 =	sadd.s32 s3, s2  }
0x8d: {  	s2 =	sadd.s32 s2, s17  }
0x8e: {  	[smem:$0x3FBE] =	sst s2  }
0x8f: {  	_ = 	snop  }
0x90: {  	s2 =	sld [smem:$0x3FD0];
	(tm) =	ssettm $0x1  }
0x91: {  	s18 =	sld [smem:$0x3FFB];
	_ =	sdelay $0x3  }
0x92: {  	_ =	strace s18  }
0x93: {  	s3 =	sld [smem:$0x3FFC];
	_ =	sdelay $0x3  }
0x94: {  	_ =	strace s3  }
0x95: {  	s3 =	sld [smem:$0x3FFD];
	_ =	sdelay $0x3  }
0x96: {  	_ =	strace s3  }
0x97: {  	_ =	strace $0x8FFFFFFF  }
0x98: {  	s19 =	sld [smem:$0x3FDB];
	_ =	sdelay $0x1  }
0x99: {  	s4 =	simm.s32 $_scs_section_size  }
0x9a: {  	s5 =	simm.s32 $_size__tile_overlayer_lowered;
	s6 =	simm.s32 $_tile_overlayer_lowered  }
0x9b: {  	s22 =	simm.s32 $0x1BFF;
	s21 =	sshll.u32 s6, $0x1;
	s3 =	sadd.s32 s4, s19  }
0x9c: {  	s7 =	simm.s32 $0x0;
	s20 =	sshll.u32 s5, $0x1;
	s5 =	sadd.s32 s21, s3  }
0x9d: {  	[timem:s7], [sflag:s22] =	dma.local [hbm:s5], s20  }
0x9e: {  	_ =	swait.ge [sflag:s22], s20  }
0x9f: {  	s4 =	ssub.s32 $0x0, s20;
	[sflag:s22] =	ssyncset.done $0x0  }
0xa0: {  	[sflag:s22] =	ssyncadd.s32 s4;
	_ =	sdelay $0x1  }
0xa1: {  	s23 =	simm.s32 $0x1B8B  }
0xa2: {  	_ =	swait.ge [sflag:s23], $0x1  }
0xa3: {  	[sflag:s23] =	ssyncset.done $0x0  }
0xa4: {  	s25 =	simm.s32 $0x1B8E;
	s24 =	sld [smem:$0x3FFE];
	[sflag:s23] =	ssyncadd.s32 $0xFFFFFFFF  }
0xa5: {  	s26 =	simm.s32 $execute0_lowered;
	[smem:$0x3FD2] =	sst s25  }
0xa6: {  	s5 =	sshll.u32 s26, $0x1;
	_ =	strace $0x80000052;
	[dreg:$0x1] =	wrdreg $0xFFFFFFFF  }
0xa7: {  	s28 =	simm.s32 $_size_execute0_lowered;
	s3 =	sadd.s32 s3, s5;
	[dreg:$0x0] =	wrdreg $0x0  }
0xa8: {  	s5 =	sshll.u32 s28, $0x1;
	[dreg:$0x2] =	wrdreg s3  }
0xa9: {  	[dreg:$0x3] =	wrdreg s5  }
0xaa: {  	[dreg:$0x4] =	wrdreg $0xC0  }
0xab: {  	_ =	task [dreg:s7], $0x5FFFF  }
0xac: {  	[dreg:$0x1] =	wrdreg $0xFFFFFFFF  }
0xad: {  	[dreg:$0x0] =	wrdreg $0x60  }
0xae: {  	[dreg:$0x2] =	wrdreg s24  }
0xaf: {  	[dreg:$0x3] =	wrdreg s2  }
0xb0: {  	[dreg:$0x4] =	wrdreg $0xA3000  }
0xb1: {  	[dreg:$0x5] =	wrdreg $0x9  }
0xb2: {  	_ =	task.clear_ibuf [dreg:s7], $0x6FFFF;
	_ =	strace $0x90000052  }
0xb3: {  	s29 =	simm.s32 $0x9;
	_ =	strace $0x80000054  }
0xb4: {  	_ =	swait.ge [sflag:s29], $0x1  }
0xb5: {  	[sflag:s29] =	ssyncadd.s32 $0xFFFFFFFF  }
0xb6: {  	_ =	strace $0x90000054  }
0xb7: {  	_ =	sfence  }
0xb8: {  	s30 =	sld [smem:$0x0];
	_ =	sdelay $0x2  }
0xb9: {  	s31 =	sshll.u32 s1, $0xD;
	s1 =	sshrl.u32 s1, $0x2  }
0xba: {  	s3 =	sand.u32 $0x4000, s31;
	s1 =	sadd.s32 s1, s30  }
0xbb: {  	s0 =	sor.u32 s3, s0;
	s1 =	sshll.u32 s1, $0x11  }
0xbc: {  	s0 =	sor.u32 s1, s0  }
0xbd: {  	s0 =	sadd.s32 $0x8F2B, s0  }
0xbe: {  	[sflag:s0] =	ssyncadd.remote.s32 $0x1  }
0xbf: {  	_ =	sfence.sel $0xFFFF  }
0xc0: {  	[dreg:$0x0] =	wrdreg $0xFFFFFFFF;
	(pc) =	sbr.abs _section_cstart, $3  }
0xc1: {  	[dreg:$0x1] =	wrdreg $0xFFFFFFFF  }
0xc2: {  	_ =	task.clear_ibuf [dreg:s7], $0x2FFFF;
	_ =	strace $0x9FFFFFFF  }
0xc3: {  	(tm) =	ssettm $0x7FFFFFFF  }
tec
execute0_lowered:
.L_overlay_start_1:
0x0: {  	(tag) =	ssettag $0x1  }
0x1: {  	s0 =	rddreg [dreg:$0x0]  }
0x2: {  	s2 =	rddreg [dreg:$0x1]  }
0x3: {  	s1 =	rddreg [dreg:$0x2]  }
0x4: {  	s3 =	srdreg.scid;
	s17 =	stileid.u32;
	s16 =	simm.s32 $0x44  }
0x5: {  	s28 =	simm.s32 $0x4;
	s29 =	simm.s32 $0x2;
	s7 =	smul.u32 $0x13C00, s17  }
0x6: {  	s30 =	simm.s32 $0x0;
	s5 =	sand.u32 $0x1, s3;
	s18 =	smul.u32 $0xC00, s17  }
0x7: {  	s3 =	simm.s32 $0x0;
	s4 =	sadd.s32 $0x5E00, s0;
	s11 =	smul.u32 $0x4400, s17  }
0x8: {  	s10 =	sadd.s32 $0x55600, s0;
	s8 =	sadd.s32 $0x3600, s0;
	s14 =	smul.u32 $0x4F000, s17  }
0x9: {  	s21 =	sshll.u32 s17, $0x6;
	s6 =	smul.u32 $0x13C000, s5;
	[smem:$0x7FF] =	sst s3  }
0xa: {  	s19 =	ssub.s32 $0x2, s5;
	p0 =	seq.s32 s5, $0x0;
	_ =	strace $0x80000053  }
0xb: {  	[dreg:$0x4] =	wrdreg s8;
	s9 =	sshrl.u32 s19, $0x1;
	s12 =	sadd.s32 $0x44000, s18  }
0xc: {  	s20 =	sshrl.u32 s14, $0x2;
	s16 =	simm.s32 @!p0 $0xC;
	s23 =	sshrl.u32 s11, $0x3  }
0xd: {  	s6 =	sadd.s32 s7, s6;
	s13 =	sshrl.u32 s12, $0x3;
	s15 =	ssub.s32 s19, s9  }
0xe: {  	s12 =	smov.u32 @p0 s11;
	s14 =	sadd.s32 s20, s1;
	s7 =	sshrl.u32 s18, $0x3  }
0xf: {  	s8 =	sadd.s32 s10, s23;
	s9 =	sshrl.u32 s16, $0x1;
	s25 =	sshll.u32 s16, $0x7  }
0x10: {  	p0 =	sne.s32 s5, $0x0;
	s19 =	simm.s32 $0x5;
	s20 =	simm.s32 $0x80  }
0x11: {  	s23 =	simm.s32 $0x2200;
	s6 =	sshrl.u32 s6, $0x3;
	s22 =	sadd.s32 s10, s13  }
0x12: {  	s7 =	sadd.s32 s10, s7;
	[dreg:$0x6] =	wrdreg s8;
	s24 =	sadd.s32 $0x440, s8  }
0x13: {  	s26 =	sshrl.u32 s12, $0x3;
	s13 =	smax.u32 s15, $0x1;
	s18 =	sshrl.u32 s14, $0x3  }
0x14: {  	s0 =	sadd.s32 s6, s0;
	s6 =	sor.u32 $0x1C05, s21;
	[dreg:$0x5] =	wrdreg s22  }
0x15: {  	s7 =	sadd.s32 $0x88C0, s7;
	[dreg:$0x8] =	wrdreg s24;
	s11 =	sadd.s32 s26, s2  }
0x16: {  	s21 =	simm.s32 $0x2300;
	s22 =	simm.s32 $0x6300;
	s24 =	simm.s32 $0x2280  }
0x17: {  	s26 =	simm.s32 $0x1;
	[dreg:$0x7] =	wrdreg s7;
	s7 =	sadd.s32 s25, s12  }
0x18: {  	s0 =	sadd.s32 $0x5F600, s0;
	s15 =	sadd.s32 $0x10, s11;
	s31 =	sor.u32 $0x80, s7  }
0x19: {  	[dreg:$0x9] =	wrdreg s0;
	s7 =	sshrl.u32 s7, $0x3;
	s0 =	sshrl.u32 s31, $0x3  }
0x1a: {  	s25 =	simm.s32 $0x3;
	s16 =	sadd.s32 s7, s2;
	s17 =	sadd.s32 s0, s2  }
.LBB2_1:
0x1b: {  	s0 =	rddreg [dreg:$0x4]  }
0x1c: {  	[spmem:s18], [sflag:s6] =	dma.local [hbm:s0], $0x2780  }
0x1d: {  	_ =	swait.ge [sflag:s19], $0x2780  }
0x1e: {  	s31 =	simm.s32 @p0 $0x5;
	[sflag:s19] =	ssyncset.done $0x0  }
0x1f: {  	s0 =	simm.s32 @p0 $0x0;
	s2 =	rddreg [dreg:$0x5];
	[sflag:s19] =	ssyncadd.s32 $0xFFFFD880  }
0x20: {  	[tilespmem:s0], [sflag:$0x5] =	stream.linear.gather @p0 [hbm4b:s2+s0], $0x600, $0x38;
	[tilespmem:$0x1DF00] =	vst v63  }
0x21: {  	_ =	swait.ge @p0 [sflag:s31], $0x600  }
0x22: {  	[sflag:s31] =	ssyncset.done @p0 $0x0  }
0x23: {  	s5 =	simm.s32 @!p0 $0x0;
	s2 =	rddreg [dreg:$0x6];
	[sflag:s31] =	ssyncadd.s32 @p0 $0xFFFFFA00  }
0x24: {  	[tilespmem:s5], [sflag:$0x5] =	stream.linear.gather @!p0 [hbm4b:s2+s5], $0x2200, $0x38;
	[tilespmem:$0x1DF00] =	vst v63  }
0x25: {  	s2 =	simm.s32 @!p0 $0x5  }
0x26: {  	_ =	swait.ge @!p0 [sflag:s2], $0x2200  }
0x27: {  	[sflag:s2] =	ssyncset.done @!p0 $0x0  }
0x28: {  	[sflag:s2] =	ssyncadd.s32 @!p0 $0xFFFFDE00  }
0x29: {  	[bflag:$0x0] =	sbarrier.arrive $0xFFFF  }
0x2a: {  	[tilespmem:s21], [sflag:$0x3] =	stream.indirect.gather [hbm4b:s4+s20], $0x80, s3, s20, $0xb8;
	[tilespmem:$0x1DF00] =	vst v63  }
0x2b: {  	s7 =	simm.s32 $0x80  }
0x2c: {  	[tilespmem:s22], [sflag:$0x4] =	stream.indirect.gather [hbm4b:s4+s20], $0x80, s7, s20, $0xb8;
	[tilespmem:$0x1DF00] =	vst v63  }
0x2d: {  	_ = 	snop  }
0x2e: {  	[tilespmem:s23], [sflag:$0x1] =	stream.linear.gather [hbm4b:s11+s3], $0x80, $0x38;
	[tilespmem:$0x1DF00] =	vst v63  }
0x2f: {  	_ = 	snop  }
0x30: {  	[tilespmem:s24], [sflag:$0x2] =	stream.linear.gather [hbm4b:s15+s3], $0x80, $0x38;
	[tilespmem:$0x1DF00] =	vst v63  }
0x31: {  	_ =	swait.ge [sflag:s25], $0x4000  }
0x32: {  	[sflag:s25] =	ssyncset.done $0x0  }
0x33: {  	[sflag:s25] =	ssyncadd.s32 $0xFFFFC000  }
0x34: {  	_ =	swait.ge [sflag:s26], $0x80  }
0x35: {  	[sflag:s26] =	ssyncset.done $0x0  }
0x36: {  	[sflag:s26] =	ssyncadd.s32 $0xFFFFFF80  }
0x37: {  	[spmem:s1] =	stream.indirect.scatter.add.f32 [tilespmem:s21], [sflag:$0x5], $0x80, s23, s20, $0xb8;
	[tilespmem:$0x1DF00] =	vst v63  }
0x38: {  	_ =	swait.ge [sflag:s19], $0x4000  }
0x39: {  	[sflag:s19] =	ssyncset.done $0x0  }
0x3a: {  	[sflag:s19] =	ssyncadd.s32 $0xFFFFC000  }
0x3b: {  	_ =	swait.ge [sflag:s28], $0x4000  }
0x3c: {  	[sflag:s28] =	ssyncset.done $0x0  }
0x3d: {  	[sflag:s28] =	ssyncadd.s32 $0xFFFFC000  }
0x3e: {  	p1 =	sne.s32 s9, $0x1;
	_ =	swait.ge [sflag:s29], $0x80  }
.Ltmp0:
0x3f: {  	[sflag:s29] =	ssyncset.done $0x0;
	(pc) =	sbr.rel @!p1 .LBB2_3-.Ltmp0, $4  }
0x40: {  	[sflag:s29] =	ssyncadd.s32 $0xFFFFFF80  }
0x41: {  	[spmem:s1] =	stream.indirect.scatter.add.f32 [tilespmem:s22], [sflag:$0x5], $0x80, s24, s20, $0xb8;
	[tilespmem:$0x1DF00] =	vst v63  }
0x42: {  	s10 =	sadd.s32 $0x20, s15;
	s14 =	smov.u32 s11;
	_ =	swait.ge [sflag:s19], $0x4000  }
0x43: {  	s12 =	simm.s32 $0x0;
	s7 =	sadd.s32 $0xFFFFFFFF, s9;
	[sflag:s19] =	ssyncset.done $0x0  }
.LBB2_2:
0x44: {  	[sflag:s19] =	ssyncadd.s32 $0xFFFFC000;
	s14 =	sadd.s32 $0x20, s14;
	s12 =	sadd.s32 $0x100, s12  }
0x45: {  	[tilespmem:s21], [sflag:$0x3] =	stream.indirect.gather [hbm4b:s4+s20], $0x80, s12, s20, $0xb8;
	[tilespmem:$0x1DF00] =	vst v63  }
0x46: {  	p2 =	sne.s32 s7, $0x1;
	s7 =	sadd.s32 $0xFFFFFFFF, s7;
	s8 =	sadd.s32 $0x80, s12  }
0x47: {  	[tilespmem:s22], [sflag:$0x4] =	stream.indirect.gather [hbm4b:s4+s20], $0x80, s8, s20, $0xb8;
	[tilespmem:$0x1DF00] =	vst v63  }
0x48: {  	_ = 	snop  }
0x49: {  	[tilespmem:s23], [sflag:$0x1] =	stream.linear.gather [hbm4b:s14+s3], $0x80, $0x38;
	[tilespmem:$0x1DF00] =	vst v63  }
0x4a: {  	_ = 	snop  }
0x4b: {  	[tilespmem:s24], [sflag:$0x2] =	stream.linear.gather [hbm4b:s10+s3], $0x80, $0x38;
	[tilespmem:$0x1DF00] =	vst v63  }
0x4c: {  	_ =	swait.ge [sflag:s25], $0x4000  }
0x4d: {  	[sflag:s25] =	ssyncset.done $0x0  }
0x4e: {  	[sflag:s25] =	ssyncadd.s32 $0xFFFFC000  }
0x4f: {  	_ =	swait.ge [sflag:s26], $0x80  }
0x50: {  	[sflag:s26] =	ssyncset.done $0x0  }
0x51: {  	[sflag:s26] =	ssyncadd.s32 $0xFFFFFF80  }
0x52: {  	[spmem:s1] =	stream.indirect.scatter.add.f32 [tilespmem:s21], [sflag:$0x5], $0x80, s23, s20, $0xb8;
	[tilespmem:$0x1DF00] =	vst v63  }
0x53: {  	_ =	swait.ge [sflag:s19], $0x4000  }
0x54: {  	[sflag:s19] =	ssyncset.done $0x0  }
0x55: {  	[sflag:s19] =	ssyncadd.s32 $0xFFFFC000  }
0x56: {  	_ =	swait.ge [sflag:s28], $0x4000  }
0x57: {  	[sflag:s28] =	ssyncset.done $0x0  }
0x58: {  	[sflag:s28] =	ssyncadd.s32 $0xFFFFC000  }
0x59: {  	_ =	swait.ge [sflag:s29], $0x80  }
.Ltmp1:
0x5a: {  	[sflag:s29] =	ssyncset.done $0x0;
	(pc) =	sbr.rel @p2 .LBB2_2-.Ltmp1, $4  }
0x5b: {  	[sflag:s29] =	ssyncadd.s32 $0xFFFFFF80  }
0x5c: {  	[spmem:s1] =	stream.indirect.scatter.add.f32 [tilespmem:s22], [sflag:$0x5], $0x80, s24, s20, $0xb8;
	[tilespmem:$0x1DF00] =	vst v63  }
0x5d: {  	_ =	swait.ge [sflag:s19], $0x4000  }
0x5e: {  	s10 =	sadd.s32 $0x20, s10;
	[sflag:s19] =	ssyncset.done $0x0  }
.LBB2_3:
0x5f: {  	[sflag:s19] =	ssyncadd.s32 $0xFFFFC000;
	s7 =	rddreg [dreg:$0x7]  }
0x60: {  	[tilespmem:s0], [sflag:$0x5] =	stream.linear.gather @p0 [hbm4b:s7+s0], $0x600, $0x38;
	[tilespmem:$0x1DF00] =	vst v63  }
0x61: {  	_ =	swait.ge @p0 [sflag:s31], $0x600  }
0x62: {  	[sflag:s31] =	ssyncset.done @p0 $0x0  }
0x63: {  	s0 =	rddreg [dreg:$0x8];
	[sflag:s31] =	ssyncadd.s32 @p0 $0xFFFFFA00  }
0x64: {  	[tilespmem:s5], [sflag:$0x5] =	stream.linear.gather @!p0 [hbm4b:s0+s5], $0x2200, $0x38;
	[tilespmem:$0x1DF00] =	vst v63  }
0x65: {  	_ =	swait.ge @!p0 [sflag:s2], $0x2200  }
0x66: {  	[sflag:s2] =	ssyncset.done @!p0 $0x0  }
0x67: {  	s0 =	simm.s32 $0x0;
	[sflag:s2] =	ssyncadd.s32 @!p0 $0xFFFFDE00  }
0x68: {  	[tilespmem:s21], [sflag:$0x3] =	stream.indirect.gather [hbm4b:s4+s20], $0x80, s0, s20, $0xb8;
	[tilespmem:$0x1DF00] =	vst v63  }
0x69: {  	s31 =	simm.s32 $0x80  }
0x6a: {  	[tilespmem:s22], [sflag:$0x4] =	stream.indirect.gather [hbm4b:s4+s20], $0x80, s31, s20, $0xb8;
	[tilespmem:$0x1DF00] =	vst v63  }
0x6b: {  	_ = 	snop  }
0x6c: {  	[tilespmem:s23], [sflag:$0x1] =	stream.linear.gather [hbm4b:s16+s3], $0x80, $0x38;
	[tilespmem:$0x1DF00] =	vst v63  }
0x6d: {  	_ = 	snop  }
0x6e: {  	[tilespmem:s24], [sflag:$0x2] =	stream.linear.gather [hbm4b:s17+s3], $0x80, $0x38;
	[tilespmem:$0x1DF00] =	vst v63  }
0x6f: {  	_ =	swait.ge [sflag:s25], $0x4000  }
0x70: {  	[sflag:s25] =	ssyncset.done $0x0  }
0x71: {  	[sflag:s25] =	ssyncadd.s32 $0xFFFFC000  }
0x72: {  	_ =	swait.ge [sflag:s26], $0x80  }
0x73: {  	[sflag:s26] =	ssyncset.done $0x0  }
0x74: {  	[sflag:s26] =	ssyncadd.s32 $0xFFFFFF80  }
0x75: {  	[spmem:s1] =	stream.indirect.scatter.add.f32 [tilespmem:s21], [sflag:$0x5], $0x80, s23, s20, $0xb8;
	[tilespmem:$0x1DF00] =	vst v63  }
0x76: {  	_ =	swait.ge [sflag:s19], $0x4000  }
0x77: {  	[sflag:s19] =	ssyncset.done $0x0  }
0x78: {  	[sflag:s19] =	ssyncadd.s32 $0xFFFFC000  }
0x79: {  	_ =	swait.ge [sflag:s28], $0x4000  }
0x7a: {  	[sflag:s28] =	ssyncset.done $0x0  }
0x7b: {  	[sflag:s28] =	ssyncadd.s32 $0xFFFFC000  }
0x7c: {  	_ =	swait.ge [sflag:s29], $0x80  }
.Ltmp2:
0x7d: {  	[sflag:s29] =	ssyncset.done $0x0;
	(pc) =	sbr.rel @!p1 .LBB2_5-.Ltmp2, $4  }
0x7e: {  	[sflag:s29] =	ssyncadd.s32 $0xFFFFFF80  }
0x7f: {  	[spmem:s1] =	stream.indirect.scatter.add.f32 [tilespmem:s22], [sflag:$0x5], $0x80, s24, s20, $0xb8;
	[tilespmem:$0x1DF00] =	vst v63  }
0x80: {  	s7 =	smov.u32 s16;
	_ =	swait.ge [sflag:s19], $0x4000  }
0x81: {  	s5 =	sadd.s32 $0x20, s17;
	s2 =	sadd.s32 $0xFFFFFFFF, s9;
	[sflag:s19] =	ssyncset.done $0x0  }
.LBB2_4:
0x82: {  	[sflag:s19] =	ssyncadd.s32 $0xFFFFC000;
	s7 =	sadd.s32 $0x20, s7;
	s0 =	sadd.s32 $0x100, s0  }
0x83: {  	[tilespmem:s21], [sflag:$0x3] =	stream.indirect.gather [hbm4b:s4+s20], $0x80, s0, s20, $0xb8;
	[tilespmem:$0x1DF00] =	vst v63  }
0x84: {  	p1 =	sne.s32 s2, $0x1;
	s2 =	sadd.s32 $0xFFFFFFFF, s2;
	s8 =	sadd.s32 $0x80, s0  }
0x85: {  	[tilespmem:s22], [sflag:$0x4] =	stream.indirect.gather [hbm4b:s4+s20], $0x80, s8, s20, $0xb8;
	[tilespmem:$0x1DF00] =	vst v63  }
0x86: {  	_ = 	snop  }
0x87: {  	[tilespmem:s23], [sflag:$0x1] =	stream.linear.gather [hbm4b:s7+s3], $0x80, $0x38;
	[tilespmem:$0x1DF00] =	vst v63  }
0x88: {  	_ = 	snop  }
0x89: {  	[tilespmem:s24], [sflag:$0x2] =	stream.linear.gather [hbm4b:s5+s3], $0x80, $0x38;
	[tilespmem:$0x1DF00] =	vst v63  }
0x8a: {  	_ =	swait.ge [sflag:s25], $0x4000  }
0x8b: {  	[sflag:s25] =	ssyncset.done $0x0  }
0x8c: {  	[sflag:s25] =	ssyncadd.s32 $0xFFFFC000  }
0x8d: {  	_ =	swait.ge [sflag:s26], $0x80  }
0x8e: {  	[sflag:s26] =	ssyncset.done $0x0  }
0x8f: {  	[sflag:s26] =	ssyncadd.s32 $0xFFFFFF80  }
0x90: {  	[spmem:s1] =	stream.indirect.scatter.add.f32 [tilespmem:s21], [sflag:$0x5], $0x80, s23, s20, $0xb8;
	[tilespmem:$0x1DF00] =	vst v63  }
0x91: {  	_ =	swait.ge [sflag:s19], $0x4000  }
0x92: {  	[sflag:s19] =	ssyncset.done $0x0  }
0x93: {  	[sflag:s19] =	ssyncadd.s32 $0xFFFFC000  }
0x94: {  	_ =	swait.ge [sflag:s28], $0x4000  }
0x95: {  	[sflag:s28] =	ssyncset.done $0x0  }
0x96: {  	[sflag:s28] =	ssyncadd.s32 $0xFFFFC000  }
0x97: {  	_ =	swait.ge [sflag:s29], $0x80  }
.Ltmp3:
0x98: {  	[sflag:s29] =	ssyncset.done $0x0;
	(pc) =	sbr.rel @p1 .LBB2_4-.Ltmp3, $4  }
0x99: {  	[sflag:s29] =	ssyncadd.s32 $0xFFFFFF80  }
0x9a: {  	[spmem:s1] =	stream.indirect.scatter.add.f32 [tilespmem:s22], [sflag:$0x5], $0x80, s24, s20, $0xb8;
	[tilespmem:$0x1DF00] =	vst v63  }
0x9b: {  	_ =	swait.ge [sflag:s19], $0x4000  }
0x9c: {  	s5 =	sadd.s32 $0x20, s5;
	[sflag:s19] =	ssyncset.done $0x0  }
.LBB2_5:
0x9d: {  	[sflag:s19] =	ssyncadd.s32 $0xFFFFC000;
	s30 =	sadd.s32 $0x1, s30  }
0x9e: {  	[bflag:$0x0] =	sbarrier.arrive $0xFFFF;
	p1 =	sne.s32 s30, s13  }
.Ltmp4:
0x9f: {  	s0 =	rddreg [dreg:$0x9];
	(pc) =	sbr.rel @p1 .LBB2_1-.Ltmp4, $4  }
0xa0: {  	[hbm:s0], [sflag:s6] =	dma.local [spmem:s18], $0x2780  }
0xa1: {  	_ =	swait.ge [sflag:s19], $0x2780  }
0xa2: {  	[sflag:s19] =	ssyncset.done $0x0  }
0xa3: {  	[sflag:s19] =	ssyncadd.s32 $0xFFFFD880  }
0xa4: {  	_ =	sfence.sel $0x180000  }
0xa5: {  	[bflag:$0x0] =	sbarrier.arrive $0xFFFF  }
0xa6: {  	_ =	strace $0x90000053  }
0xa7: {  	s0 =	stileid.u32;
	[bflag:$0x2] =	sbarrier.arrive $0xFFFF  }
0xa8: {  	p0 =	sne.s32 s0, $0x0;
	s0 =	rddreg [dreg:$0x3]  }
0xa9: {  	s0 =	sadd.s32 @!p0 $0x100000, s0  }
0xaa: {  	[sflag:s0] =	ssyncadd.tile.s32 @!p0 $0x1;
	_ =	shalt  }
.Lfunc_end2:
_tile_overlayer_lowered:
.L_overlay_start_2:
0xab: {  	(tag) =	ssettag $0x2  }
0xac: {  	s0 =	rddreg [dreg:$0x0];
	s2 =	stileid.u32  }
0xad: {  	s1 =	rddreg [dreg:$0x1];
	p0 =	sne.s32 s2, $0x0  }
0xae: {  	s3 =	rddreg [dreg:$0x2];
	[bflag:$0x3] =	sbarrier.arrive $0xFFFF;
	s2 =	simm.s32 @!p0 $0x1C05  }
0xaf: {  	[timem:s3], [sflag:s2] =	dma.local @!p0 [hbm:s0], s1  }
0xb0: {  	s0 =	simm.s32 @!p0 $0x5  }
0xb1: {  	_ =	swait.ge @!p0 [sflag:s0], s1  }
0xb2: {  	s1 =	ssub.s32 @!p0 $0x0, s1;
	[sflag:s0] =	ssyncset.done @!p0 $0x0  }
0xb3: {  	[sflag:s0] =	ssyncadd.s32 @!p0 s1  }
0xb4: {  	[bflag:$0x3] =	sbarrier.arrive $0xFFFF  }
0xb5: {  	_ =	shalt  }

</sc_bundles>
